<compile_context>
chip_gen: v7x
topology: tpu7x:2x2x1
jax: 0.10.2.dev20260603
libtpu: 0.0.44.dev20260713+nightly
codegen_flags: <defaults>
</compile_context>

<pallas_src>
import jax
import jax.numpy as jnp
from jax import lax
from jax.experimental import pallas as pl
from jax.experimental.pallas import tpu as pltpu
from jax.experimental.pallas import tpu_sc as plsc

N_FIELDS = 26
VOCAB = 100000
EMB = 16
NUM_DENSE = 13
BATCH = 16384

ROWS_PER_LINE = 8
FIELD_STRIDE = 12512
LINE_W = ROWS_PER_LINE * EMB

NW = 32
SPW = BATCH // NW
CH = 128
NCH = SPW // CH

VCH = 1024
VPAD = VCH + 1
LCH = VCH // ROWS_PER_LINE
NFULL = VOCAB // VCH
VTAIL_READ = 768
LTAIL = VTAIL_READ // ROWS_PER_LINE
TOTAL_FULL = N_FIELDS * NFULL
PIPE_BLOCKS = TOTAL_FULL // NW


def _transpose_body(tabT_hbm, lines_hbm, in0, in1, out0, out1, in_t, out_t,
                    semi0, semi1, semo0, semo1):
    cid = lax.axis_index("c")
    sid = lax.axis_index("s")
    wid = sid * 2 + cid
    lane = lax.iota(jnp.int32, 16)
    ins = (in0, in1)
    outs = (out0, out1)
    semis = (semi0, semi1)
    semos = (semo0, semo1)

    def fb_parts(i):
        fb = wid + i * NW
        return fb // NFULL, fb % NFULL

    def in_slice(i):
        f, b = fb_parts(i)
        return tabT_hbm.at[f, :, pl.ds(b * VCH, VCH)]

    def out_slice(i):
        f, b = fb_parts(i)
        return lines_hbm.at[pl.ds(f * FIELD_STRIDE + b * LCH, LCH), :]

    def transpose_block(src, dst, nlines):
        @plsc.parallel_loop(0, nlines, unroll=2)
        def vloop(v8):
            vals = [plsc.load_gather(
                src, [lane, jnp.full((16,), v8 * 8 + k, jnp.int32)])
                for k in range(ROWS_PER_LINE)]
            for k in range(ROWS_PER_LINE):
                dst[v8, pl.ds(k * EMB, EMB)] = vals[k]

    def in_dst(p):
        return ins[p].at[:, pl.ds(0, VCH)]

    pltpu.async_copy(in_slice(0), in_dst(0), semis[0])
    pltpu.async_copy(in_slice(1), in_dst(1), semis[1])

    def pair_body(i2, _):
        for p in range(2):
            i = i2 * 2 + p
            pltpu.make_async_copy(in_slice(i), in_dst(p), semis[p]).wait()

            @pl.when(i2 > 0)
            def _():
                pltpu.make_async_copy(outs[p], out_slice(i - 2),
                                      semos[p]).wait()

            transpose_block(ins[p], outs[p], LCH)
            pltpu.async_copy(outs[p], out_slice(i), semos[p])

            @pl.when(i + 2 < PIPE_BLOCKS)
            def _():
                pltpu.async_copy(in_slice(i + 2), in_dst(p), semis[p])
        return 0

    lax.fori_loop(0, PIPE_BLOCKS // 2, pair_body, 0)
    pltpu.make_async_copy(outs[0], out_slice(PIPE_BLOCKS - 2), semos[0]).wait()
    pltpu.make_async_copy(outs[1], out_slice(PIPE_BLOCKS - 1), semos[1]).wait()

    @pl.when(wid < TOTAL_FULL - PIPE_BLOCKS * NW)
    def _leftover():
        fb = PIPE_BLOCKS * NW + wid
        f = fb // NFULL
        b = fb % NFULL
        pltpu.sync_copy(tabT_hbm.at[f, :, pl.ds(b * VCH, VCH)], in_dst(0))
        transpose_block(ins[0], outs[0], LCH)
        pltpu.sync_copy(
            outs[0], lines_hbm.at[pl.ds(f * FIELD_STRIDE + b * LCH, LCH), :])

    @pl.when(wid < N_FIELDS)
    def _tail():
        v0 = NFULL * VCH + wid * 0
        pltpu.sync_copy(tabT_hbm.at[wid, :, pl.ds(v0, VTAIL_READ)],
                        in_t.at[:, pl.ds(0, VTAIL_READ)])
        transpose_block(in_t, out_t, LTAIL)
        pltpu.sync_copy(
            out_t,
            lines_hbm.at[pl.ds(wid * FIELD_STRIDE + NFULL * LCH, LTAIL), :])


def _sc_body(tab_hbm, xs_hbm, xd_hbm, w_hbm, out_hbm,
             xs_v, xd_v, idx_v, off_v, buf0, buf1, s_m, ss_m, w_v, out_v,
             sem0, sem1):
    cid = lax.axis_index("c")
    sid = lax.axis_index("s")
    wid = sid * 2 + cid

    pltpu.sync_copy(w_hbm, w_v)
    lane = lax.iota(jnp.int32, 16)
    rots = [(lane + k) & 15 for k in range(EMB)]
    half_w = [plsc.load_gather(w_v, [jnp.zeros((16,), jnp.int32), rots[k]])
              for k in range(EMB)]
    wd_b = [plsc.load_gather(w_v, [jnp.ones((16,), jnp.int32),
                                   jnp.full((16,), dd, jnp.int32)])
            for dd in range(NUM_DENSE)]
    bias_vec = w_v[2, :]
    bufs = (buf0, buf1)
    sems = (sem0, sem1)

    def chunk_body(c, _):
        sample0 = (wid * NCH + c) * CH

        pltpu.sync_copy(xs_hbm.at[pl.ds(sample0, CH), :], xs_v)
        pltpu.sync_copy(xd_hbm.at[pl.ds(sample0, CH), :], xd_v)

        def tr_body(g, _):
            rows = g * 16 + lane
            for f in range(N_FIELDS):
                ids = plsc.load_gather(xs_v, [rows, jnp.full((16,), f, jnp.int32)])
                idx_v[f, pl.ds(g * 16, 16)] = (
                    lax.shift_right_logical(ids, 3) + f * FIELD_STRIDE)
                off_v[f, pl.ds(g * 16, 16)] = (ids & 7) * EMB
            return 0

        lax.fori_loop(0, CH // 16, tr_body, 0)

        def zinit(g, _):
            z = jnp.zeros((16,), jnp.float32)
            for k in range(EMB):
                s_m[k, pl.ds(g * 16, 16)] = z
                ss_m[k, pl.ds(g * 16, 16)] = z
            return 0

        lax.fori_loop(0, CH // 16, zinit, 0)

        pltpu.async_copy(tab_hbm.at[idx_v.at[0]], buf0, sem0)
        pltpu.async_copy(tab_hbm.at[idx_v.at[1]], buf1, sem1)

        def field_pair(f2, _):
            for p in range(2):
                f = f2 * 2 + p
                buf, semp = bufs[p], sems[p]
                pltpu.make_async_copy(
                    tab_hbm.at[idx_v.at[f]], buf, semp).wait()

                def acc_body(g, _, buf=buf, f=f):
                    rows = g * 16 + lane
                    offs = off_v[f, pl.ds(g * 16, 16)]
                    for k in range(EMB):
                        e = plsc.load_gather(buf, [rows, offs + rots[k]])
                        plsc.addupdate(s_m.at[k, pl.ds(g * 16, 16)], e)
                        plsc.addupdate(ss_m.at[k, pl.ds(g * 16, 16)], e * e)
                    return 0

                lax.fori_loop(0, CH // 16, acc_body, 0)

                @pl.when(f + 2 < N_FIELDS)
                def _(buf=buf, semp=semp, f=f):
                    pltpu.async_copy(tab_hbm.at[idx_v.at[f + 2]], buf, semp)
            return 0

        lax.fori_loop(0, N_FIELDS // 2, field_pair, 0)

        def fin_body(g, _):
            rows = g * 16 + lane
            acc = jnp.zeros((16,), jnp.float32)
            for k in range(EMB):
                s = s_m[k, pl.ds(g * 16, 16)]
                ss = ss_m[k, pl.ds(g * 16, 16)]
                acc = acc + (s * s - ss) * half_w[k]
            acc = acc * 0.5
            for dd in range(NUM_DENSE):
                d = plsc.load_gather(xd_v, [rows, jnp.full((16,), dd, jnp.int32)])
                acc = acc + d * wd_b[dd]
            logits = acc + bias_vec
            out_v[pl.ds(g * 16, 16)] = 1.0 / (1.0 + jnp.exp(-logits))
            return 0

        lax.fori_loop(0, CH // 16, fin_body, 0)
        pltpu.sync_copy(out_v, out_hbm.at[pl.ds(sample0, CH)])
        return 0

    lax.fori_loop(0, NCH, chunk_body, 0)


@jax.jit
def kernel(X_sparse, X_dense, tables, dnn_w, dnn_b):
    tabT = tables.transpose(0, 2, 1)
    w_emb = dnn_w[:EMB, 0]
    w_den = jnp.pad(dnn_w[EMB:, 0], (0, EMB - NUM_DENSE))
    b16 = jnp.broadcast_to(dnn_b, (EMB,))
    wcat = jnp.stack([w_emb, w_den, b16])

    mesh = plsc.VectorSubcoreMesh(core_axis_name="c", subcore_axis_name="s")

    tr_call = pl.kernel(
        _transpose_body,
        out_type=jax.ShapeDtypeStruct(
            (N_FIELDS * FIELD_STRIDE, LINE_W), jnp.float32),
        mesh=mesh,
        compiler_params=pltpu.CompilerParams(needs_layout_passes=False),
        scratch_types=[
            pltpu.VMEM((EMB, VPAD), jnp.float32),
            pltpu.VMEM((EMB, VPAD), jnp.float32),
            pltpu.VMEM((LCH, LINE_W), jnp.float32),
            pltpu.VMEM((LCH, LINE_W), jnp.float32),
            pltpu.VMEM((EMB, VTAIL_READ + 1), jnp.float32),
            pltpu.VMEM((LTAIL, LINE_W), jnp.float32),
            pltpu.SemaphoreType.DMA,
            pltpu.SemaphoreType.DMA,
            pltpu.SemaphoreType.DMA,
            pltpu.SemaphoreType.DMA,
        ],
    )
    tab_lines = tr_call(tabT)

    call = pl.kernel(
        _sc_body,
        out_type=jax.ShapeDtypeStruct((BATCH,), jnp.float32),
        mesh=mesh,
        compiler_params=pltpu.CompilerParams(needs_layout_passes=False),
        scratch_types=[
            pltpu.VMEM((CH, N_FIELDS), jnp.int32),
            pltpu.VMEM((CH, NUM_DENSE), jnp.float32),
            pltpu.VMEM((N_FIELDS, CH), jnp.int32),
            pltpu.VMEM((N_FIELDS, CH), jnp.int32),
            pltpu.VMEM((CH, LINE_W), jnp.float32),
            pltpu.VMEM((CH, LINE_W), jnp.float32),
            pltpu.VMEM((EMB, CH), jnp.float32),
            pltpu.VMEM((EMB, CH), jnp.float32),
            pltpu.VMEM((3, EMB), jnp.float32),
            pltpu.VMEM((CH,), jnp.float32),
            pltpu.SemaphoreType.DMA,
            pltpu.SemaphoreType.DMA,
        ],
    )
    out = call(tab_lines, X_sparse.astype(jnp.int32), X_dense, wcat)
    return out.reshape(BATCH, 1)

# --- scband reference (transcript-rebuilt; emitter-appended) ---
"""Pipeline reference for scband-afm-44607530336382 (READ-ONLY COPY).

The authoritative reference and input builder live on the scoring server;
editing this copy changes nothing except your own understanding.
"""

import jax, jax.numpy as jnp
import numpy as np

N_FIELDS = 26
VOCAB = 100000
EMB = 16
NUM_DENSE = 13
BATCH = 16384

def setup_inputs(seed: int = 0) -> dict:
    key = jax.random.key(seed)
    k1, k2, k3, k4, k5 = jax.random.split(key, 5)
    X_sparse = jax.random.randint(k1, (BATCH, N_FIELDS), 0, VOCAB)
    X_dense = jax.random.normal(k2, (BATCH, NUM_DENSE), dtype=jnp.float32)
    tables = jax.random.normal(k3, (N_FIELDS, VOCAB, EMB), dtype=jnp.float32) * 0.01
    dnn_w = jax.random.normal(k4, (NUM_DENSE + EMB, 1), dtype=jnp.float32) * 0.05
    dnn_b = jax.random.normal(k5, (1,), dtype=jnp.float32) * 0.05
    return {"X_sparse": X_sparse, "X_dense": X_dense, "tables": tables, "dnn_w": dnn_w, "dnn_b": dnn_b}

def reference(X_sparse, X_dense, tables, dnn_w, dnn_b):
    # Embedding lookup: one table per sparse field -> [B, 26, 16]
    field_ids = np.arange(N_FIELDS)[None, :]
    embed = tables[field_ids, X_sparse]
    # Pairwise (AFM) bi-interaction over all field combinations (mode='max' -> sum over pairs)
    rows, cols = np.triu_indices(N_FIELDS, k=1)
    p = embed[:, rows, :]
    q = embed[:, cols, :]
    bi_interaction = p * q
    x = jnp.sum(bi_interaction, axis=1)
    # Concat interaction output with dense features, final linear + sigmoid
    x = jnp.concatenate([x, X_dense], axis=-1)
    logits = x @ dnn_w + dnn_b
    outputs = jax.nn.sigmoid(logits)
    return outputs

if __name__ == "__main__":
    import jax
    _d = setup_inputs()
    print(jax.jit(kernel)(*tuple(_d.values())))

</pallas_src>

<mosaic_0001>
#map = affine_map<(d0, d1) -> (0, 0)>
#map1 = affine_map<(d0, d1) -> (0)>
module attributes {stable_mosaic.version = 14 : i64} {
  func.func @_sc_body(%arg0: i32, %arg1: i32, %arg2: memref<325312x128xf32, #tpu.memory_space<hbm>>, %arg3: memref<16384x26xi32, #tpu.memory_space<hbm>>, %arg4: memref<16384x13xf32, #tpu.memory_space<hbm>>, %arg5: memref<3x16xf32, #tpu.memory_space<hbm>>, %arg6: memref<16384xf32, #tpu.memory_space<hbm>>, %arg7: memref<128x26xi32, #tpu.memory_space<vmem>>, %arg8: memref<128x13xf32, #tpu.memory_space<vmem>>, %arg9: memref<26x128xi32, #tpu.memory_space<vmem>>, %arg10: memref<26x128xi32, #tpu.memory_space<vmem>>, %arg11: memref<128x128xf32, #tpu.memory_space<vmem>>, %arg12: memref<128x128xf32, #tpu.memory_space<vmem>>, %arg13: memref<16x128xf32, #tpu.memory_space<vmem>>, %arg14: memref<16x128xf32, #tpu.memory_space<vmem>>, %arg15: memref<3x16xf32, #tpu.memory_space<vmem>>, %arg16: memref<128xf32, #tpu.memory_space<vmem>>, %arg17: memref<!tpu.dma_semaphore, #tpu.memory_space<semaphore_mem>>, %arg18: memref<!tpu.dma_semaphore, #tpu.memory_space<semaphore_mem>>) attributes {dimension_semantics = [#tpu.dimension_semantics<core_parallel>, #tpu.dimension_semantics<subcore_parallel>], iteration_bounds = array<i64: 2, 16>, scalar_prefetch = 0 : i64, scratch_operands = 12 : i64, tpu.core_type = #tpu.core_type<sc_vector_subcore>, window_params = [{transform_indices = #map}, {transform_indices = #map}, {transform_indices = #map}, {transform_indices = #map}, {transform_indices = #map1}]} {
    %mul3A = arith.constant 2 : i32
    %mul3A_0 = arith.muli %arg1, %mul3A : i32
    %add3A = arith.addi %mul3A_0, %arg0 : i32
    "tpu.region"() ({
      %run_scoped3A = tpu.sem_alloc : memref<!tpu.dma_semaphore, #tpu.memory_space<semaphore_mem>>
      tpu.enqueue_dma source(%arg5 : memref<3x16xf32, #tpu.memory_space<hbm>>) target(%arg15 : memref<3x16xf32, #tpu.memory_space<vmem>>) target_semaphore(%run_scoped3A : memref<!tpu.dma_semaphore, #tpu.memory_space<semaphore_mem>>)
      tpu.wait_dma2 semaphore(%run_scoped3A : memref<!tpu.dma_semaphore, #tpu.memory_space<semaphore_mem>>) src(%arg5 : memref<3x16xf32, #tpu.memory_space<hbm>>) dst(%arg15 : memref<3x16xf32, #tpu.memory_space<vmem>>)
      tpu.yield
    }) : () -> ()
    %iota3A = tpu.iota {dimensions = array<i32: 0>} : vector<16xi32>
    %add3A_1 = arith.constant 0 : i32
    %add3A_2 = vector.broadcast %add3A_1 : i32 to vector<16xi32>
    %add3A_3 = arith.addi %iota3A, %add3A_2 : vector<16xi32>
    %and3A = arith.constant 15 : i32
    %and3A_4 = vector.broadcast %and3A : i32 to vector<16xi32>
    %and3A_5 = arith.andi %add3A_3, %and3A_4 : vector<16xi32>
    %add3A_6 = arith.constant 1 : i32
    %add3A_7 = vector.broadcast %add3A_6 : i32 to vector<16xi32>
    %add3A_8 = arith.addi %iota3A, %add3A_7 : vector<16xi32>
    %and3A_9 = arith.constant 15 : i32
    %and3A_10 = vector.broadcast %and3A_9 : i32 to vector<16xi32>
    %and3A_11 = arith.andi %add3A_8, %and3A_10 : vector<16xi32>
    %add3A_12 = arith.constant 2 : i32
    %add3A_13 = vector.broadcast %add3A_12 : i32 to vector<16xi32>
    %add3A_14 = arith.addi %iota3A, %add3A_13 : vector<16xi32>
    %and3A_15 = arith.constant 15 : i32
    %and3A_16 = vector.broadcast %and3A_15 : i32 to vector<16xi32>
    %and3A_17 = arith.andi %add3A_14, %and3A_16 : vector<16xi32>
    %add3A_18 = arith.constant 3 : i32
    %add3A_19 = vector.broadcast %add3A_18 : i32 to vector<16xi32>
    %add3A_20 = arith.addi %iota3A, %add3A_19 : vector<16xi32>
    %and3A_21 = arith.constant 15 : i32
    %and3A_22 = vector.broadcast %and3A_21 : i32 to vector<16xi32>
    %and3A_23 = arith.andi %add3A_20, %and3A_22 : vector<16xi32>
    %add3A_24 = arith.constant 4 : i32
    %add3A_25 = vector.broadcast %add3A_24 : i32 to vector<16xi32>
    %add3A_26 = arith.addi %iota3A, %add3A_25 : vector<16xi32>
    %and3A_27 = arith.constant 15 : i32
    %and3A_28 = vector.broadcast %and3A_27 : i32 to vector<16xi32>
    %and3A_29 = arith.andi %add3A_26, %and3A_28 : vector<16xi32>
    %add3A_30 = arith.constant 5 : i32
    %add3A_31 = vector.broadcast %add3A_30 : i32 to vector<16xi32>
    %add3A_32 = arith.addi %iota3A, %add3A_31 : vector<16xi32>
    %and3A_33 = arith.constant 15 : i32
    %and3A_34 = vector.broadcast %and3A_33 : i32 to vector<16xi32>
    %and3A_35 = arith.andi %add3A_32, %and3A_34 : vector<16xi32>
    %add3A_36 = arith.constant 6 : i32
    %add3A_37 = vector.broadcast %add3A_36 : i32 to vector<16xi32>
    %add3A_38 = arith.addi %iota3A, %add3A_37 : vector<16xi32>
    %and3A_39 = arith.constant 15 : i32
    %and3A_40 = vector.broadcast %and3A_39 : i32 to vector<16xi32>
    %and3A_41 = arith.andi %add3A_38, %and3A_40 : vector<16xi32>
    %add3A_42 = arith.constant 7 : i32
    %add3A_43 = vector.broadcast %add3A_42 : i32 to vector<16xi32>
    %add3A_44 = arith.addi %iota3A, %add3A_43 : vector<16xi32>
    %and3A_45 = arith.constant 15 : i32
    %and3A_46 = vector.broadcast %and3A_45 : i32 to vector<16xi32>
    %and3A_47 = arith.andi %add3A_44, %and3A_46 : vector<16xi32>
    %add3A_48 = arith.constant 8 : i32
    %add3A_49 = vector.broadcast %add3A_48 : i32 to vector<16xi32>
    %add3A_50 = arith.addi %iota3A, %add3A_49 : vector<16xi32>
    %and3A_51 = arith.constant 15 : i32
    %and3A_52 = vector.broadcast %and3A_51 : i32 to vector<16xi32>
    %and3A_53 = arith.andi %add3A_50, %and3A_52 : vector<16xi32>
    %add3A_54 = arith.constant 9 : i32
    %add3A_55 = vector.broadcast %add3A_54 : i32 to vector<16xi32>
    %add3A_56 = arith.addi %iota3A, %add3A_55 : vector<16xi32>
    %and3A_57 = arith.constant 15 : i32
    %and3A_58 = vector.broadcast %and3A_57 : i32 to vector<16xi32>
    %and3A_59 = arith.andi %add3A_56, %and3A_58 : vector<16xi32>
    %add3A_60 = arith.constant 10 : i32
    %add3A_61 = vector.broadcast %add3A_60 : i32 to vector<16xi32>
    %add3A_62 = arith.addi %iota3A, %add3A_61 : vector<16xi32>
    %and3A_63 = arith.constant 15 : i32
    %and3A_64 = vector.broadcast %and3A_63 : i32 to vector<16xi32>
    %and3A_65 = arith.andi %add3A_62, %and3A_64 : vector<16xi32>
    %add3A_66 = arith.constant 11 : i32
    %add3A_67 = vector.broadcast %add3A_66 : i32 to vector<16xi32>
    %add3A_68 = arith.addi %iota3A, %add3A_67 : vector<16xi32>
    %and3A_69 = arith.constant 15 : i32
    %and3A_70 = vector.broadcast %and3A_69 : i32 to vector<16xi32>
    %and3A_71 = arith.andi %add3A_68, %and3A_70 : vector<16xi32>
    %add3A_72 = arith.constant 12 : i32
    %add3A_73 = vector.broadcast %add3A_72 : i32 to vector<16xi32>
    %add3A_74 = arith.addi %iota3A, %add3A_73 : vector<16xi32>
    %and3A_75 = arith.constant 15 : i32
    %and3A_76 = vector.broadcast %and3A_75 : i32 to vector<16xi32>
    %and3A_77 = arith.andi %add3A_74, %and3A_76 : vector<16xi32>
    %add3A_78 = arith.constant 13 : i32
    %add3A_79 = vector.broadcast %add3A_78 : i32 to vector<16xi32>
    %add3A_80 = arith.addi %iota3A, %add3A_79 : vector<16xi32>
    %and3A_81 = arith.constant 15 : i32
    %and3A_82 = vector.broadcast %and3A_81 : i32 to vector<16xi32>
    %and3A_83 = arith.andi %add3A_80, %and3A_82 : vector<16xi32>
    %add3A_84 = arith.constant 14 : i32
    %add3A_85 = vector.broadcast %add3A_84 : i32 to vector<16xi32>
    %add3A_86 = arith.addi %iota3A, %add3A_85 : vector<16xi32>
    %and3A_87 = arith.constant 15 : i32
    %and3A_88 = vector.broadcast %and3A_87 : i32 to vector<16xi32>
    %and3A_89 = arith.andi %add3A_86, %and3A_88 : vector<16xi32>
    %add3A_90 = arith.constant 15 : i32
    %add3A_91 = vector.broadcast %add3A_90 : i32 to vector<16xi32>
    %add3A_92 = arith.addi %iota3A, %add3A_91 : vector<16xi32>
    %and3A_93 = arith.constant 15 : i32
    %and3A_94 = vector.broadcast %and3A_93 : i32 to vector<16xi32>
    %and3A_95 = arith.andi %add3A_92, %and3A_94 : vector<16xi32>
    %broadcast_in_dim3A = arith.constant 0 : i32
    %broadcast_in_dim3A_96 = vector.broadcast %broadcast_in_dim3A : i32 to vector<16xi32>
    %gather3A = tpu.vector_load_idx %arg15[%broadcast_in_dim3A_96, %and3A_5] : memref<3x16xf32, #tpu.memory_space<vmem>>[vector<16xi32>, vector<16xi32>], vector<16xf32>,
    %broadcast_in_dim3A_97 = arith.constant 0 : i32
    %broadcast_in_dim3A_98 = vector.broadcast %broadcast_in_dim3A_97 : i32 to vector<16xi32>
    %gather3A_99 = tpu.vector_load_idx %arg15[%broadcast_in_dim3A_98, %and3A_11] : memref<3x16xf32, #tpu.memory_space<vmem>>[vector<16xi32>, vector<16xi32>], vector<16xf32>,
    %broadcast_in_dim3A_100 = arith.constant 0 : i32
    %broadcast_in_dim3A_101 = vector.broadcast %broadcast_in_dim3A_100 : i32 to vector<16xi32>
    %gather3A_102 = tpu.vector_load_idx %arg15[%broadcast_in_dim3A_101, %and3A_17] : memref<3x16xf32, #tpu.memory_space<vmem>>[vector<16xi32>, vector<16xi32>], vector<16xf32>,
    %broadcast_in_dim3A_103 = arith.constant 0 : i32
    %broadcast_in_dim3A_104 = vector.broadcast %broadcast_in_dim3A_103 : i32 to vector<16xi32>
    %gather3A_105 = tpu.vector_load_idx %arg15[%broadcast_in_dim3A_104, %and3A_23] : memref<3x16xf32, #tpu.memory_space<vmem>>[vector<16xi32>, vector<16xi32>], vector<16xf32>,
    %broadcast_in_dim3A_106 = arith.constant 0 : i32
    %broadcast_in_dim3A_107 = vector.broadcast %broadcast_in_dim3A_106 : i32 to vector<16xi32>
    %gather3A_108 = tpu.vector_load_idx %arg15[%broadcast_in_dim3A_107, %and3A_29] : memref<3x16xf32, #tpu.memory_space<vmem>>[vector<16xi32>, vector<16xi32>], vector<16xf32>,
    %broadcast_in_dim3A_109 = arith.constant 0 : i32
    %broadcast_in_dim3A_110 = vector.broadcast %broadcast_in_dim3A_109 : i32 to vector<16xi32>
    %gather3A_111 = tpu.vector_load_idx %arg15[%broadcast_in_dim3A_110, %and3A_35] : memref<3x16xf32, #tpu.memory_space<vmem>>[vector<16xi32>, vector<16xi32>], vector<16xf32>,
    %broadcast_in_dim3A_112 = arith.constant 0 : i32
    %broadcast_in_dim3A_113 = vector.broadcast %broadcast_in_dim3A_112 : i32 to vector<16xi32>
    %gather3A_114 = tpu.vector_load_idx %arg15[%broadcast_in_dim3A_113, %and3A_41] : memref<3x16xf32, #tpu.memory_space<vmem>>[vector<16xi32>, vector<16xi32>], vector<16xf32>,
    %broadcast_in_dim3A_115 = arith.constant 0 : i32
    %broadcast_in_dim3A_116 = vector.broadcast %broadcast_in_dim3A_115 : i32 to vector<16xi32>
    %gather3A_117 = tpu.vector_load_idx %arg15[%broadcast_in_dim3A_116, %and3A_47] : memref<3x16xf32, #tpu.memory_space<vmem>>[vector<16xi32>, vector<16xi32>], vector<16xf32>,
    %broadcast_in_dim3A_118 = arith.constant 0 : i32
    %broadcast_in_dim3A_119 = vector.broadcast %broadcast_in_dim3A_118 : i32 to vector<16xi32>
    %gather3A_120 = tpu.vector_load_idx %arg15[%broadcast_in_dim3A_119, %and3A_53] : memref<3x16xf32, #tpu.memory_space<vmem>>[vector<16xi32>, vector<16xi32>], vector<16xf32>,
    %broadcast_in_dim3A_121 = arith.constant 0 : i32
    %broadcast_in_dim3A_122 = vector.broadcast %broadcast_in_dim3A_121 : i32 to vector<16xi32>
    %gather3A_123 = tpu.vector_load_idx %arg15[%broadcast_in_dim3A_122, %and3A_59] : memref<3x16xf32, #tpu.memory_space<vmem>>[vector<16xi32>, vector<16xi32>], vector<16xf32>,
    %broadcast_in_dim3A_124 = arith.constant 0 : i32
    %broadcast_in_dim3A_125 = vector.broadcast %broadcast_in_dim3A_124 : i32 to vector<16xi32>
    %gather3A_126 = tpu.vector_load_idx %arg15[%broadcast_in_dim3A_125, %and3A_65] : memref<3x16xf32, #tpu.memory_space<vmem>>[vector<16xi32>, vector<16xi32>], vector<16xf32>,
    %broadcast_in_dim3A_127 = arith.constant 0 : i32
    %broadcast_in_dim3A_128 = vector.broadcast %broadcast_in_dim3A_127 : i32 to vector<16xi32>
    %gather3A_129 = tpu.vector_load_idx %arg15[%broadcast_in_dim3A_128, %and3A_71] : memref<3x16xf32, #tpu.memory_space<vmem>>[vector<16xi32>, vector<16xi32>], vector<16xf32>,
    %broadcast_in_dim3A_130 = arith.constant 0 : i32
    %broadcast_in_dim3A_131 = vector.broadcast %broadcast_in_dim3A_130 : i32 to vector<16xi32>
    %gather3A_132 = tpu.vector_load_idx %arg15[%broadcast_in_dim3A_131, %and3A_77] : memref<3x16xf32, #tpu.memory_space<vmem>>[vector<16xi32>, vector<16xi32>], vector<16xf32>,
    %broadcast_in_dim3A_133 = arith.constant 0 : i32
    %broadcast_in_dim3A_134 = vector.broadcast %broadcast_in_dim3A_133 : i32 to vector<16xi32>
    %gather3A_135 = tpu.vector_load_idx %arg15[%broadcast_in_dim3A_134, %and3A_83] : memref<3x16xf32, #tpu.memory_space<vmem>>[vector<16xi32>, vector<16xi32>], vector<16xf32>,
    %broadcast_in_dim3A_136 = arith.constant 0 : i32
    %broadcast_in_dim3A_137 = vector.broadcast %broadcast_in_dim3A_136 : i32 to vector<16xi32>
    %gather3A_138 = tpu.vector_load_idx %arg15[%broadcast_in_dim3A_137, %and3A_89] : memref<3x16xf32, #tpu.memory_space<vmem>>[vector<16xi32>, vector<16xi32>], vector<16xf32>,
    %broadcast_in_dim3A_139 = arith.constant 0 : i32
    %broadcast_in_dim3A_140 = vector.broadcast %broadcast_in_dim3A_139 : i32 to vector<16xi32>
    %gather3A_141 = tpu.vector_load_idx %arg15[%broadcast_in_dim3A_140, %and3A_95] : memref<3x16xf32, #tpu.memory_space<vmem>>[vector<16xi32>, vector<16xi32>], vector<16xf32>,
    %broadcast_in_dim3A_142 = arith.constant 1 : i32
    %broadcast_in_dim3A_143 = vector.broadcast %broadcast_in_dim3A_142 : i32 to vector<16xi32>
    %broadcast_in_dim3A_144 = arith.constant 0 : i32
    %broadcast_in_dim3A_145 = vector.broadcast %broadcast_in_dim3A_144 : i32 to vector<16xi32>
    %gather3A_146 = tpu.vector_load_idx %arg15[%broadcast_in_dim3A_143, %broadcast_in_dim3A_145] : memref<3x16xf32, #tpu.memory_space<vmem>>[vector<16xi32>, vector<16xi32>], vector<16xf32>,
    %broadcast_in_dim3A_147 = arith.constant 1 : i32
    %broadcast_in_dim3A_148 = vector.broadcast %broadcast_in_dim3A_147 : i32 to vector<16xi32>
    %broadcast_in_dim3A_149 = arith.constant 1 : i32
    %broadcast_in_dim3A_150 = vector.broadcast %broadcast_in_dim3A_149 : i32 to vector<16xi32>
    %gather3A_151 = tpu.vector_load_idx %arg15[%broadcast_in_dim3A_148, %broadcast_in_dim3A_150] : memref<3x16xf32, #tpu.memory_space<vmem>>[vector<16xi32>, vector<16xi32>], vector<16xf32>,
    %broadcast_in_dim3A_152 = arith.constant 1 : i32
    %broadcast_in_dim3A_153 = vector.broadcast %broadcast_in_dim3A_152 : i32 to vector<16xi32>
    %broadcast_in_dim3A_154 = arith.constant 2 : i32
    %broadcast_in_dim3A_155 = vector.broadcast %broadcast_in_dim3A_154 : i32 to vector<16xi32>
    %gather3A_156 = tpu.vector_load_idx %arg15[%broadcast_in_dim3A_153, %broadcast_in_dim3A_155] : memref<3x16xf32, #tpu.memory_space<vmem>>[vector<16xi32>, vector<16xi32>], vector<16xf32>,
    %broadcast_in_dim3A_157 = arith.constant 1 : i32
    %broadcast_in_dim3A_158 = vector.broadcast %broadcast_in_dim3A_157 : i32 to vector<16xi32>
    %broadcast_in_dim3A_159 = arith.constant 3 : i32
    %broadcast_in_dim3A_160 = vector.broadcast %broadcast_in_dim3A_159 : i32 to vector<16xi32>
    %gather3A_161 = tpu.vector_load_idx %arg15[%broadcast_in_dim3A_158, %broadcast_in_dim3A_160] : memref<3x16xf32, #tpu.memory_space<vmem>>[vector<16xi32>, vector<16xi32>], vector<16xf32>,
    %broadcast_in_dim3A_162 = arith.constant 1 : i32
    %broadcast_in_dim3A_163 = vector.broadcast %broadcast_in_dim3A_162 : i32 to vector<16xi32>
    %broadcast_in_dim3A_164 = arith.constant 4 : i32
    %broadcast_in_dim3A_165 = vector.broadcast %broadcast_in_dim3A_164 : i32 to vector<16xi32>
    %gather3A_166 = tpu.vector_load_idx %arg15[%broadcast_in_dim3A_163, %broadcast_in_dim3A_165] : memref<3x16xf32, #tpu.memory_space<vmem>>[vector<16xi32>, vector<16xi32>], vector<16xf32>,
    %broadcast_in_dim3A_167 = arith.constant 1 : i32
    %broadcast_in_dim3A_168 = vector.broadcast %broadcast_in_dim3A_167 : i32 to vector<16xi32>
    %broadcast_in_dim3A_169 = arith.constant 5 : i32
    %broadcast_in_dim3A_170 = vector.broadcast %broadcast_in_dim3A_169 : i32 to vector<16xi32>
    %gather3A_171 = tpu.vector_load_idx %arg15[%broadcast_in_dim3A_168, %broadcast_in_dim3A_170] : memref<3x16xf32, #tpu.memory_space<vmem>>[vector<16xi32>, vector<16xi32>], vector<16xf32>,
    %broadcast_in_dim3A_172 = arith.constant 1 : i32
    %broadcast_in_dim3A_173 = vector.broadcast %broadcast_in_dim3A_172 : i32 to vector<16xi32>
    %broadcast_in_dim3A_174 = arith.constant 6 : i32
    %broadcast_in_dim3A_175 = vector.broadcast %broadcast_in_dim3A_174 : i32 to vector<16xi32>
    %gather3A_176 = tpu.vector_load_idx %arg15[%broadcast_in_dim3A_173, %broadcast_in_dim3A_175] : memref<3x16xf32, #tpu.memory_space<vmem>>[vector<16xi32>, vector<16xi32>], vector<16xf32>,
    %broadcast_in_dim3A_177 = arith.constant 1 : i32
    %broadcast_in_dim3A_178 = vector.broadcast %broadcast_in_dim3A_177 : i32 to vector<16xi32>
    %broadcast_in_dim3A_179 = arith.constant 7 : i32
    %broadcast_in_dim3A_180 = vector.broadcast %broadcast_in_dim3A_179 : i32 to vector<16xi32>
    %gather3A_181 = tpu.vector_load_idx %arg15[%broadcast_in_dim3A_178, %broadcast_in_dim3A_180] : memref<3x16xf32, #tpu.memory_space<vmem>>[vector<16xi32>, vector<16xi32>], vector<16xf32>,
    %broadcast_in_dim3A_182 = arith.constant 1 : i32
    %broadcast_in_dim3A_183 = vector.broadcast %broadcast_in_dim3A_182 : i32 to vector<16xi32>
    %broadcast_in_dim3A_184 = arith.constant 8 : i32
    %broadcast_in_dim3A_185 = vector.broadcast %broadcast_in_dim3A_184 : i32 to vector<16xi32>
    %gather3A_186 = tpu.vector_load_idx %arg15[%broadcast_in_dim3A_183, %broadcast_in_dim3A_185] : memref<3x16xf32, #tpu.memory_space<vmem>>[vector<16xi32>, vector<16xi32>], vector<16xf32>,
    %broadcast_in_dim3A_187 = arith.constant 1 : i32
    %broadcast_in_dim3A_188 = vector.broadcast %broadcast_in_dim3A_187 : i32 to vector<16xi32>
    %broadcast_in_dim3A_189 = arith.constant 9 : i32
    %broadcast_in_dim3A_190 = vector.broadcast %broadcast_in_dim3A_189 : i32 to vector<16xi32>
    %gather3A_191 = tpu.vector_load_idx %arg15[%broadcast_in_dim3A_188, %broadcast_in_dim3A_190] : memref<3x16xf32, #tpu.memory_space<vmem>>[vector<16xi32>, vector<16xi32>], vector<16xf32>,
    %broadcast_in_dim3A_192 = arith.constant 1 : i32
    %broadcast_in_dim3A_193 = vector.broadcast %broadcast_in_dim3A_192 : i32 to vector<16xi32>
    %broadcast_in_dim3A_194 = arith.constant 10 : i32
    %broadcast_in_dim3A_195 = vector.broadcast %broadcast_in_dim3A_194 : i32 to vector<16xi32>
    %gather3A_196 = tpu.vector_load_idx %arg15[%broadcast_in_dim3A_193, %broadcast_in_dim3A_195] : memref<3x16xf32, #tpu.memory_space<vmem>>[vector<16xi32>, vector<16xi32>], vector<16xf32>,
    %broadcast_in_dim3A_197 = arith.constant 1 : i32
    %broadcast_in_dim3A_198 = vector.broadcast %broadcast_in_dim3A_197 : i32 to vector<16xi32>
    %broadcast_in_dim3A_199 = arith.constant 11 : i32
    %broadcast_in_dim3A_200 = vector.broadcast %broadcast_in_dim3A_199 : i32 to vector<16xi32>
    %gather3A_201 = tpu.vector_load_idx %arg15[%broadcast_in_dim3A_198, %broadcast_in_dim3A_200] : memref<3x16xf32, #tpu.memory_space<vmem>>[vector<16xi32>, vector<16xi32>], vector<16xf32>,
    %broadcast_in_dim3A_202 = arith.constant 1 : i32
    %broadcast_in_dim3A_203 = vector.broadcast %broadcast_in_dim3A_202 : i32 to vector<16xi32>
    %broadcast_in_dim3A_204 = arith.constant 12 : i32
    %broadcast_in_dim3A_205 = vector.broadcast %broadcast_in_dim3A_204 : i32 to vector<16xi32>
    %gather3A_206 = tpu.vector_load_idx %arg15[%broadcast_in_dim3A_203, %broadcast_in_dim3A_205] : memref<3x16xf32, #tpu.memory_space<vmem>>[vector<16xi32>, vector<16xi32>], vector<16xf32>,
    %get3A = arith.constant 2 : i32
    %get3A_207 = arith.index_cast %get3A : i32 to index
    %get3A_208 = arith.constant 0 : index
    %get3A_209 = tpu.vector_load %arg15[%get3A_207, %get3A_208] {strides = array<i32>} : memref<3x16xf32, #tpu.memory_space<vmem>>, vector<16xf32>,
    %scan3A = arith.constant 0 : i32
    %scan3A_210 = arith.constant 0 : i32
    %scan3A_211 = arith.constant 4 : i32
    %scan3A_212 = arith.addi %scan3A_210, %scan3A_211 : i32
    %scan3A_213 = arith.constant 1 : i32
    %scan3A_214 = scf.for %scan3A_216 = %scan3A_210 to %scan3A_212 step %scan3A_213 iter_args(%scan3A_217 = %scan3A) -> (i32)  : i32 {
      %mul3A_218 = arith.constant 4 : i32
      %mul3A_219 = arith.muli %add3A, %mul3A_218 : i32
      %add3A_220 = arith.addi %mul3A_219, %scan3A_216 : i32
      %mul3A_221 = arith.constant 128 : i32
      %mul3A_222 = arith.muli %add3A_220, %mul3A_221 : i32
      "tpu.region"() ({
        %run_scoped3A = tpu.sem_alloc : memref<!tpu.dma_semaphore, #tpu.memory_space<semaphore_mem>>
        %dma_start3A_265 = arith.constant 0 : i32
        %dma_start3A_266 = tpu.memref_slice %arg3[%mul3A_222, %dma_start3A_265] : memref<16384x26xi32, #tpu.memory_space<hbm>> -> memref<128x26xi32, #tpu.memory_space<hbm>>
        %dma_start3A_267 = arith.constant 0 : i32
        %dma_start3A_268 = tpu.memref_slice %arg3[%mul3A_222, %dma_start3A_267] : memref<16384x26xi32, #tpu.memory_space<hbm>> -> memref<128x26xi32, #tpu.memory_space<hbm>>
        tpu.enqueue_dma source(%dma_start3A_268 : memref<128x26xi32, #tpu.memory_space<hbm>>) target(%arg7 : memref<128x26xi32, #tpu.memory_space<vmem>>) target_semaphore(%run_scoped3A : memref<!tpu.dma_semaphore, #tpu.memory_space<semaphore_mem>>)
        %dma_wait3A = arith.constant 0 : i32
        %dma_wait3A_269 = tpu.memref_slice %arg3[%mul3A_222, %dma_wait3A] : memref<16384x26xi32, #tpu.memory_space<hbm>> -> memref<128x26xi32, #tpu.memory_space<hbm>>
        %dma_wait3A_270 = arith.constant 0 : i32
        %dma_wait3A_271 = tpu.memref_slice %arg3[%mul3A_222, %dma_wait3A_270] : memref<16384x26xi32, #tpu.memory_space<hbm>> -> memref<128x26xi32, #tpu.memory_space<hbm>>
        tpu.wait_dma2 semaphore(%run_scoped3A : memref<!tpu.dma_semaphore, #tpu.memory_space<semaphore_mem>>) src(%dma_wait3A_271 : memref<128x26xi32, #tpu.memory_space<hbm>>) dst(%arg7 : memref<128x26xi32, #tpu.memory_space<vmem>>)
        tpu.yield
      }) : () -> ()
      "tpu.region"() ({
        %run_scoped3A = tpu.sem_alloc : memref<!tpu.dma_semaphore, #tpu.memory_space<semaphore_mem>>
        %dma_start3A_265 = arith.constant 0 : i32
        %dma_start3A_266 = tpu.memref_slice %arg4[%mul3A_222, %dma_start3A_265] : memref<16384x13xf32, #tpu.memory_space<hbm>> -> memref<128x13xf32, #tpu.memory_space<hbm>>
        %dma_start3A_267 = arith.constant 0 : i32
        %dma_start3A_268 = tpu.memref_slice %arg4[%mul3A_222, %dma_start3A_267] : memref<16384x13xf32, #tpu.memory_space<hbm>> -> memref<128x13xf32, #tpu.memory_space<hbm>>
        tpu.enqueue_dma source(%dma_start3A_268 : memref<128x13xf32, #tpu.memory_space<hbm>>) target(%arg8 : memref<128x13xf32, #tpu.memory_space<vmem>>) target_semaphore(%run_scoped3A : memref<!tpu.dma_semaphore, #tpu.memory_space<semaphore_mem>>)
        %dma_wait3A = arith.constant 0 : i32
        %dma_wait3A_269 = tpu.memref_slice %arg4[%mul3A_222, %dma_wait3A] : memref<16384x13xf32, #tpu.memory_space<hbm>> -> memref<128x13xf32, #tpu.memory_space<hbm>>
        %dma_wait3A_270 = arith.constant 0 : i32
        %dma_wait3A_271 = tpu.memref_slice %arg4[%mul3A_222, %dma_wait3A_270] : memref<16384x13xf32, #tpu.memory_space<hbm>> -> memref<128x13xf32, #tpu.memory_space<hbm>>
        tpu.wait_dma2 semaphore(%run_scoped3A : memref<!tpu.dma_semaphore, #tpu.memory_space<semaphore_mem>>) src(%dma_wait3A_271 : memref<128x13xf32, #tpu.memory_space<hbm>>) dst(%arg8 : memref<128x13xf32, #tpu.memory_space<vmem>>)
        tpu.yield
      }) : () -> ()
      %scan3A_223 = arith.constant 0 : i32
      %scan3A_224 = arith.constant 0 : i32
      %scan3A_225 = arith.constant 8 : i32
      %scan3A_226 = arith.addi %scan3A_224, %scan3A_225 : i32
      %scan3A_227 = arith.constant 1 : i32
      %scan3A_228 = scf.for %scan3A_265 = %scan3A_224 to %scan3A_226 step %scan3A_227 iter_args(%scan3A_266 = %scan3A_223) -> (i32)  : i32 {
        %mul3A_267 = arith.constant 16 : i32
        %mul3A_268 = arith.muli %scan3A_265, %mul3A_267 : i32
        %add3A_269 = vector.broadcast %mul3A_268 : i32 to vector<16xi32>
        %add3A_270 = arith.addi %add3A_269, %iota3A : vector<16xi32>
        %broadcast_in_dim3A_271 = arith.constant 0 : i32
        %broadcast_in_dim3A_272 = vector.broadcast %broadcast_in_dim3A_271 : i32 to vector<16xi32>
        %gather3A_273 = tpu.vector_load_idx %arg7[%add3A_270, %broadcast_in_dim3A_272] : memref<128x26xi32, #tpu.memory_space<vmem>>[vector<16xi32>, vector<16xi32>], vector<16xi32>,
        %shift_right_logical3A = arith.constant 3 : i32
        %shift_right_logical3A_274 = vector.broadcast %shift_right_logical3A : i32 to vector<16xi32>
        %shift_right_logical3A_275 = arith.shrui %gather3A_273, %shift_right_logical3A_274 : vector<16xi32>
        %add3A_276 = arith.constant 0 : i32
        %add3A_277 = vector.broadcast %add3A_276 : i32 to vector<16xi32>
        %add3A_278 = arith.addi %shift_right_logical3A_275, %add3A_277 : vector<16xi32>
        %mul3A_279 = arith.constant 16 : i32
        %mul3A_280 = arith.muli %scan3A_265, %mul3A_279 : i32
        %swap3A = arith.constant 0 : i32
        %swap3A_281 = arith.index_cast %swap3A : i32 to index
        %swap3A_282 = arith.index_cast %mul3A_280 : i32 to index
        %swap3A_283 = tpu.vector_load %arg9[%swap3A_281, %swap3A_282] {strides = array<i32>} : memref<26x128xi32, #tpu.memory_space<vmem>>, vector<16xi32>,
        tpu.vector_store %arg9[%swap3A_281, %swap3A_282], %add3A_278 {strides = array<i32>} : memref<26x128xi32, #tpu.memory_space<vmem>>, vector<16xi32>,
        %and3A_284 = arith.constant 7 : i32
        %and3A_285 = vector.broadcast %and3A_284 : i32 to vector<16xi32>
        %and3A_286 = arith.andi %gather3A_273, %and3A_285 : vector<16xi32>
        %mul3A_287 = arith.constant 16 : i32
        %mul3A_288 = vector.broadcast %mul3A_287 : i32 to vector<16xi32>
        %mul3A_289 = arith.muli %and3A_286, %mul3A_288 : vector<16xi32>
        %mul3A_290 = arith.constant 16 : i32
        %mul3A_291 = arith.muli %scan3A_265, %mul3A_290 : i32
        %swap3A_292 = arith.constant 0 : i32
        %swap3A_293 = arith.index_cast %swap3A_292 : i32 to index
        %swap3A_294 = arith.index_cast %mul3A_291 : i32 to index
        %swap3A_295 = tpu.vector_load %arg10[%swap3A_293, %swap3A_294] {strides = array<i32>} : memref<26x128xi32, #tpu.memory_space<vmem>>, vector<16xi32>,
        tpu.vector_store %arg10[%swap3A_293, %swap3A_294], %mul3A_289 {strides = array<i32>} : memref<26x128xi32, #tpu.memory_space<vmem>>, vector<16xi32>,
        %broadcast_in_dim3A_296 = arith.constant 1 : i32
        %broadcast_in_dim3A_297 = vector.broadcast %broadcast_in_dim3A_296 : i32 to vector<16xi32>
        %gather3A_298 = tpu.vector_load_idx %arg7[%add3A_270, %broadcast_in_dim3A_297] : memref<128x26xi32, #tpu.memory_space<vmem>>[vector<16xi32>, vector<16xi32>], vector<16xi32>,
        %shift_right_logical3A_299 = arith.constant 3 : i32
        %shift_right_logical3A_300 = vector.broadcast %shift_right_logical3A_299 : i32 to vector<16xi32>
        %shift_right_logical3A_301 = arith.shrui %gather3A_298, %shift_right_logical3A_300 : vector<16xi32>
        %add3A_302 = arith.constant 12512 : i32
        %add3A_303 = vector.broadcast %add3A_302 : i32 to vector<16xi32>
        %add3A_304 = arith.addi %shift_right_logical3A_301, %add3A_303 : vector<16xi32>
        %mul3A_305 = arith.constant 16 : i32
        %mul3A_306 = arith.muli %scan3A_265, %mul3A_305 : i32
        %swap3A_307 = arith.constant 1 : i32
        %swap3A_308 = arith.index_cast %swap3A_307 : i32 to index
        %swap3A_309 = arith.index_cast %mul3A_306 : i32 to index
        %swap3A_310 = tpu.vector_load %arg9[%swap3A_308, %swap3A_309] {strides = array<i32>} : memref<26x128xi32, #tpu.memory_space<vmem>>, vector<16xi32>,
        tpu.vector_store %arg9[%swap3A_308, %swap3A_309], %add3A_304 {strides = array<i32>} : memref<26x128xi32, #tpu.memory_space<vmem>>, vector<16xi32>,
        %and3A_311 = arith.constant 7 : i32
        %and3A_312 = vector.broadcast %and3A_311 : i32 to vector<16xi32>
        %and3A_313 = arith.andi %gather3A_298, %and3A_312 : vector<16xi32>
        %mul3A_314 = arith.constant 16 : i32
        %mul3A_315 = vector.broadcast %mul3A_314 : i32 to vector<16xi32>
        %mul3A_316 = arith.muli %and3A_313, %mul3A_315 : vector<16xi32>
        %mul3A_317 = arith.constant 16 : i32
        %mul3A_318 = arith.muli %scan3A_265, %mul3A_317 : i32
        %swap3A_319 = arith.constant 1 : i32
        %swap3A_320 = arith.index_cast %swap3A_319 : i32 to index
        %swap3A_321 = arith.index_cast %mul3A_318 : i32 to index
        %swap3A_322 = tpu.vector_load %arg10[%swap3A_320, %swap3A_321] {strides = array<i32>} : memref<26x128xi32, #tpu.memory_space<vmem>>, vector<16xi32>,
        tpu.vector_store %arg10[%swap3A_320, %swap3A_321], %mul3A_316 {strides = array<i32>} : memref<26x128xi32, #tpu.memory_space<vmem>>, vector<16xi32>,
        %broadcast_in_dim3A_323 = arith.constant 2 : i32
        %broadcast_in_dim3A_324 = vector.broadcast %broadcast_in_dim3A_323 : i32 to vector<16xi32>
        %gather3A_325 = tpu.vector_load_idx %arg7[%add3A_270, %broadcast_in_dim3A_324] : memref<128x26xi32, #tpu.memory_space<vmem>>[vector<16xi32>, vector<16xi32>], vector<16xi32>,
        %shift_right_logical3A_326 = arith.constant 3 : i32
        %shift_right_logical3A_327 = vector.broadcast %shift_right_logical3A_326 : i32 to vector<16xi32>
        %shift_right_logical3A_328 = arith.shrui %gather3A_325, %shift_right_logical3A_327 : vector<16xi32>
        %add3A_329 = arith.constant 25024 : i32
        %add3A_330 = vector.broadcast %add3A_329 : i32 to vector<16xi32>
        %add3A_331 = arith.addi %shift_right_logical3A_328, %add3A_330 : vector<16xi32>
        %mul3A_332 = arith.constant 16 : i32
        %mul3A_333 = arith.muli %scan3A_265, %mul3A_332 : i32
        %swap3A_334 = arith.constant 2 : i32
        %swap3A_335 = arith.index_cast %swap3A_334 : i32 to index
        %swap3A_336 = arith.index_cast %mul3A_333 : i32 to index
        %swap3A_337 = tpu.vector_load %arg9[%swap3A_335, %swap3A_336] {strides = array<i32>} : memref<26x128xi32, #tpu.memory_space<vmem>>, vector<16xi32>,
        tpu.vector_store %arg9[%swap3A_335, %swap3A_336], %add3A_331 {strides = array<i32>} : memref<26x128xi32, #tpu.memory_space<vmem>>, vector<16xi32>,
        %and3A_338 = arith.constant 7 : i32
        %and3A_339 = vector.broadcast %and3A_338 : i32 to vector<16xi32>
        %and3A_340 = arith.andi %gather3A_325, %and3A_339 : vector<16xi32>
        %mul3A_341 = arith.constant 16 : i32
        %mul3A_342 = vector.broadcast %mul3A_341 : i32 to vector<16xi32>
        %mul3A_343 = arith.muli %and3A_340, %mul3A_342 : vector<16xi32>
        %mul3A_344 = arith.constant 16 : i32
        %mul3A_345 = arith.muli %scan3A_265, %mul3A_344 : i32
        %swap3A_346 = arith.constant 2 : i32
        %swap3A_347 = arith.index_cast %swap3A_346 : i32 to index
        %swap3A_348 = arith.index_cast %mul3A_345 : i32 to index
        %swap3A_349 = tpu.vector_load %arg10[%swap3A_347, %swap3A_348] {strides = array<i32>} : memref<26x128xi32, #tpu.memory_space<vmem>>, vector<16xi32>,
        tpu.vector_store %arg10[%swap3A_347, %swap3A_348], %mul3A_343 {strides = array<i32>} : memref<26x128xi32, #tpu.memory_space<vmem>>, vector<16xi32>,
        %broadcast_in_dim3A_350 = arith.constant 3 : i32
        %broadcast_in_dim3A_351 = vector.broadcast %broadcast_in_dim3A_350 : i32 to vector<16xi32>
        %gather3A_352 = tpu.vector_load_idx %arg7[%add3A_270, %broadcast_in_dim3A_351] : memref<128x26xi32, #tpu.memory_space<vmem>>[vector<16xi32>, vector<16xi32>], vector<16xi32>,
        %shift_right_logical3A_353 = arith.constant 3 : i32
        %shift_right_logical3A_354 = vector.broadcast %shift_right_logical3A_353 : i32 to vector<16xi32>
        %shift_right_logical3A_355 = arith.shrui %gather3A_352, %shift_right_logical3A_354 : vector<16xi32>
        %add3A_356 = arith.constant 37536 : i32
        %add3A_357 = vector.broadcast %add3A_356 : i32 to vector<16xi32>
        %add3A_358 = arith.addi %shift_right_logical3A_355, %add3A_357 : vector<16xi32>
        %mul3A_359 = arith.constant 16 : i32
        %mul3A_360 = arith.muli %scan3A_265, %mul3A_359 : i32
        %swap3A_361 = arith.constant 3 : i32
        %swap3A_362 = arith.index_cast %swap3A_361 : i32 to index
        %swap3A_363 = arith.index_cast %mul3A_360 : i32 to index
        %swap3A_364 = tpu.vector_load %arg9[%swap3A_362, %swap3A_363] {strides = array<i32>} : memref<26x128xi32, #tpu.memory_space<vmem>>, vector<16xi32>,
        tpu.vector_store %arg9[%swap3A_362, %swap3A_363], %add3A_358 {strides = array<i32>} : memref<26x128xi32, #tpu.memory_space<vmem>>, vector<16xi32>,
        %and3A_365 = arith.constant 7 : i32
        %and3A_366 = vector.broadcast %and3A_365 : i32 to vector<16xi32>
        %and3A_367 = arith.andi %gather3A_352, %and3A_366 : vector<16xi32>
        %mul3A_368 = arith.constant 16 : i32
        %mul3A_369 = vector.broadcast %mul3A_368 : i32 to vector<16xi32>
        %mul3A_370 = arith.muli %and3A_367, %mul3A_369 : vector<16xi32>
        %mul3A_371 = arith.constant 16 : i32
        %mul3A_372 = arith.muli %scan3A_265, %mul3A_371 : i32
        %swap3A_373 = arith.constant 3 : i32
        %swap3A_374 = arith.index_cast %swap3A_373 : i32 to index
        %swap3A_375 = arith.index_cast %mul3A_372 : i32 to index
        %swap3A_376 = tpu.vector_load %arg10[%swap3A_374, %swap3A_375] {strides = array<i32>} : memref<26x128xi32, #tpu.memory_space<vmem>>, vector<16xi32>,
        tpu.vector_store %arg10[%swap3A_374, %swap3A_375], %mul3A_370 {strides = array<i32>} : memref<26x128xi32, #tpu.memory_space<vmem>>, vector<16xi32>,
        %broadcast_in_dim3A_377 = arith.constant 4 : i32
        %broadcast_in_dim3A_378 = vector.broadcast %broadcast_in_dim3A_377 : i32 to vector<16xi32>
        %gather3A_379 = tpu.vector_load_idx %arg7[%add3A_270, %broadcast_in_dim3A_378] : memref<128x26xi32, #tpu.memory_space<vmem>>[vector<16xi32>, vector<16xi32>], vector<16xi32>,
        %shift_right_logical3A_380 = arith.constant 3 : i32
        %shift_right_logical3A_381 = vector.broadcast %shift_right_logical3A_380 : i32 to vector<16xi32>
        %shift_right_logical3A_382 = arith.shrui %gather3A_379, %shift_right_logical3A_381 : vector<16xi32>
        %add3A_383 = arith.constant 50048 : i32
        %add3A_384 = vector.broadcast %add3A_383 : i32 to vector<16xi32>
        %add3A_385 = arith.addi %shift_right_logical3A_382, %add3A_384 : vector<16xi32>
        %mul3A_386 = arith.constant 16 : i32
        %mul3A_387 = arith.muli %scan3A_265, %mul3A_386 : i32
        %swap3A_388 = arith.constant 4 : i32
        %swap3A_389 = arith.index_cast %swap3A_388 : i32 to index
        %swap3A_390 = arith.index_cast %mul3A_387 : i32 to index
        %swap3A_391 = tpu.vector_load %arg9[%swap3A_389, %swap3A_390] {strides = array<i32>} : memref<26x128xi32, #tpu.memory_space<vmem>>, vector<16xi32>,
        tpu.vector_store %arg9[%swap3A_389, %swap3A_390], %add3A_385 {strides = array<i32>} : memref<26x128xi32, #tpu.memory_space<vmem>>, vector<16xi32>,
        %and3A_392 = arith.constant 7 : i32
        %and3A_393 = vector.broadcast %and3A_392 : i32 to vector<16xi32>
        %and3A_394 = arith.andi %gather3A_379, %and3A_393 : vector<16xi32>
        %mul3A_395 = arith.constant 16 : i32
        %mul3A_396 = vector.broadcast %mul3A_395 : i32 to vector<16xi32>
        %mul3A_397 = arith.muli %and3A_394, %mul3A_396 : vector<16xi32>
        %mul3A_398 = arith.constant 16 : i32
        %mul3A_399 = arith.muli %scan3A_265, %mul3A_398 : i32
        %swap3A_400 = arith.constant 4 : i32
        %swap3A_401 = arith.index_cast %swap3A_400 : i32 to index
        %swap3A_402 = arith.index_cast %mul3A_399 : i32 to index
        %swap3A_403 = tpu.vector_load %arg10[%swap3A_401, %swap3A_402] {strides = array<i32>} : memref<26x128xi32, #tpu.memory_space<vmem>>, vector<16xi32>,
        tpu.vector_store %arg10[%swap3A_401, %swap3A_402], %mul3A_397 {strides = array<i32>} : memref<26x128xi32, #tpu.memory_space<vmem>>, vector<16xi32>,
        %broadcast_in_dim3A_404 = arith.constant 5 : i32
        %broadcast_in_dim3A_405 = vector.broadcast %broadcast_in_dim3A_404 : i32 to vector<16xi32>
        %gather3A_406 = tpu.vector_load_idx %arg7[%add3A_270, %broadcast_in_dim3A_405] : memref<128x26xi32, #tpu.memory_space<vmem>>[vector<16xi32>, vector<16xi32>], vector<16xi32>,
        %shift_right_logical3A_407 = arith.constant 3 : i32
        %shift_right_logical3A_408 = vector.broadcast %shift_right_logical3A_407 : i32 to vector<16xi32>
        %shift_right_logical3A_409 = arith.shrui %gather3A_406, %shift_right_logical3A_408 : vector<16xi32>
        %add3A_410 = arith.constant 62560 : i32
        %add3A_411 = vector.broadcast %add3A_410 : i32 to vector<16xi32>
        %add3A_412 = arith.addi %shift_right_logical3A_409, %add3A_411 : vector<16xi32>
        %mul3A_413 = arith.constant 16 : i32
        %mul3A_414 = arith.muli %scan3A_265, %mul3A_413 : i32
        %swap3A_415 = arith.constant 5 : i32
        %swap3A_416 = arith.index_cast %swap3A_415 : i32 to index
        %swap3A_417 = arith.index_cast %mul3A_414 : i32 to index
        %swap3A_418 = tpu.vector_load %arg9[%swap3A_416, %swap3A_417] {strides = array<i32>} : memref<26x128xi32, #tpu.memory_space<vmem>>, vector<16xi32>,
        tpu.vector_store %arg9[%swap3A_416, %swap3A_417], %add3A_412 {strides = array<i32>} : memref<26x128xi32, #tpu.memory_space<vmem>>, vector<16xi32>,
        %and3A_419 = arith.constant 7 : i32
        %and3A_420 = vector.broadcast %and3A_419 : i32 to vector<16xi32>
        %and3A_421 = arith.andi %gather3A_406, %and3A_420 : vector<16xi32>
        %mul3A_422 = arith.constant 16 : i32
        %mul3A_423 = vector.broadcast %mul3A_422 : i32 to vector<16xi32>
        %mul3A_424 = arith.muli %and3A_421, %mul3A_423 : vector<16xi32>
        %mul3A_425 = arith.constant 16 : i32
        %mul3A_426 = arith.muli %scan3A_265, %mul3A_425 : i32
        %swap3A_427 = arith.constant 5 : i32
        %swap3A_428 = arith.index_cast %swap3A_427 : i32 to index
        %swap3A_429 = arith.index_cast %mul3A_426 : i32 to index
        %swap3A_430 = tpu.vector_load %arg10[%swap3A_428, %swap3A_429] {strides = array<i32>} : memref<26x128xi32, #tpu.memory_space<vmem>>, vector<16xi32>,
        tpu.vector_store %arg10[%swap3A_428, %swap3A_429], %mul3A_424 {strides = array<i32>} : memref<26x128xi32, #tpu.memory_space<vmem>>, vector<16xi32>,
        %broadcast_in_dim3A_431 = arith.constant 6 : i32
        %broadcast_in_dim3A_432 = vector.broadcast %broadcast_in_dim3A_431 : i32 to vector<16xi32>
        %gather3A_433 = tpu.vector_load_idx %arg7[%add3A_270, %broadcast_in_dim3A_432] : memref<128x26xi32, #tpu.memory_space<vmem>>[vector<16xi32>, vector<16xi32>], vector<16xi32>,
        %shift_right_logical3A_434 = arith.constant 3 : i32
        %shift_right_logical3A_435 = vector.broadcast %shift_right_logical3A_434 : i32 to vector<16xi32>
        %shift_right_logical3A_436 = arith.shrui %gather3A_433, %shift_right_logical3A_435 : vector<16xi32>
        %add3A_437 = arith.constant 75072 : i32
        %add3A_438 = vector.broadcast %add3A_437 : i32 to vector<16xi32>
        %add3A_439 = arith.addi %shift_right_logical3A_436, %add3A_438 : vector<16xi32>
        %mul3A_440 = arith.constant 16 : i32
        %mul3A_441 = arith.muli %scan3A_265, %mul3A_440 : i32
        %swap3A_442 = arith.constant 6 : i32
        %swap3A_443 = arith.index_cast %swap3A_442 : i32 to index
        %swap3A_444 = arith.index_cast %mul3A_441 : i32 to index
        %swap3A_445 = tpu.vector_load %arg9[%swap3A_443, %swap3A_444] {strides = array<i32>} : memref<26x128xi32, #tpu.memory_space<vmem>>, vector<16xi32>,
        tpu.vector_store %arg9[%swap3A_443, %swap3A_444], %add3A_439 {strides = array<i32>} : memref<26x128xi32, #tpu.memory_space<vmem>>, vector<16xi32>,
        %and3A_446 = arith.constant 7 : i32
        %and3A_447 = vector.broadcast %and3A_446 : i32 to vector<16xi32>
        %and3A_448 = arith.andi %gather3A_433, %and3A_447 : vector<16xi32>
        %mul3A_449 = arith.constant 16 : i32
        %mul3A_450 = vector.broadcast %mul3A_449 : i32 to vector<16xi32>
        %mul3A_451 = arith.muli %and3A_448, %mul3A_450 : vector<16xi32>
        %mul3A_452 = arith.constant 16 : i32
        %mul3A_453 = arith.muli %scan3A_265, %mul3A_452 : i32
        %swap3A_454 = arith.constant 6 : i32
        %swap3A_455 = arith.index_cast %swap3A_454 : i32 to index
        %swap3A_456 = arith.index_cast %mul3A_453 : i32 to index
        %swap3A_457 = tpu.vector_load %arg10[%swap3A_455, %swap3A_456] {strides = array<i32>} : memref<26x128xi32, #tpu.memory_space<vmem>>, vector<16xi32>,
        tpu.vector_store %arg10[%swap3A_455, %swap3A_456], %mul3A_451 {strides = array<i32>} : memref<26x128xi32, #tpu.memory_space<vmem>>, vector<16xi32>,
        %broadcast_in_dim3A_458 = arith.constant 7 : i32
        %broadcast_in_dim3A_459 = vector.broadcast %broadcast_in_dim3A_458 : i32 to vector<16xi32>
        %gather3A_460 = tpu.vector_load_idx %arg7[%add3A_270, %broadcast_in_dim3A_459] : memref<128x26xi32, #tpu.memory_space<vmem>>[vector<16xi32>, vector<16xi32>], vector<16xi32>,
        %shift_right_logical3A_461 = arith.constant 3 : i32
        %shift_right_logical3A_462 = vector.broadcast %shift_right_logical3A_461 : i32 to vector<16xi32>
        %shift_right_logical3A_463 = arith.shrui %gather3A_460, %shift_right_logical3A_462 : vector<16xi32>
        %add3A_464 = arith.constant 87584 : i32
        %add3A_465 = vector.broadcast %add3A_464 : i32 to vector<16xi32>
        %add3A_466 = arith.addi %shift_right_logical3A_463, %add3A_465 : vector<16xi32>
        %mul3A_467 = arith.constant 16 : i32
        %mul3A_468 = arith.muli %scan3A_265, %mul3A_467 : i32
        %swap3A_469 = arith.constant 7 : i32
        %swap3A_470 = arith.index_cast %swap3A_469 : i32 to index
        %swap3A_471 = arith.index_cast %mul3A_468 : i32 to index
        %swap3A_472 = tpu.vector_load %arg9[%swap3A_470, %swap3A_471] {strides = array<i32>} : memref<26x128xi32, #tpu.memory_space<vmem>>, vector<16xi32>,
        tpu.vector_store %arg9[%swap3A_470, %swap3A_471], %add3A_466 {strides = array<i32>} : memref<26x128xi32, #tpu.memory_space<vmem>>, vector<16xi32>,
        %and3A_473 = arith.constant 7 : i32
        %and3A_474 = vector.broadcast %and3A_473 : i32 to vector<16xi32>
        %and3A_475 = arith.andi %gather3A_460, %and3A_474 : vector<16xi32>
        %mul3A_476 = arith.constant 16 : i32
        %mul3A_477 = vector.broadcast %mul3A_476 : i32 to vector<16xi32>
        %mul3A_478 = arith.muli %and3A_475, %mul3A_477 : vector<16xi32>
        %mul3A_479 = arith.constant 16 : i32
        %mul3A_480 = arith.muli %scan3A_265, %mul3A_479 : i32
        %swap3A_481 = arith.constant 7 : i32
        %swap3A_482 = arith.index_cast %swap3A_481 : i32 to index
        %swap3A_483 = arith.index_cast %mul3A_480 : i32 to index
        %swap3A_484 = tpu.vector_load %arg10[%swap3A_482, %swap3A_483] {strides = array<i32>} : memref<26x128xi32, #tpu.memory_space<vmem>>, vector<16xi32>,
        tpu.vector_store %arg10[%swap3A_482, %swap3A_483], %mul3A_478 {strides = array<i32>} : memref<26x128xi32, #tpu.memory_space<vmem>>, vector<16xi32>,
        %broadcast_in_dim3A_485 = arith.constant 8 : i32
        %broadcast_in_dim3A_486 = vector.broadcast %broadcast_in_dim3A_485 : i32 to vector<16xi32>
        %gather3A_487 = tpu.vector_load_idx %arg7[%add3A_270, %broadcast_in_dim3A_486] : memref<128x26xi32, #tpu.memory_space<vmem>>[vector<16xi32>, vector<16xi32>], vector<16xi32>,
        %shift_right_logical3A_488 = arith.constant 3 : i32
        %shift_right_logical3A_489 = vector.broadcast %shift_right_logical3A_488 : i32 to vector<16xi32>
        %shift_right_logical3A_490 = arith.shrui %gather3A_487, %shift_right_logical3A_489 : vector<16xi32>
        %add3A_491 = arith.constant 100096 : i32
        %add3A_492 = vector.broadcast %add3A_491 : i32 to vector<16xi32>
        %add3A_493 = arith.addi %shift_right_logical3A_490, %add3A_492 : vector<16xi32>
        %mul3A_494 = arith.constant 16 : i32
        %mul3A_495 = arith.muli %scan3A_265, %mul3A_494 : i32
        %swap3A_496 = arith.constant 8 : i32
        %swap3A_497 = arith.index_cast %swap3A_496 : i32 to index
        %swap3A_498 = arith.index_cast %mul3A_495 : i32 to index
        %swap3A_499 = tpu.vector_load %arg9[%swap3A_497, %swap3A_498] {strides = array<i32>} : memref<26x128xi32, #tpu.memory_space<vmem>>, vector<16xi32>,
        tpu.vector_store %arg9[%swap3A_497, %swap3A_498], %add3A_493 {strides = array<i32>} : memref<26x128xi32, #tpu.memory_space<vmem>>, vector<16xi32>,
        %and3A_500 = arith.constant 7 : i32
        %and3A_501 = vector.broadcast %and3A_500 : i32 to vector<16xi32>
        %and3A_502 = arith.andi %gather3A_487, %and3A_501 : vector<16xi32>
        %mul3A_503 = arith.constant 16 : i32
        %mul3A_504 = vector.broadcast %mul3A_503 : i32 to vector<16xi32>
        %mul3A_505 = arith.muli %and3A_502, %mul3A_504 : vector<16xi32>
        %mul3A_506 = arith.constant 16 : i32
        %mul3A_507 = arith.muli %scan3A_265, %mul3A_506 : i32
        %swap3A_508 = arith.constant 8 : i32
        %swap3A_509 = arith.index_cast %swap3A_508 : i32 to index
        %swap3A_510 = arith.index_cast %mul3A_507 : i32 to index
        %swap3A_511 = tpu.vector_load %arg10[%swap3A_509, %swap3A_510] {strides = array<i32>} : memref<26x128xi32, #tpu.memory_space<vmem>>, vector<16xi32>,
        tpu.vector_store %arg10[%swap3A_509, %swap3A_510], %mul3A_505 {strides = array<i32>} : memref<26x128xi32, #tpu.memory_space<vmem>>, vector<16xi32>,
        %broadcast_in_dim3A_512 = arith.constant 9 : i32
        %broadcast_in_dim3A_513 = vector.broadcast %broadcast_in_dim3A_512 : i32 to vector<16xi32>
        %gather3A_514 = tpu.vector_load_idx %arg7[%add3A_270, %broadcast_in_dim3A_513] : memref<128x26xi32, #tpu.memory_space<vmem>>[vector<16xi32>, vector<16xi32>], vector<16xi32>,
        %shift_right_logical3A_515 = arith.constant 3 : i32
        %shift_right_logical3A_516 = vector.broadcast %shift_right_logical3A_515 : i32 to vector<16xi32>
        %shift_right_logical3A_517 = arith.shrui %gather3A_514, %shift_right_logical3A_516 : vector<16xi32>
        %add3A_518 = arith.constant 112608 : i32
        %add3A_519 = vector.broadcast %add3A_518 : i32 to vector<16xi32>
        %add3A_520 = arith.addi %shift_right_logical3A_517, %add3A_519 : vector<16xi32>
        %mul3A_521 = arith.constant 16 : i32
        %mul3A_522 = arith.muli %scan3A_265, %mul3A_521 : i32
        %swap3A_523 = arith.constant 9 : i32
        %swap3A_524 = arith.index_cast %swap3A_523 : i32 to index
        %swap3A_525 = arith.index_cast %mul3A_522 : i32 to index
        %swap3A_526 = tpu.vector_load %arg9[%swap3A_524, %swap3A_525] {strides = array<i32>} : memref<26x128xi32, #tpu.memory_space<vmem>>, vector<16xi32>,
        tpu.vector_store %arg9[%swap3A_524, %swap3A_525], %add3A_520 {strides = array<i32>} : memref<26x128xi32, #tpu.memory_space<vmem>>, vector<16xi32>,
        %and3A_527 = arith.constant 7 : i32
        %and3A_528 = vector.broadcast %and3A_527 : i32 to vector<16xi32>
        %and3A_529 = arith.andi %gather3A_514, %and3A_528 : vector<16xi32>
        %mul3A_530 = arith.constant 16 : i32
        %mul3A_531 = vector.broadcast %mul3A_530 : i32 to vector<16xi32>
        %mul3A_532 = arith.muli %and3A_529, %mul3A_531 : vector<16xi32>
        %mul3A_533 = arith.constant 16 : i32
        %mul3A_534 = arith.muli %scan3A_265, %mul3A_533 : i32
        %swap3A_535 = arith.constant 9 : i32
        %swap3A_536 = arith.index_cast %swap3A_535 : i32 to index
        %swap3A_537 = arith.index_cast %mul3A_534 : i32 to index
        %swap3A_538 = tpu.vector_load %arg10[%swap3A_536, %swap3A_537] {strides = array<i32>} : memref<26x128xi32, #tpu.memory_space<vmem>>, vector<16xi32>,
        tpu.vector_store %arg10[%swap3A_536, %swap3A_537], %mul3A_532 {strides = array<i32>} : memref<26x128xi32, #tpu.memory_space<vmem>>, vector<16xi32>,
        %broadcast_in_dim3A_539 = arith.constant 10 : i32
        %broadcast_in_dim3A_540 = vector.broadcast %broadcast_in_dim3A_539 : i32 to vector<16xi32>
        %gather3A_541 = tpu.vector_load_idx %arg7[%add3A_270, %broadcast_in_dim3A_540] : memref<128x26xi32, #tpu.memory_space<vmem>>[vector<16xi32>, vector<16xi32>], vector<16xi32>,
        %shift_right_logical3A_542 = arith.constant 3 : i32
        %shift_right_logical3A_543 = vector.broadcast %shift_right_logical3A_542 : i32 to vector<16xi32>
        %shift_right_logical3A_544 = arith.shrui %gather3A_541, %shift_right_logical3A_543 : vector<16xi32>
        %add3A_545 = arith.constant 125120 : i32
        %add3A_546 = vector.broadcast %add3A_545 : i32 to vector<16xi32>
        %add3A_547 = arith.addi %shift_right_logical3A_544, %add3A_546 : vector<16xi32>
        %mul3A_548 = arith.constant 16 : i32
        %mul3A_549 = arith.muli %scan3A_265, %mul3A_548 : i32
        %swap3A_550 = arith.constant 10 : i32
        %swap3A_551 = arith.index_cast %swap3A_550 : i32 to index
        %swap3A_552 = arith.index_cast %mul3A_549 : i32 to index
        %swap3A_553 = tpu.vector_load %arg9[%swap3A_551, %swap3A_552] {strides = array<i32>} : memref<26x128xi32, #tpu.memory_space<vmem>>, vector<16xi32>,
        tpu.vector_store %arg9[%swap3A_551, %swap3A_552], %add3A_547 {strides = array<i32>} : memref<26x128xi32, #tpu.memory_space<vmem>>, vector<16xi32>,
        %and3A_554 = arith.constant 7 : i32
        %and3A_555 = vector.broadcast %and3A_554 : i32 to vector<16xi32>
        %and3A_556 = arith.andi %gather3A_541, %and3A_555 : vector<16xi32>
        %mul3A_557 = arith.constant 16 : i32
        %mul3A_558 = vector.broadcast %mul3A_557 : i32 to vector<16xi32>
        %mul3A_559 = arith.muli %and3A_556, %mul3A_558 : vector<16xi32>
        %mul3A_560 = arith.constant 16 : i32
        %mul3A_561 = arith.muli %scan3A_265, %mul3A_560 : i32
        %swap3A_562 = arith.constant 10 : i32
        %swap3A_563 = arith.index_cast %swap3A_562 : i32 to index
        %swap3A_564 = arith.index_cast %mul3A_561 : i32 to index
        %swap3A_565 = tpu.vector_load %arg10[%swap3A_563, %swap3A_564] {strides = array<i32>} : memref<26x128xi32, #tpu.memory_space<vmem>>, vector<16xi32>,
        tpu.vector_store %arg10[%swap3A_563, %swap3A_564], %mul3A_559 {strides = array<i32>} : memref<26x128xi32, #tpu.memory_space<vmem>>, vector<16xi32>,
        %broadcast_in_dim3A_566 = arith.constant 11 : i32
        %broadcast_in_dim3A_567 = vector.broadcast %broadcast_in_dim3A_566 : i32 to vector<16xi32>
        %gather3A_568 = tpu.vector_load_idx %arg7[%add3A_270, %broadcast_in_dim3A_567] : memref<128x26xi32, #tpu.memory_space<vmem>>[vector<16xi32>, vector<16xi32>], vector<16xi32>,
        %shift_right_logical3A_569 = arith.constant 3 : i32
        %shift_right_logical3A_570 = vector.broadcast %shift_right_logical3A_569 : i32 to vector<16xi32>
        %shift_right_logical3A_571 = arith.shrui %gather3A_568, %shift_right_logical3A_570 : vector<16xi32>
        %add3A_572 = arith.constant 137632 : i32
        %add3A_573 = vector.broadcast %add3A_572 : i32 to vector<16xi32>
        %add3A_574 = arith.addi %shift_right_logical3A_571, %add3A_573 : vector<16xi32>
        %mul3A_575 = arith.constant 16 : i32
        %mul3A_576 = arith.muli %scan3A_265, %mul3A_575 : i32
        %swap3A_577 = arith.constant 11 : i32
        %swap3A_578 = arith.index_cast %swap3A_577 : i32 to index
        %swap3A_579 = arith.index_cast %mul3A_576 : i32 to index
        %swap3A_580 = tpu.vector_load %arg9[%swap3A_578, %swap3A_579] {strides = array<i32>} : memref<26x128xi32, #tpu.memory_space<vmem>>, vector<16xi32>,
        tpu.vector_store %arg9[%swap3A_578, %swap3A_579], %add3A_574 {strides = array<i32>} : memref<26x128xi32, #tpu.memory_space<vmem>>, vector<16xi32>,
        %and3A_581 = arith.constant 7 : i32
        %and3A_582 = vector.broadcast %and3A_581 : i32 to vector<16xi32>
        %and3A_583 = arith.andi %gather3A_568, %and3A_582 : vector<16xi32>
        %mul3A_584 = arith.constant 16 : i32
        %mul3A_585 = vector.broadcast %mul3A_584 : i32 to vector<16xi32>
        %mul3A_586 = arith.muli %and3A_583, %mul3A_585 : vector<16xi32>
        %mul3A_587 = arith.constant 16 : i32
        %mul3A_588 = arith.muli %scan3A_265, %mul3A_587 : i32
        %swap3A_589 = arith.constant 11 : i32
        %swap3A_590 = arith.index_cast %swap3A_589 : i32 to index
        %swap3A_591 = arith.index_cast %mul3A_588 : i32 to index
        %swap3A_592 = tpu.vector_load %arg10[%swap3A_590, %swap3A_591] {strides = array<i32>} : memref<26x128xi32, #tpu.memory_space<vmem>>, vector<16xi32>,
        tpu.vector_store %arg10[%swap3A_590, %swap3A_591], %mul3A_586 {strides = array<i32>} : memref<26x128xi32, #tpu.memory_space<vmem>>, vector<16xi32>,
        %broadcast_in_dim3A_593 = arith.constant 12 : i32
        %broadcast_in_dim3A_594 = vector.broadcast %broadcast_in_dim3A_593 : i32 to vector<16xi32>
        %gather3A_595 = tpu.vector_load_idx %arg7[%add3A_270, %broadcast_in_dim3A_594] : memref<128x26xi32, #tpu.memory_space<vmem>>[vector<16xi32>, vector<16xi32>], vector<16xi32>,
        %shift_right_logical3A_596 = arith.constant 3 : i32
        %shift_right_logical3A_597 = vector.broadcast %shift_right_logical3A_596 : i32 to vector<16xi32>
        %shift_right_logical3A_598 = arith.shrui %gather3A_595, %shift_right_logical3A_597 : vector<16xi32>
        %add3A_599 = arith.constant 150144 : i32
        %add3A_600 = vector.broadcast %add3A_599 : i32 to vector<16xi32>
        %add3A_601 = arith.addi %shift_right_logical3A_598, %add3A_600 : vector<16xi32>
        %mul3A_602 = arith.constant 16 : i32
        %mul3A_603 = arith.muli %scan3A_265, %mul3A_602 : i32
        %swap3A_604 = arith.constant 12 : i32
        %swap3A_605 = arith.index_cast %swap3A_604 : i32 to index
        %swap3A_606 = arith.index_cast %mul3A_603 : i32 to index
        %swap3A_607 = tpu.vector_load %arg9[%swap3A_605, %swap3A_606] {strides = array<i32>} : memref<26x128xi32, #tpu.memory_space<vmem>>, vector<16xi32>,
        tpu.vector_store %arg9[%swap3A_605, %swap3A_606], %add3A_601 {strides = array<i32>} : memref<26x128xi32, #tpu.memory_space<vmem>>, vector<16xi32>,
        %and3A_608 = arith.constant 7 : i32
        %and3A_609 = vector.broadcast %and3A_608 : i32 to vector<16xi32>
        %and3A_610 = arith.andi %gather3A_595, %and3A_609 : vector<16xi32>
        %mul3A_611 = arith.constant 16 : i32
        %mul3A_612 = vector.broadcast %mul3A_611 : i32 to vector<16xi32>
        %mul3A_613 = arith.muli %and3A_610, %mul3A_612 : vector<16xi32>
        %mul3A_614 = arith.constant 16 : i32
        %mul3A_615 = arith.muli %scan3A_265, %mul3A_614 : i32
        %swap3A_616 = arith.constant 12 : i32
        %swap3A_617 = arith.index_cast %swap3A_616 : i32 to index
        %swap3A_618 = arith.index_cast %mul3A_615 : i32 to index
        %swap3A_619 = tpu.vector_load %arg10[%swap3A_617, %swap3A_618] {strides = array<i32>} : memref<26x128xi32, #tpu.memory_space<vmem>>, vector<16xi32>,
        tpu.vector_store %arg10[%swap3A_617, %swap3A_618], %mul3A_613 {strides = array<i32>} : memref<26x128xi32, #tpu.memory_space<vmem>>, vector<16xi32>,
        %broadcast_in_dim3A_620 = arith.constant 13 : i32
        %broadcast_in_dim3A_621 = vector.broadcast %broadcast_in_dim3A_620 : i32 to vector<16xi32>
        %gather3A_622 = tpu.vector_load_idx %arg7[%add3A_270, %broadcast_in_dim3A_621] : memref<128x26xi32, #tpu.memory_space<vmem>>[vector<16xi32>, vector<16xi32>], vector<16xi32>,
        %shift_right_logical3A_623 = arith.constant 3 : i32
        %shift_right_logical3A_624 = vector.broadcast %shift_right_logical3A_623 : i32 to vector<16xi32>
        %shift_right_logical3A_625 = arith.shrui %gather3A_622, %shift_right_logical3A_624 : vector<16xi32>
        %add3A_626 = arith.constant 162656 : i32
        %add3A_627 = vector.broadcast %add3A_626 : i32 to vector<16xi32>
        %add3A_628 = arith.addi %shift_right_logical3A_625, %add3A_627 : vector<16xi32>
        %mul3A_629 = arith.constant 16 : i32
        %mul3A_630 = arith.muli %scan3A_265, %mul3A_629 : i32
        %swap3A_631 = arith.constant 13 : i32
        %swap3A_632 = arith.index_cast %swap3A_631 : i32 to index
        %swap3A_633 = arith.index_cast %mul3A_630 : i32 to index
        %swap3A_634 = tpu.vector_load %arg9[%swap3A_632, %swap3A_633] {strides = array<i32>} : memref<26x128xi32, #tpu.memory_space<vmem>>, vector<16xi32>,
        tpu.vector_store %arg9[%swap3A_632, %swap3A_633], %add3A_628 {strides = array<i32>} : memref<26x128xi32, #tpu.memory_space<vmem>>, vector<16xi32>,
        %and3A_635 = arith.constant 7 : i32
        %and3A_636 = vector.broadcast %and3A_635 : i32 to vector<16xi32>
        %and3A_637 = arith.andi %gather3A_622, %and3A_636 : vector<16xi32>
        %mul3A_638 = arith.constant 16 : i32
        %mul3A_639 = vector.broadcast %mul3A_638 : i32 to vector<16xi32>
        %mul3A_640 = arith.muli %and3A_637, %mul3A_639 : vector<16xi32>
        %mul3A_641 = arith.constant 16 : i32
        %mul3A_642 = arith.muli %scan3A_265, %mul3A_641 : i32
        %swap3A_643 = arith.constant 13 : i32
        %swap3A_644 = arith.index_cast %swap3A_643 : i32 to index
        %swap3A_645 = arith.index_cast %mul3A_642 : i32 to index
        %swap3A_646 = tpu.vector_load %arg10[%swap3A_644, %swap3A_645] {strides = array<i32>} : memref<26x128xi32, #tpu.memory_space<vmem>>, vector<16xi32>,
        tpu.vector_store %arg10[%swap3A_644, %swap3A_645], %mul3A_640 {strides = array<i32>} : memref<26x128xi32, #tpu.memory_space<vmem>>, vector<16xi32>,
        %broadcast_in_dim3A_647 = arith.constant 14 : i32
        %broadcast_in_dim3A_648 = vector.broadcast %broadcast_in_dim3A_647 : i32 to vector<16xi32>
        %gather3A_649 = tpu.vector_load_idx %arg7[%add3A_270, %broadcast_in_dim3A_648] : memref<128x26xi32, #tpu.memory_space<vmem>>[vector<16xi32>, vector<16xi32>], vector<16xi32>,
        %shift_right_logical3A_650 = arith.constant 3 : i32
        %shift_right_logical3A_651 = vector.broadcast %shift_right_logical3A_650 : i32 to vector<16xi32>
        %shift_right_logical3A_652 = arith.shrui %gather3A_649, %shift_right_logical3A_651 : vector<16xi32>
        %add3A_653 = arith.constant 175168 : i32
        %add3A_654 = vector.broadcast %add3A_653 : i32 to vector<16xi32>
        %add3A_655 = arith.addi %shift_right_logical3A_652, %add3A_654 : vector<16xi32>
        %mul3A_656 = arith.constant 16 : i32
        %mul3A_657 = arith.muli %scan3A_265, %mul3A_656 : i32
        %swap3A_658 = arith.constant 14 : i32
        %swap3A_659 = arith.index_cast %swap3A_658 : i32 to index
        %swap3A_660 = arith.index_cast %mul3A_657 : i32 to index
        %swap3A_661 = tpu.vector_load %arg9[%swap3A_659, %swap3A_660] {strides = array<i32>} : memref<26x128xi32, #tpu.memory_space<vmem>>, vector<16xi32>,
        tpu.vector_store %arg9[%swap3A_659, %swap3A_660], %add3A_655 {strides = array<i32>} : memref<26x128xi32, #tpu.memory_space<vmem>>, vector<16xi32>,
        %and3A_662 = arith.constant 7 : i32
        %and3A_663 = vector.broadcast %and3A_662 : i32 to vector<16xi32>
        %and3A_664 = arith.andi %gather3A_649, %and3A_663 : vector<16xi32>
        %mul3A_665 = arith.constant 16 : i32
        %mul3A_666 = vector.broadcast %mul3A_665 : i32 to vector<16xi32>
        %mul3A_667 = arith.muli %and3A_664, %mul3A_666 : vector<16xi32>
        %mul3A_668 = arith.constant 16 : i32
        %mul3A_669 = arith.muli %scan3A_265, %mul3A_668 : i32
        %swap3A_670 = arith.constant 14 : i32
        %swap3A_671 = arith.index_cast %swap3A_670 : i32 to index
        %swap3A_672 = arith.index_cast %mul3A_669 : i32 to index
        %swap3A_673 = tpu.vector_load %arg10[%swap3A_671, %swap3A_672] {strides = array<i32>} : memref<26x128xi32, #tpu.memory_space<vmem>>, vector<16xi32>,
        tpu.vector_store %arg10[%swap3A_671, %swap3A_672], %mul3A_667 {strides = array<i32>} : memref<26x128xi32, #tpu.memory_space<vmem>>, vector<16xi32>,
        %broadcast_in_dim3A_674 = arith.constant 15 : i32
        %broadcast_in_dim3A_675 = vector.broadcast %broadcast_in_dim3A_674 : i32 to vector<16xi32>
        %gather3A_676 = tpu.vector_load_idx %arg7[%add3A_270, %broadcast_in_dim3A_675] : memref<128x26xi32, #tpu.memory_space<vmem>>[vector<16xi32>, vector<16xi32>], vector<16xi32>,
        %shift_right_logical3A_677 = arith.constant 3 : i32
        %shift_right_logical3A_678 = vector.broadcast %shift_right_logical3A_677 : i32 to vector<16xi32>
        %shift_right_logical3A_679 = arith.shrui %gather3A_676, %shift_right_logical3A_678 : vector<16xi32>
        %add3A_680 = arith.constant 187680 : i32
        %add3A_681 = vector.broadcast %add3A_680 : i32 to vector<16xi32>
        %add3A_682 = arith.addi %shift_right_logical3A_679, %add3A_681 : vector<16xi32>
        %mul3A_683 = arith.constant 16 : i32
        %mul3A_684 = arith.muli %scan3A_265, %mul3A_683 : i32
        %swap3A_685 = arith.constant 15 : i32
        %swap3A_686 = arith.index_cast %swap3A_685 : i32 to index
        %swap3A_687 = arith.index_cast %mul3A_684 : i32 to index
        %swap3A_688 = tpu.vector_load %arg9[%swap3A_686, %swap3A_687] {strides = array<i32>} : memref<26x128xi32, #tpu.memory_space<vmem>>, vector<16xi32>,
        tpu.vector_store %arg9[%swap3A_686, %swap3A_687], %add3A_682 {strides = array<i32>} : memref<26x128xi32, #tpu.memory_space<vmem>>, vector<16xi32>,
        %and3A_689 = arith.constant 7 : i32
        %and3A_690 = vector.broadcast %and3A_689 : i32 to vector<16xi32>
        %and3A_691 = arith.andi %gather3A_676, %and3A_690 : vector<16xi32>
        %mul3A_692 = arith.constant 16 : i32
        %mul3A_693 = vector.broadcast %mul3A_692 : i32 to vector<16xi32>
        %mul3A_694 = arith.muli %and3A_691, %mul3A_693 : vector<16xi32>
        %mul3A_695 = arith.constant 16 : i32
        %mul3A_696 = arith.muli %scan3A_265, %mul3A_695 : i32
        %swap3A_697 = arith.constant 15 : i32
        %swap3A_698 = arith.index_cast %swap3A_697 : i32 to index
        %swap3A_699 = arith.index_cast %mul3A_696 : i32 to index
        %swap3A_700 = tpu.vector_load %arg10[%swap3A_698, %swap3A_699] {strides = array<i32>} : memref<26x128xi32, #tpu.memory_space<vmem>>, vector<16xi32>,
        tpu.vector_store %arg10[%swap3A_698, %swap3A_699], %mul3A_694 {strides = array<i32>} : memref<26x128xi32, #tpu.memory_space<vmem>>, vector<16xi32>,
        %broadcast_in_dim3A_701 = arith.constant 16 : i32
        %broadcast_in_dim3A_702 = vector.broadcast %broadcast_in_dim3A_701 : i32 to vector<16xi32>
        %gather3A_703 = tpu.vector_load_idx %arg7[%add3A_270, %broadcast_in_dim3A_702] : memref<128x26xi32, #tpu.memory_space<vmem>>[vector<16xi32>, vector<16xi32>], vector<16xi32>,
        %shift_right_logical3A_704 = arith.constant 3 : i32
        %shift_right_logical3A_705 = vector.broadcast %shift_right_logical3A_704 : i32 to vector<16xi32>
        %shift_right_logical3A_706 = arith.shrui %gather3A_703, %shift_right_logical3A_705 : vector<16xi32>
        %add3A_707 = arith.constant 200192 : i32
        %add3A_708 = vector.broadcast %add3A_707 : i32 to vector<16xi32>
        %add3A_709 = arith.addi %shift_right_logical3A_706, %add3A_708 : vector<16xi32>
        %mul3A_710 = arith.constant 16 : i32
        %mul3A_711 = arith.muli %scan3A_265, %mul3A_710 : i32
        %swap3A_712 = arith.constant 16 : i32
        %swap3A_713 = arith.index_cast %swap3A_712 : i32 to index
        %swap3A_714 = arith.index_cast %mul3A_711 : i32 to index
        %swap3A_715 = tpu.vector_load %arg9[%swap3A_713, %swap3A_714] {strides = array<i32>} : memref<26x128xi32, #tpu.memory_space<vmem>>, vector<16xi32>,
        tpu.vector_store %arg9[%swap3A_713, %swap3A_714], %add3A_709 {strides = array<i32>} : memref<26x128xi32, #tpu.memory_space<vmem>>, vector<16xi32>,
        %and3A_716 = arith.constant 7 : i32
        %and3A_717 = vector.broadcast %and3A_716 : i32 to vector<16xi32>
        %and3A_718 = arith.andi %gather3A_703, %and3A_717 : vector<16xi32>
        %mul3A_719 = arith.constant 16 : i32
        %mul3A_720 = vector.broadcast %mul3A_719 : i32 to vector<16xi32>
        %mul3A_721 = arith.muli %and3A_718, %mul3A_720 : vector<16xi32>
        %mul3A_722 = arith.constant 16 : i32
        %mul3A_723 = arith.muli %scan3A_265, %mul3A_722 : i32
        %swap3A_724 = arith.constant 16 : i32
        %swap3A_725 = arith.index_cast %swap3A_724 : i32 to index
        %swap3A_726 = arith.index_cast %mul3A_723 : i32 to index
        %swap3A_727 = tpu.vector_load %arg10[%swap3A_725, %swap3A_726] {strides = array<i32>} : memref<26x128xi32, #tpu.memory_space<vmem>>, vector<16xi32>,
        tpu.vector_store %arg10[%swap3A_725, %swap3A_726], %mul3A_721 {strides = array<i32>} : memref<26x128xi32, #tpu.memory_space<vmem>>, vector<16xi32>,
        %broadcast_in_dim3A_728 = arith.constant 17 : i32
        %broadcast_in_dim3A_729 = vector.broadcast %broadcast_in_dim3A_728 : i32 to vector<16xi32>
        %gather3A_730 = tpu.vector_load_idx %arg7[%add3A_270, %broadcast_in_dim3A_729] : memref<128x26xi32, #tpu.memory_space<vmem>>[vector<16xi32>, vector<16xi32>], vector<16xi32>,
        %shift_right_logical3A_731 = arith.constant 3 : i32
        %shift_right_logical3A_732 = vector.broadcast %shift_right_logical3A_731 : i32 to vector<16xi32>
        %shift_right_logical3A_733 = arith.shrui %gather3A_730, %shift_right_logical3A_732 : vector<16xi32>
        %add3A_734 = arith.constant 212704 : i32
        %add3A_735 = vector.broadcast %add3A_734 : i32 to vector<16xi32>
        %add3A_736 = arith.addi %shift_right_logical3A_733, %add3A_735 : vector<16xi32>
        %mul3A_737 = arith.constant 16 : i32
        %mul3A_738 = arith.muli %scan3A_265, %mul3A_737 : i32
        %swap3A_739 = arith.constant 17 : i32
        %swap3A_740 = arith.index_cast %swap3A_739 : i32 to index
        %swap3A_741 = arith.index_cast %mul3A_738 : i32 to index
        %swap3A_742 = tpu.vector_load %arg9[%swap3A_740, %swap3A_741] {strides = array<i32>} : memref<26x128xi32, #tpu.memory_space<vmem>>, vector<16xi32>,
        tpu.vector_store %arg9[%swap3A_740, %swap3A_741], %add3A_736 {strides = array<i32>} : memref<26x128xi32, #tpu.memory_space<vmem>>, vector<16xi32>,
        %and3A_743 = arith.constant 7 : i32
        %and3A_744 = vector.broadcast %and3A_743 : i32 to vector<16xi32>
        %and3A_745 = arith.andi %gather3A_730, %and3A_744 : vector<16xi32>
        %mul3A_746 = arith.constant 16 : i32
        %mul3A_747 = vector.broadcast %mul3A_746 : i32 to vector<16xi32>
        %mul3A_748 = arith.muli %and3A_745, %mul3A_747 : vector<16xi32>
        %mul3A_749 = arith.constant 16 : i32
        %mul3A_750 = arith.muli %scan3A_265, %mul3A_749 : i32
        %swap3A_751 = arith.constant 17 : i32
        %swap3A_752 = arith.index_cast %swap3A_751 : i32 to index
        %swap3A_753 = arith.index_cast %mul3A_750 : i32 to index
        %swap3A_754 = tpu.vector_load %arg10[%swap3A_752, %swap3A_753] {strides = array<i32>} : memref<26x128xi32, #tpu.memory_space<vmem>>, vector<16xi32>,
        tpu.vector_store %arg10[%swap3A_752, %swap3A_753], %mul3A_748 {strides = array<i32>} : memref<26x128xi32, #tpu.memory_space<vmem>>, vector<16xi32>,
        %broadcast_in_dim3A_755 = arith.constant 18 : i32
        %broadcast_in_dim3A_756 = vector.broadcast %broadcast_in_dim3A_755 : i32 to vector<16xi32>
        %gather3A_757 = tpu.vector_load_idx %arg7[%add3A_270, %broadcast_in_dim3A_756] : memref<128x26xi32, #tpu.memory_space<vmem>>[vector<16xi32>, vector<16xi32>], vector<16xi32>,
        %shift_right_logical3A_758 = arith.constant 3 : i32
        %shift_right_logical3A_759 = vector.broadcast %shift_right_logical3A_758 : i32 to vector<16xi32>
        %shift_right_logical3A_760 = arith.shrui %gather3A_757, %shift_right_logical3A_759 : vector<16xi32>
        %add3A_761 = arith.constant 225216 : i32
        %add3A_762 = vector.broadcast %add3A_761 : i32 to vector<16xi32>
        %add3A_763 = arith.addi %shift_right_logical3A_760, %add3A_762 : vector<16xi32>
        %mul3A_764 = arith.constant 16 : i32
        %mul3A_765 = arith.muli %scan3A_265, %mul3A_764 : i32
        %swap3A_766 = arith.constant 18 : i32
        %swap3A_767 = arith.index_cast %swap3A_766 : i32 to index
        %swap3A_768 = arith.index_cast %mul3A_765 : i32 to index
        %swap3A_769 = tpu.vector_load %arg9[%swap3A_767, %swap3A_768] {strides = array<i32>} : memref<26x128xi32, #tpu.memory_space<vmem>>, vector<16xi32>,
        tpu.vector_store %arg9[%swap3A_767, %swap3A_768], %add3A_763 {strides = array<i32>} : memref<26x128xi32, #tpu.memory_space<vmem>>, vector<16xi32>,
        %and3A_770 = arith.constant 7 : i32
        %and3A_771 = vector.broadcast %and3A_770 : i32 to vector<16xi32>
        %and3A_772 = arith.andi %gather3A_757, %and3A_771 : vector<16xi32>
        %mul3A_773 = arith.constant 16 : i32
        %mul3A_774 = vector.broadcast %mul3A_773 : i32 to vector<16xi32>
        %mul3A_775 = arith.muli %and3A_772, %mul3A_774 : vector<16xi32>
        %mul3A_776 = arith.constant 16 : i32
        %mul3A_777 = arith.muli %scan3A_265, %mul3A_776 : i32
        %swap3A_778 = arith.constant 18 : i32
        %swap3A_779 = arith.index_cast %swap3A_778 : i32 to index
        %swap3A_780 = arith.index_cast %mul3A_777 : i32 to index
        %swap3A_781 = tpu.vector_load %arg10[%swap3A_779, %swap3A_780] {strides = array<i32>} : memref<26x128xi32, #tpu.memory_space<vmem>>, vector<16xi32>,
        tpu.vector_store %arg10[%swap3A_779, %swap3A_780], %mul3A_775 {strides = array<i32>} : memref<26x128xi32, #tpu.memory_space<vmem>>, vector<16xi32>,
        %broadcast_in_dim3A_782 = arith.constant 19 : i32
        %broadcast_in_dim3A_783 = vector.broadcast %broadcast_in_dim3A_782 : i32 to vector<16xi32>
        %gather3A_784 = tpu.vector_load_idx %arg7[%add3A_270, %broadcast_in_dim3A_783] : memref<128x26xi32, #tpu.memory_space<vmem>>[vector<16xi32>, vector<16xi32>], vector<16xi32>,
        %shift_right_logical3A_785 = arith.constant 3 : i32
        %shift_right_logical3A_786 = vector.broadcast %shift_right_logical3A_785 : i32 to vector<16xi32>
        %shift_right_logical3A_787 = arith.shrui %gather3A_784, %shift_right_logical3A_786 : vector<16xi32>
        %add3A_788 = arith.constant 237728 : i32
        %add3A_789 = vector.broadcast %add3A_788 : i32 to vector<16xi32>
        %add3A_790 = arith.addi %shift_right_logical3A_787, %add3A_789 : vector<16xi32>
        %mul3A_791 = arith.constant 16 : i32
        %mul3A_792 = arith.muli %scan3A_265, %mul3A_791 : i32
        %swap3A_793 = arith.constant 19 : i32
        %swap3A_794 = arith.index_cast %swap3A_793 : i32 to index
        %swap3A_795 = arith.index_cast %mul3A_792 : i32 to index
        %swap3A_796 = tpu.vector_load %arg9[%swap3A_794, %swap3A_795] {strides = array<i32>} : memref<26x128xi32, #tpu.memory_space<vmem>>, vector<16xi32>,
        tpu.vector_store %arg9[%swap3A_794, %swap3A_795], %add3A_790 {strides = array<i32>} : memref<26x128xi32, #tpu.memory_space<vmem>>, vector<16xi32>,
        %and3A_797 = arith.constant 7 : i32
        %and3A_798 = vector.broadcast %and3A_797 : i32 to vector<16xi32>
        %and3A_799 = arith.andi %gather3A_784, %and3A_798 : vector<16xi32>
        %mul3A_800 = arith.constant 16 : i32
        %mul3A_801 = vector.broadcast %mul3A_800 : i32 to vector<16xi32>
        %mul3A_802 = arith.muli %and3A_799, %mul3A_801 : vector<16xi32>
        %mul3A_803 = arith.constant 16 : i32
        %mul3A_804 = arith.muli %scan3A_265, %mul3A_803 : i32
        %swap3A_805 = arith.constant 19 : i32
        %swap3A_806 = arith.index_cast %swap3A_805 : i32 to index
        %swap3A_807 = arith.index_cast %mul3A_804 : i32 to index
        %swap3A_808 = tpu.vector_load %arg10[%swap3A_806, %swap3A_807] {strides = array<i32>} : memref<26x128xi32, #tpu.memory_space<vmem>>, vector<16xi32>,
        tpu.vector_store %arg10[%swap3A_806, %swap3A_807], %mul3A_802 {strides = array<i32>} : memref<26x128xi32, #tpu.memory_space<vmem>>, vector<16xi32>,
        %broadcast_in_dim3A_809 = arith.constant 20 : i32
        %broadcast_in_dim3A_810 = vector.broadcast %broadcast_in_dim3A_809 : i32 to vector<16xi32>
        %gather3A_811 = tpu.vector_load_idx %arg7[%add3A_270, %broadcast_in_dim3A_810] : memref<128x26xi32, #tpu.memory_space<vmem>>[vector<16xi32>, vector<16xi32>], vector<16xi32>,
        %shift_right_logical3A_812 = arith.constant 3 : i32
        %shift_right_logical3A_813 = vector.broadcast %shift_right_logical3A_812 : i32 to vector<16xi32>
        %shift_right_logical3A_814 = arith.shrui %gather3A_811, %shift_right_logical3A_813 : vector<16xi32>
        %add3A_815 = arith.constant 250240 : i32
        %add3A_816 = vector.broadcast %add3A_815 : i32 to vector<16xi32>
        %add3A_817 = arith.addi %shift_right_logical3A_814, %add3A_816 : vector<16xi32>
        %mul3A_818 = arith.constant 16 : i32
        %mul3A_819 = arith.muli %scan3A_265, %mul3A_818 : i32
        %swap3A_820 = arith.constant 20 : i32
        %swap3A_821 = arith.index_cast %swap3A_820 : i32 to index
        %swap3A_822 = arith.index_cast %mul3A_819 : i32 to index
        %swap3A_823 = tpu.vector_load %arg9[%swap3A_821, %swap3A_822] {strides = array<i32>} : memref<26x128xi32, #tpu.memory_space<vmem>>, vector<16xi32>,
        tpu.vector_store %arg9[%swap3A_821, %swap3A_822], %add3A_817 {strides = array<i32>} : memref<26x128xi32, #tpu.memory_space<vmem>>, vector<16xi32>,
        %and3A_824 = arith.constant 7 : i32
        %and3A_825 = vector.broadcast %and3A_824 : i32 to vector<16xi32>
        %and3A_826 = arith.andi %gather3A_811, %and3A_825 : vector<16xi32>
        %mul3A_827 = arith.constant 16 : i32
        %mul3A_828 = vector.broadcast %mul3A_827 : i32 to vector<16xi32>
        %mul3A_829 = arith.muli %and3A_826, %mul3A_828 : vector<16xi32>
        %mul3A_830 = arith.constant 16 : i32
        %mul3A_831 = arith.muli %scan3A_265, %mul3A_830 : i32
        %swap3A_832 = arith.constant 20 : i32
        %swap3A_833 = arith.index_cast %swap3A_832 : i32 to index
        %swap3A_834 = arith.index_cast %mul3A_831 : i32 to index
        %swap3A_835 = tpu.vector_load %arg10[%swap3A_833, %swap3A_834] {strides = array<i32>} : memref<26x128xi32, #tpu.memory_space<vmem>>, vector<16xi32>,
        tpu.vector_store %arg10[%swap3A_833, %swap3A_834], %mul3A_829 {strides = array<i32>} : memref<26x128xi32, #tpu.memory_space<vmem>>, vector<16xi32>,
        %broadcast_in_dim3A_836 = arith.constant 21 : i32
        %broadcast_in_dim3A_837 = vector.broadcast %broadcast_in_dim3A_836 : i32 to vector<16xi32>
        %gather3A_838 = tpu.vector_load_idx %arg7[%add3A_270, %broadcast_in_dim3A_837] : memref<128x26xi32, #tpu.memory_space<vmem>>[vector<16xi32>, vector<16xi32>], vector<16xi32>,
        %shift_right_logical3A_839 = arith.constant 3 : i32
        %shift_right_logical3A_840 = vector.broadcast %shift_right_logical3A_839 : i32 to vector<16xi32>
        %shift_right_logical3A_841 = arith.shrui %gather3A_838, %shift_right_logical3A_840 : vector<16xi32>
        %add3A_842 = arith.constant 262752 : i32
        %add3A_843 = vector.broadcast %add3A_842 : i32 to vector<16xi32>
        %add3A_844 = arith.addi %shift_right_logical3A_841, %add3A_843 : vector<16xi32>
        %mul3A_845 = arith.constant 16 : i32
        %mul3A_846 = arith.muli %scan3A_265, %mul3A_845 : i32
        %swap3A_847 = arith.constant 21 : i32
        %swap3A_848 = arith.index_cast %swap3A_847 : i32 to index
        %swap3A_849 = arith.index_cast %mul3A_846 : i32 to index
        %swap3A_850 = tpu.vector_load %arg9[%swap3A_848, %swap3A_849] {strides = array<i32>} : memref<26x128xi32, #tpu.memory_space<vmem>>, vector<16xi32>,
        tpu.vector_store %arg9[%swap3A_848, %swap3A_849], %add3A_844 {strides = array<i32>} : memref<26x128xi32, #tpu.memory_space<vmem>>, vector<16xi32>,
        %and3A_851 = arith.constant 7 : i32
        %and3A_852 = vector.broadcast %and3A_851 : i32 to vector<16xi32>
        %and3A_853 = arith.andi %gather3A_838, %and3A_852 : vector<16xi32>
        %mul3A_854 = arith.constant 16 : i32
        %mul3A_855 = vector.broadcast %mul3A_854 : i32 to vector<16xi32>
        %mul3A_856 = arith.muli %and3A_853, %mul3A_855 : vector<16xi32>
        %mul3A_857 = arith.constant 16 : i32
        %mul3A_858 = arith.muli %scan3A_265, %mul3A_857 : i32
        %swap3A_859 = arith.constant 21 : i32
        %swap3A_860 = arith.index_cast %swap3A_859 : i32 to index
        %swap3A_861 = arith.index_cast %mul3A_858 : i32 to index
        %swap3A_862 = tpu.vector_load %arg10[%swap3A_860, %swap3A_861] {strides = array<i32>} : memref<26x128xi32, #tpu.memory_space<vmem>>, vector<16xi32>,
        tpu.vector_store %arg10[%swap3A_860, %swap3A_861], %mul3A_856 {strides = array<i32>} : memref<26x128xi32, #tpu.memory_space<vmem>>, vector<16xi32>,
        %broadcast_in_dim3A_863 = arith.constant 22 : i32
        %broadcast_in_dim3A_864 = vector.broadcast %broadcast_in_dim3A_863 : i32 to vector<16xi32>
        %gather3A_865 = tpu.vector_load_idx %arg7[%add3A_270, %broadcast_in_dim3A_864] : memref<128x26xi32, #tpu.memory_space<vmem>>[vector<16xi32>, vector<16xi32>], vector<16xi32>,
        %shift_right_logical3A_866 = arith.constant 3 : i32
        %shift_right_logical3A_867 = vector.broadcast %shift_right_logical3A_866 : i32 to vector<16xi32>
        %shift_right_logical3A_868 = arith.shrui %gather3A_865, %shift_right_logical3A_867 : vector<16xi32>
        %add3A_869 = arith.constant 275264 : i32
        %add3A_870 = vector.broadcast %add3A_869 : i32 to vector<16xi32>
        %add3A_871 = arith.addi %shift_right_logical3A_868, %add3A_870 : vector<16xi32>
        %mul3A_872 = arith.constant 16 : i32
        %mul3A_873 = arith.muli %scan3A_265, %mul3A_872 : i32
        %swap3A_874 = arith.constant 22 : i32
        %swap3A_875 = arith.index_cast %swap3A_874 : i32 to index
        %swap3A_876 = arith.index_cast %mul3A_873 : i32 to index
        %swap3A_877 = tpu.vector_load %arg9[%swap3A_875, %swap3A_876] {strides = array<i32>} : memref<26x128xi32, #tpu.memory_space<vmem>>, vector<16xi32>,
        tpu.vector_store %arg9[%swap3A_875, %swap3A_876], %add3A_871 {strides = array<i32>} : memref<26x128xi32, #tpu.memory_space<vmem>>, vector<16xi32>,
        %and3A_878 = arith.constant 7 : i32
        %and3A_879 = vector.broadcast %and3A_878 : i32 to vector<16xi32>
        %and3A_880 = arith.andi %gather3A_865, %and3A_879 : vector<16xi32>
        %mul3A_881 = arith.constant 16 : i32
        %mul3A_882 = vector.broadcast %mul3A_881 : i32 to vector<16xi32>
        %mul3A_883 = arith.muli %and3A_880, %mul3A_882 : vector<16xi32>
        %mul3A_884 = arith.constant 16 : i32
        %mul3A_885 = arith.muli %scan3A_265, %mul3A_884 : i32
        %swap3A_886 = arith.constant 22 : i32
        %swap3A_887 = arith.index_cast %swap3A_886 : i32 to index
        %swap3A_888 = arith.index_cast %mul3A_885 : i32 to index
        %swap3A_889 = tpu.vector_load %arg10[%swap3A_887, %swap3A_888] {strides = array<i32>} : memref<26x128xi32, #tpu.memory_space<vmem>>, vector<16xi32>,
        tpu.vector_store %arg10[%swap3A_887, %swap3A_888], %mul3A_883 {strides = array<i32>} : memref<26x128xi32, #tpu.memory_space<vmem>>, vector<16xi32>,
        %broadcast_in_dim3A_890 = arith.constant 23 : i32
        %broadcast_in_dim3A_891 = vector.broadcast %broadcast_in_dim3A_890 : i32 to vector<16xi32>
        %gather3A_892 = tpu.vector_load_idx %arg7[%add3A_270, %broadcast_in_dim3A_891] : memref<128x26xi32, #tpu.memory_space<vmem>>[vector<16xi32>, vector<16xi32>], vector<16xi32>,
        %shift_right_logical3A_893 = arith.constant 3 : i32
        %shift_right_logical3A_894 = vector.broadcast %shift_right_logical3A_893 : i32 to vector<16xi32>
        %shift_right_logical3A_895 = arith.shrui %gather3A_892, %shift_right_logical3A_894 : vector<16xi32>
        %add3A_896 = arith.constant 287776 : i32
        %add3A_897 = vector.broadcast %add3A_896 : i32 to vector<16xi32>
        %add3A_898 = arith.addi %shift_right_logical3A_895, %add3A_897 : vector<16xi32>
        %mul3A_899 = arith.constant 16 : i32
        %mul3A_900 = arith.muli %scan3A_265, %mul3A_899 : i32
        %swap3A_901 = arith.constant 23 : i32
        %swap3A_902 = arith.index_cast %swap3A_901 : i32 to index
        %swap3A_903 = arith.index_cast %mul3A_900 : i32 to index
        %swap3A_904 = tpu.vector_load %arg9[%swap3A_902, %swap3A_903] {strides = array<i32>} : memref<26x128xi32, #tpu.memory_space<vmem>>, vector<16xi32>,
        tpu.vector_store %arg9[%swap3A_902, %swap3A_903], %add3A_898 {strides = array<i32>} : memref<26x128xi32, #tpu.memory_space<vmem>>, vector<16xi32>,
        %and3A_905 = arith.constant 7 : i32
        %and3A_906 = vector.broadcast %and3A_905 : i32 to vector<16xi32>
        %and3A_907 = arith.andi %gather3A_892, %and3A_906 : vector<16xi32>
        %mul3A_908 = arith.constant 16 : i32
        %mul3A_909 = vector.broadcast %mul3A_908 : i32 to vector<16xi32>
        %mul3A_910 = arith.muli %and3A_907, %mul3A_909 : vector<16xi32>
        %mul3A_911 = arith.constant 16 : i32
        %mul3A_912 = arith.muli %scan3A_265, %mul3A_911 : i32
        %swap3A_913 = arith.constant 23 : i32
        %swap3A_914 = arith.index_cast %swap3A_913 : i32 to index
        %swap3A_915 = arith.index_cast %mul3A_912 : i32 to index
        %swap3A_916 = tpu.vector_load %arg10[%swap3A_914, %swap3A_915] {strides = array<i32>} : memref<26x128xi32, #tpu.memory_space<vmem>>, vector<16xi32>,
        tpu.vector_store %arg10[%swap3A_914, %swap3A_915], %mul3A_910 {strides = array<i32>} : memref<26x128xi32, #tpu.memory_space<vmem>>, vector<16xi32>,
        %broadcast_in_dim3A_917 = arith.constant 24 : i32
        %broadcast_in_dim3A_918 = vector.broadcast %broadcast_in_dim3A_917 : i32 to vector<16xi32>
        %gather3A_919 = tpu.vector_load_idx %arg7[%add3A_270, %broadcast_in_dim3A_918] : memref<128x26xi32, #tpu.memory_space<vmem>>[vector<16xi32>, vector<16xi32>], vector<16xi32>,
        %shift_right_logical3A_920 = arith.constant 3 : i32
        %shift_right_logical3A_921 = vector.broadcast %shift_right_logical3A_920 : i32 to vector<16xi32>
        %shift_right_logical3A_922 = arith.shrui %gather3A_919, %shift_right_logical3A_921 : vector<16xi32>
        %add3A_923 = arith.constant 300288 : i32
        %add3A_924 = vector.broadcast %add3A_923 : i32 to vector<16xi32>
        %add3A_925 = arith.addi %shift_right_logical3A_922, %add3A_924 : vector<16xi32>
        %mul3A_926 = arith.constant 16 : i32
        %mul3A_927 = arith.muli %scan3A_265, %mul3A_926 : i32
        %swap3A_928 = arith.constant 24 : i32
        %swap3A_929 = arith.index_cast %swap3A_928 : i32 to index
        %swap3A_930 = arith.index_cast %mul3A_927 : i32 to index
        %swap3A_931 = tpu.vector_load %arg9[%swap3A_929, %swap3A_930] {strides = array<i32>} : memref<26x128xi32, #tpu.memory_space<vmem>>, vector<16xi32>,
        tpu.vector_store %arg9[%swap3A_929, %swap3A_930], %add3A_925 {strides = array<i32>} : memref<26x128xi32, #tpu.memory_space<vmem>>, vector<16xi32>,
        %and3A_932 = arith.constant 7 : i32
        %and3A_933 = vector.broadcast %and3A_932 : i32 to vector<16xi32>
        %and3A_934 = arith.andi %gather3A_919, %and3A_933 : vector<16xi32>
        %mul3A_935 = arith.constant 16 : i32
        %mul3A_936 = vector.broadcast %mul3A_935 : i32 to vector<16xi32>
        %mul3A_937 = arith.muli %and3A_934, %mul3A_936 : vector<16xi32>
        %mul3A_938 = arith.constant 16 : i32
        %mul3A_939 = arith.muli %scan3A_265, %mul3A_938 : i32
        %swap3A_940 = arith.constant 24 : i32
        %swap3A_941 = arith.index_cast %swap3A_940 : i32 to index
        %swap3A_942 = arith.index_cast %mul3A_939 : i32 to index
        %swap3A_943 = tpu.vector_load %arg10[%swap3A_941, %swap3A_942] {strides = array<i32>} : memref<26x128xi32, #tpu.memory_space<vmem>>, vector<16xi32>,
        tpu.vector_store %arg10[%swap3A_941, %swap3A_942], %mul3A_937 {strides = array<i32>} : memref<26x128xi32, #tpu.memory_space<vmem>>, vector<16xi32>,
        %broadcast_in_dim3A_944 = arith.constant 25 : i32
        %broadcast_in_dim3A_945 = vector.broadcast %broadcast_in_dim3A_944 : i32 to vector<16xi32>
        %gather3A_946 = tpu.vector_load_idx %arg7[%add3A_270, %broadcast_in_dim3A_945] : memref<128x26xi32, #tpu.memory_space<vmem>>[vector<16xi32>, vector<16xi32>], vector<16xi32>,
        %shift_right_logical3A_947 = arith.constant 3 : i32
        %shift_right_logical3A_948 = vector.broadcast %shift_right_logical3A_947 : i32 to vector<16xi32>
        %shift_right_logical3A_949 = arith.shrui %gather3A_946, %shift_right_logical3A_948 : vector<16xi32>
        %add3A_950 = arith.constant 312800 : i32
        %add3A_951 = vector.broadcast %add3A_950 : i32 to vector<16xi32>
        %add3A_952 = arith.addi %shift_right_logical3A_949, %add3A_951 : vector<16xi32>
        %mul3A_953 = arith.constant 16 : i32
        %mul3A_954 = arith.muli %scan3A_265, %mul3A_953 : i32
        %swap3A_955 = arith.constant 25 : i32
        %swap3A_956 = arith.index_cast %swap3A_955 : i32 to index
        %swap3A_957 = arith.index_cast %mul3A_954 : i32 to index
        %swap3A_958 = tpu.vector_load %arg9[%swap3A_956, %swap3A_957] {strides = array<i32>} : memref<26x128xi32, #tpu.memory_space<vmem>>, vector<16xi32>,
        tpu.vector_store %arg9[%swap3A_956, %swap3A_957], %add3A_952 {strides = array<i32>} : memref<26x128xi32, #tpu.memory_space<vmem>>, vector<16xi32>,
        %and3A_959 = arith.constant 7 : i32
        %and3A_960 = vector.broadcast %and3A_959 : i32 to vector<16xi32>
        %and3A_961 = arith.andi %gather3A_946, %and3A_960 : vector<16xi32>
        %mul3A_962 = arith.constant 16 : i32
        %mul3A_963 = vector.broadcast %mul3A_962 : i32 to vector<16xi32>
        %mul3A_964 = arith.muli %and3A_961, %mul3A_963 : vector<16xi32>
        %mul3A_965 = arith.constant 16 : i32
        %mul3A_966 = arith.muli %scan3A_265, %mul3A_965 : i32
        %swap3A_967 = arith.constant 25 : i32
        %swap3A_968 = arith.index_cast %swap3A_967 : i32 to index
        %swap3A_969 = arith.index_cast %mul3A_966 : i32 to index
        %swap3A_970 = tpu.vector_load %arg10[%swap3A_968, %swap3A_969] {strides = array<i32>} : memref<26x128xi32, #tpu.memory_space<vmem>>, vector<16xi32>,
        tpu.vector_store %arg10[%swap3A_968, %swap3A_969], %mul3A_964 {strides = array<i32>} : memref<26x128xi32, #tpu.memory_space<vmem>>, vector<16xi32>,
        %scan3A_971 = arith.constant 0 : i32
        scf.yield %scan3A_971 : i32
      }
      %scan3A_229 = arith.constant 8 : i32
      %scan3A_230 = arith.constant 0 : i32
      %scan3A_231 = arith.constant 0 : i32
      %scan3A_232 = arith.constant 8 : i32
      %scan3A_233 = arith.addi %scan3A_231, %scan3A_232 : i32
      %scan3A_234 = arith.constant 1 : i32
      %scan3A_235 = scf.for %scan3A_265 = %scan3A_231 to %scan3A_233 step %scan3A_234 iter_args(%scan3A_266 = %scan3A_230) -> (i32)  : i32 {
        %broadcast_in_dim3A_267 = arith.constant 0.000000e+00 : f32
        %broadcast_in_dim3A_268 = vector.broadcast %broadcast_in_dim3A_267 : f32 to vector<16xf32>
        %mul3A_269 = arith.constant 16 : i32
        %mul3A_270 = arith.muli %scan3A_265, %mul3A_269 : i32
        %swap3A = arith.constant 0 : i32
        %swap3A_271 = arith.index_cast %swap3A : i32 to index
        %swap3A_272 = arith.index_cast %mul3A_270 : i32 to index
        %swap3A_273 = tpu.vector_load %arg13[%swap3A_271, %swap3A_272] {strides = array<i32>} : memref<16x128xf32, #tpu.memory_space<vmem>>, vector<16xf32>,
        tpu.vector_store %arg13[%swap3A_271, %swap3A_272], %broadcast_in_dim3A_268 {strides = array<i32>} : memref<16x128xf32, #tpu.memory_space<vmem>>, vector<16xf32>,
        %mul3A_274 = arith.constant 16 : i32
        %mul3A_275 = arith.muli %scan3A_265, %mul3A_274 : i32
        %swap3A_276 = arith.constant 0 : i32
        %swap3A_277 = arith.index_cast %swap3A_276 : i32 to index
        %swap3A_278 = arith.index_cast %mul3A_275 : i32 to index
        %swap3A_279 = tpu.vector_load %arg14[%swap3A_277, %swap3A_278] {strides = array<i32>} : memref<16x128xf32, #tpu.memory_space<vmem>>, vector<16xf32>,
        tpu.vector_store %arg14[%swap3A_277, %swap3A_278], %broadcast_in_dim3A_268 {strides = array<i32>} : memref<16x128xf32, #tpu.memory_space<vmem>>, vector<16xf32>,
        %mul3A_280 = arith.constant 16 : i32
        %mul3A_281 = arith.muli %scan3A_265, %mul3A_280 : i32
        %swap3A_282 = arith.constant 1 : i32
        %swap3A_283 = arith.index_cast %swap3A_282 : i32 to index
        %swap3A_284 = arith.index_cast %mul3A_281 : i32 to index
        %swap3A_285 = tpu.vector_load %arg13[%swap3A_283, %swap3A_284] {strides = array<i32>} : memref<16x128xf32, #tpu.memory_space<vmem>>, vector<16xf32>,
        tpu.vector_store %arg13[%swap3A_283, %swap3A_284], %broadcast_in_dim3A_268 {strides = array<i32>} : memref<16x128xf32, #tpu.memory_space<vmem>>, vector<16xf32>,
        %mul3A_286 = arith.constant 16 : i32
        %mul3A_287 = arith.muli %scan3A_265, %mul3A_286 : i32
        %swap3A_288 = arith.constant 1 : i32
        %swap3A_289 = arith.index_cast %swap3A_288 : i32 to index
        %swap3A_290 = arith.index_cast %mul3A_287 : i32 to index
        %swap3A_291 = tpu.vector_load %arg14[%swap3A_289, %swap3A_290] {strides = array<i32>} : memref<16x128xf32, #tpu.memory_space<vmem>>, vector<16xf32>,
        tpu.vector_store %arg14[%swap3A_289, %swap3A_290], %broadcast_in_dim3A_268 {strides = array<i32>} : memref<16x128xf32, #tpu.memory_space<vmem>>, vector<16xf32>,
        %mul3A_292 = arith.constant 16 : i32
        %mul3A_293 = arith.muli %scan3A_265, %mul3A_292 : i32
        %swap3A_294 = arith.constant 2 : i32
        %swap3A_295 = arith.index_cast %swap3A_294 : i32 to index
        %swap3A_296 = arith.index_cast %mul3A_293 : i32 to index
        %swap3A_297 = tpu.vector_load %arg13[%swap3A_295, %swap3A_296] {strides = array<i32>} : memref<16x128xf32, #tpu.memory_space<vmem>>, vector<16xf32>,
        tpu.vector_store %arg13[%swap3A_295, %swap3A_296], %broadcast_in_dim3A_268 {strides = array<i32>} : memref<16x128xf32, #tpu.memory_space<vmem>>, vector<16xf32>,
        %mul3A_298 = arith.constant 16 : i32
        %mul3A_299 = arith.muli %scan3A_265, %mul3A_298 : i32
        %swap3A_300 = arith.constant 2 : i32
        %swap3A_301 = arith.index_cast %swap3A_300 : i32 to index
        %swap3A_302 = arith.index_cast %mul3A_299 : i32 to index
        %swap3A_303 = tpu.vector_load %arg14[%swap3A_301, %swap3A_302] {strides = array<i32>} : memref<16x128xf32, #tpu.memory_space<vmem>>, vector<16xf32>,
        tpu.vector_store %arg14[%swap3A_301, %swap3A_302], %broadcast_in_dim3A_268 {strides = array<i32>} : memref<16x128xf32, #tpu.memory_space<vmem>>, vector<16xf32>,
        %mul3A_304 = arith.constant 16 : i32
        %mul3A_305 = arith.muli %scan3A_265, %mul3A_304 : i32
        %swap3A_306 = arith.constant 3 : i32
        %swap3A_307 = arith.index_cast %swap3A_306 : i32 to index
        %swap3A_308 = arith.index_cast %mul3A_305 : i32 to index
        %swap3A_309 = tpu.vector_load %arg13[%swap3A_307, %swap3A_308] {strides = array<i32>} : memref<16x128xf32, #tpu.memory_space<vmem>>, vector<16xf32>,
        tpu.vector_store %arg13[%swap3A_307, %swap3A_308], %broadcast_in_dim3A_268 {strides = array<i32>} : memref<16x128xf32, #tpu.memory_space<vmem>>, vector<16xf32>,
        %mul3A_310 = arith.constant 16 : i32
        %mul3A_311 = arith.muli %scan3A_265, %mul3A_310 : i32
        %swap3A_312 = arith.constant 3 : i32
        %swap3A_313 = arith.index_cast %swap3A_312 : i32 to index
        %swap3A_314 = arith.index_cast %mul3A_311 : i32 to index
        %swap3A_315 = tpu.vector_load %arg14[%swap3A_313, %swap3A_314] {strides = array<i32>} : memref<16x128xf32, #tpu.memory_space<vmem>>, vector<16xf32>,
        tpu.vector_store %arg14[%swap3A_313, %swap3A_314], %broadcast_in_dim3A_268 {strides = array<i32>} : memref<16x128xf32, #tpu.memory_space<vmem>>, vector<16xf32>,
        %mul3A_316 = arith.constant 16 : i32
        %mul3A_317 = arith.muli %scan3A_265, %mul3A_316 : i32
        %swap3A_318 = arith.constant 4 : i32
        %swap3A_319 = arith.index_cast %swap3A_318 : i32 to index
        %swap3A_320 = arith.index_cast %mul3A_317 : i32 to index
        %swap3A_321 = tpu.vector_load %arg13[%swap3A_319, %swap3A_320] {strides = array<i32>} : memref<16x128xf32, #tpu.memory_space<vmem>>, vector<16xf32>,
        tpu.vector_store %arg13[%swap3A_319, %swap3A_320], %broadcast_in_dim3A_268 {strides = array<i32>} : memref<16x128xf32, #tpu.memory_space<vmem>>, vector<16xf32>,
        %mul3A_322 = arith.constant 16 : i32
        %mul3A_323 = arith.muli %scan3A_265, %mul3A_322 : i32
        %swap3A_324 = arith.constant 4 : i32
        %swap3A_325 = arith.index_cast %swap3A_324 : i32 to index
        %swap3A_326 = arith.index_cast %mul3A_323 : i32 to index
        %swap3A_327 = tpu.vector_load %arg14[%swap3A_325, %swap3A_326] {strides = array<i32>} : memref<16x128xf32, #tpu.memory_space<vmem>>, vector<16xf32>,
        tpu.vector_store %arg14[%swap3A_325, %swap3A_326], %broadcast_in_dim3A_268 {strides = array<i32>} : memref<16x128xf32, #tpu.memory_space<vmem>>, vector<16xf32>,
        %mul3A_328 = arith.constant 16 : i32
        %mul3A_329 = arith.muli %scan3A_265, %mul3A_328 : i32
        %swap3A_330 = arith.constant 5 : i32
        %swap3A_331 = arith.index_cast %swap3A_330 : i32 to index
        %swap3A_332 = arith.index_cast %mul3A_329 : i32 to index
        %swap3A_333 = tpu.vector_load %arg13[%swap3A_331, %swap3A_332] {strides = array<i32>} : memref<16x128xf32, #tpu.memory_space<vmem>>, vector<16xf32>,
        tpu.vector_store %arg13[%swap3A_331, %swap3A_332], %broadcast_in_dim3A_268 {strides = array<i32>} : memref<16x128xf32, #tpu.memory_space<vmem>>, vector<16xf32>,
        %mul3A_334 = arith.constant 16 : i32
        %mul3A_335 = arith.muli %scan3A_265, %mul3A_334 : i32
        %swap3A_336 = arith.constant 5 : i32
        %swap3A_337 = arith.index_cast %swap3A_336 : i32 to index
        %swap3A_338 = arith.index_cast %mul3A_335 : i32 to index
        %swap3A_339 = tpu.vector_load %arg14[%swap3A_337, %swap3A_338] {strides = array<i32>} : memref<16x128xf32, #tpu.memory_space<vmem>>, vector<16xf32>,
        tpu.vector_store %arg14[%swap3A_337, %swap3A_338], %broadcast_in_dim3A_268 {strides = array<i32>} : memref<16x128xf32, #tpu.memory_space<vmem>>, vector<16xf32>,
        %mul3A_340 = arith.constant 16 : i32
        %mul3A_341 = arith.muli %scan3A_265, %mul3A_340 : i32
        %swap3A_342 = arith.constant 6 : i32
        %swap3A_343 = arith.index_cast %swap3A_342 : i32 to index
        %swap3A_344 = arith.index_cast %mul3A_341 : i32 to index
        %swap3A_345 = tpu.vector_load %arg13[%swap3A_343, %swap3A_344] {strides = array<i32>} : memref<16x128xf32, #tpu.memory_space<vmem>>, vector<16xf32>,
        tpu.vector_store %arg13[%swap3A_343, %swap3A_344], %broadcast_in_dim3A_268 {strides = array<i32>} : memref<16x128xf32, #tpu.memory_space<vmem>>, vector<16xf32>,
        %mul3A_346 = arith.constant 16 : i32
        %mul3A_347 = arith.muli %scan3A_265, %mul3A_346 : i32
        %swap3A_348 = arith.constant 6 : i32
        %swap3A_349 = arith.index_cast %swap3A_348 : i32 to index
        %swap3A_350 = arith.index_cast %mul3A_347 : i32 to index
        %swap3A_351 = tpu.vector_load %arg14[%swap3A_349, %swap3A_350] {strides = array<i32>} : memref<16x128xf32, #tpu.memory_space<vmem>>, vector<16xf32>,
        tpu.vector_store %arg14[%swap3A_349, %swap3A_350], %broadcast_in_dim3A_268 {strides = array<i32>} : memref<16x128xf32, #tpu.memory_space<vmem>>, vector<16xf32>,
        %mul3A_352 = arith.constant 16 : i32
        %mul3A_353 = arith.muli %scan3A_265, %mul3A_352 : i32
        %swap3A_354 = arith.constant 7 : i32
        %swap3A_355 = arith.index_cast %swap3A_354 : i32 to index
        %swap3A_356 = arith.index_cast %mul3A_353 : i32 to index
        %swap3A_357 = tpu.vector_load %arg13[%swap3A_355, %swap3A_356] {strides = array<i32>} : memref<16x128xf32, #tpu.memory_space<vmem>>, vector<16xf32>,
        tpu.vector_store %arg13[%swap3A_355, %swap3A_356], %broadcast_in_dim3A_268 {strides = array<i32>} : memref<16x128xf32, #tpu.memory_space<vmem>>, vector<16xf32>,
        %mul3A_358 = arith.constant 16 : i32
        %mul3A_359 = arith.muli %scan3A_265, %mul3A_358 : i32
        %swap3A_360 = arith.constant 7 : i32
        %swap3A_361 = arith.index_cast %swap3A_360 : i32 to index
        %swap3A_362 = arith.index_cast %mul3A_359 : i32 to index
        %swap3A_363 = tpu.vector_load %arg14[%swap3A_361, %swap3A_362] {strides = array<i32>} : memref<16x128xf32, #tpu.memory_space<vmem>>, vector<16xf32>,
        tpu.vector_store %arg14[%swap3A_361, %swap3A_362], %broadcast_in_dim3A_268 {strides = array<i32>} : memref<16x128xf32, #tpu.memory_space<vmem>>, vector<16xf32>,
        %mul3A_364 = arith.constant 16 : i32
        %mul3A_365 = arith.muli %scan3A_265, %mul3A_364 : i32
        %swap3A_366 = arith.constant 8 : i32
        %swap3A_367 = arith.index_cast %swap3A_366 : i32 to index
        %swap3A_368 = arith.index_cast %mul3A_365 : i32 to index
        %swap3A_369 = tpu.vector_load %arg13[%swap3A_367, %swap3A_368] {strides = array<i32>} : memref<16x128xf32, #tpu.memory_space<vmem>>, vector<16xf32>,
        tpu.vector_store %arg13[%swap3A_367, %swap3A_368], %broadcast_in_dim3A_268 {strides = array<i32>} : memref<16x128xf32, #tpu.memory_space<vmem>>, vector<16xf32>,
        %mul3A_370 = arith.constant 16 : i32
        %mul3A_371 = arith.muli %scan3A_265, %mul3A_370 : i32
        %swap3A_372 = arith.constant 8 : i32
        %swap3A_373 = arith.index_cast %swap3A_372 : i32 to index
        %swap3A_374 = arith.index_cast %mul3A_371 : i32 to index
        %swap3A_375 = tpu.vector_load %arg14[%swap3A_373, %swap3A_374] {strides = array<i32>} : memref<16x128xf32, #tpu.memory_space<vmem>>, vector<16xf32>,
        tpu.vector_store %arg14[%swap3A_373, %swap3A_374], %broadcast_in_dim3A_268 {strides = array<i32>} : memref<16x128xf32, #tpu.memory_space<vmem>>, vector<16xf32>,
        %mul3A_376 = arith.constant 16 : i32
        %mul3A_377 = arith.muli %scan3A_265, %mul3A_376 : i32
        %swap3A_378 = arith.constant 9 : i32
        %swap3A_379 = arith.index_cast %swap3A_378 : i32 to index
        %swap3A_380 = arith.index_cast %mul3A_377 : i32 to index
        %swap3A_381 = tpu.vector_load %arg13[%swap3A_379, %swap3A_380] {strides = array<i32>} : memref<16x128xf32, #tpu.memory_space<vmem>>, vector<16xf32>,
        tpu.vector_store %arg13[%swap3A_379, %swap3A_380], %broadcast_in_dim3A_268 {strides = array<i32>} : memref<16x128xf32, #tpu.memory_space<vmem>>, vector<16xf32>,
        %mul3A_382 = arith.constant 16 : i32
        %mul3A_383 = arith.muli %scan3A_265, %mul3A_382 : i32
        %swap3A_384 = arith.constant 9 : i32
        %swap3A_385 = arith.index_cast %swap3A_384 : i32 to index
        %swap3A_386 = arith.index_cast %mul3A_383 : i32 to index
        %swap3A_387 = tpu.vector_load %arg14[%swap3A_385, %swap3A_386] {strides = array<i32>} : memref<16x128xf32, #tpu.memory_space<vmem>>, vector<16xf32>,
        tpu.vector_store %arg14[%swap3A_385, %swap3A_386], %broadcast_in_dim3A_268 {strides = array<i32>} : memref<16x128xf32, #tpu.memory_space<vmem>>, vector<16xf32>,
        %mul3A_388 = arith.constant 16 : i32
        %mul3A_389 = arith.muli %scan3A_265, %mul3A_388 : i32
        %swap3A_390 = arith.constant 10 : i32
        %swap3A_391 = arith.index_cast %swap3A_390 : i32 to index
        %swap3A_392 = arith.index_cast %mul3A_389 : i32 to index
        %swap3A_393 = tpu.vector_load %arg13[%swap3A_391, %swap3A_392] {strides = array<i32>} : memref<16x128xf32, #tpu.memory_space<vmem>>, vector<16xf32>,
        tpu.vector_store %arg13[%swap3A_391, %swap3A_392], %broadcast_in_dim3A_268 {strides = array<i32>} : memref<16x128xf32, #tpu.memory_space<vmem>>, vector<16xf32>,
        %mul3A_394 = arith.constant 16 : i32
        %mul3A_395 = arith.muli %scan3A_265, %mul3A_394 : i32
        %swap3A_396 = arith.constant 10 : i32
        %swap3A_397 = arith.index_cast %swap3A_396 : i32 to index
        %swap3A_398 = arith.index_cast %mul3A_395 : i32 to index
        %swap3A_399 = tpu.vector_load %arg14[%swap3A_397, %swap3A_398] {strides = array<i32>} : memref<16x128xf32, #tpu.memory_space<vmem>>, vector<16xf32>,
        tpu.vector_store %arg14[%swap3A_397, %swap3A_398], %broadcast_in_dim3A_268 {strides = array<i32>} : memref<16x128xf32, #tpu.memory_space<vmem>>, vector<16xf32>,
        %mul3A_400 = arith.constant 16 : i32
        %mul3A_401 = arith.muli %scan3A_265, %mul3A_400 : i32
        %swap3A_402 = arith.constant 11 : i32
        %swap3A_403 = arith.index_cast %swap3A_402 : i32 to index
        %swap3A_404 = arith.index_cast %mul3A_401 : i32 to index
        %swap3A_405 = tpu.vector_load %arg13[%swap3A_403, %swap3A_404] {strides = array<i32>} : memref<16x128xf32, #tpu.memory_space<vmem>>, vector<16xf32>,
        tpu.vector_store %arg13[%swap3A_403, %swap3A_404], %broadcast_in_dim3A_268 {strides = array<i32>} : memref<16x128xf32, #tpu.memory_space<vmem>>, vector<16xf32>,
        %mul3A_406 = arith.constant 16 : i32
        %mul3A_407 = arith.muli %scan3A_265, %mul3A_406 : i32
        %swap3A_408 = arith.constant 11 : i32
        %swap3A_409 = arith.index_cast %swap3A_408 : i32 to index
        %swap3A_410 = arith.index_cast %mul3A_407 : i32 to index
        %swap3A_411 = tpu.vector_load %arg14[%swap3A_409, %swap3A_410] {strides = array<i32>} : memref<16x128xf32, #tpu.memory_space<vmem>>, vector<16xf32>,
        tpu.vector_store %arg14[%swap3A_409, %swap3A_410], %broadcast_in_dim3A_268 {strides = array<i32>} : memref<16x128xf32, #tpu.memory_space<vmem>>, vector<16xf32>,
        %mul3A_412 = arith.constant 16 : i32
        %mul3A_413 = arith.muli %scan3A_265, %mul3A_412 : i32
        %swap3A_414 = arith.constant 12 : i32
        %swap3A_415 = arith.index_cast %swap3A_414 : i32 to index
        %swap3A_416 = arith.index_cast %mul3A_413 : i32 to index
        %swap3A_417 = tpu.vector_load %arg13[%swap3A_415, %swap3A_416] {strides = array<i32>} : memref<16x128xf32, #tpu.memory_space<vmem>>, vector<16xf32>,
        tpu.vector_store %arg13[%swap3A_415, %swap3A_416], %broadcast_in_dim3A_268 {strides = array<i32>} : memref<16x128xf32, #tpu.memory_space<vmem>>, vector<16xf32>,
        %mul3A_418 = arith.constant 16 : i32
        %mul3A_419 = arith.muli %scan3A_265, %mul3A_418 : i32
        %swap3A_420 = arith.constant 12 : i32
        %swap3A_421 = arith.index_cast %swap3A_420 : i32 to index
        %swap3A_422 = arith.index_cast %mul3A_419 : i32 to index
        %swap3A_423 = tpu.vector_load %arg14[%swap3A_421, %swap3A_422] {strides = array<i32>} : memref<16x128xf32, #tpu.memory_space<vmem>>, vector<16xf32>,
        tpu.vector_store %arg14[%swap3A_421, %swap3A_422], %broadcast_in_dim3A_268 {strides = array<i32>} : memref<16x128xf32, #tpu.memory_space<vmem>>, vector<16xf32>,
        %mul3A_424 = arith.constant 16 : i32
        %mul3A_425 = arith.muli %scan3A_265, %mul3A_424 : i32
        %swap3A_426 = arith.constant 13 : i32
        %swap3A_427 = arith.index_cast %swap3A_426 : i32 to index
        %swap3A_428 = arith.index_cast %mul3A_425 : i32 to index
        %swap3A_429 = tpu.vector_load %arg13[%swap3A_427, %swap3A_428] {strides = array<i32>} : memref<16x128xf32, #tpu.memory_space<vmem>>, vector<16xf32>,
        tpu.vector_store %arg13[%swap3A_427, %swap3A_428], %broadcast_in_dim3A_268 {strides = array<i32>} : memref<16x128xf32, #tpu.memory_space<vmem>>, vector<16xf32>,
        %mul3A_430 = arith.constant 16 : i32
        %mul3A_431 = arith.muli %scan3A_265, %mul3A_430 : i32
        %swap3A_432 = arith.constant 13 : i32
        %swap3A_433 = arith.index_cast %swap3A_432 : i32 to index
        %swap3A_434 = arith.index_cast %mul3A_431 : i32 to index
        %swap3A_435 = tpu.vector_load %arg14[%swap3A_433, %swap3A_434] {strides = array<i32>} : memref<16x128xf32, #tpu.memory_space<vmem>>, vector<16xf32>,
        tpu.vector_store %arg14[%swap3A_433, %swap3A_434], %broadcast_in_dim3A_268 {strides = array<i32>} : memref<16x128xf32, #tpu.memory_space<vmem>>, vector<16xf32>,
        %mul3A_436 = arith.constant 16 : i32
        %mul3A_437 = arith.muli %scan3A_265, %mul3A_436 : i32
        %swap3A_438 = arith.constant 14 : i32
        %swap3A_439 = arith.index_cast %swap3A_438 : i32 to index
        %swap3A_440 = arith.index_cast %mul3A_437 : i32 to index
        %swap3A_441 = tpu.vector_load %arg13[%swap3A_439, %swap3A_440] {strides = array<i32>} : memref<16x128xf32, #tpu.memory_space<vmem>>, vector<16xf32>,
        tpu.vector_store %arg13[%swap3A_439, %swap3A_440], %broadcast_in_dim3A_268 {strides = array<i32>} : memref<16x128xf32, #tpu.memory_space<vmem>>, vector<16xf32>,
        %mul3A_442 = arith.constant 16 : i32
        %mul3A_443 = arith.muli %scan3A_265, %mul3A_442 : i32
        %swap3A_444 = arith.constant 14 : i32
        %swap3A_445 = arith.index_cast %swap3A_444 : i32 to index
        %swap3A_446 = arith.index_cast %mul3A_443 : i32 to index
        %swap3A_447 = tpu.vector_load %arg14[%swap3A_445, %swap3A_446] {strides = array<i32>} : memref<16x128xf32, #tpu.memory_space<vmem>>, vector<16xf32>,
        tpu.vector_store %arg14[%swap3A_445, %swap3A_446], %broadcast_in_dim3A_268 {strides = array<i32>} : memref<16x128xf32, #tpu.memory_space<vmem>>, vector<16xf32>,
        %mul3A_448 = arith.constant 16 : i32
        %mul3A_449 = arith.muli %scan3A_265, %mul3A_448 : i32
        %swap3A_450 = arith.constant 15 : i32
        %swap3A_451 = arith.index_cast %swap3A_450 : i32 to index
        %swap3A_452 = arith.index_cast %mul3A_449 : i32 to index
        %swap3A_453 = tpu.vector_load %arg13[%swap3A_451, %swap3A_452] {strides = array<i32>} : memref<16x128xf32, #tpu.memory_space<vmem>>, vector<16xf32>,
        tpu.vector_store %arg13[%swap3A_451, %swap3A_452], %broadcast_in_dim3A_268 {strides = array<i32>} : memref<16x128xf32, #tpu.memory_space<vmem>>, vector<16xf32>,
        %mul3A_454 = arith.constant 16 : i32
        %mul3A_455 = arith.muli %scan3A_265, %mul3A_454 : i32
        %swap3A_456 = arith.constant 15 : i32
        %swap3A_457 = arith.index_cast %swap3A_456 : i32 to index
        %swap3A_458 = arith.index_cast %mul3A_455 : i32 to index
        %swap3A_459 = tpu.vector_load %arg14[%swap3A_457, %swap3A_458] {strides = array<i32>} : memref<16x128xf32, #tpu.memory_space<vmem>>, vector<16xf32>,
        tpu.vector_store %arg14[%swap3A_457, %swap3A_458], %broadcast_in_dim3A_268 {strides = array<i32>} : memref<16x128xf32, #tpu.memory_space<vmem>>, vector<16xf32>,
        %scan3A_460 = arith.constant 0 : i32
        scf.yield %scan3A_460 : i32
      }
      %scan3A_236 = arith.constant 8 : i32
      %dma_start3A = arith.constant 0 : i32
      %dma_start3A_237 = arith.constant 0 : i32
      %dma_start3A_238 = tpu.memref_slice %arg9[%dma_start3A, %dma_start3A_237] : memref<26x128xi32, #tpu.memory_space<vmem>> -> memref<1x128xi32, #tpu.memory_space<vmem>>
      %dma_start3A_239 = tpu.memref_squeeze %dma_start3A_238 : memref<1x128xi32, #tpu.memory_space<vmem>> -> memref<128xi32, #tpu.memory_space<vmem>>
      %dma_start3A_240 = arith.constant 0 : i32
      %dma_start3A_241 = arith.constant 0 : i32
      %dma_start3A_242 = tpu.memref_slice %arg2[%dma_start3A_240, %dma_start3A_241] : memref<325312x128xf32, #tpu.memory_space<hbm>> -> memref<325312x128xf32, #tpu.memory_space<hbm>>
      tpu.enqueue_indirect_dma source(%dma_start3A_242 : memref<325312x128xf32, #tpu.memory_space<hbm>>) target(%arg11 : memref<128x128xf32, #tpu.memory_space<vmem>>) offsets(%dma_start3A_239 : memref<128xi32, #tpu.memory_space<vmem>>) semaphore(%arg17 : memref<!tpu.dma_semaphore, #tpu.memory_space<semaphore_mem>>)
      %dma_start3A_243 = arith.constant 1 : i32
      %dma_start3A_244 = arith.constant 0 : i32
      %dma_start3A_245 = tpu.memref_slice %arg9[%dma_start3A_243, %dma_start3A_244] : memref<26x128xi32, #tpu.memory_space<vmem>> -> memref<1x128xi32, #tpu.memory_space<vmem>>
      %dma_start3A_246 = tpu.memref_squeeze %dma_start3A_245 : memref<1x128xi32, #tpu.memory_space<vmem>> -> memref<128xi32, #tpu.memory_space<vmem>>
      %dma_start3A_247 = arith.constant 0 : i32
      %dma_start3A_248 = arith.constant 0 : i32
      %dma_start3A_249 = tpu.memref_slice %arg2[%dma_start3A_247, %dma_start3A_248] : memref<325312x128xf32, #tpu.memory_space<hbm>> -> memref<325312x128xf32, #tpu.memory_space<hbm>>
      tpu.enqueue_indirect_dma source(%dma_start3A_249 : memref<325312x128xf32, #tpu.memory_space<hbm>>) target(%arg12 : memref<128x128xf32, #tpu.memory_space<vmem>>) offsets(%dma_start3A_246 : memref<128xi32, #tpu.memory_space<vmem>>) semaphore(%arg18 : memref<!tpu.dma_semaphore, #tpu.memory_space<semaphore_mem>>)
      %scan3A_250 = arith.constant 0 : i32
      %scan3A_251 = arith.constant 0 : i32
      %scan3A_252 = arith.constant 13 : i32
      %scan3A_253 = arith.addi %scan3A_251, %scan3A_252 : i32
      %scan3A_254 = arith.constant 1 : i32
      %scan3A_255 = scf.for %scan3A_265 = %scan3A_251 to %scan3A_253 step %scan3A_254 iter_args(%scan3A_266 = %scan3A_250) -> (i32)  : i32 {
        %mul3A_267 = arith.constant 2 : i32
        %mul3A_268 = arith.muli %scan3A_265, %mul3A_267 : i32
        %add3A_269 = arith.constant 0 : i32
        %add3A_270 = arith.addi %mul3A_268, %add3A_269 : i32
        %dma_wait3A = arith.constant 0 : i32
        %dma_wait3A_271 = tpu.memref_slice %arg9[%add3A_270, %dma_wait3A] : memref<26x128xi32, #tpu.memory_space<vmem>> -> memref<1x128xi32, #tpu.memory_space<vmem>>
        %dma_wait3A_272 = tpu.memref_squeeze %dma_wait3A_271 : memref<1x128xi32, #tpu.memory_space<vmem>> -> memref<128xi32, #tpu.memory_space<vmem>>
        %dma_wait3A_273 = arith.constant 0 : i32
        %dma_wait3A_274 = arith.constant 0 : i32
        %dma_wait3A_275 = tpu.memref_slice %arg2[%dma_wait3A_273, %dma_wait3A_274] : memref<325312x128xf32, #tpu.memory_space<hbm>> -> memref<325312x128xf32, #tpu.memory_space<hbm>>
        tpu.wait_indirect_dma semaphore(%arg17 : memref<!tpu.dma_semaphore, #tpu.memory_space<semaphore_mem>>) src(%dma_wait3A_275 : memref<325312x128xf32, #tpu.memory_space<hbm>>) dst(%arg11 : memref<128x128xf32, #tpu.memory_space<vmem>>)
        %scan3A_276 = arith.constant 0 : i32
        %scan3A_277 = arith.constant 0 : i32
        %scan3A_278 = arith.constant 8 : i32
        %scan3A_279 = arith.addi %scan3A_277, %scan3A_278 : i32
        %scan3A_280 = arith.constant 1 : i32
        %scan3A_281 = scf.for %scan3A_312 = %scan3A_277 to %scan3A_279 step %scan3A_280 iter_args(%scan3A_313 = %scan3A_276) -> (i32)  : i32 {
          %mul3A_314 = arith.constant 16 : i32
          %mul3A_315 = arith.muli %scan3A_312, %mul3A_314 : i32
          %add3A_316 = vector.broadcast %mul3A_315 : i32 to vector<16xi32>
          %add3A_317 = arith.addi %add3A_316, %iota3A : vector<16xi32>
          %mul3A_318 = arith.constant 16 : i32
          %mul3A_319 = arith.muli %scan3A_312, %mul3A_318 : i32
          %get3A_320 = arith.index_cast %add3A_270 : i32 to index
          %get3A_321 = arith.index_cast %mul3A_319 : i32 to index
          %get3A_322 = tpu.vector_load %arg10[%get3A_320, %get3A_321] {strides = array<i32>} : memref<26x128xi32, #tpu.memory_space<vmem>>, vector<16xi32>,
          %add3A_323 = arith.addi %get3A_322, %and3A_5 : vector<16xi32>
          %gather3A_324 = tpu.vector_load_idx %arg11[%add3A_317, %add3A_323] : memref<128x128xf32, #tpu.memory_space<vmem>>[vector<16xi32>, vector<16xi32>], vector<16xf32>,
          %mul3A_325 = arith.constant 16 : i32
          %mul3A_326 = arith.muli %scan3A_312, %mul3A_325 : i32
          %swap3A = arith.constant 0 : i32
          %swap3A_327 = arith.index_cast %swap3A : i32 to index
          %swap3A_328 = arith.index_cast %mul3A_326 : i32 to index
          %swap3A_329 = tpu.vector_load %arg13[%swap3A_327, %swap3A_328] {strides = array<i32>} : memref<16x128xf32, #tpu.memory_space<vmem>>, vector<16xf32>,
          tpu.vector_store %arg13[%swap3A_327, %swap3A_328], %gather3A_324 {add = true, strides = array<i32>} : memref<16x128xf32, #tpu.memory_space<vmem>>, vector<16xf32>,
          %mul3A_330 = arith.constant 16 : i32
          %mul3A_331 = arith.muli %scan3A_312, %mul3A_330 : i32
          %mul3A_332 = arith.mulf %gather3A_324, %gather3A_324 : vector<16xf32>
          %swap3A_333 = arith.constant 0 : i32
          %swap3A_334 = arith.index_cast %swap3A_333 : i32 to index
          %swap3A_335 = arith.index_cast %mul3A_331 : i32 to index
          %swap3A_336 = tpu.vector_load %arg14[%swap3A_334, %swap3A_335] {strides = array<i32>} : memref<16x128xf32, #tpu.memory_space<vmem>>, vector<16xf32>,
          tpu.vector_store %arg14[%swap3A_334, %swap3A_335], %mul3A_332 {add = true, strides = array<i32>} : memref<16x128xf32, #tpu.memory_space<vmem>>, vector<16xf32>,
          %add3A_337 = arith.addi %get3A_322, %and3A_11 : vector<16xi32>
          %gather3A_338 = tpu.vector_load_idx %arg11[%add3A_317, %add3A_337] : memref<128x128xf32, #tpu.memory_space<vmem>>[vector<16xi32>, vector<16xi32>], vector<16xf32>,
          %mul3A_339 = arith.constant 16 : i32
          %mul3A_340 = arith.muli %scan3A_312, %mul3A_339 : i32
          %swap3A_341 = arith.constant 1 : i32
          %swap3A_342 = arith.index_cast %swap3A_341 : i32 to index
          %swap3A_343 = arith.index_cast %mul3A_340 : i32 to index
          %swap3A_344 = tpu.vector_load %arg13[%swap3A_342, %swap3A_343] {strides = array<i32>} : memref<16x128xf32, #tpu.memory_space<vmem>>, vector<16xf32>,
          tpu.vector_store %arg13[%swap3A_342, %swap3A_343], %gather3A_338 {add = true, strides = array<i32>} : memref<16x128xf32, #tpu.memory_space<vmem>>, vector<16xf32>,
          %mul3A_345 = arith.constant 16 : i32
          %mul3A_346 = arith.muli %scan3A_312, %mul3A_345 : i32
          %mul3A_347 = arith.mulf %gather3A_338, %gather3A_338 : vector<16xf32>
          %swap3A_348 = arith.constant 1 : i32
          %swap3A_349 = arith.index_cast %swap3A_348 : i32 to index
          %swap3A_350 = arith.index_cast %mul3A_346 : i32 to index
          %swap3A_351 = tpu.vector_load %arg14[%swap3A_349, %swap3A_350] {strides = array<i32>} : memref<16x128xf32, #tpu.memory_space<vmem>>, vector<16xf32>,
          tpu.vector_store %arg14[%swap3A_349, %swap3A_350], %mul3A_347 {add = true, strides = array<i32>} : memref<16x128xf32, #tpu.memory_space<vmem>>, vector<16xf32>,
          %add3A_352 = arith.addi %get3A_322, %and3A_17 : vector<16xi32>
          %gather3A_353 = tpu.vector_load_idx %arg11[%add3A_317, %add3A_352] : memref<128x128xf32, #tpu.memory_space<vmem>>[vector<16xi32>, vector<16xi32>], vector<16xf32>,
          %mul3A_354 = arith.constant 16 : i32
          %mul3A_355 = arith.muli %scan3A_312, %mul3A_354 : i32
          %swap3A_356 = arith.constant 2 : i32
          %swap3A_357 = arith.index_cast %swap3A_356 : i32 to index
          %swap3A_358 = arith.index_cast %mul3A_355 : i32 to index
          %swap3A_359 = tpu.vector_load %arg13[%swap3A_357, %swap3A_358] {strides = array<i32>} : memref<16x128xf32, #tpu.memory_space<vmem>>, vector<16xf32>,
          tpu.vector_store %arg13[%swap3A_357, %swap3A_358], %gather3A_353 {add = true, strides = array<i32>} : memref<16x128xf32, #tpu.memory_space<vmem>>, vector<16xf32>,
          %mul3A_360 = arith.constant 16 : i32
          %mul3A_361 = arith.muli %scan3A_312, %mul3A_360 : i32
          %mul3A_362 = arith.mulf %gather3A_353, %gather3A_353 : vector<16xf32>
          %swap3A_363 = arith.constant 2 : i32
          %swap3A_364 = arith.index_cast %swap3A_363 : i32 to index
          %swap3A_365 = arith.index_cast %mul3A_361 : i32 to index
          %swap3A_366 = tpu.vector_load %arg14[%swap3A_364, %swap3A_365] {strides = array<i32>} : memref<16x128xf32, #tpu.memory_space<vmem>>, vector<16xf32>,
          tpu.vector_store %arg14[%swap3A_364, %swap3A_365], %mul3A_362 {add = true, strides = array<i32>} : memref<16x128xf32, #tpu.memory_space<vmem>>, vector<16xf32>,
          %add3A_367 = arith.addi %get3A_322, %and3A_23 : vector<16xi32>
          %gather3A_368 = tpu.vector_load_idx %arg11[%add3A_317, %add3A_367] : memref<128x128xf32, #tpu.memory_space<vmem>>[vector<16xi32>, vector<16xi32>], vector<16xf32>,
          %mul3A_369 = arith.constant 16 : i32
          %mul3A_370 = arith.muli %scan3A_312, %mul3A_369 : i32
          %swap3A_371 = arith.constant 3 : i32
          %swap3A_372 = arith.index_cast %swap3A_371 : i32 to index
          %swap3A_373 = arith.index_cast %mul3A_370 : i32 to index
          %swap3A_374 = tpu.vector_load %arg13[%swap3A_372, %swap3A_373] {strides = array<i32>} : memref<16x128xf32, #tpu.memory_space<vmem>>, vector<16xf32>,
          tpu.vector_store %arg13[%swap3A_372, %swap3A_373], %gather3A_368 {add = true, strides = array<i32>} : memref<16x128xf32, #tpu.memory_space<vmem>>, vector<16xf32>,
          %mul3A_375 = arith.constant 16 : i32
          %mul3A_376 = arith.muli %scan3A_312, %mul3A_375 : i32
          %mul3A_377 = arith.mulf %gather3A_368, %gather3A_368 : vector<16xf32>
          %swap3A_378 = arith.constant 3 : i32
          %swap3A_379 = arith.index_cast %swap3A_378 : i32 to index
          %swap3A_380 = arith.index_cast %mul3A_376 : i32 to index
          %swap3A_381 = tpu.vector_load %arg14[%swap3A_379, %swap3A_380] {strides = array<i32>} : memref<16x128xf32, #tpu.memory_space<vmem>>, vector<16xf32>,
          tpu.vector_store %arg14[%swap3A_379, %swap3A_380], %mul3A_377 {add = true, strides = array<i32>} : memref<16x128xf32, #tpu.memory_space<vmem>>, vector<16xf32>,
          %add3A_382 = arith.addi %get3A_322, %and3A_29 : vector<16xi32>
          %gather3A_383 = tpu.vector_load_idx %arg11[%add3A_317, %add3A_382] : memref<128x128xf32, #tpu.memory_space<vmem>>[vector<16xi32>, vector<16xi32>], vector<16xf32>,
          %mul3A_384 = arith.constant 16 : i32
          %mul3A_385 = arith.muli %scan3A_312, %mul3A_384 : i32
          %swap3A_386 = arith.constant 4 : i32
          %swap3A_387 = arith.index_cast %swap3A_386 : i32 to index
          %swap3A_388 = arith.index_cast %mul3A_385 : i32 to index
          %swap3A_389 = tpu.vector_load %arg13[%swap3A_387, %swap3A_388] {strides = array<i32>} : memref<16x128xf32, #tpu.memory_space<vmem>>, vector<16xf32>,
          tpu.vector_store %arg13[%swap3A_387, %swap3A_388], %gather3A_383 {add = true, strides = array<i32>} : memref<16x128xf32, #tpu.memory_space<vmem>>, vector<16xf32>,
          %mul3A_390 = arith.constant 16 : i32
          %mul3A_391 = arith.muli %scan3A_312, %mul3A_390 : i32
          %mul3A_392 = arith.mulf %gather3A_383, %gather3A_383 : vector<16xf32>
          %swap3A_393 = arith.constant 4 : i32
          %swap3A_394 = arith.index_cast %swap3A_393 : i32 to index
          %swap3A_395 = arith.index_cast %mul3A_391 : i32 to index
          %swap3A_396 = tpu.vector_load %arg14[%swap3A_394, %swap3A_395] {strides = array<i32>} : memref<16x128xf32, #tpu.memory_space<vmem>>, vector<16xf32>,
          tpu.vector_store %arg14[%swap3A_394, %swap3A_395], %mul3A_392 {add = true, strides = array<i32>} : memref<16x128xf32, #tpu.memory_space<vmem>>, vector<16xf32>,
          %add3A_397 = arith.addi %get3A_322, %and3A_35 : vector<16xi32>
          %gather3A_398 = tpu.vector_load_idx %arg11[%add3A_317, %add3A_397] : memref<128x128xf32, #tpu.memory_space<vmem>>[vector<16xi32>, vector<16xi32>], vector<16xf32>,
          %mul3A_399 = arith.constant 16 : i32
          %mul3A_400 = arith.muli %scan3A_312, %mul3A_399 : i32
          %swap3A_401 = arith.constant 5 : i32
          %swap3A_402 = arith.index_cast %swap3A_401 : i32 to index
          %swap3A_403 = arith.index_cast %mul3A_400 : i32 to index
          %swap3A_404 = tpu.vector_load %arg13[%swap3A_402, %swap3A_403] {strides = array<i32>} : memref<16x128xf32, #tpu.memory_space<vmem>>, vector<16xf32>,
          tpu.vector_store %arg13[%swap3A_402, %swap3A_403], %gather3A_398 {add = true, strides = array<i32>} : memref<16x128xf32, #tpu.memory_space<vmem>>, vector<16xf32>,
          %mul3A_405 = arith.constant 16 : i32
          %mul3A_406 = arith.muli %scan3A_312, %mul3A_405 : i32
          %mul3A_407 = arith.mulf %gather3A_398, %gather3A_398 : vector<16xf32>
          %swap3A_408 = arith.constant 5 : i32
          %swap3A_409 = arith.index_cast %swap3A_408 : i32 to index
          %swap3A_410 = arith.index_cast %mul3A_406 : i32 to index
          %swap3A_411 = tpu.vector_load %arg14[%swap3A_409, %swap3A_410] {strides = array<i32>} : memref<16x128xf32, #tpu.memory_space<vmem>>, vector<16xf32>,
          tpu.vector_store %arg14[%swap3A_409, %swap3A_410], %mul3A_407 {add = true, strides = array<i32>} : memref<16x128xf32, #tpu.memory_space<vmem>>, vector<16xf32>,
          %add3A_412 = arith.addi %get3A_322, %and3A_41 : vector<16xi32>
          %gather3A_413 = tpu.vector_load_idx %arg11[%add3A_317, %add3A_412] : memref<128x128xf32, #tpu.memory_space<vmem>>[vector<16xi32>, vector<16xi32>], vector<16xf32>,
          %mul3A_414 = arith.constant 16 : i32
          %mul3A_415 = arith.muli %scan3A_312, %mul3A_414 : i32
          %swap3A_416 = arith.constant 6 : i32
          %swap3A_417 = arith.index_cast %swap3A_416 : i32 to index
          %swap3A_418 = arith.index_cast %mul3A_415 : i32 to index
          %swap3A_419 = tpu.vector_load %arg13[%swap3A_417, %swap3A_418] {strides = array<i32>} : memref<16x128xf32, #tpu.memory_space<vmem>>, vector<16xf32>,
          tpu.vector_store %arg13[%swap3A_417, %swap3A_418], %gather3A_413 {add = true, strides = array<i32>} : memref<16x128xf32, #tpu.memory_space<vmem>>, vector<16xf32>,
          %mul3A_420 = arith.constant 16 : i32
          %mul3A_421 = arith.muli %scan3A_312, %mul3A_420 : i32
          %mul3A_422 = arith.mulf %gather3A_413, %gather3A_413 : vector<16xf32>
          %swap3A_423 = arith.constant 6 : i32
          %swap3A_424 = arith.index_cast %swap3A_423 : i32 to index
          %swap3A_425 = arith.index_cast %mul3A_421 : i32 to index
          %swap3A_426 = tpu.vector_load %arg14[%swap3A_424, %swap3A_425] {strides = array<i32>} : memref<16x128xf32, #tpu.memory_space<vmem>>, vector<16xf32>,
          tpu.vector_store %arg14[%swap3A_424, %swap3A_425], %mul3A_422 {add = true, strides = array<i32>} : memref<16x128xf32, #tpu.memory_space<vmem>>, vector<16xf32>,
          %add3A_427 = arith.addi %get3A_322, %and3A_47 : vector<16xi32>
          %gather3A_428 = tpu.vector_load_idx %arg11[%add3A_317, %add3A_427] : memref<128x128xf32, #tpu.memory_space<vmem>>[vector<16xi32>, vector<16xi32>], vector<16xf32>,
          %mul3A_429 = arith.constant 16 : i32
          %mul3A_430 = arith.muli %scan3A_312, %mul3A_429 : i32
          %swap3A_431 = arith.constant 7 : i32
          %swap3A_432 = arith.index_cast %swap3A_431 : i32 to index
          %swap3A_433 = arith.index_cast %mul3A_430 : i32 to index
          %swap3A_434 = tpu.vector_load %arg13[%swap3A_432, %swap3A_433] {strides = array<i32>} : memref<16x128xf32, #tpu.memory_space<vmem>>, vector<16xf32>,
          tpu.vector_store %arg13[%swap3A_432, %swap3A_433], %gather3A_428 {add = true, strides = array<i32>} : memref<16x128xf32, #tpu.memory_space<vmem>>, vector<16xf32>,
          %mul3A_435 = arith.constant 16 : i32
          %mul3A_436 = arith.muli %scan3A_312, %mul3A_435 : i32
          %mul3A_437 = arith.mulf %gather3A_428, %gather3A_428 : vector<16xf32>
          %swap3A_438 = arith.constant 7 : i32
          %swap3A_439 = arith.index_cast %swap3A_438 : i32 to index
          %swap3A_440 = arith.index_cast %mul3A_436 : i32 to index
          %swap3A_441 = tpu.vector_load %arg14[%swap3A_439, %swap3A_440] {strides = array<i32>} : memref<16x128xf32, #tpu.memory_space<vmem>>, vector<16xf32>,
          tpu.vector_store %arg14[%swap3A_439, %swap3A_440], %mul3A_437 {add = true, strides = array<i32>} : memref<16x128xf32, #tpu.memory_space<vmem>>, vector<16xf32>,
          %add3A_442 = arith.addi %get3A_322, %and3A_53 : vector<16xi32>
          %gather3A_443 = tpu.vector_load_idx %arg11[%add3A_317, %add3A_442] : memref<128x128xf32, #tpu.memory_space<vmem>>[vector<16xi32>, vector<16xi32>], vector<16xf32>,
          %mul3A_444 = arith.constant 16 : i32
          %mul3A_445 = arith.muli %scan3A_312, %mul3A_444 : i32
          %swap3A_446 = arith.constant 8 : i32
          %swap3A_447 = arith.index_cast %swap3A_446 : i32 to index
          %swap3A_448 = arith.index_cast %mul3A_445 : i32 to index
          %swap3A_449 = tpu.vector_load %arg13[%swap3A_447, %swap3A_448] {strides = array<i32>} : memref<16x128xf32, #tpu.memory_space<vmem>>, vector<16xf32>,
          tpu.vector_store %arg13[%swap3A_447, %swap3A_448], %gather3A_443 {add = true, strides = array<i32>} : memref<16x128xf32, #tpu.memory_space<vmem>>, vector<16xf32>,
          %mul3A_450 = arith.constant 16 : i32
          %mul3A_451 = arith.muli %scan3A_312, %mul3A_450 : i32
          %mul3A_452 = arith.mulf %gather3A_443, %gather3A_443 : vector<16xf32>
          %swap3A_453 = arith.constant 8 : i32
          %swap3A_454 = arith.index_cast %swap3A_453 : i32 to index
          %swap3A_455 = arith.index_cast %mul3A_451 : i32 to index
          %swap3A_456 = tpu.vector_load %arg14[%swap3A_454, %swap3A_455] {strides = array<i32>} : memref<16x128xf32, #tpu.memory_space<vmem>>, vector<16xf32>,
          tpu.vector_store %arg14[%swap3A_454, %swap3A_455], %mul3A_452 {add = true, strides = array<i32>} : memref<16x128xf32, #tpu.memory_space<vmem>>, vector<16xf32>,
          %add3A_457 = arith.addi %get3A_322, %and3A_59 : vector<16xi32>
          %gather3A_458 = tpu.vector_load_idx %arg11[%add3A_317, %add3A_457] : memref<128x128xf32, #tpu.memory_space<vmem>>[vector<16xi32>, vector<16xi32>], vector<16xf32>,
          %mul3A_459 = arith.constant 16 : i32
          %mul3A_460 = arith.muli %scan3A_312, %mul3A_459 : i32
          %swap3A_461 = arith.constant 9 : i32
          %swap3A_462 = arith.index_cast %swap3A_461 : i32 to index
          %swap3A_463 = arith.index_cast %mul3A_460 : i32 to index
          %swap3A_464 = tpu.vector_load %arg13[%swap3A_462, %swap3A_463] {strides = array<i32>} : memref<16x128xf32, #tpu.memory_space<vmem>>, vector<16xf32>,
          tpu.vector_store %arg13[%swap3A_462, %swap3A_463], %gather3A_458 {add = true, strides = array<i32>} : memref<16x128xf32, #tpu.memory_space<vmem>>, vector<16xf32>,
          %mul3A_465 = arith.constant 16 : i32
          %mul3A_466 = arith.muli %scan3A_312, %mul3A_465 : i32
          %mul3A_467 = arith.mulf %gather3A_458, %gather3A_458 : vector<16xf32>
          %swap3A_468 = arith.constant 9 : i32
          %swap3A_469 = arith.index_cast %swap3A_468 : i32 to index
          %swap3A_470 = arith.index_cast %mul3A_466 : i32 to index
          %swap3A_471 = tpu.vector_load %arg14[%swap3A_469, %swap3A_470] {strides = array<i32>} : memref<16x128xf32, #tpu.memory_space<vmem>>, vector<16xf32>,
          tpu.vector_store %arg14[%swap3A_469, %swap3A_470], %mul3A_467 {add = true, strides = array<i32>} : memref<16x128xf32, #tpu.memory_space<vmem>>, vector<16xf32>,
          %add3A_472 = arith.addi %get3A_322, %and3A_65 : vector<16xi32>
          %gather3A_473 = tpu.vector_load_idx %arg11[%add3A_317, %add3A_472] : memref<128x128xf32, #tpu.memory_space<vmem>>[vector<16xi32>, vector<16xi32>], vector<16xf32>,
          %mul3A_474 = arith.constant 16 : i32
          %mul3A_475 = arith.muli %scan3A_312, %mul3A_474 : i32
          %swap3A_476 = arith.constant 10 : i32
          %swap3A_477 = arith.index_cast %swap3A_476 : i32 to index
          %swap3A_478 = arith.index_cast %mul3A_475 : i32 to index
          %swap3A_479 = tpu.vector_load %arg13[%swap3A_477, %swap3A_478] {strides = array<i32>} : memref<16x128xf32, #tpu.memory_space<vmem>>, vector<16xf32>,
          tpu.vector_store %arg13[%swap3A_477, %swap3A_478], %gather3A_473 {add = true, strides = array<i32>} : memref<16x128xf32, #tpu.memory_space<vmem>>, vector<16xf32>,
          %mul3A_480 = arith.constant 16 : i32
          %mul3A_481 = arith.muli %scan3A_312, %mul3A_480 : i32
          %mul3A_482 = arith.mulf %gather3A_473, %gather3A_473 : vector<16xf32>
          %swap3A_483 = arith.constant 10 : i32
          %swap3A_484 = arith.index_cast %swap3A_483 : i32 to index
          %swap3A_485 = arith.index_cast %mul3A_481 : i32 to index
          %swap3A_486 = tpu.vector_load %arg14[%swap3A_484, %swap3A_485] {strides = array<i32>} : memref<16x128xf32, #tpu.memory_space<vmem>>, vector<16xf32>,
          tpu.vector_store %arg14[%swap3A_484, %swap3A_485], %mul3A_482 {add = true, strides = array<i32>} : memref<16x128xf32, #tpu.memory_space<vmem>>, vector<16xf32>,
          %add3A_487 = arith.addi %get3A_322, %and3A_71 : vector<16xi32>
          %gather3A_488 = tpu.vector_load_idx %arg11[%add3A_317, %add3A_487] : memref<128x128xf32, #tpu.memory_space<vmem>>[vector<16xi32>, vector<16xi32>], vector<16xf32>,
          %mul3A_489 = arith.constant 16 : i32
          %mul3A_490 = arith.muli %scan3A_312, %mul3A_489 : i32
          %swap3A_491 = arith.constant 11 : i32
          %swap3A_492 = arith.index_cast %swap3A_491 : i32 to index
          %swap3A_493 = arith.index_cast %mul3A_490 : i32 to index
          %swap3A_494 = tpu.vector_load %arg13[%swap3A_492, %swap3A_493] {strides = array<i32>} : memref<16x128xf32, #tpu.memory_space<vmem>>, vector<16xf32>,
          tpu.vector_store %arg13[%swap3A_492, %swap3A_493], %gather3A_488 {add = true, strides = array<i32>} : memref<16x128xf32, #tpu.memory_space<vmem>>, vector<16xf32>,
          %mul3A_495 = arith.constant 16 : i32
          %mul3A_496 = arith.muli %scan3A_312, %mul3A_495 : i32
          %mul3A_497 = arith.mulf %gather3A_488, %gather3A_488 : vector<16xf32>
          %swap3A_498 = arith.constant 11 : i32
          %swap3A_499 = arith.index_cast %swap3A_498 : i32 to index
          %swap3A_500 = arith.index_cast %mul3A_496 : i32 to index
          %swap3A_501 = tpu.vector_load %arg14[%swap3A_499, %swap3A_500] {strides = array<i32>} : memref<16x128xf32, #tpu.memory_space<vmem>>, vector<16xf32>,
          tpu.vector_store %arg14[%swap3A_499, %swap3A_500], %mul3A_497 {add = true, strides = array<i32>} : memref<16x128xf32, #tpu.memory_space<vmem>>, vector<16xf32>,
          %add3A_502 = arith.addi %get3A_322, %and3A_77 : vector<16xi32>
          %gather3A_503 = tpu.vector_load_idx %arg11[%add3A_317, %add3A_502] : memref<128x128xf32, #tpu.memory_space<vmem>>[vector<16xi32>, vector<16xi32>], vector<16xf32>,
          %mul3A_504 = arith.constant 16 : i32
          %mul3A_505 = arith.muli %scan3A_312, %mul3A_504 : i32
          %swap3A_506 = arith.constant 12 : i32
          %swap3A_507 = arith.index_cast %swap3A_506 : i32 to index
          %swap3A_508 = arith.index_cast %mul3A_505 : i32 to index
          %swap3A_509 = tpu.vector_load %arg13[%swap3A_507, %swap3A_508] {strides = array<i32>} : memref<16x128xf32, #tpu.memory_space<vmem>>, vector<16xf32>,
          tpu.vector_store %arg13[%swap3A_507, %swap3A_508], %gather3A_503 {add = true, strides = array<i32>} : memref<16x128xf32, #tpu.memory_space<vmem>>, vector<16xf32>,
          %mul3A_510 = arith.constant 16 : i32
          %mul3A_511 = arith.muli %scan3A_312, %mul3A_510 : i32
          %mul3A_512 = arith.mulf %gather3A_503, %gather3A_503 : vector<16xf32>
          %swap3A_513 = arith.constant 12 : i32
          %swap3A_514 = arith.index_cast %swap3A_513 : i32 to index
          %swap3A_515 = arith.index_cast %mul3A_511 : i32 to index
          %swap3A_516 = tpu.vector_load %arg14[%swap3A_514, %swap3A_515] {strides = array<i32>} : memref<16x128xf32, #tpu.memory_space<vmem>>, vector<16xf32>,
          tpu.vector_store %arg14[%swap3A_514, %swap3A_515], %mul3A_512 {add = true, strides = array<i32>} : memref<16x128xf32, #tpu.memory_space<vmem>>, vector<16xf32>,
          %add3A_517 = arith.addi %get3A_322, %and3A_83 : vector<16xi32>
          %gather3A_518 = tpu.vector_load_idx %arg11[%add3A_317, %add3A_517] : memref<128x128xf32, #tpu.memory_space<vmem>>[vector<16xi32>, vector<16xi32>], vector<16xf32>,
          %mul3A_519 = arith.constant 16 : i32
          %mul3A_520 = arith.muli %scan3A_312, %mul3A_519 : i32
          %swap3A_521 = arith.constant 13 : i32
          %swap3A_522 = arith.index_cast %swap3A_521 : i32 to index
          %swap3A_523 = arith.index_cast %mul3A_520 : i32 to index
          %swap3A_524 = tpu.vector_load %arg13[%swap3A_522, %swap3A_523] {strides = array<i32>} : memref<16x128xf32, #tpu.memory_space<vmem>>, vector<16xf32>,
          tpu.vector_store %arg13[%swap3A_522, %swap3A_523], %gather3A_518 {add = true, strides = array<i32>} : memref<16x128xf32, #tpu.memory_space<vmem>>, vector<16xf32>,
          %mul3A_525 = arith.constant 16 : i32
          %mul3A_526 = arith.muli %scan3A_312, %mul3A_525 : i32
          %mul3A_527 = arith.mulf %gather3A_518, %gather3A_518 : vector<16xf32>
          %swap3A_528 = arith.constant 13 : i32
          %swap3A_529 = arith.index_cast %swap3A_528 : i32 to index
          %swap3A_530 = arith.index_cast %mul3A_526 : i32 to index
          %swap3A_531 = tpu.vector_load %arg14[%swap3A_529, %swap3A_530] {strides = array<i32>} : memref<16x128xf32, #tpu.memory_space<vmem>>, vector<16xf32>,
          tpu.vector_store %arg14[%swap3A_529, %swap3A_530], %mul3A_527 {add = true, strides = array<i32>} : memref<16x128xf32, #tpu.memory_space<vmem>>, vector<16xf32>,
          %add3A_532 = arith.addi %get3A_322, %and3A_89 : vector<16xi32>
          %gather3A_533 = tpu.vector_load_idx %arg11[%add3A_317, %add3A_532] : memref<128x128xf32, #tpu.memory_space<vmem>>[vector<16xi32>, vector<16xi32>], vector<16xf32>,
          %mul3A_534 = arith.constant 16 : i32
          %mul3A_535 = arith.muli %scan3A_312, %mul3A_534 : i32
          %swap3A_536 = arith.constant 14 : i32
          %swap3A_537 = arith.index_cast %swap3A_536 : i32 to index
          %swap3A_538 = arith.index_cast %mul3A_535 : i32 to index
          %swap3A_539 = tpu.vector_load %arg13[%swap3A_537, %swap3A_538] {strides = array<i32>} : memref<16x128xf32, #tpu.memory_space<vmem>>, vector<16xf32>,
          tpu.vector_store %arg13[%swap3A_537, %swap3A_538], %gather3A_533 {add = true, strides = array<i32>} : memref<16x128xf32, #tpu.memory_space<vmem>>, vector<16xf32>,
          %mul3A_540 = arith.constant 16 : i32
          %mul3A_541 = arith.muli %scan3A_312, %mul3A_540 : i32
          %mul3A_542 = arith.mulf %gather3A_533, %gather3A_533 : vector<16xf32>
          %swap3A_543 = arith.constant 14 : i32
          %swap3A_544 = arith.index_cast %swap3A_543 : i32 to index
          %swap3A_545 = arith.index_cast %mul3A_541 : i32 to index
          %swap3A_546 = tpu.vector_load %arg14[%swap3A_544, %swap3A_545] {strides = array<i32>} : memref<16x128xf32, #tpu.memory_space<vmem>>, vector<16xf32>,
          tpu.vector_store %arg14[%swap3A_544, %swap3A_545], %mul3A_542 {add = true, strides = array<i32>} : memref<16x128xf32, #tpu.memory_space<vmem>>, vector<16xf32>,
          %add3A_547 = arith.addi %get3A_322, %and3A_95 : vector<16xi32>
          %gather3A_548 = tpu.vector_load_idx %arg11[%add3A_317, %add3A_547] : memref<128x128xf32, #tpu.memory_space<vmem>>[vector<16xi32>, vector<16xi32>], vector<16xf32>,
          %mul3A_549 = arith.constant 16 : i32
          %mul3A_550 = arith.muli %scan3A_312, %mul3A_549 : i32
          %swap3A_551 = arith.constant 15 : i32
          %swap3A_552 = arith.index_cast %swap3A_551 : i32 to index
          %swap3A_553 = arith.index_cast %mul3A_550 : i32 to index
          %swap3A_554 = tpu.vector_load %arg13[%swap3A_552, %swap3A_553] {strides = array<i32>} : memref<16x128xf32, #tpu.memory_space<vmem>>, vector<16xf32>,
          tpu.vector_store %arg13[%swap3A_552, %swap3A_553], %gather3A_548 {add = true, strides = array<i32>} : memref<16x128xf32, #tpu.memory_space<vmem>>, vector<16xf32>,
          %mul3A_555 = arith.constant 16 : i32
          %mul3A_556 = arith.muli %scan3A_312, %mul3A_555 : i32
          %mul3A_557 = arith.mulf %gather3A_548, %gather3A_548 : vector<16xf32>
          %swap3A_558 = arith.constant 15 : i32
          %swap3A_559 = arith.index_cast %swap3A_558 : i32 to index
          %swap3A_560 = arith.index_cast %mul3A_556 : i32 to index
          %swap3A_561 = tpu.vector_load %arg14[%swap3A_559, %swap3A_560] {strides = array<i32>} : memref<16x128xf32, #tpu.memory_space<vmem>>, vector<16xf32>,
          tpu.vector_store %arg14[%swap3A_559, %swap3A_560], %mul3A_557 {add = true, strides = array<i32>} : memref<16x128xf32, #tpu.memory_space<vmem>>, vector<16xf32>,
          %scan3A_562 = arith.constant 0 : i32
          scf.yield %scan3A_562 : i32
        }
        %scan3A_282 = arith.constant 8 : i32
        %add3A_283 = arith.constant 2 : i32
        %add3A_284 = arith.addi %add3A_270, %add3A_283 : i32
        %lt3A = arith.constant 26 : i32
        %lt3A_285 = arith.cmpi slt, %add3A_284, %lt3A : i32
        %convert_element_type3A = arith.extui %lt3A_285 : i1 to i32
        %cond3A = arith.constant 0 : i32
        %cond3A_286 = arith.cmpi ne, %convert_element_type3A, %cond3A : i32
        scf.if %cond3A_286 {
          %add3A_312 = arith.constant 2 : i32
          %add3A_313 = arith.addi %add3A_270, %add3A_312 : i32
          %dma_start3A_314 = arith.constant 0 : i32
          %dma_start3A_315 = tpu.memref_slice %arg9[%add3A_313, %dma_start3A_314] : memref<26x128xi32, #tpu.memory_space<vmem>> -> memref<1x128xi32, #tpu.memory_space<vmem>>
          %dma_start3A_316 = tpu.memref_squeeze %dma_start3A_315 : memref<1x128xi32, #tpu.memory_space<vmem>> -> memref<128xi32, #tpu.memory_space<vmem>>
          %dma_start3A_317 = arith.constant 0 : i32
          %dma_start3A_318 = arith.constant 0 : i32
          %dma_start3A_319 = tpu.memref_slice %arg2[%dma_start3A_317, %dma_start3A_318] : memref<325312x128xf32, #tpu.memory_space<hbm>> -> memref<325312x128xf32, #tpu.memory_space<hbm>>
          tpu.enqueue_indirect_dma source(%dma_start3A_319 : memref<325312x128xf32, #tpu.memory_space<hbm>>) target(%arg11 : memref<128x128xf32, #tpu.memory_space<vmem>>) offsets(%dma_start3A_316 : memref<128xi32, #tpu.memory_space<vmem>>) semaphore(%arg17 : memref<!tpu.dma_semaphore, #tpu.memory_space<semaphore_mem>>)
        } else {
        }
        %mul3A_287 = arith.constant 2 : i32
        %mul3A_288 = arith.muli %scan3A_265, %mul3A_287 : i32
        %add3A_289 = arith.constant 1 : i32
        %add3A_290 = arith.addi %mul3A_288, %add3A_289 : i32
        %dma_wait3A_291 = arith.constant 0 : i32
        %dma_wait3A_292 = tpu.memref_slice %arg9[%add3A_290, %dma_wait3A_291] : memref<26x128xi32, #tpu.memory_space<vmem>> -> memref<1x128xi32, #tpu.memory_space<vmem>>
        %dma_wait3A_293 = tpu.memref_squeeze %dma_wait3A_292 : memref<1x128xi32, #tpu.memory_space<vmem>> -> memref<128xi32, #tpu.memory_space<vmem>>
        %dma_wait3A_294 = arith.constant 0 : i32
        %dma_wait3A_295 = arith.constant 0 : i32
        %dma_wait3A_296 = tpu.memref_slice %arg2[%dma_wait3A_294, %dma_wait3A_295] : memref<325312x128xf32, #tpu.memory_space<hbm>> -> memref<325312x128xf32, #tpu.memory_space<hbm>>
        tpu.wait_indirect_dma semaphore(%arg18 : memref<!tpu.dma_semaphore, #tpu.memory_space<semaphore_mem>>) src(%dma_wait3A_296 : memref<325312x128xf32, #tpu.memory_space<hbm>>) dst(%arg12 : memref<128x128xf32, #tpu.memory_space<vmem>>)
        %scan3A_297 = arith.constant 0 : i32
        %scan3A_298 = arith.constant 0 : i32
        %scan3A_299 = arith.constant 8 : i32
        %scan3A_300 = arith.addi %scan3A_298, %scan3A_299 : i32
        %scan3A_301 = arith.constant 1 : i32
        %scan3A_302 = scf.for %scan3A_312 = %scan3A_298 to %scan3A_300 step %scan3A_301 iter_args(%scan3A_313 = %scan3A_297) -> (i32)  : i32 {
          %mul3A_314 = arith.constant 16 : i32
          %mul3A_315 = arith.muli %scan3A_312, %mul3A_314 : i32
          %add3A_316 = vector.broadcast %mul3A_315 : i32 to vector<16xi32>
          %add3A_317 = arith.addi %add3A_316, %iota3A : vector<16xi32>
          %mul3A_318 = arith.constant 16 : i32
          %mul3A_319 = arith.muli %scan3A_312, %mul3A_318 : i32
          %get3A_320 = arith.index_cast %add3A_290 : i32 to index
          %get3A_321 = arith.index_cast %mul3A_319 : i32 to index
          %get3A_322 = tpu.vector_load %arg10[%get3A_320, %get3A_321] {strides = array<i32>} : memref<26x128xi32, #tpu.memory_space<vmem>>, vector<16xi32>,
          %add3A_323 = arith.addi %get3A_322, %and3A_5 : vector<16xi32>
          %gather3A_324 = tpu.vector_load_idx %arg12[%add3A_317, %add3A_323] : memref<128x128xf32, #tpu.memory_space<vmem>>[vector<16xi32>, vector<16xi32>], vector<16xf32>,
          %mul3A_325 = arith.constant 16 : i32
          %mul3A_326 = arith.muli %scan3A_312, %mul3A_325 : i32
          %swap3A = arith.constant 0 : i32
          %swap3A_327 = arith.index_cast %swap3A : i32 to index
          %swap3A_328 = arith.index_cast %mul3A_326 : i32 to index
          %swap3A_329 = tpu.vector_load %arg13[%swap3A_327, %swap3A_328] {strides = array<i32>} : memref<16x128xf32, #tpu.memory_space<vmem>>, vector<16xf32>,
          tpu.vector_store %arg13[%swap3A_327, %swap3A_328], %gather3A_324 {add = true, strides = array<i32>} : memref<16x128xf32, #tpu.memory_space<vmem>>, vector<16xf32>,
          %mul3A_330 = arith.constant 16 : i32
          %mul3A_331 = arith.muli %scan3A_312, %mul3A_330 : i32
          %mul3A_332 = arith.mulf %gather3A_324, %gather3A_324 : vector<16xf32>
          %swap3A_333 = arith.constant 0 : i32
          %swap3A_334 = arith.index_cast %swap3A_333 : i32 to index
          %swap3A_335 = arith.index_cast %mul3A_331 : i32 to index
          %swap3A_336 = tpu.vector_load %arg14[%swap3A_334, %swap3A_335] {strides = array<i32>} : memref<16x128xf32, #tpu.memory_space<vmem>>, vector<16xf32>,
          tpu.vector_store %arg14[%swap3A_334, %swap3A_335], %mul3A_332 {add = true, strides = array<i32>} : memref<16x128xf32, #tpu.memory_space<vmem>>, vector<16xf32>,
          %add3A_337 = arith.addi %get3A_322, %and3A_11 : vector<16xi32>
          %gather3A_338 = tpu.vector_load_idx %arg12[%add3A_317, %add3A_337] : memref<128x128xf32, #tpu.memory_space<vmem>>[vector<16xi32>, vector<16xi32>], vector<16xf32>,
          %mul3A_339 = arith.constant 16 : i32
          %mul3A_340 = arith.muli %scan3A_312, %mul3A_339 : i32
          %swap3A_341 = arith.constant 1 : i32
          %swap3A_342 = arith.index_cast %swap3A_341 : i32 to index
          %swap3A_343 = arith.index_cast %mul3A_340 : i32 to index
          %swap3A_344 = tpu.vector_load %arg13[%swap3A_342, %swap3A_343] {strides = array<i32>} : memref<16x128xf32, #tpu.memory_space<vmem>>, vector<16xf32>,
          tpu.vector_store %arg13[%swap3A_342, %swap3A_343], %gather3A_338 {add = true, strides = array<i32>} : memref<16x128xf32, #tpu.memory_space<vmem>>, vector<16xf32>,
          %mul3A_345 = arith.constant 16 : i32
          %mul3A_346 = arith.muli %scan3A_312, %mul3A_345 : i32
          %mul3A_347 = arith.mulf %gather3A_338, %gather3A_338 : vector<16xf32>
          %swap3A_348 = arith.constant 1 : i32
          %swap3A_349 = arith.index_cast %swap3A_348 : i32 to index
          %swap3A_350 = arith.index_cast %mul3A_346 : i32 to index
          %swap3A_351 = tpu.vector_load %arg14[%swap3A_349, %swap3A_350] {strides = array<i32>} : memref<16x128xf32, #tpu.memory_space<vmem>>, vector<16xf32>,
          tpu.vector_store %arg14[%swap3A_349, %swap3A_350], %mul3A_347 {add = true, strides = array<i32>} : memref<16x128xf32, #tpu.memory_space<vmem>>, vector<16xf32>,
          %add3A_352 = arith.addi %get3A_322, %and3A_17 : vector<16xi32>
          %gather3A_353 = tpu.vector_load_idx %arg12[%add3A_317, %add3A_352] : memref<128x128xf32, #tpu.memory_space<vmem>>[vector<16xi32>, vector<16xi32>], vector<16xf32>,
          %mul3A_354 = arith.constant 16 : i32
          %mul3A_355 = arith.muli %scan3A_312, %mul3A_354 : i32
          %swap3A_356 = arith.constant 2 : i32
          %swap3A_357 = arith.index_cast %swap3A_356 : i32 to index
          %swap3A_358 = arith.index_cast %mul3A_355 : i32 to index
          %swap3A_359 = tpu.vector_load %arg13[%swap3A_357, %swap3A_358] {strides = array<i32>} : memref<16x128xf32, #tpu.memory_space<vmem>>, vector<16xf32>,
          tpu.vector_store %arg13[%swap3A_357, %swap3A_358], %gather3A_353 {add = true, strides = array<i32>} : memref<16x128xf32, #tpu.memory_space<vmem>>, vector<16xf32>,
          %mul3A_360 = arith.constant 16 : i32
          %mul3A_361 = arith.muli %scan3A_312, %mul3A_360 : i32
          %mul3A_362 = arith.mulf %gather3A_353, %gather3A_353 : vector<16xf32>
          %swap3A_363 = arith.constant 2 : i32
          %swap3A_364 = arith.index_cast %swap3A_363 : i32 to index
          %swap3A_365 = arith.index_cast %mul3A_361 : i32 to index
          %swap3A_366 = tpu.vector_load %arg14[%swap3A_364, %swap3A_365] {strides = array<i32>} : memref<16x128xf32, #tpu.memory_space<vmem>>, vector<16xf32>,
          tpu.vector_store %arg14[%swap3A_364, %swap3A_365], %mul3A_362 {add = true, strides = array<i32>} : memref<16x128xf32, #tpu.memory_space<vmem>>, vector<16xf32>,
          %add3A_367 = arith.addi %get3A_322, %and3A_23 : vector<16xi32>
          %gather3A_368 = tpu.vector_load_idx %arg12[%add3A_317, %add3A_367] : memref<128x128xf32, #tpu.memory_space<vmem>>[vector<16xi32>, vector<16xi32>], vector<16xf32>,
          %mul3A_369 = arith.constant 16 : i32
          %mul3A_370 = arith.muli %scan3A_312, %mul3A_369 : i32
          %swap3A_371 = arith.constant 3 : i32
          %swap3A_372 = arith.index_cast %swap3A_371 : i32 to index
          %swap3A_373 = arith.index_cast %mul3A_370 : i32 to index
          %swap3A_374 = tpu.vector_load %arg13[%swap3A_372, %swap3A_373] {strides = array<i32>} : memref<16x128xf32, #tpu.memory_space<vmem>>, vector<16xf32>,
          tpu.vector_store %arg13[%swap3A_372, %swap3A_373], %gather3A_368 {add = true, strides = array<i32>} : memref<16x128xf32, #tpu.memory_space<vmem>>, vector<16xf32>,
          %mul3A_375 = arith.constant 16 : i32
          %mul3A_376 = arith.muli %scan3A_312, %mul3A_375 : i32
          %mul3A_377 = arith.mulf %gather3A_368, %gather3A_368 : vector<16xf32>
          %swap3A_378 = arith.constant 3 : i32
          %swap3A_379 = arith.index_cast %swap3A_378 : i32 to index
          %swap3A_380 = arith.index_cast %mul3A_376 : i32 to index
          %swap3A_381 = tpu.vector_load %arg14[%swap3A_379, %swap3A_380] {strides = array<i32>} : memref<16x128xf32, #tpu.memory_space<vmem>>, vector<16xf32>,
          tpu.vector_store %arg14[%swap3A_379, %swap3A_380], %mul3A_377 {add = true, strides = array<i32>} : memref<16x128xf32, #tpu.memory_space<vmem>>, vector<16xf32>,
          %add3A_382 = arith.addi %get3A_322, %and3A_29 : vector<16xi32>
          %gather3A_383 = tpu.vector_load_idx %arg12[%add3A_317, %add3A_382] : memref<128x128xf32, #tpu.memory_space<vmem>>[vector<16xi32>, vector<16xi32>], vector<16xf32>,
          %mul3A_384 = arith.constant 16 : i32
          %mul3A_385 = arith.muli %scan3A_312, %mul3A_384 : i32
          %swap3A_386 = arith.constant 4 : i32
          %swap3A_387 = arith.index_cast %swap3A_386 : i32 to index
          %swap3A_388 = arith.index_cast %mul3A_385 : i32 to index
          %swap3A_389 = tpu.vector_load %arg13[%swap3A_387, %swap3A_388] {strides = array<i32>} : memref<16x128xf32, #tpu.memory_space<vmem>>, vector<16xf32>,
          tpu.vector_store %arg13[%swap3A_387, %swap3A_388], %gather3A_383 {add = true, strides = array<i32>} : memref<16x128xf32, #tpu.memory_space<vmem>>, vector<16xf32>,
          %mul3A_390 = arith.constant 16 : i32
          %mul3A_391 = arith.muli %scan3A_312, %mul3A_390 : i32
          %mul3A_392 = arith.mulf %gather3A_383, %gather3A_383 : vector<16xf32>
          %swap3A_393 = arith.constant 4 : i32
          %swap3A_394 = arith.index_cast %swap3A_393 : i32 to index
          %swap3A_395 = arith.index_cast %mul3A_391 : i32 to index
          %swap3A_396 = tpu.vector_load %arg14[%swap3A_394, %swap3A_395] {strides = array<i32>} : memref<16x128xf32, #tpu.memory_space<vmem>>, vector<16xf32>,
          tpu.vector_store %arg14[%swap3A_394, %swap3A_395], %mul3A_392 {add = true, strides = array<i32>} : memref<16x128xf32, #tpu.memory_space<vmem>>, vector<16xf32>,
          %add3A_397 = arith.addi %get3A_322, %and3A_35 : vector<16xi32>
          %gather3A_398 = tpu.vector_load_idx %arg12[%add3A_317, %add3A_397] : memref<128x128xf32, #tpu.memory_space<vmem>>[vector<16xi32>, vector<16xi32>], vector<16xf32>,
          %mul3A_399 = arith.constant 16 : i32
          %mul3A_400 = arith.muli %scan3A_312, %mul3A_399 : i32
          %swap3A_401 = arith.constant 5 : i32
          %swap3A_402 = arith.index_cast %swap3A_401 : i32 to index
          %swap3A_403 = arith.index_cast %mul3A_400 : i32 to index
          %swap3A_404 = tpu.vector_load %arg13[%swap3A_402, %swap3A_403] {strides = array<i32>} : memref<16x128xf32, #tpu.memory_space<vmem>>, vector<16xf32>,
          tpu.vector_store %arg13[%swap3A_402, %swap3A_403], %gather3A_398 {add = true, strides = array<i32>} : memref<16x128xf32, #tpu.memory_space<vmem>>, vector<16xf32>,
          %mul3A_405 = arith.constant 16 : i32
          %mul3A_406 = arith.muli %scan3A_312, %mul3A_405 : i32
          %mul3A_407 = arith.mulf %gather3A_398, %gather3A_398 : vector<16xf32>
          %swap3A_408 = arith.constant 5 : i32
          %swap3A_409 = arith.index_cast %swap3A_408 : i32 to index
          %swap3A_410 = arith.index_cast %mul3A_406 : i32 to index
          %swap3A_411 = tpu.vector_load %arg14[%swap3A_409, %swap3A_410] {strides = array<i32>} : memref<16x128xf32, #tpu.memory_space<vmem>>, vector<16xf32>,
          tpu.vector_store %arg14[%swap3A_409, %swap3A_410], %mul3A_407 {add = true, strides = array<i32>} : memref<16x128xf32, #tpu.memory_space<vmem>>, vector<16xf32>,
          %add3A_412 = arith.addi %get3A_322, %and3A_41 : vector<16xi32>
          %gather3A_413 = tpu.vector_load_idx %arg12[%add3A_317, %add3A_412] : memref<128x128xf32, #tpu.memory_space<vmem>>[vector<16xi32>, vector<16xi32>], vector<16xf32>,
          %mul3A_414 = arith.constant 16 : i32
          %mul3A_415 = arith.muli %scan3A_312, %mul3A_414 : i32
          %swap3A_416 = arith.constant 6 : i32
          %swap3A_417 = arith.index_cast %swap3A_416 : i32 to index
          %swap3A_418 = arith.index_cast %mul3A_415 : i32 to index
          %swap3A_419 = tpu.vector_load %arg13[%swap3A_417, %swap3A_418] {strides = array<i32>} : memref<16x128xf32, #tpu.memory_space<vmem>>, vector<16xf32>,
          tpu.vector_store %arg13[%swap3A_417, %swap3A_418], %gather3A_413 {add = true, strides = array<i32>} : memref<16x128xf32, #tpu.memory_space<vmem>>, vector<16xf32>,
          %mul3A_420 = arith.constant 16 : i32
          %mul3A_421 = arith.muli %scan3A_312, %mul3A_420 : i32
          %mul3A_422 = arith.mulf %gather3A_413, %gather3A_413 : vector<16xf32>
          %swap3A_423 = arith.constant 6 : i32
          %swap3A_424 = arith.index_cast %swap3A_423 : i32 to index
          %swap3A_425 = arith.index_cast %mul3A_421 : i32 to index
          %swap3A_426 = tpu.vector_load %arg14[%swap3A_424, %swap3A_425] {strides = array<i32>} : memref<16x128xf32, #tpu.memory_space<vmem>>, vector<16xf32>,
          tpu.vector_store %arg14[%swap3A_424, %swap3A_425], %mul3A_422 {add = true, strides = array<i32>} : memref<16x128xf32, #tpu.memory_space<vmem>>, vector<16xf32>,
          %add3A_427 = arith.addi %get3A_322, %and3A_47 : vector<16xi32>
          %gather3A_428 = tpu.vector_load_idx %arg12[%add3A_317, %add3A_427] : memref<128x128xf32, #tpu.memory_space<vmem>>[vector<16xi32>, vector<16xi32>], vector<16xf32>,
          %mul3A_429 = arith.constant 16 : i32
          %mul3A_430 = arith.muli %scan3A_312, %mul3A_429 : i32
          %swap3A_431 = arith.constant 7 : i32
          %swap3A_432 = arith.index_cast %swap3A_431 : i32 to index
          %swap3A_433 = arith.index_cast %mul3A_430 : i32 to index
          %swap3A_434 = tpu.vector_load %arg13[%swap3A_432, %swap3A_433] {strides = array<i32>} : memref<16x128xf32, #tpu.memory_space<vmem>>, vector<16xf32>,
          tpu.vector_store %arg13[%swap3A_432, %swap3A_433], %gather3A_428 {add = true, strides = array<i32>} : memref<16x128xf32, #tpu.memory_space<vmem>>, vector<16xf32>,
          %mul3A_435 = arith.constant 16 : i32
          %mul3A_436 = arith.muli %scan3A_312, %mul3A_435 : i32
          %mul3A_437 = arith.mulf %gather3A_428, %gather3A_428 : vector<16xf32>
          %swap3A_438 = arith.constant 7 : i32
          %swap3A_439 = arith.index_cast %swap3A_438 : i32 to index
          %swap3A_440 = arith.index_cast %mul3A_436 : i32 to index
          %swap3A_441 = tpu.vector_load %arg14[%swap3A_439, %swap3A_440] {strides = array<i32>} : memref<16x128xf32, #tpu.memory_space<vmem>>, vector<16xf32>,
          tpu.vector_store %arg14[%swap3A_439, %swap3A_440], %mul3A_437 {add = true, strides = array<i32>} : memref<16x128xf32, #tpu.memory_space<vmem>>, vector<16xf32>,
          %add3A_442 = arith.addi %get3A_322, %and3A_53 : vector<16xi32>
          %gather3A_443 = tpu.vector_load_idx %arg12[%add3A_317, %add3A_442] : memref<128x128xf32, #tpu.memory_space<vmem>>[vector<16xi32>, vector<16xi32>], vector<16xf32>,
          %mul3A_444 = arith.constant 16 : i32
          %mul3A_445 = arith.muli %scan3A_312, %mul3A_444 : i32
          %swap3A_446 = arith.constant 8 : i32
          %swap3A_447 = arith.index_cast %swap3A_446 : i32 to index
          %swap3A_448 = arith.index_cast %mul3A_445 : i32 to index
          %swap3A_449 = tpu.vector_load %arg13[%swap3A_447, %swap3A_448] {strides = array<i32>} : memref<16x128xf32, #tpu.memory_space<vmem>>, vector<16xf32>,
          tpu.vector_store %arg13[%swap3A_447, %swap3A_448], %gather3A_443 {add = true, strides = array<i32>} : memref<16x128xf32, #tpu.memory_space<vmem>>, vector<16xf32>,
          %mul3A_450 = arith.constant 16 : i32
          %mul3A_451 = arith.muli %scan3A_312, %mul3A_450 : i32
          %mul3A_452 = arith.mulf %gather3A_443, %gather3A_443 : vector<16xf32>
          %swap3A_453 = arith.constant 8 : i32
          %swap3A_454 = arith.index_cast %swap3A_453 : i32 to index
          %swap3A_455 = arith.index_cast %mul3A_451 : i32 to index
          %swap3A_456 = tpu.vector_load %arg14[%swap3A_454, %swap3A_455] {strides = array<i32>} : memref<16x128xf32, #tpu.memory_space<vmem>>, vector<16xf32>,
          tpu.vector_store %arg14[%swap3A_454, %swap3A_455], %mul3A_452 {add = true, strides = array<i32>} : memref<16x128xf32, #tpu.memory_space<vmem>>, vector<16xf32>,
          %add3A_457 = arith.addi %get3A_322, %and3A_59 : vector<16xi32>
          %gather3A_458 = tpu.vector_load_idx %arg12[%add3A_317, %add3A_457] : memref<128x128xf32, #tpu.memory_space<vmem>>[vector<16xi32>, vector<16xi32>], vector<16xf32>,
          %mul3A_459 = arith.constant 16 : i32
          %mul3A_460 = arith.muli %scan3A_312, %mul3A_459 : i32
          %swap3A_461 = arith.constant 9 : i32
          %swap3A_462 = arith.index_cast %swap3A_461 : i32 to index
          %swap3A_463 = arith.index_cast %mul3A_460 : i32 to index
          %swap3A_464 = tpu.vector_load %arg13[%swap3A_462, %swap3A_463] {strides = array<i32>} : memref<16x128xf32, #tpu.memory_space<vmem>>, vector<16xf32>,
          tpu.vector_store %arg13[%swap3A_462, %swap3A_463], %gather3A_458 {add = true, strides = array<i32>} : memref<16x128xf32, #tpu.memory_space<vmem>>, vector<16xf32>,
          %mul3A_465 = arith.constant 16 : i32
          %mul3A_466 = arith.muli %scan3A_312, %mul3A_465 : i32
          %mul3A_467 = arith.mulf %gather3A_458, %gather3A_458 : vector<16xf32>
          %swap3A_468 = arith.constant 9 : i32
          %swap3A_469 = arith.index_cast %swap3A_468 : i32 to index
          %swap3A_470 = arith.index_cast %mul3A_466 : i32 to index
          %swap3A_471 = tpu.vector_load %arg14[%swap3A_469, %swap3A_470] {strides = array<i32>} : memref<16x128xf32, #tpu.memory_space<vmem>>, vector<16xf32>,
          tpu.vector_store %arg14[%swap3A_469, %swap3A_470], %mul3A_467 {add = true, strides = array<i32>} : memref<16x128xf32, #tpu.memory_space<vmem>>, vector<16xf32>,
          %add3A_472 = arith.addi %get3A_322, %and3A_65 : vector<16xi32>
          %gather3A_473 = tpu.vector_load_idx %arg12[%add3A_317, %add3A_472] : memref<128x128xf32, #tpu.memory_space<vmem>>[vector<16xi32>, vector<16xi32>], vector<16xf32>,
          %mul3A_474 = arith.constant 16 : i32
          %mul3A_475 = arith.muli %scan3A_312, %mul3A_474 : i32
          %swap3A_476 = arith.constant 10 : i32
          %swap3A_477 = arith.index_cast %swap3A_476 : i32 to index
          %swap3A_478 = arith.index_cast %mul3A_475 : i32 to index
          %swap3A_479 = tpu.vector_load %arg13[%swap3A_477, %swap3A_478] {strides = array<i32>} : memref<16x128xf32, #tpu.memory_space<vmem>>, vector<16xf32>,
          tpu.vector_store %arg13[%swap3A_477, %swap3A_478], %gather3A_473 {add = true, strides = array<i32>} : memref<16x128xf32, #tpu.memory_space<vmem>>, vector<16xf32>,
          %mul3A_480 = arith.constant 16 : i32
          %mul3A_481 = arith.muli %scan3A_312, %mul3A_480 : i32
          %mul3A_482 = arith.mulf %gather3A_473, %gather3A_473 : vector<16xf32>
          %swap3A_483 = arith.constant 10 : i32
          %swap3A_484 = arith.index_cast %swap3A_483 : i32 to index
          %swap3A_485 = arith.index_cast %mul3A_481 : i32 to index
          %swap3A_486 = tpu.vector_load %arg14[%swap3A_484, %swap3A_485] {strides = array<i32>} : memref<16x128xf32, #tpu.memory_space<vmem>>, vector<16xf32>,
          tpu.vector_store %arg14[%swap3A_484, %swap3A_485], %mul3A_482 {add = true, strides = array<i32>} : memref<16x128xf32, #tpu.memory_space<vmem>>, vector<16xf32>,
          %add3A_487 = arith.addi %get3A_322, %and3A_71 : vector<16xi32>
          %gather3A_488 = tpu.vector_load_idx %arg12[%add3A_317, %add3A_487] : memref<128x128xf32, #tpu.memory_space<vmem>>[vector<16xi32>, vector<16xi32>], vector<16xf32>,
          %mul3A_489 = arith.constant 16 : i32
          %mul3A_490 = arith.muli %scan3A_312, %mul3A_489 : i32
          %swap3A_491 = arith.constant 11 : i32
          %swap3A_492 = arith.index_cast %swap3A_491 : i32 to index
          %swap3A_493 = arith.index_cast %mul3A_490 : i32 to index
          %swap3A_494 = tpu.vector_load %arg13[%swap3A_492, %swap3A_493] {strides = array<i32>} : memref<16x128xf32, #tpu.memory_space<vmem>>, vector<16xf32>,
          tpu.vector_store %arg13[%swap3A_492, %swap3A_493], %gather3A_488 {add = true, strides = array<i32>} : memref<16x128xf32, #tpu.memory_space<vmem>>, vector<16xf32>,
          %mul3A_495 = arith.constant 16 : i32
          %mul3A_496 = arith.muli %scan3A_312, %mul3A_495 : i32
          %mul3A_497 = arith.mulf %gather3A_488, %gather3A_488 : vector<16xf32>
          %swap3A_498 = arith.constant 11 : i32
          %swap3A_499 = arith.index_cast %swap3A_498 : i32 to index
          %swap3A_500 = arith.index_cast %mul3A_496 : i32 to index
          %swap3A_501 = tpu.vector_load %arg14[%swap3A_499, %swap3A_500] {strides = array<i32>} : memref<16x128xf32, #tpu.memory_space<vmem>>, vector<16xf32>,
          tpu.vector_store %arg14[%swap3A_499, %swap3A_500], %mul3A_497 {add = true, strides = array<i32>} : memref<16x128xf32, #tpu.memory_space<vmem>>, vector<16xf32>,
          %add3A_502 = arith.addi %get3A_322, %and3A_77 : vector<16xi32>
          %gather3A_503 = tpu.vector_load_idx %arg12[%add3A_317, %add3A_502] : memref<128x128xf32, #tpu.memory_space<vmem>>[vector<16xi32>, vector<16xi32>], vector<16xf32>,
          %mul3A_504 = arith.constant 16 : i32
          %mul3A_505 = arith.muli %scan3A_312, %mul3A_504 : i32
          %swap3A_506 = arith.constant 12 : i32
          %swap3A_507 = arith.index_cast %swap3A_506 : i32 to index
          %swap3A_508 = arith.index_cast %mul3A_505 : i32 to index
          %swap3A_509 = tpu.vector_load %arg13[%swap3A_507, %swap3A_508] {strides = array<i32>} : memref<16x128xf32, #tpu.memory_space<vmem>>, vector<16xf32>,
          tpu.vector_store %arg13[%swap3A_507, %swap3A_508], %gather3A_503 {add = true, strides = array<i32>} : memref<16x128xf32, #tpu.memory_space<vmem>>, vector<16xf32>,
          %mul3A_510 = arith.constant 16 : i32
          %mul3A_511 = arith.muli %scan3A_312, %mul3A_510 : i32
          %mul3A_512 = arith.mulf %gather3A_503, %gather3A_503 : vector<16xf32>
          %swap3A_513 = arith.constant 12 : i32
          %swap3A_514 = arith.index_cast %swap3A_513 : i32 to index
          %swap3A_515 = arith.index_cast %mul3A_511 : i32 to index
          %swap3A_516 = tpu.vector_load %arg14[%swap3A_514, %swap3A_515] {strides = array<i32>} : memref<16x128xf32, #tpu.memory_space<vmem>>, vector<16xf32>,
          tpu.vector_store %arg14[%swap3A_514, %swap3A_515], %mul3A_512 {add = true, strides = array<i32>} : memref<16x128xf32, #tpu.memory_space<vmem>>, vector<16xf32>,
          %add3A_517 = arith.addi %get3A_322, %and3A_83 : vector<16xi32>
          %gather3A_518 = tpu.vector_load_idx %arg12[%add3A_317, %add3A_517] : memref<128x128xf32, #tpu.memory_space<vmem>>[vector<16xi32>, vector<16xi32>], vector<16xf32>,
          %mul3A_519 = arith.constant 16 : i32
          %mul3A_520 = arith.muli %scan3A_312, %mul3A_519 : i32
          %swap3A_521 = arith.constant 13 : i32
          %swap3A_522 = arith.index_cast %swap3A_521 : i32 to index
          %swap3A_523 = arith.index_cast %mul3A_520 : i32 to index
          %swap3A_524 = tpu.vector_load %arg13[%swap3A_522, %swap3A_523] {strides = array<i32>} : memref<16x128xf32, #tpu.memory_space<vmem>>, vector<16xf32>,
          tpu.vector_store %arg13[%swap3A_522, %swap3A_523], %gather3A_518 {add = true, strides = array<i32>} : memref<16x128xf32, #tpu.memory_space<vmem>>, vector<16xf32>,
          %mul3A_525 = arith.constant 16 : i32
          %mul3A_526 = arith.muli %scan3A_312, %mul3A_525 : i32
          %mul3A_527 = arith.mulf %gather3A_518, %gather3A_518 : vector<16xf32>
          %swap3A_528 = arith.constant 13 : i32
          %swap3A_529 = arith.index_cast %swap3A_528 : i32 to index
          %swap3A_530 = arith.index_cast %mul3A_526 : i32 to index
          %swap3A_531 = tpu.vector_load %arg14[%swap3A_529, %swap3A_530] {strides = array<i32>} : memref<16x128xf32, #tpu.memory_space<vmem>>, vector<16xf32>,
          tpu.vector_store %arg14[%swap3A_529, %swap3A_530], %mul3A_527 {add = true, strides = array<i32>} : memref<16x128xf32, #tpu.memory_space<vmem>>, vector<16xf32>,
          %add3A_532 = arith.addi %get3A_322, %and3A_89 : vector<16xi32>
          %gather3A_533 = tpu.vector_load_idx %arg12[%add3A_317, %add3A_532] : memref<128x128xf32, #tpu.memory_space<vmem>>[vector<16xi32>, vector<16xi32>], vector<16xf32>,
          %mul3A_534 = arith.constant 16 : i32
          %mul3A_535 = arith.muli %scan3A_312, %mul3A_534 : i32
          %swap3A_536 = arith.constant 14 : i32
          %swap3A_537 = arith.index_cast %swap3A_536 : i32 to index
          %swap3A_538 = arith.index_cast %mul3A_535 : i32 to index
          %swap3A_539 = tpu.vector_load %arg13[%swap3A_537, %swap3A_538] {strides = array<i32>} : memref<16x128xf32, #tpu.memory_space<vmem>>, vector<16xf32>,
          tpu.vector_store %arg13[%swap3A_537, %swap3A_538], %gather3A_533 {add = true, strides = array<i32>} : memref<16x128xf32, #tpu.memory_space<vmem>>, vector<16xf32>,
          %mul3A_540 = arith.constant 16 : i32
          %mul3A_541 = arith.muli %scan3A_312, %mul3A_540 : i32
          %mul3A_542 = arith.mulf %gather3A_533, %gather3A_533 : vector<16xf32>
          %swap3A_543 = arith.constant 14 : i32
          %swap3A_544 = arith.index_cast %swap3A_543 : i32 to index
          %swap3A_545 = arith.index_cast %mul3A_541 : i32 to index
          %swap3A_546 = tpu.vector_load %arg14[%swap3A_544, %swap3A_545] {strides = array<i32>} : memref<16x128xf32, #tpu.memory_space<vmem>>, vector<16xf32>,
          tpu.vector_store %arg14[%swap3A_544, %swap3A_545], %mul3A_542 {add = true, strides = array<i32>} : memref<16x128xf32, #tpu.memory_space<vmem>>, vector<16xf32>,
          %add3A_547 = arith.addi %get3A_322, %and3A_95 : vector<16xi32>
          %gather3A_548 = tpu.vector_load_idx %arg12[%add3A_317, %add3A_547] : memref<128x128xf32, #tpu.memory_space<vmem>>[vector<16xi32>, vector<16xi32>], vector<16xf32>,
          %mul3A_549 = arith.constant 16 : i32
          %mul3A_550 = arith.muli %scan3A_312, %mul3A_549 : i32
          %swap3A_551 = arith.constant 15 : i32
          %swap3A_552 = arith.index_cast %swap3A_551 : i32 to index
          %swap3A_553 = arith.index_cast %mul3A_550 : i32 to index
          %swap3A_554 = tpu.vector_load %arg13[%swap3A_552, %swap3A_553] {strides = array<i32>} : memref<16x128xf32, #tpu.memory_space<vmem>>, vector<16xf32>,
          tpu.vector_store %arg13[%swap3A_552, %swap3A_553], %gather3A_548 {add = true, strides = array<i32>} : memref<16x128xf32, #tpu.memory_space<vmem>>, vector<16xf32>,
          %mul3A_555 = arith.constant 16 : i32
          %mul3A_556 = arith.muli %scan3A_312, %mul3A_555 : i32
          %mul3A_557 = arith.mulf %gather3A_548, %gather3A_548 : vector<16xf32>
          %swap3A_558 = arith.constant 15 : i32
          %swap3A_559 = arith.index_cast %swap3A_558 : i32 to index
          %swap3A_560 = arith.index_cast %mul3A_556 : i32 to index
          %swap3A_561 = tpu.vector_load %arg14[%swap3A_559, %swap3A_560] {strides = array<i32>} : memref<16x128xf32, #tpu.memory_space<vmem>>, vector<16xf32>,
          tpu.vector_store %arg14[%swap3A_559, %swap3A_560], %mul3A_557 {add = true, strides = array<i32>} : memref<16x128xf32, #tpu.memory_space<vmem>>, vector<16xf32>,
          %scan3A_562 = arith.constant 0 : i32
          scf.yield %scan3A_562 : i32
        }
        %scan3A_303 = arith.constant 8 : i32
        %add3A_304 = arith.constant 2 : i32
        %add3A_305 = arith.addi %add3A_290, %add3A_304 : i32
        %lt3A_306 = arith.constant 26 : i32
        %lt3A_307 = arith.cmpi slt, %add3A_305, %lt3A_306 : i32
        %convert_element_type3A_308 = arith.extui %lt3A_307 : i1 to i32
        %cond3A_309 = arith.constant 0 : i32
        %cond3A_310 = arith.cmpi ne, %convert_element_type3A_308, %cond3A_309 : i32
        scf.if %cond3A_310 {
          %add3A_312 = arith.constant 2 : i32
          %add3A_313 = arith.addi %add3A_290, %add3A_312 : i32
          %dma_start3A_314 = arith.constant 0 : i32
          %dma_start3A_315 = tpu.memref_slice %arg9[%add3A_313, %dma_start3A_314] : memref<26x128xi32, #tpu.memory_space<vmem>> -> memref<1x128xi32, #tpu.memory_space<vmem>>
          %dma_start3A_316 = tpu.memref_squeeze %dma_start3A_315 : memref<1x128xi32, #tpu.memory_space<vmem>> -> memref<128xi32, #tpu.memory_space<vmem>>
          %dma_start3A_317 = arith.constant 0 : i32
          %dma_start3A_318 = arith.constant 0 : i32
          %dma_start3A_319 = tpu.memref_slice %arg2[%dma_start3A_317, %dma_start3A_318] : memref<325312x128xf32, #tpu.memory_space<hbm>> -> memref<325312x128xf32, #tpu.memory_space<hbm>>
          tpu.enqueue_indirect_dma source(%dma_start3A_319 : memref<325312x128xf32, #tpu.memory_space<hbm>>) target(%arg12 : memref<128x128xf32, #tpu.memory_space<vmem>>) offsets(%dma_start3A_316 : memref<128xi32, #tpu.memory_space<vmem>>) semaphore(%arg18 : memref<!tpu.dma_semaphore, #tpu.memory_space<semaphore_mem>>)
        } else {
        }
        %scan3A_311 = arith.constant 0 : i32
        scf.yield %scan3A_311 : i32
      }
      %scan3A_256 = arith.constant 13 : i32
      %scan3A_257 = arith.constant 0 : i32
      %scan3A_258 = arith.constant 0 : i32
      %scan3A_259 = arith.constant 8 : i32
      %scan3A_260 = arith.addi %scan3A_258, %scan3A_259 : i32
      %scan3A_261 = arith.constant 1 : i32
      %scan3A_262 = scf.for %scan3A_265 = %scan3A_258 to %scan3A_260 step %scan3A_261 iter_args(%scan3A_266 = %scan3A_257) -> (i32)  : i32 {
        %mul3A_267 = arith.constant 16 : i32
        %mul3A_268 = arith.muli %scan3A_265, %mul3A_267 : i32
        %add3A_269 = vector.broadcast %mul3A_268 : i32 to vector<16xi32>
        %add3A_270 = arith.addi %add3A_269, %iota3A : vector<16xi32>
        %broadcast_in_dim3A_271 = arith.constant 0.000000e+00 : f32
        %broadcast_in_dim3A_272 = vector.broadcast %broadcast_in_dim3A_271 : f32 to vector<16xf32>
        %mul3A_273 = arith.constant 16 : i32
        %mul3A_274 = arith.muli %scan3A_265, %mul3A_273 : i32
        %get3A_275 = arith.constant 0 : i32
        %get3A_276 = arith.index_cast %get3A_275 : i32 to index
        %get3A_277 = arith.index_cast %mul3A_274 : i32 to index
        %get3A_278 = tpu.vector_load %arg13[%get3A_276, %get3A_277] {strides = array<i32>} : memref<16x128xf32, #tpu.memory_space<vmem>>, vector<16xf32>,
        %mul3A_279 = arith.constant 16 : i32
        %mul3A_280 = arith.muli %scan3A_265, %mul3A_279 : i32
        %get3A_281 = arith.constant 0 : i32
        %get3A_282 = arith.index_cast %get3A_281 : i32 to index
        %get3A_283 = arith.index_cast %mul3A_280 : i32 to index
        %get3A_284 = tpu.vector_load %arg14[%get3A_282, %get3A_283] {strides = array<i32>} : memref<16x128xf32, #tpu.memory_space<vmem>>, vector<16xf32>,
        %mul3A_285 = arith.mulf %get3A_278, %get3A_278 : vector<16xf32>
        %sub3A = arith.subf %mul3A_285, %get3A_284 : vector<16xf32>
        %mul3A_286 = arith.mulf %sub3A, %gather3A : vector<16xf32>
        %add3A_287 = arith.addf %broadcast_in_dim3A_272, %mul3A_286 : vector<16xf32>
        %mul3A_288 = arith.constant 16 : i32
        %mul3A_289 = arith.muli %scan3A_265, %mul3A_288 : i32
        %get3A_290 = arith.constant 1 : i32
        %get3A_291 = arith.index_cast %get3A_290 : i32 to index
        %get3A_292 = arith.index_cast %mul3A_289 : i32 to index
        %get3A_293 = tpu.vector_load %arg13[%get3A_291, %get3A_292] {strides = array<i32>} : memref<16x128xf32, #tpu.memory_space<vmem>>, vector<16xf32>,
        %mul3A_294 = arith.constant 16 : i32
        %mul3A_295 = arith.muli %scan3A_265, %mul3A_294 : i32
        %get3A_296 = arith.constant 1 : i32
        %get3A_297 = arith.index_cast %get3A_296 : i32 to index
        %get3A_298 = arith.index_cast %mul3A_295 : i32 to index
        %get3A_299 = tpu.vector_load %arg14[%get3A_297, %get3A_298] {strides = array<i32>} : memref<16x128xf32, #tpu.memory_space<vmem>>, vector<16xf32>,
        %mul3A_300 = arith.mulf %get3A_293, %get3A_293 : vector<16xf32>
        %sub3A_301 = arith.subf %mul3A_300, %get3A_299 : vector<16xf32>
        %mul3A_302 = arith.mulf %sub3A_301, %gather3A_99 : vector<16xf32>
        %add3A_303 = arith.addf %add3A_287, %mul3A_302 : vector<16xf32>
        %mul3A_304 = arith.constant 16 : i32
        %mul3A_305 = arith.muli %scan3A_265, %mul3A_304 : i32
        %get3A_306 = arith.constant 2 : i32
        %get3A_307 = arith.index_cast %get3A_306 : i32 to index
        %get3A_308 = arith.index_cast %mul3A_305 : i32 to index
        %get3A_309 = tpu.vector_load %arg13[%get3A_307, %get3A_308] {strides = array<i32>} : memref<16x128xf32, #tpu.memory_space<vmem>>, vector<16xf32>,
        %mul3A_310 = arith.constant 16 : i32
        %mul3A_311 = arith.muli %scan3A_265, %mul3A_310 : i32
        %get3A_312 = arith.constant 2 : i32
        %get3A_313 = arith.index_cast %get3A_312 : i32 to index
        %get3A_314 = arith.index_cast %mul3A_311 : i32 to index
        %get3A_315 = tpu.vector_load %arg14[%get3A_313, %get3A_314] {strides = array<i32>} : memref<16x128xf32, #tpu.memory_space<vmem>>, vector<16xf32>,
        %mul3A_316 = arith.mulf %get3A_309, %get3A_309 : vector<16xf32>
        %sub3A_317 = arith.subf %mul3A_316, %get3A_315 : vector<16xf32>
        %mul3A_318 = arith.mulf %sub3A_317, %gather3A_102 : vector<16xf32>
        %add3A_319 = arith.addf %add3A_303, %mul3A_318 : vector<16xf32>
        %mul3A_320 = arith.constant 16 : i32
        %mul3A_321 = arith.muli %scan3A_265, %mul3A_320 : i32
        %get3A_322 = arith.constant 3 : i32
        %get3A_323 = arith.index_cast %get3A_322 : i32 to index
        %get3A_324 = arith.index_cast %mul3A_321 : i32 to index
        %get3A_325 = tpu.vector_load %arg13[%get3A_323, %get3A_324] {strides = array<i32>} : memref<16x128xf32, #tpu.memory_space<vmem>>, vector<16xf32>,
        %mul3A_326 = arith.constant 16 : i32
        %mul3A_327 = arith.muli %scan3A_265, %mul3A_326 : i32
        %get3A_328 = arith.constant 3 : i32
        %get3A_329 = arith.index_cast %get3A_328 : i32 to index
        %get3A_330 = arith.index_cast %mul3A_327 : i32 to index
        %get3A_331 = tpu.vector_load %arg14[%get3A_329, %get3A_330] {strides = array<i32>} : memref<16x128xf32, #tpu.memory_space<vmem>>, vector<16xf32>,
        %mul3A_332 = arith.mulf %get3A_325, %get3A_325 : vector<16xf32>
        %sub3A_333 = arith.subf %mul3A_332, %get3A_331 : vector<16xf32>
        %mul3A_334 = arith.mulf %sub3A_333, %gather3A_105 : vector<16xf32>
        %add3A_335 = arith.addf %add3A_319, %mul3A_334 : vector<16xf32>
        %mul3A_336 = arith.constant 16 : i32
        %mul3A_337 = arith.muli %scan3A_265, %mul3A_336 : i32
        %get3A_338 = arith.constant 4 : i32
        %get3A_339 = arith.index_cast %get3A_338 : i32 to index
        %get3A_340 = arith.index_cast %mul3A_337 : i32 to index
        %get3A_341 = tpu.vector_load %arg13[%get3A_339, %get3A_340] {strides = array<i32>} : memref<16x128xf32, #tpu.memory_space<vmem>>, vector<16xf32>,
        %mul3A_342 = arith.constant 16 : i32
        %mul3A_343 = arith.muli %scan3A_265, %mul3A_342 : i32
        %get3A_344 = arith.constant 4 : i32
        %get3A_345 = arith.index_cast %get3A_344 : i32 to index
        %get3A_346 = arith.index_cast %mul3A_343 : i32 to index
        %get3A_347 = tpu.vector_load %arg14[%get3A_345, %get3A_346] {strides = array<i32>} : memref<16x128xf32, #tpu.memory_space<vmem>>, vector<16xf32>,
        %mul3A_348 = arith.mulf %get3A_341, %get3A_341 : vector<16xf32>
        %sub3A_349 = arith.subf %mul3A_348, %get3A_347 : vector<16xf32>
        %mul3A_350 = arith.mulf %sub3A_349, %gather3A_108 : vector<16xf32>
        %add3A_351 = arith.addf %add3A_335, %mul3A_350 : vector<16xf32>
        %mul3A_352 = arith.constant 16 : i32
        %mul3A_353 = arith.muli %scan3A_265, %mul3A_352 : i32
        %get3A_354 = arith.constant 5 : i32
        %get3A_355 = arith.index_cast %get3A_354 : i32 to index
        %get3A_356 = arith.index_cast %mul3A_353 : i32 to index
        %get3A_357 = tpu.vector_load %arg13[%get3A_355, %get3A_356] {strides = array<i32>} : memref<16x128xf32, #tpu.memory_space<vmem>>, vector<16xf32>,
        %mul3A_358 = arith.constant 16 : i32
        %mul3A_359 = arith.muli %scan3A_265, %mul3A_358 : i32
        %get3A_360 = arith.constant 5 : i32
        %get3A_361 = arith.index_cast %get3A_360 : i32 to index
        %get3A_362 = arith.index_cast %mul3A_359 : i32 to index
        %get3A_363 = tpu.vector_load %arg14[%get3A_361, %get3A_362] {strides = array<i32>} : memref<16x128xf32, #tpu.memory_space<vmem>>, vector<16xf32>,
        %mul3A_364 = arith.mulf %get3A_357, %get3A_357 : vector<16xf32>
        %sub3A_365 = arith.subf %mul3A_364, %get3A_363 : vector<16xf32>
        %mul3A_366 = arith.mulf %sub3A_365, %gather3A_111 : vector<16xf32>
        %add3A_367 = arith.addf %add3A_351, %mul3A_366 : vector<16xf32>
        %mul3A_368 = arith.constant 16 : i32
        %mul3A_369 = arith.muli %scan3A_265, %mul3A_368 : i32
        %get3A_370 = arith.constant 6 : i32
        %get3A_371 = arith.index_cast %get3A_370 : i32 to index
        %get3A_372 = arith.index_cast %mul3A_369 : i32 to index
        %get3A_373 = tpu.vector_load %arg13[%get3A_371, %get3A_372] {strides = array<i32>} : memref<16x128xf32, #tpu.memory_space<vmem>>, vector<16xf32>,
        %mul3A_374 = arith.constant 16 : i32
        %mul3A_375 = arith.muli %scan3A_265, %mul3A_374 : i32
        %get3A_376 = arith.constant 6 : i32
        %get3A_377 = arith.index_cast %get3A_376 : i32 to index
        %get3A_378 = arith.index_cast %mul3A_375 : i32 to index
        %get3A_379 = tpu.vector_load %arg14[%get3A_377, %get3A_378] {strides = array<i32>} : memref<16x128xf32, #tpu.memory_space<vmem>>, vector<16xf32>,
        %mul3A_380 = arith.mulf %get3A_373, %get3A_373 : vector<16xf32>
        %sub3A_381 = arith.subf %mul3A_380, %get3A_379 : vector<16xf32>
        %mul3A_382 = arith.mulf %sub3A_381, %gather3A_114 : vector<16xf32>
        %add3A_383 = arith.addf %add3A_367, %mul3A_382 : vector<16xf32>
        %mul3A_384 = arith.constant 16 : i32
        %mul3A_385 = arith.muli %scan3A_265, %mul3A_384 : i32
        %get3A_386 = arith.constant 7 : i32
        %get3A_387 = arith.index_cast %get3A_386 : i32 to index
        %get3A_388 = arith.index_cast %mul3A_385 : i32 to index
        %get3A_389 = tpu.vector_load %arg13[%get3A_387, %get3A_388] {strides = array<i32>} : memref<16x128xf32, #tpu.memory_space<vmem>>, vector<16xf32>,
        %mul3A_390 = arith.constant 16 : i32
        %mul3A_391 = arith.muli %scan3A_265, %mul3A_390 : i32
        %get3A_392 = arith.constant 7 : i32
        %get3A_393 = arith.index_cast %get3A_392 : i32 to index
        %get3A_394 = arith.index_cast %mul3A_391 : i32 to index
        %get3A_395 = tpu.vector_load %arg14[%get3A_393, %get3A_394] {strides = array<i32>} : memref<16x128xf32, #tpu.memory_space<vmem>>, vector<16xf32>,
        %mul3A_396 = arith.mulf %get3A_389, %get3A_389 : vector<16xf32>
        %sub3A_397 = arith.subf %mul3A_396, %get3A_395 : vector<16xf32>
        %mul3A_398 = arith.mulf %sub3A_397, %gather3A_117 : vector<16xf32>
        %add3A_399 = arith.addf %add3A_383, %mul3A_398 : vector<16xf32>
        %mul3A_400 = arith.constant 16 : i32
        %mul3A_401 = arith.muli %scan3A_265, %mul3A_400 : i32
        %get3A_402 = arith.constant 8 : i32
        %get3A_403 = arith.index_cast %get3A_402 : i32 to index
        %get3A_404 = arith.index_cast %mul3A_401 : i32 to index
        %get3A_405 = tpu.vector_load %arg13[%get3A_403, %get3A_404] {strides = array<i32>} : memref<16x128xf32, #tpu.memory_space<vmem>>, vector<16xf32>,
        %mul3A_406 = arith.constant 16 : i32
        %mul3A_407 = arith.muli %scan3A_265, %mul3A_406 : i32
        %get3A_408 = arith.constant 8 : i32
        %get3A_409 = arith.index_cast %get3A_408 : i32 to index
        %get3A_410 = arith.index_cast %mul3A_407 : i32 to index
        %get3A_411 = tpu.vector_load %arg14[%get3A_409, %get3A_410] {strides = array<i32>} : memref<16x128xf32, #tpu.memory_space<vmem>>, vector<16xf32>,
        %mul3A_412 = arith.mulf %get3A_405, %get3A_405 : vector<16xf32>
        %sub3A_413 = arith.subf %mul3A_412, %get3A_411 : vector<16xf32>
        %mul3A_414 = arith.mulf %sub3A_413, %gather3A_120 : vector<16xf32>
        %add3A_415 = arith.addf %add3A_399, %mul3A_414 : vector<16xf32>
        %mul3A_416 = arith.constant 16 : i32
        %mul3A_417 = arith.muli %scan3A_265, %mul3A_416 : i32
        %get3A_418 = arith.constant 9 : i32
        %get3A_419 = arith.index_cast %get3A_418 : i32 to index
        %get3A_420 = arith.index_cast %mul3A_417 : i32 to index
        %get3A_421 = tpu.vector_load %arg13[%get3A_419, %get3A_420] {strides = array<i32>} : memref<16x128xf32, #tpu.memory_space<vmem>>, vector<16xf32>,
        %mul3A_422 = arith.constant 16 : i32
        %mul3A_423 = arith.muli %scan3A_265, %mul3A_422 : i32
        %get3A_424 = arith.constant 9 : i32
        %get3A_425 = arith.index_cast %get3A_424 : i32 to index
        %get3A_426 = arith.index_cast %mul3A_423 : i32 to index
        %get3A_427 = tpu.vector_load %arg14[%get3A_425, %get3A_426] {strides = array<i32>} : memref<16x128xf32, #tpu.memory_space<vmem>>, vector<16xf32>,
        %mul3A_428 = arith.mulf %get3A_421, %get3A_421 : vector<16xf32>
        %sub3A_429 = arith.subf %mul3A_428, %get3A_427 : vector<16xf32>
        %mul3A_430 = arith.mulf %sub3A_429, %gather3A_123 : vector<16xf32>
        %add3A_431 = arith.addf %add3A_415, %mul3A_430 : vector<16xf32>
        %mul3A_432 = arith.constant 16 : i32
        %mul3A_433 = arith.muli %scan3A_265, %mul3A_432 : i32
        %get3A_434 = arith.constant 10 : i32
        %get3A_435 = arith.index_cast %get3A_434 : i32 to index
        %get3A_436 = arith.index_cast %mul3A_433 : i32 to index
        %get3A_437 = tpu.vector_load %arg13[%get3A_435, %get3A_436] {strides = array<i32>} : memref<16x128xf32, #tpu.memory_space<vmem>>, vector<16xf32>,
        %mul3A_438 = arith.constant 16 : i32
        %mul3A_439 = arith.muli %scan3A_265, %mul3A_438 : i32
        %get3A_440 = arith.constant 10 : i32
        %get3A_441 = arith.index_cast %get3A_440 : i32 to index
        %get3A_442 = arith.index_cast %mul3A_439 : i32 to index
        %get3A_443 = tpu.vector_load %arg14[%get3A_441, %get3A_442] {strides = array<i32>} : memref<16x128xf32, #tpu.memory_space<vmem>>, vector<16xf32>,
        %mul3A_444 = arith.mulf %get3A_437, %get3A_437 : vector<16xf32>
        %sub3A_445 = arith.subf %mul3A_444, %get3A_443 : vector<16xf32>
        %mul3A_446 = arith.mulf %sub3A_445, %gather3A_126 : vector<16xf32>
        %add3A_447 = arith.addf %add3A_431, %mul3A_446 : vector<16xf32>
        %mul3A_448 = arith.constant 16 : i32
        %mul3A_449 = arith.muli %scan3A_265, %mul3A_448 : i32
        %get3A_450 = arith.constant 11 : i32
        %get3A_451 = arith.index_cast %get3A_450 : i32 to index
        %get3A_452 = arith.index_cast %mul3A_449 : i32 to index
        %get3A_453 = tpu.vector_load %arg13[%get3A_451, %get3A_452] {strides = array<i32>} : memref<16x128xf32, #tpu.memory_space<vmem>>, vector<16xf32>,
        %mul3A_454 = arith.constant 16 : i32
        %mul3A_455 = arith.muli %scan3A_265, %mul3A_454 : i32
        %get3A_456 = arith.constant 11 : i32
        %get3A_457 = arith.index_cast %get3A_456 : i32 to index
        %get3A_458 = arith.index_cast %mul3A_455 : i32 to index
        %get3A_459 = tpu.vector_load %arg14[%get3A_457, %get3A_458] {strides = array<i32>} : memref<16x128xf32, #tpu.memory_space<vmem>>, vector<16xf32>,
        %mul3A_460 = arith.mulf %get3A_453, %get3A_453 : vector<16xf32>
        %sub3A_461 = arith.subf %mul3A_460, %get3A_459 : vector<16xf32>
        %mul3A_462 = arith.mulf %sub3A_461, %gather3A_129 : vector<16xf32>
        %add3A_463 = arith.addf %add3A_447, %mul3A_462 : vector<16xf32>
        %mul3A_464 = arith.constant 16 : i32
        %mul3A_465 = arith.muli %scan3A_265, %mul3A_464 : i32
        %get3A_466 = arith.constant 12 : i32
        %get3A_467 = arith.index_cast %get3A_466 : i32 to index
        %get3A_468 = arith.index_cast %mul3A_465 : i32 to index
        %get3A_469 = tpu.vector_load %arg13[%get3A_467, %get3A_468] {strides = array<i32>} : memref<16x128xf32, #tpu.memory_space<vmem>>, vector<16xf32>,
        %mul3A_470 = arith.constant 16 : i32
        %mul3A_471 = arith.muli %scan3A_265, %mul3A_470 : i32
        %get3A_472 = arith.constant 12 : i32
        %get3A_473 = arith.index_cast %get3A_472 : i32 to index
        %get3A_474 = arith.index_cast %mul3A_471 : i32 to index
        %get3A_475 = tpu.vector_load %arg14[%get3A_473, %get3A_474] {strides = array<i32>} : memref<16x128xf32, #tpu.memory_space<vmem>>, vector<16xf32>,
        %mul3A_476 = arith.mulf %get3A_469, %get3A_469 : vector<16xf32>
        %sub3A_477 = arith.subf %mul3A_476, %get3A_475 : vector<16xf32>
        %mul3A_478 = arith.mulf %sub3A_477, %gather3A_132 : vector<16xf32>
        %add3A_479 = arith.addf %add3A_463, %mul3A_478 : vector<16xf32>
        %mul3A_480 = arith.constant 16 : i32
        %mul3A_481 = arith.muli %scan3A_265, %mul3A_480 : i32
        %get3A_482 = arith.constant 13 : i32
        %get3A_483 = arith.index_cast %get3A_482 : i32 to index
        %get3A_484 = arith.index_cast %mul3A_481 : i32 to index
        %get3A_485 = tpu.vector_load %arg13[%get3A_483, %get3A_484] {strides = array<i32>} : memref<16x128xf32, #tpu.memory_space<vmem>>, vector<16xf32>,
        %mul3A_486 = arith.constant 16 : i32
        %mul3A_487 = arith.muli %scan3A_265, %mul3A_486 : i32
        %get3A_488 = arith.constant 13 : i32
        %get3A_489 = arith.index_cast %get3A_488 : i32 to index
        %get3A_490 = arith.index_cast %mul3A_487 : i32 to index
        %get3A_491 = tpu.vector_load %arg14[%get3A_489, %get3A_490] {strides = array<i32>} : memref<16x128xf32, #tpu.memory_space<vmem>>, vector<16xf32>,
        %mul3A_492 = arith.mulf %get3A_485, %get3A_485 : vector<16xf32>
        %sub3A_493 = arith.subf %mul3A_492, %get3A_491 : vector<16xf32>
        %mul3A_494 = arith.mulf %sub3A_493, %gather3A_135 : vector<16xf32>
        %add3A_495 = arith.addf %add3A_479, %mul3A_494 : vector<16xf32>
        %mul3A_496 = arith.constant 16 : i32
        %mul3A_497 = arith.muli %scan3A_265, %mul3A_496 : i32
        %get3A_498 = arith.constant 14 : i32
        %get3A_499 = arith.index_cast %get3A_498 : i32 to index
        %get3A_500 = arith.index_cast %mul3A_497 : i32 to index
        %get3A_501 = tpu.vector_load %arg13[%get3A_499, %get3A_500] {strides = array<i32>} : memref<16x128xf32, #tpu.memory_space<vmem>>, vector<16xf32>,
        %mul3A_502 = arith.constant 16 : i32
        %mul3A_503 = arith.muli %scan3A_265, %mul3A_502 : i32
        %get3A_504 = arith.constant 14 : i32
        %get3A_505 = arith.index_cast %get3A_504 : i32 to index
        %get3A_506 = arith.index_cast %mul3A_503 : i32 to index
        %get3A_507 = tpu.vector_load %arg14[%get3A_505, %get3A_506] {strides = array<i32>} : memref<16x128xf32, #tpu.memory_space<vmem>>, vector<16xf32>,
        %mul3A_508 = arith.mulf %get3A_501, %get3A_501 : vector<16xf32>
        %sub3A_509 = arith.subf %mul3A_508, %get3A_507 : vector<16xf32>
        %mul3A_510 = arith.mulf %sub3A_509, %gather3A_138 : vector<16xf32>
        %add3A_511 = arith.addf %add3A_495, %mul3A_510 : vector<16xf32>
        %mul3A_512 = arith.constant 16 : i32
        %mul3A_513 = arith.muli %scan3A_265, %mul3A_512 : i32
        %get3A_514 = arith.constant 15 : i32
        %get3A_515 = arith.index_cast %get3A_514 : i32 to index
        %get3A_516 = arith.index_cast %mul3A_513 : i32 to index
        %get3A_517 = tpu.vector_load %arg13[%get3A_515, %get3A_516] {strides = array<i32>} : memref<16x128xf32, #tpu.memory_space<vmem>>, vector<16xf32>,
        %mul3A_518 = arith.constant 16 : i32
        %mul3A_519 = arith.muli %scan3A_265, %mul3A_518 : i32
        %get3A_520 = arith.constant 15 : i32
        %get3A_521 = arith.index_cast %get3A_520 : i32 to index
        %get3A_522 = arith.index_cast %mul3A_519 : i32 to index
        %get3A_523 = tpu.vector_load %arg14[%get3A_521, %get3A_522] {strides = array<i32>} : memref<16x128xf32, #tpu.memory_space<vmem>>, vector<16xf32>,
        %mul3A_524 = arith.mulf %get3A_517, %get3A_517 : vector<16xf32>
        %sub3A_525 = arith.subf %mul3A_524, %get3A_523 : vector<16xf32>
        %mul3A_526 = arith.mulf %sub3A_525, %gather3A_141 : vector<16xf32>
        %add3A_527 = arith.addf %add3A_511, %mul3A_526 : vector<16xf32>
        %mul3A_528 = arith.constant 5.000000e-01 : f32
        %mul3A_529 = vector.broadcast %mul3A_528 : f32 to vector<16xf32>
        %mul3A_530 = arith.mulf %add3A_527, %mul3A_529 : vector<16xf32>
        %broadcast_in_dim3A_531 = arith.constant 0 : i32
        %broadcast_in_dim3A_532 = vector.broadcast %broadcast_in_dim3A_531 : i32 to vector<16xi32>
        %gather3A_533 = tpu.vector_load_idx %arg8[%add3A_270, %broadcast_in_dim3A_532] : memref<128x13xf32, #tpu.memory_space<vmem>>[vector<16xi32>, vector<16xi32>], vector<16xf32>,
        %mul3A_534 = arith.mulf %gather3A_533, %gather3A_146 : vector<16xf32>
        %add3A_535 = arith.addf %mul3A_530, %mul3A_534 : vector<16xf32>
        %broadcast_in_dim3A_536 = arith.constant 1 : i32
        %broadcast_in_dim3A_537 = vector.broadcast %broadcast_in_dim3A_536 : i32 to vector<16xi32>
        %gather3A_538 = tpu.vector_load_idx %arg8[%add3A_270, %broadcast_in_dim3A_537] : memref<128x13xf32, #tpu.memory_space<vmem>>[vector<16xi32>, vector<16xi32>], vector<16xf32>,
        %mul3A_539 = arith.mulf %gather3A_538, %gather3A_151 : vector<16xf32>
        %add3A_540 = arith.addf %add3A_535, %mul3A_539 : vector<16xf32>
        %broadcast_in_dim3A_541 = arith.constant 2 : i32
        %broadcast_in_dim3A_542 = vector.broadcast %broadcast_in_dim3A_541 : i32 to vector<16xi32>
        %gather3A_543 = tpu.vector_load_idx %arg8[%add3A_270, %broadcast_in_dim3A_542] : memref<128x13xf32, #tpu.memory_space<vmem>>[vector<16xi32>, vector<16xi32>], vector<16xf32>,
        %mul3A_544 = arith.mulf %gather3A_543, %gather3A_156 : vector<16xf32>
        %add3A_545 = arith.addf %add3A_540, %mul3A_544 : vector<16xf32>
        %broadcast_in_dim3A_546 = arith.constant 3 : i32
        %broadcast_in_dim3A_547 = vector.broadcast %broadcast_in_dim3A_546 : i32 to vector<16xi32>
        %gather3A_548 = tpu.vector_load_idx %arg8[%add3A_270, %broadcast_in_dim3A_547] : memref<128x13xf32, #tpu.memory_space<vmem>>[vector<16xi32>, vector<16xi32>], vector<16xf32>,
        %mul3A_549 = arith.mulf %gather3A_548, %gather3A_161 : vector<16xf32>
        %add3A_550 = arith.addf %add3A_545, %mul3A_549 : vector<16xf32>
        %broadcast_in_dim3A_551 = arith.constant 4 : i32
        %broadcast_in_dim3A_552 = vector.broadcast %broadcast_in_dim3A_551 : i32 to vector<16xi32>
        %gather3A_553 = tpu.vector_load_idx %arg8[%add3A_270, %broadcast_in_dim3A_552] : memref<128x13xf32, #tpu.memory_space<vmem>>[vector<16xi32>, vector<16xi32>], vector<16xf32>,
        %mul3A_554 = arith.mulf %gather3A_553, %gather3A_166 : vector<16xf32>
        %add3A_555 = arith.addf %add3A_550, %mul3A_554 : vector<16xf32>
        %broadcast_in_dim3A_556 = arith.constant 5 : i32
        %broadcast_in_dim3A_557 = vector.broadcast %broadcast_in_dim3A_556 : i32 to vector<16xi32>
        %gather3A_558 = tpu.vector_load_idx %arg8[%add3A_270, %broadcast_in_dim3A_557] : memref<128x13xf32, #tpu.memory_space<vmem>>[vector<16xi32>, vector<16xi32>], vector<16xf32>,
        %mul3A_559 = arith.mulf %gather3A_558, %gather3A_171 : vector<16xf32>
        %add3A_560 = arith.addf %add3A_555, %mul3A_559 : vector<16xf32>
        %broadcast_in_dim3A_561 = arith.constant 6 : i32
        %broadcast_in_dim3A_562 = vector.broadcast %broadcast_in_dim3A_561 : i32 to vector<16xi32>
        %gather3A_563 = tpu.vector_load_idx %arg8[%add3A_270, %broadcast_in_dim3A_562] : memref<128x13xf32, #tpu.memory_space<vmem>>[vector<16xi32>, vector<16xi32>], vector<16xf32>,
        %mul3A_564 = arith.mulf %gather3A_563, %gather3A_176 : vector<16xf32>
        %add3A_565 = arith.addf %add3A_560, %mul3A_564 : vector<16xf32>
        %broadcast_in_dim3A_566 = arith.constant 7 : i32
        %broadcast_in_dim3A_567 = vector.broadcast %broadcast_in_dim3A_566 : i32 to vector<16xi32>
        %gather3A_568 = tpu.vector_load_idx %arg8[%add3A_270, %broadcast_in_dim3A_567] : memref<128x13xf32, #tpu.memory_space<vmem>>[vector<16xi32>, vector<16xi32>], vector<16xf32>,
        %mul3A_569 = arith.mulf %gather3A_568, %gather3A_181 : vector<16xf32>
        %add3A_570 = arith.addf %add3A_565, %mul3A_569 : vector<16xf32>
        %broadcast_in_dim3A_571 = arith.constant 8 : i32
        %broadcast_in_dim3A_572 = vector.broadcast %broadcast_in_dim3A_571 : i32 to vector<16xi32>
        %gather3A_573 = tpu.vector_load_idx %arg8[%add3A_270, %broadcast_in_dim3A_572] : memref<128x13xf32, #tpu.memory_space<vmem>>[vector<16xi32>, vector<16xi32>], vector<16xf32>,
        %mul3A_574 = arith.mulf %gather3A_573, %gather3A_186 : vector<16xf32>
        %add3A_575 = arith.addf %add3A_570, %mul3A_574 : vector<16xf32>
        %broadcast_in_dim3A_576 = arith.constant 9 : i32
        %broadcast_in_dim3A_577 = vector.broadcast %broadcast_in_dim3A_576 : i32 to vector<16xi32>
        %gather3A_578 = tpu.vector_load_idx %arg8[%add3A_270, %broadcast_in_dim3A_577] : memref<128x13xf32, #tpu.memory_space<vmem>>[vector<16xi32>, vector<16xi32>], vector<16xf32>,
        %mul3A_579 = arith.mulf %gather3A_578, %gather3A_191 : vector<16xf32>
        %add3A_580 = arith.addf %add3A_575, %mul3A_579 : vector<16xf32>
        %broadcast_in_dim3A_581 = arith.constant 10 : i32
        %broadcast_in_dim3A_582 = vector.broadcast %broadcast_in_dim3A_581 : i32 to vector<16xi32>
        %gather3A_583 = tpu.vector_load_idx %arg8[%add3A_270, %broadcast_in_dim3A_582] : memref<128x13xf32, #tpu.memory_space<vmem>>[vector<16xi32>, vector<16xi32>], vector<16xf32>,
        %mul3A_584 = arith.mulf %gather3A_583, %gather3A_196 : vector<16xf32>
        %add3A_585 = arith.addf %add3A_580, %mul3A_584 : vector<16xf32>
        %broadcast_in_dim3A_586 = arith.constant 11 : i32
        %broadcast_in_dim3A_587 = vector.broadcast %broadcast_in_dim3A_586 : i32 to vector<16xi32>
        %gather3A_588 = tpu.vector_load_idx %arg8[%add3A_270, %broadcast_in_dim3A_587] : memref<128x13xf32, #tpu.memory_space<vmem>>[vector<16xi32>, vector<16xi32>], vector<16xf32>,
        %mul3A_589 = arith.mulf %gather3A_588, %gather3A_201 : vector<16xf32>
        %add3A_590 = arith.addf %add3A_585, %mul3A_589 : vector<16xf32>
        %broadcast_in_dim3A_591 = arith.constant 12 : i32
        %broadcast_in_dim3A_592 = vector.broadcast %broadcast_in_dim3A_591 : i32 to vector<16xi32>
        %gather3A_593 = tpu.vector_load_idx %arg8[%add3A_270, %broadcast_in_dim3A_592] : memref<128x13xf32, #tpu.memory_space<vmem>>[vector<16xi32>, vector<16xi32>], vector<16xf32>,
        %mul3A_594 = arith.mulf %gather3A_593, %gather3A_206 : vector<16xf32>
        %add3A_595 = arith.addf %add3A_590, %mul3A_594 : vector<16xf32>
        %add3A_596 = arith.addf %add3A_595, %get3A_209 : vector<16xf32>
        %neg3A = arith.constant 0.000000e+00 : f32
        %neg3A_597 = vector.broadcast %neg3A : f32 to vector<16xf32>
        %neg3A_598 = arith.subf %neg3A_597, %add3A_596 : vector<16xf32>
        %exp3A = math.exp %neg3A_598 : vector<16xf32>
        %add3A_599 = arith.constant 1.000000e+00 : f32
        %add3A_600 = vector.broadcast %add3A_599 : f32 to vector<16xf32>
        %add3A_601 = arith.addf %add3A_600, %exp3A : vector<16xf32>
        %div3A = arith.constant 1.000000e+00 : f32
        %div3A_602 = vector.broadcast %div3A : f32 to vector<16xf32>
        %div3A_603 = arith.divf %div3A_602, %add3A_601 : vector<16xf32>
        %mul3A_604 = arith.constant 16 : i32
        %mul3A_605 = arith.muli %scan3A_265, %mul3A_604 : i32
        %swap3A = arith.index_cast %mul3A_605 : i32 to index
        %swap3A_606 = tpu.vector_load %arg16[%swap3A] {strides = array<i32>} : memref<128xf32, #tpu.memory_space<vmem>>, vector<16xf32>,
        tpu.vector_store %arg16[%swap3A], %div3A_603 {strides = array<i32>} : memref<128xf32, #tpu.memory_space<vmem>>, vector<16xf32>,
        %scan3A_607 = arith.constant 0 : i32
        scf.yield %scan3A_607 : i32
      }
      %scan3A_263 = arith.constant 8 : i32
      "tpu.region"() ({
        %run_scoped3A = tpu.sem_alloc : memref<!tpu.dma_semaphore, #tpu.memory_space<semaphore_mem>>
        %dma_start3A_265 = tpu.memref_slice %arg6[%mul3A_222] : memref<16384xf32, #tpu.memory_space<hbm>> -> memref<128xf32, #tpu.memory_space<hbm>>
        %dma_start3A_266 = tpu.memref_slice %arg6[%mul3A_222] : memref<16384xf32, #tpu.memory_space<hbm>> -> memref<128xf32, #tpu.memory_space<hbm>>
        tpu.enqueue_dma source(%arg16 : memref<128xf32, #tpu.memory_space<vmem>>) target(%dma_start3A_266 : memref<128xf32, #tpu.memory_space<hbm>>) target_semaphore(%run_scoped3A : memref<!tpu.dma_semaphore, #tpu.memory_space<semaphore_mem>>)
        %dma_wait3A = tpu.memref_slice %arg6[%mul3A_222] : memref<16384xf32, #tpu.memory_space<hbm>> -> memref<128xf32, #tpu.memory_space<hbm>>
        %dma_wait3A_267 = tpu.memref_slice %arg6[%mul3A_222] : memref<16384xf32, #tpu.memory_space<hbm>> -> memref<128xf32, #tpu.memory_space<hbm>>
        tpu.wait_dma2 semaphore(%run_scoped3A : memref<!tpu.dma_semaphore, #tpu.memory_space<semaphore_mem>>) src(%arg16 : memref<128xf32, #tpu.memory_space<vmem>>) dst(%dma_wait3A_267 : memref<128xf32, #tpu.memory_space<hbm>>)
        tpu.yield
      }) : () -> ()
      %scan3A_264 = arith.constant 0 : i32
      scf.yield %scan3A_264 : i32
    }
    %scan3A_215 = arith.constant 4 : i32
    return
  }
}

#map = affine_map<(d0, d1) -> (0, 0, 0)>
#map1 = affine_map<(d0, d1) -> (0, 0)>
module attributes {stable_mosaic.version = 14 : i64} {
  func.func @_transpose_body(%arg0: i32, %arg1: i32, %arg2: memref<26x16x100000xf32, #tpu.memory_space<hbm>>, %arg3: memref<325312x128xf32, #tpu.memory_space<hbm>>, %arg4: memref<16x1025xf32, #tpu.memory_space<vmem>>, %arg5: memref<16x1025xf32, #tpu.memory_space<vmem>>, %arg6: memref<128x128xf32, #tpu.memory_space<vmem>>, %arg7: memref<128x128xf32, #tpu.memory_space<vmem>>, %arg8: memref<16x769xf32, #tpu.memory_space<vmem>>, %arg9: memref<96x128xf32, #tpu.memory_space<vmem>>, %arg10: memref<!tpu.dma_semaphore, #tpu.memory_space<semaphore_mem>>, %arg11: memref<!tpu.dma_semaphore, #tpu.memory_space<semaphore_mem>>, %arg12: memref<!tpu.dma_semaphore, #tpu.memory_space<semaphore_mem>>, %arg13: memref<!tpu.dma_semaphore, #tpu.memory_space<semaphore_mem>>) attributes {dimension_semantics = [#tpu.dimension_semantics<core_parallel>, #tpu.dimension_semantics<subcore_parallel>], iteration_bounds = array<i64: 2, 16>, scalar_prefetch = 0 : i64, scratch_operands = 10 : i64, tpu.core_type = #tpu.core_type<sc_vector_subcore>, window_params = [{transform_indices = #map}, {transform_indices = #map1}]} {
    %mul3A = arith.constant 2 : i32
    %mul3A_0 = arith.muli %arg1, %mul3A : i32
    %add3A = arith.addi %mul3A_0, %arg0 : i32
    %iota3A = tpu.iota {dimensions = array<i32: 0>} : vector<16xi32>
    %add3A_1 = arith.constant 0 : i32
    %add3A_2 = arith.addi %add3A, %add3A_1 : i32
    %jit3A = arith.constant 97 : i32
    %div3A = arith.divsi %add3A_2, %jit3A : i32
    %sign3A = arith.constant 0 : i32
    %sign3A_3 = arith.cmpi sgt, %add3A_2, %sign3A : i32
    %sign3A_4 = arith.extui %sign3A_3 : i1 to i32
    %sign3A_5 = arith.constant 0 : i32
    %sign3A_6 = arith.cmpi slt, %add3A_2, %sign3A_5 : i32
    %sign3A_7 = arith.extui %sign3A_6 : i1 to i32
    %sign3A_8 = arith.subi %sign3A_4, %sign3A_7 : i32
    %sign3A_9 = arith.constant 0 : i32
    %sign3A_10 = arith.cmpi sgt, %jit3A, %sign3A_9 : i32
    %sign3A_11 = arith.extui %sign3A_10 : i1 to i32
    %sign3A_12 = arith.constant 0 : i32
    %sign3A_13 = arith.cmpi slt, %jit3A, %sign3A_12 : i32
    %sign3A_14 = arith.extui %sign3A_13 : i1 to i32
    %sign3A_15 = arith.subi %sign3A_11, %sign3A_14 : i32
    %ne3A = arith.cmpi ne, %sign3A_8, %sign3A_15 : i32
    %rem3A = arith.remsi %add3A_2, %jit3A : i32
    %ne3A_16 = arith.constant 0 : i32
    %ne3A_17 = arith.cmpi ne, %rem3A, %ne3A_16 : i32
    %and3A = arith.andi %ne3A, %ne3A_17 : i1
    %sub3A = arith.constant 1 : i32
    %sub3A_18 = arith.subi %div3A, %sub3A : i32
    %select_n3A = arith.select %and3A, %sub3A_18, %div3A : i32
    %jit3A_19 = arith.constant 97 : i32
    %eq3A = arith.constant 0 : i32
    %eq3A_20 = arith.cmpi eq, %jit3A_19, %eq3A : i32
    %jit3A_21 = arith.constant 1 : i32
    %select_n3A_22 = arith.select %eq3A_20, %jit3A_21, %jit3A_19 : i32
    %rem3A_23 = arith.remsi %add3A_2, %select_n3A_22 : i32
    %ne3A_24 = arith.constant 0 : i32
    %ne3A_25 = arith.cmpi ne, %rem3A_23, %ne3A_24 : i32
    %lt3A = arith.constant 0 : i32
    %lt3A_26 = arith.cmpi slt, %rem3A_23, %lt3A : i32
    %lt3A_27 = arith.constant 0 : i32
    %lt3A_28 = arith.cmpi slt, %select_n3A_22, %lt3A_27 : i32
    %ne3A_29 = arith.xori %lt3A_26, %lt3A_28 : i1
    %and3A_30 = arith.andi %ne3A_29, %ne3A_25 : i1
    %add3A_31 = arith.addi %rem3A_23, %select_n3A_22 : i32
    %select_n3A_32 = arith.select %and3A_30, %add3A_31, %rem3A_23 : i32
    %mul3A_33 = arith.constant 1024 : i32
    %mul3A_34 = arith.muli %select_n3A_32, %mul3A_33 : i32
    %dma_start3A = arith.constant 0 : i32
    %dma_start3A_35 = arith.constant 0 : i32
    %dma_start3A_36 = tpu.memref_slice %arg4[%dma_start3A, %dma_start3A_35] : memref<16x1025xf32, #tpu.memory_space<vmem>> -> memref<16x1024xf32, #tpu.memory_space<vmem>>
    %dma_start3A_37 = arith.constant 0 : i32
    %dma_start3A_38 = tpu.memref_slice %arg2[%select_n3A, %dma_start3A_37, %mul3A_34] : memref<26x16x100000xf32, #tpu.memory_space<hbm>> -> memref<1x16x1024xf32, #tpu.memory_space<hbm>>
    %dma_start3A_39 = tpu.memref_squeeze %dma_start3A_38 : memref<1x16x1024xf32, #tpu.memory_space<hbm>> -> memref<16x1024xf32, #tpu.memory_space<hbm>>
    %dma_start3A_40 = arith.constant 0 : i32
    %dma_start3A_41 = arith.constant 0 : i32
    %dma_start3A_42 = tpu.memref_slice %arg4[%dma_start3A_40, %dma_start3A_41] : memref<16x1025xf32, #tpu.memory_space<vmem>> -> memref<16x1024xf32, #tpu.memory_space<vmem>>
    %dma_start3A_43 = arith.constant 0 : i32
    %dma_start3A_44 = tpu.memref_slice %arg2[%select_n3A, %dma_start3A_43, %mul3A_34] : memref<26x16x100000xf32, #tpu.memory_space<hbm>> -> memref<1x16x1024xf32, #tpu.memory_space<hbm>>
    %dma_start3A_45 = tpu.memref_squeeze %dma_start3A_44 : memref<1x16x1024xf32, #tpu.memory_space<hbm>> -> memref<16x1024xf32, #tpu.memory_space<hbm>>
    tpu.enqueue_dma source(%dma_start3A_45 : memref<16x1024xf32, #tpu.memory_space<hbm>>) target(%dma_start3A_42 : memref<16x1024xf32, #tpu.memory_space<vmem>>) target_semaphore(%arg10 : memref<!tpu.dma_semaphore, #tpu.memory_space<semaphore_mem>>)
    %add3A_46 = arith.constant 32 : i32
    %add3A_47 = arith.addi %add3A, %add3A_46 : i32
    %jit3A_48 = arith.constant 97 : i32
    %div3A_49 = arith.divsi %add3A_47, %jit3A_48 : i32
    %sign3A_50 = arith.constant 0 : i32
    %sign3A_51 = arith.cmpi sgt, %add3A_47, %sign3A_50 : i32
    %sign3A_52 = arith.extui %sign3A_51 : i1 to i32
    %sign3A_53 = arith.constant 0 : i32
    %sign3A_54 = arith.cmpi slt, %add3A_47, %sign3A_53 : i32
    %sign3A_55 = arith.extui %sign3A_54 : i1 to i32
    %sign3A_56 = arith.subi %sign3A_52, %sign3A_55 : i32
    %sign3A_57 = arith.constant 0 : i32
    %sign3A_58 = arith.cmpi sgt, %jit3A_48, %sign3A_57 : i32
    %sign3A_59 = arith.extui %sign3A_58 : i1 to i32
    %sign3A_60 = arith.constant 0 : i32
    %sign3A_61 = arith.cmpi slt, %jit3A_48, %sign3A_60 : i32
    %sign3A_62 = arith.extui %sign3A_61 : i1 to i32
    %sign3A_63 = arith.subi %sign3A_59, %sign3A_62 : i32
    %ne3A_64 = arith.cmpi ne, %sign3A_56, %sign3A_63 : i32
    %rem3A_65 = arith.remsi %add3A_47, %jit3A_48 : i32
    %ne3A_66 = arith.constant 0 : i32
    %ne3A_67 = arith.cmpi ne, %rem3A_65, %ne3A_66 : i32
    %and3A_68 = arith.andi %ne3A_64, %ne3A_67 : i1
    %sub3A_69 = arith.constant 1 : i32
    %sub3A_70 = arith.subi %div3A_49, %sub3A_69 : i32
    %select_n3A_71 = arith.select %and3A_68, %sub3A_70, %div3A_49 : i32
    %jit3A_72 = arith.constant 97 : i32
    %eq3A_73 = arith.constant 0 : i32
    %eq3A_74 = arith.cmpi eq, %jit3A_72, %eq3A_73 : i32
    %jit3A_75 = arith.constant 1 : i32
    %select_n3A_76 = arith.select %eq3A_74, %jit3A_75, %jit3A_72 : i32
    %rem3A_77 = arith.remsi %add3A_47, %select_n3A_76 : i32
    %ne3A_78 = arith.constant 0 : i32
    %ne3A_79 = arith.cmpi ne, %rem3A_77, %ne3A_78 : i32
    %lt3A_80 = arith.constant 0 : i32
    %lt3A_81 = arith.cmpi slt, %rem3A_77, %lt3A_80 : i32
    %lt3A_82 = arith.constant 0 : i32
    %lt3A_83 = arith.cmpi slt, %select_n3A_76, %lt3A_82 : i32
    %ne3A_84 = arith.xori %lt3A_81, %lt3A_83 : i1
    %and3A_85 = arith.andi %ne3A_84, %ne3A_79 : i1
    %add3A_86 = arith.addi %rem3A_77, %select_n3A_76 : i32
    %select_n3A_87 = arith.select %and3A_85, %add3A_86, %rem3A_77 : i32
    %mul3A_88 = arith.constant 1024 : i32
    %mul3A_89 = arith.muli %select_n3A_87, %mul3A_88 : i32
    %dma_start3A_90 = arith.constant 0 : i32
    %dma_start3A_91 = arith.constant 0 : i32
    %dma_start3A_92 = tpu.memref_slice %arg5[%dma_start3A_90, %dma_start3A_91] : memref<16x1025xf32, #tpu.memory_space<vmem>> -> memref<16x1024xf32, #tpu.memory_space<vmem>>
    %dma_start3A_93 = arith.constant 0 : i32
    %dma_start3A_94 = tpu.memref_slice %arg2[%select_n3A_71, %dma_start3A_93, %mul3A_89] : memref<26x16x100000xf32, #tpu.memory_space<hbm>> -> memref<1x16x1024xf32, #tpu.memory_space<hbm>>
    %dma_start3A_95 = tpu.memref_squeeze %dma_start3A_94 : memref<1x16x1024xf32, #tpu.memory_space<hbm>> -> memref<16x1024xf32, #tpu.memory_space<hbm>>
    %dma_start3A_96 = arith.constant 0 : i32
    %dma_start3A_97 = arith.constant 0 : i32
    %dma_start3A_98 = tpu.memref_slice %arg5[%dma_start3A_96, %dma_start3A_97] : memref<16x1025xf32, #tpu.memory_space<vmem>> -> memref<16x1024xf32, #tpu.memory_space<vmem>>
    %dma_start3A_99 = arith.constant 0 : i32
    %dma_start3A_100 = tpu.memref_slice %arg2[%select_n3A_71, %dma_start3A_99, %mul3A_89] : memref<26x16x100000xf32, #tpu.memory_space<hbm>> -> memref<1x16x1024xf32, #tpu.memory_space<hbm>>
    %dma_start3A_101 = tpu.memref_squeeze %dma_start3A_100 : memref<1x16x1024xf32, #tpu.memory_space<hbm>> -> memref<16x1024xf32, #tpu.memory_space<hbm>>
    tpu.enqueue_dma source(%dma_start3A_101 : memref<16x1024xf32, #tpu.memory_space<hbm>>) target(%dma_start3A_98 : memref<16x1024xf32, #tpu.memory_space<vmem>>) target_semaphore(%arg11 : memref<!tpu.dma_semaphore, #tpu.memory_space<semaphore_mem>>)
    %scan3A = arith.constant 0 : i32
    %scan3A_102 = arith.constant 0 : i32
    %scan3A_103 = arith.constant 39 : i32
    %scan3A_104 = arith.addi %scan3A_102, %scan3A_103 : i32
    %scan3A_105 = arith.constant 1 : i32
    %scan3A_106 = scf.for %scan3A_217 = %scan3A_102 to %scan3A_104 step %scan3A_105 iter_args(%scan3A_218 = %scan3A) -> (i32)  : i32 {
      %mul3A_219 = arith.constant 2 : i32
      %mul3A_220 = arith.muli %scan3A_217, %mul3A_219 : i32
      %add3A_221 = arith.constant 0 : i32
      %add3A_222 = arith.addi %mul3A_220, %add3A_221 : i32
      %mul3A_223 = arith.constant 32 : i32
      %mul3A_224 = arith.muli %add3A_222, %mul3A_223 : i32
      %add3A_225 = arith.addi %add3A, %mul3A_224 : i32
      %jit3A_226 = arith.constant 97 : i32
      %div3A_227 = arith.divsi %add3A_225, %jit3A_226 : i32
      %sign3A_228 = arith.constant 0 : i32
      %sign3A_229 = arith.cmpi sgt, %add3A_225, %sign3A_228 : i32
      %sign3A_230 = arith.extui %sign3A_229 : i1 to i32
      %sign3A_231 = arith.constant 0 : i32
      %sign3A_232 = arith.cmpi slt, %add3A_225, %sign3A_231 : i32
      %sign3A_233 = arith.extui %sign3A_232 : i1 to i32
      %sign3A_234 = arith.subi %sign3A_230, %sign3A_233 : i32
      %sign3A_235 = arith.constant 0 : i32
      %sign3A_236 = arith.cmpi sgt, %jit3A_226, %sign3A_235 : i32
      %sign3A_237 = arith.extui %sign3A_236 : i1 to i32
      %sign3A_238 = arith.constant 0 : i32
      %sign3A_239 = arith.cmpi slt, %jit3A_226, %sign3A_238 : i32
      %sign3A_240 = arith.extui %sign3A_239 : i1 to i32
      %sign3A_241 = arith.subi %sign3A_237, %sign3A_240 : i32
      %ne3A_242 = arith.cmpi ne, %sign3A_234, %sign3A_241 : i32
      %rem3A_243 = arith.remsi %add3A_225, %jit3A_226 : i32
      %ne3A_244 = arith.constant 0 : i32
      %ne3A_245 = arith.cmpi ne, %rem3A_243, %ne3A_244 : i32
      %and3A_246 = arith.andi %ne3A_242, %ne3A_245 : i1
      %sub3A_247 = arith.constant 1 : i32
      %sub3A_248 = arith.subi %div3A_227, %sub3A_247 : i32
      %select_n3A_249 = arith.select %and3A_246, %sub3A_248, %div3A_227 : i32
      %jit3A_250 = arith.constant 97 : i32
      %eq3A_251 = arith.constant 0 : i32
      %eq3A_252 = arith.cmpi eq, %jit3A_250, %eq3A_251 : i32
      %jit3A_253 = arith.constant 1 : i32
      %select_n3A_254 = arith.select %eq3A_252, %jit3A_253, %jit3A_250 : i32
      %rem3A_255 = arith.remsi %add3A_225, %select_n3A_254 : i32
      %ne3A_256 = arith.constant 0 : i32
      %ne3A_257 = arith.cmpi ne, %rem3A_255, %ne3A_256 : i32
      %lt3A_258 = arith.constant 0 : i32
      %lt3A_259 = arith.cmpi slt, %rem3A_255, %lt3A_258 : i32
      %lt3A_260 = arith.constant 0 : i32
      %lt3A_261 = arith.cmpi slt, %select_n3A_254, %lt3A_260 : i32
      %ne3A_262 = arith.xori %lt3A_259, %lt3A_261 : i1
      %and3A_263 = arith.andi %ne3A_262, %ne3A_257 : i1
      %add3A_264 = arith.addi %rem3A_255, %select_n3A_254 : i32
      %select_n3A_265 = arith.select %and3A_263, %add3A_264, %rem3A_255 : i32
      %mul3A_266 = arith.constant 1024 : i32
      %mul3A_267 = arith.muli %select_n3A_265, %mul3A_266 : i32
      %dma_wait3A_268 = arith.constant 0 : i32
      %dma_wait3A_269 = arith.constant 0 : i32
      %dma_wait3A_270 = tpu.memref_slice %arg4[%dma_wait3A_268, %dma_wait3A_269] : memref<16x1025xf32, #tpu.memory_space<vmem>> -> memref<16x1024xf32, #tpu.memory_space<vmem>>
      %dma_wait3A_271 = arith.constant 0 : i32
      %dma_wait3A_272 = tpu.memref_slice %arg2[%select_n3A_249, %dma_wait3A_271, %mul3A_267] : memref<26x16x100000xf32, #tpu.memory_space<hbm>> -> memref<1x16x1024xf32, #tpu.memory_space<hbm>>
      %dma_wait3A_273 = tpu.memref_squeeze %dma_wait3A_272 : memref<1x16x1024xf32, #tpu.memory_space<hbm>> -> memref<16x1024xf32, #tpu.memory_space<hbm>>
      %dma_wait3A_274 = arith.constant 0 : i32
      %dma_wait3A_275 = arith.constant 0 : i32
      %dma_wait3A_276 = tpu.memref_slice %arg4[%dma_wait3A_274, %dma_wait3A_275] : memref<16x1025xf32, #tpu.memory_space<vmem>> -> memref<16x1024xf32, #tpu.memory_space<vmem>>
      %dma_wait3A_277 = arith.constant 0 : i32
      %dma_wait3A_278 = tpu.memref_slice %arg2[%select_n3A_249, %dma_wait3A_277, %mul3A_267] : memref<26x16x100000xf32, #tpu.memory_space<hbm>> -> memref<1x16x1024xf32, #tpu.memory_space<hbm>>
      %dma_wait3A_279 = tpu.memref_squeeze %dma_wait3A_278 : memref<1x16x1024xf32, #tpu.memory_space<hbm>> -> memref<16x1024xf32, #tpu.memory_space<hbm>>
      tpu.wait_dma2 semaphore(%arg10 : memref<!tpu.dma_semaphore, #tpu.memory_space<semaphore_mem>>) src(%dma_wait3A_279 : memref<16x1024xf32, #tpu.memory_space<hbm>>) dst(%dma_wait3A_276 : memref<16x1024xf32, #tpu.memory_space<vmem>>)
      %gt3A = arith.constant 0 : i32
      %gt3A_280 = arith.cmpi sgt, %scan3A_217, %gt3A : i32
      %convert_element_type3A_281 = arith.extui %gt3A_280 : i1 to i32
      %cond3A_282 = arith.constant 0 : i32
      %cond3A_283 = arith.cmpi ne, %convert_element_type3A_281, %cond3A_282 : i32
      scf.if %cond3A_283 {
        %sub3A_474 = arith.constant 2 : i32
        %sub3A_475 = arith.subi %add3A_222, %sub3A_474 : i32
        %mul3A_476 = arith.constant 32 : i32
        %mul3A_477 = arith.muli %sub3A_475, %mul3A_476 : i32
        %add3A_478 = arith.addi %add3A, %mul3A_477 : i32
        %jit3A_479 = arith.constant 97 : i32
        %div3A_480 = arith.divsi %add3A_478, %jit3A_479 : i32
        %sign3A_481 = arith.constant 0 : i32
        %sign3A_482 = arith.cmpi sgt, %add3A_478, %sign3A_481 : i32
        %sign3A_483 = arith.extui %sign3A_482 : i1 to i32
        %sign3A_484 = arith.constant 0 : i32
        %sign3A_485 = arith.cmpi slt, %add3A_478, %sign3A_484 : i32
        %sign3A_486 = arith.extui %sign3A_485 : i1 to i32
        %sign3A_487 = arith.subi %sign3A_483, %sign3A_486 : i32
        %sign3A_488 = arith.constant 0 : i32
        %sign3A_489 = arith.cmpi sgt, %jit3A_479, %sign3A_488 : i32
        %sign3A_490 = arith.extui %sign3A_489 : i1 to i32
        %sign3A_491 = arith.constant 0 : i32
        %sign3A_492 = arith.cmpi slt, %jit3A_479, %sign3A_491 : i32
        %sign3A_493 = arith.extui %sign3A_492 : i1 to i32
        %sign3A_494 = arith.subi %sign3A_490, %sign3A_493 : i32
        %ne3A_495 = arith.cmpi ne, %sign3A_487, %sign3A_494 : i32
        %rem3A_496 = arith.remsi %add3A_478, %jit3A_479 : i32
        %ne3A_497 = arith.constant 0 : i32
        %ne3A_498 = arith.cmpi ne, %rem3A_496, %ne3A_497 : i32
        %and3A_499 = arith.andi %ne3A_495, %ne3A_498 : i1
        %sub3A_500 = arith.constant 1 : i32
        %sub3A_501 = arith.subi %div3A_480, %sub3A_500 : i32
        %select_n3A_502 = arith.select %and3A_499, %sub3A_501, %div3A_480 : i32
        %jit3A_503 = arith.constant 97 : i32
        %eq3A_504 = arith.constant 0 : i32
        %eq3A_505 = arith.cmpi eq, %jit3A_503, %eq3A_504 : i32
        %jit3A_506 = arith.constant 1 : i32
        %select_n3A_507 = arith.select %eq3A_505, %jit3A_506, %jit3A_503 : i32
        %rem3A_508 = arith.remsi %add3A_478, %select_n3A_507 : i32
        %ne3A_509 = arith.constant 0 : i32
        %ne3A_510 = arith.cmpi ne, %rem3A_508, %ne3A_509 : i32
        %lt3A_511 = arith.constant 0 : i32
        %lt3A_512 = arith.cmpi slt, %rem3A_508, %lt3A_511 : i32
        %lt3A_513 = arith.constant 0 : i32
        %lt3A_514 = arith.cmpi slt, %select_n3A_507, %lt3A_513 : i32
        %ne3A_515 = arith.xori %lt3A_512, %lt3A_514 : i1
        %and3A_516 = arith.andi %ne3A_515, %ne3A_510 : i1
        %add3A_517 = arith.addi %rem3A_508, %select_n3A_507 : i32
        %select_n3A_518 = arith.select %and3A_516, %add3A_517, %rem3A_508 : i32
        %mul3A_519 = arith.constant 12512 : i32
        %mul3A_520 = arith.muli %select_n3A_502, %mul3A_519 : i32
        %mul3A_521 = arith.constant 128 : i32
        %mul3A_522 = arith.muli %select_n3A_518, %mul3A_521 : i32
        %add3A_523 = arith.addi %mul3A_520, %mul3A_522 : i32
        %dma_wait3A_524 = arith.constant 0 : i32
        %dma_wait3A_525 = tpu.memref_slice %arg3[%add3A_523, %dma_wait3A_524] : memref<325312x128xf32, #tpu.memory_space<hbm>> -> memref<128x128xf32, #tpu.memory_space<hbm>>
        %dma_wait3A_526 = arith.constant 0 : i32
        %dma_wait3A_527 = tpu.memref_slice %arg3[%add3A_523, %dma_wait3A_526] : memref<325312x128xf32, #tpu.memory_space<hbm>> -> memref<128x128xf32, #tpu.memory_space<hbm>>
        tpu.wait_dma2 semaphore(%arg12 : memref<!tpu.dma_semaphore, #tpu.memory_space<semaphore_mem>>) src(%arg6 : memref<128x128xf32, #tpu.memory_space<vmem>>) dst(%dma_wait3A_527 : memref<128x128xf32, #tpu.memory_space<hbm>>)
      } else {
      }
      %parallel_loop3A = arith.constant 0 : i32
      %parallel_loop3A_284 = arith.constant 128 : i32
      %parallel_loop3A_285 = arith.constant 1 : i32
      scf.for %parallel_loop3A_474 = %parallel_loop3A to %parallel_loop3A_284 step %parallel_loop3A_285  : i32 {
        %parallel_loop3A_475 = arith.constant 8 : i32
        %parallel_loop3A_476 = arith.muli %parallel_loop3A_474, %parallel_loop3A_475 : i32
        %parallel_loop3A_477 = arith.constant 0 : i32
        %parallel_loop3A_478 = arith.addi %parallel_loop3A_476, %parallel_loop3A_477 : i32
        %parallel_loop3A_479 = vector.broadcast %parallel_loop3A_478 : i32 to vector<16xi32>
        %parallel_loop3A_480 = tpu.vector_load_idx %arg4[%iota3A, %parallel_loop3A_479] : memref<16x1025xf32, #tpu.memory_space<vmem>>[vector<16xi32>, vector<16xi32>], vector<16xf32>,
        %parallel_loop3A_481 = arith.constant 8 : i32
        %parallel_loop3A_482 = arith.muli %parallel_loop3A_474, %parallel_loop3A_481 : i32
        %parallel_loop3A_483 = arith.constant 1 : i32
        %parallel_loop3A_484 = arith.addi %parallel_loop3A_482, %parallel_loop3A_483 : i32
        %parallel_loop3A_485 = vector.broadcast %parallel_loop3A_484 : i32 to vector<16xi32>
        %parallel_loop3A_486 = tpu.vector_load_idx %arg4[%iota3A, %parallel_loop3A_485] : memref<16x1025xf32, #tpu.memory_space<vmem>>[vector<16xi32>, vector<16xi32>], vector<16xf32>,
        %parallel_loop3A_487 = arith.constant 8 : i32
        %parallel_loop3A_488 = arith.muli %parallel_loop3A_474, %parallel_loop3A_487 : i32
        %parallel_loop3A_489 = arith.constant 2 : i32
        %parallel_loop3A_490 = arith.addi %parallel_loop3A_488, %parallel_loop3A_489 : i32
        %parallel_loop3A_491 = vector.broadcast %parallel_loop3A_490 : i32 to vector<16xi32>
        %parallel_loop3A_492 = tpu.vector_load_idx %arg4[%iota3A, %parallel_loop3A_491] : memref<16x1025xf32, #tpu.memory_space<vmem>>[vector<16xi32>, vector<16xi32>], vector<16xf32>,
        %parallel_loop3A_493 = arith.constant 8 : i32
        %parallel_loop3A_494 = arith.muli %parallel_loop3A_474, %parallel_loop3A_493 : i32
        %parallel_loop3A_495 = arith.constant 3 : i32
        %parallel_loop3A_496 = arith.addi %parallel_loop3A_494, %parallel_loop3A_495 : i32
        %parallel_loop3A_497 = vector.broadcast %parallel_loop3A_496 : i32 to vector<16xi32>
        %parallel_loop3A_498 = tpu.vector_load_idx %arg4[%iota3A, %parallel_loop3A_497] : memref<16x1025xf32, #tpu.memory_space<vmem>>[vector<16xi32>, vector<16xi32>], vector<16xf32>,
        %parallel_loop3A_499 = arith.constant 8 : i32
        %parallel_loop3A_500 = arith.muli %parallel_loop3A_474, %parallel_loop3A_499 : i32
        %parallel_loop3A_501 = arith.constant 4 : i32
        %parallel_loop3A_502 = arith.addi %parallel_loop3A_500, %parallel_loop3A_501 : i32
        %parallel_loop3A_503 = vector.broadcast %parallel_loop3A_502 : i32 to vector<16xi32>
        %parallel_loop3A_504 = tpu.vector_load_idx %arg4[%iota3A, %parallel_loop3A_503] : memref<16x1025xf32, #tpu.memory_space<vmem>>[vector<16xi32>, vector<16xi32>], vector<16xf32>,
        %parallel_loop3A_505 = arith.constant 8 : i32
        %parallel_loop3A_506 = arith.muli %parallel_loop3A_474, %parallel_loop3A_505 : i32
        %parallel_loop3A_507 = arith.constant 5 : i32
        %parallel_loop3A_508 = arith.addi %parallel_loop3A_506, %parallel_loop3A_507 : i32
        %parallel_loop3A_509 = vector.broadcast %parallel_loop3A_508 : i32 to vector<16xi32>
        %parallel_loop3A_510 = tpu.vector_load_idx %arg4[%iota3A, %parallel_loop3A_509] : memref<16x1025xf32, #tpu.memory_space<vmem>>[vector<16xi32>, vector<16xi32>], vector<16xf32>,
        %parallel_loop3A_511 = arith.constant 8 : i32
        %parallel_loop3A_512 = arith.muli %parallel_loop3A_474, %parallel_loop3A_511 : i32
        %parallel_loop3A_513 = arith.constant 6 : i32
        %parallel_loop3A_514 = arith.addi %parallel_loop3A_512, %parallel_loop3A_513 : i32
        %parallel_loop3A_515 = vector.broadcast %parallel_loop3A_514 : i32 to vector<16xi32>
        %parallel_loop3A_516 = tpu.vector_load_idx %arg4[%iota3A, %parallel_loop3A_515] : memref<16x1025xf32, #tpu.memory_space<vmem>>[vector<16xi32>, vector<16xi32>], vector<16xf32>,
        %parallel_loop3A_517 = arith.constant 8 : i32
        %parallel_loop3A_518 = arith.muli %parallel_loop3A_474, %parallel_loop3A_517 : i32
        %parallel_loop3A_519 = arith.constant 7 : i32
        %parallel_loop3A_520 = arith.addi %parallel_loop3A_518, %parallel_loop3A_519 : i32
        %parallel_loop3A_521 = vector.broadcast %parallel_loop3A_520 : i32 to vector<16xi32>
        %parallel_loop3A_522 = tpu.vector_load_idx %arg4[%iota3A, %parallel_loop3A_521] : memref<16x1025xf32, #tpu.memory_space<vmem>>[vector<16xi32>, vector<16xi32>], vector<16xf32>,
        %parallel_loop3A_523 = arith.index_cast %parallel_loop3A_474 : i32 to index
        %parallel_loop3A_524 = arith.constant 0 : index
        %parallel_loop3A_525 = tpu.vector_load %arg6[%parallel_loop3A_523, %parallel_loop3A_524] {strides = array<i32>} : memref<128x128xf32, #tpu.memory_space<vmem>>, vector<16xf32>,
        tpu.vector_store %arg6[%parallel_loop3A_523, %parallel_loop3A_524], %parallel_loop3A_480 {strides = array<i32>} : memref<128x128xf32, #tpu.memory_space<vmem>>, vector<16xf32>,
        %parallel_loop3A_526 = arith.index_cast %parallel_loop3A_474 : i32 to index
        %parallel_loop3A_527 = arith.constant 16 : index
        %parallel_loop3A_528 = tpu.vector_load %arg6[%parallel_loop3A_526, %parallel_loop3A_527] {strides = array<i32>} : memref<128x128xf32, #tpu.memory_space<vmem>>, vector<16xf32>,
        tpu.vector_store %arg6[%parallel_loop3A_526, %parallel_loop3A_527], %parallel_loop3A_486 {strides = array<i32>} : memref<128x128xf32, #tpu.memory_space<vmem>>, vector<16xf32>,
        %parallel_loop3A_529 = arith.index_cast %parallel_loop3A_474 : i32 to index
        %parallel_loop3A_530 = arith.constant 32 : index
        %parallel_loop3A_531 = tpu.vector_load %arg6[%parallel_loop3A_529, %parallel_loop3A_530] {strides = array<i32>} : memref<128x128xf32, #tpu.memory_space<vmem>>, vector<16xf32>,
        tpu.vector_store %arg6[%parallel_loop3A_529, %parallel_loop3A_530], %parallel_loop3A_492 {strides = array<i32>} : memref<128x128xf32, #tpu.memory_space<vmem>>, vector<16xf32>,
        %parallel_loop3A_532 = arith.index_cast %parallel_loop3A_474 : i32 to index
        %parallel_loop3A_533 = arith.constant 48 : index
        %parallel_loop3A_534 = tpu.vector_load %arg6[%parallel_loop3A_532, %parallel_loop3A_533] {strides = array<i32>} : memref<128x128xf32, #tpu.memory_space<vmem>>, vector<16xf32>,
        tpu.vector_store %arg6[%parallel_loop3A_532, %parallel_loop3A_533], %parallel_loop3A_498 {strides = array<i32>} : memref<128x128xf32, #tpu.memory_space<vmem>>, vector<16xf32>,
        %parallel_loop3A_535 = arith.index_cast %parallel_loop3A_474 : i32 to index
        %parallel_loop3A_536 = arith.constant 64 : index
        %parallel_loop3A_537 = tpu.vector_load %arg6[%parallel_loop3A_535, %parallel_loop3A_536] {strides = array<i32>} : memref<128x128xf32, #tpu.memory_space<vmem>>, vector<16xf32>,
        tpu.vector_store %arg6[%parallel_loop3A_535, %parallel_loop3A_536], %parallel_loop3A_504 {strides = array<i32>} : memref<128x128xf32, #tpu.memory_space<vmem>>, vector<16xf32>,
        %parallel_loop3A_538 = arith.index_cast %parallel_loop3A_474 : i32 to index
        %parallel_loop3A_539 = arith.constant 80 : index
        %parallel_loop3A_540 = tpu.vector_load %arg6[%parallel_loop3A_538, %parallel_loop3A_539] {strides = array<i32>} : memref<128x128xf32, #tpu.memory_space<vmem>>, vector<16xf32>,
        tpu.vector_store %arg6[%parallel_loop3A_538, %parallel_loop3A_539], %parallel_loop3A_510 {strides = array<i32>} : memref<128x128xf32, #tpu.memory_space<vmem>>, vector<16xf32>,
        %parallel_loop3A_541 = arith.index_cast %parallel_loop3A_474 : i32 to index
        %parallel_loop3A_542 = arith.constant 96 : index
        %parallel_loop3A_543 = tpu.vector_load %arg6[%parallel_loop3A_541, %parallel_loop3A_542] {strides = array<i32>} : memref<128x128xf32, #tpu.memory_space<vmem>>, vector<16xf32>,
        tpu.vector_store %arg6[%parallel_loop3A_541, %parallel_loop3A_542], %parallel_loop3A_516 {strides = array<i32>} : memref<128x128xf32, #tpu.memory_space<vmem>>, vector<16xf32>,
        %parallel_loop3A_544 = arith.index_cast %parallel_loop3A_474 : i32 to index
        %parallel_loop3A_545 = arith.constant 112 : index
        %parallel_loop3A_546 = tpu.vector_load %arg6[%parallel_loop3A_544, %parallel_loop3A_545] {strides = array<i32>} : memref<128x128xf32, #tpu.memory_space<vmem>>, vector<16xf32>,
        tpu.vector_store %arg6[%parallel_loop3A_544, %parallel_loop3A_545], %parallel_loop3A_522 {strides = array<i32>} : memref<128x128xf32, #tpu.memory_space<vmem>>, vector<16xf32>,
      } {sc.loop_unroll_factor = 2 : i64, sc.parallel_access}
      %mul3A_286 = arith.constant 32 : i32
      %mul3A_287 = arith.muli %add3A_222, %mul3A_286 : i32
      %add3A_288 = arith.addi %add3A, %mul3A_287 : i32
      %jit3A_289 = arith.constant 97 : i32
      %div3A_290 = arith.divsi %add3A_288, %jit3A_289 : i32
      %sign3A_291 = arith.constant 0 : i32
      %sign3A_292 = arith.cmpi sgt, %add3A_288, %sign3A_291 : i32
      %sign3A_293 = arith.extui %sign3A_292 : i1 to i32
      %sign3A_294 = arith.constant 0 : i32
      %sign3A_295 = arith.cmpi slt, %add3A_288, %sign3A_294 : i32
      %sign3A_296 = arith.extui %sign3A_295 : i1 to i32
      %sign3A_297 = arith.subi %sign3A_293, %sign3A_296 : i32
      %sign3A_298 = arith.constant 0 : i32
      %sign3A_299 = arith.cmpi sgt, %jit3A_289, %sign3A_298 : i32
      %sign3A_300 = arith.extui %sign3A_299 : i1 to i32
      %sign3A_301 = arith.constant 0 : i32
      %sign3A_302 = arith.cmpi slt, %jit3A_289, %sign3A_301 : i32
      %sign3A_303 = arith.extui %sign3A_302 : i1 to i32
      %sign3A_304 = arith.subi %sign3A_300, %sign3A_303 : i32
      %ne3A_305 = arith.cmpi ne, %sign3A_297, %sign3A_304 : i32
      %rem3A_306 = arith.remsi %add3A_288, %jit3A_289 : i32
      %ne3A_307 = arith.constant 0 : i32
      %ne3A_308 = arith.cmpi ne, %rem3A_306, %ne3A_307 : i32
      %and3A_309 = arith.andi %ne3A_305, %ne3A_308 : i1
      %sub3A_310 = arith.constant 1 : i32
      %sub3A_311 = arith.subi %div3A_290, %sub3A_310 : i32
      %select_n3A_312 = arith.select %and3A_309, %sub3A_311, %div3A_290 : i32
      %jit3A_313 = arith.constant 97 : i32
      %eq3A_314 = arith.constant 0 : i32
      %eq3A_315 = arith.cmpi eq, %jit3A_313, %eq3A_314 : i32
      %jit3A_316 = arith.constant 1 : i32
      %select_n3A_317 = arith.select %eq3A_315, %jit3A_316, %jit3A_313 : i32
      %rem3A_318 = arith.remsi %add3A_288, %select_n3A_317 : i32
      %ne3A_319 = arith.constant 0 : i32
      %ne3A_320 = arith.cmpi ne, %rem3A_318, %ne3A_319 : i32
      %lt3A_321 = arith.constant 0 : i32
      %lt3A_322 = arith.cmpi slt, %rem3A_318, %lt3A_321 : i32
      %lt3A_323 = arith.constant 0 : i32
      %lt3A_324 = arith.cmpi slt, %select_n3A_317, %lt3A_323 : i32
      %ne3A_325 = arith.xori %lt3A_322, %lt3A_324 : i1
      %and3A_326 = arith.andi %ne3A_325, %ne3A_320 : i1
      %add3A_327 = arith.addi %rem3A_318, %select_n3A_317 : i32
      %select_n3A_328 = arith.select %and3A_326, %add3A_327, %rem3A_318 : i32
      %mul3A_329 = arith.constant 12512 : i32
      %mul3A_330 = arith.muli %select_n3A_312, %mul3A_329 : i32
      %mul3A_331 = arith.constant 128 : i32
      %mul3A_332 = arith.muli %select_n3A_328, %mul3A_331 : i32
      %add3A_333 = arith.addi %mul3A_330, %mul3A_332 : i32
      %dma_start3A_334 = arith.constant 0 : i32
      %dma_start3A_335 = tpu.memref_slice %arg3[%add3A_333, %dma_start3A_334] : memref<325312x128xf32, #tpu.memory_space<hbm>> -> memref<128x128xf32, #tpu.memory_space<hbm>>
      %dma_start3A_336 = arith.constant 0 : i32
      %dma_start3A_337 = tpu.memref_slice %arg3[%add3A_333, %dma_start3A_336] : memref<325312x128xf32, #tpu.memory_space<hbm>> -> memref<128x128xf32, #tpu.memory_space<hbm>>
      tpu.enqueue_dma source(%arg6 : memref<128x128xf32, #tpu.memory_space<vmem>>) target(%dma_start3A_337 : memref<128x128xf32, #tpu.memory_space<hbm>>) target_semaphore(%arg12 : memref<!tpu.dma_semaphore, #tpu.memory_space<semaphore_mem>>)
      %add3A_338 = arith.constant 2 : i32
      %add3A_339 = arith.addi %add3A_222, %add3A_338 : i32
      %lt3A_340 = arith.constant 78 : i32
      %lt3A_341 = arith.cmpi slt, %add3A_339, %lt3A_340 : i32
      %convert_element_type3A_342 = arith.extui %lt3A_341 : i1 to i32
      %cond3A_343 = arith.constant 0 : i32
      %cond3A_344 = arith.cmpi ne, %convert_element_type3A_342, %cond3A_343 : i32
      scf.if %cond3A_344 {
        %add3A_474 = arith.constant 2 : i32
        %add3A_475 = arith.addi %add3A_222, %add3A_474 : i32
        %mul3A_476 = arith.constant 32 : i32
        %mul3A_477 = arith.muli %add3A_475, %mul3A_476 : i32
        %add3A_478 = arith.addi %add3A, %mul3A_477 : i32
        %jit3A_479 = arith.constant 97 : i32
        %div3A_480 = arith.divsi %add3A_478, %jit3A_479 : i32
        %sign3A_481 = arith.constant 0 : i32
        %sign3A_482 = arith.cmpi sgt, %add3A_478, %sign3A_481 : i32
        %sign3A_483 = arith.extui %sign3A_482 : i1 to i32
        %sign3A_484 = arith.constant 0 : i32
        %sign3A_485 = arith.cmpi slt, %add3A_478, %sign3A_484 : i32
        %sign3A_486 = arith.extui %sign3A_485 : i1 to i32
        %sign3A_487 = arith.subi %sign3A_483, %sign3A_486 : i32
        %sign3A_488 = arith.constant 0 : i32
        %sign3A_489 = arith.cmpi sgt, %jit3A_479, %sign3A_488 : i32
        %sign3A_490 = arith.extui %sign3A_489 : i1 to i32
        %sign3A_491 = arith.constant 0 : i32
        %sign3A_492 = arith.cmpi slt, %jit3A_479, %sign3A_491 : i32
        %sign3A_493 = arith.extui %sign3A_492 : i1 to i32
        %sign3A_494 = arith.subi %sign3A_490, %sign3A_493 : i32
        %ne3A_495 = arith.cmpi ne, %sign3A_487, %sign3A_494 : i32
        %rem3A_496 = arith.remsi %add3A_478, %jit3A_479 : i32
        %ne3A_497 = arith.constant 0 : i32
        %ne3A_498 = arith.cmpi ne, %rem3A_496, %ne3A_497 : i32
        %and3A_499 = arith.andi %ne3A_495, %ne3A_498 : i1
        %sub3A_500 = arith.constant 1 : i32
        %sub3A_501 = arith.subi %div3A_480, %sub3A_500 : i32
        %select_n3A_502 = arith.select %and3A_499, %sub3A_501, %div3A_480 : i32
        %jit3A_503 = arith.constant 97 : i32
        %eq3A_504 = arith.constant 0 : i32
        %eq3A_505 = arith.cmpi eq, %jit3A_503, %eq3A_504 : i32
        %jit3A_506 = arith.constant 1 : i32
        %select_n3A_507 = arith.select %eq3A_505, %jit3A_506, %jit3A_503 : i32
        %rem3A_508 = arith.remsi %add3A_478, %select_n3A_507 : i32
        %ne3A_509 = arith.constant 0 : i32
        %ne3A_510 = arith.cmpi ne, %rem3A_508, %ne3A_509 : i32
        %lt3A_511 = arith.constant 0 : i32
        %lt3A_512 = arith.cmpi slt, %rem3A_508, %lt3A_511 : i32
        %lt3A_513 = arith.constant 0 : i32
        %lt3A_514 = arith.cmpi slt, %select_n3A_507, %lt3A_513 : i32
        %ne3A_515 = arith.xori %lt3A_512, %lt3A_514 : i1
        %and3A_516 = arith.andi %ne3A_515, %ne3A_510 : i1
        %add3A_517 = arith.addi %rem3A_508, %select_n3A_507 : i32
        %select_n3A_518 = arith.select %and3A_516, %add3A_517, %rem3A_508 : i32
        %mul3A_519 = arith.constant 1024 : i32
        %mul3A_520 = arith.muli %select_n3A_518, %mul3A_519 : i32
        %dma_start3A_521 = arith.constant 0 : i32
        %dma_start3A_522 = arith.constant 0 : i32
        %dma_start3A_523 = tpu.memref_slice %arg4[%dma_start3A_521, %dma_start3A_522] : memref<16x1025xf32, #tpu.memory_space<vmem>> -> memref<16x1024xf32, #tpu.memory_space<vmem>>
        %dma_start3A_524 = arith.constant 0 : i32
        %dma_start3A_525 = tpu.memref_slice %arg2[%select_n3A_502, %dma_start3A_524, %mul3A_520] : memref<26x16x100000xf32, #tpu.memory_space<hbm>> -> memref<1x16x1024xf32, #tpu.memory_space<hbm>>
        %dma_start3A_526 = tpu.memref_squeeze %dma_start3A_525 : memref<1x16x1024xf32, #tpu.memory_space<hbm>> -> memref<16x1024xf32, #tpu.memory_space<hbm>>
        %dma_start3A_527 = arith.constant 0 : i32
        %dma_start3A_528 = arith.constant 0 : i32
        %dma_start3A_529 = tpu.memref_slice %arg4[%dma_start3A_527, %dma_start3A_528] : memref<16x1025xf32, #tpu.memory_space<vmem>> -> memref<16x1024xf32, #tpu.memory_space<vmem>>
        %dma_start3A_530 = arith.constant 0 : i32
        %dma_start3A_531 = tpu.memref_slice %arg2[%select_n3A_502, %dma_start3A_530, %mul3A_520] : memref<26x16x100000xf32, #tpu.memory_space<hbm>> -> memref<1x16x1024xf32, #tpu.memory_space<hbm>>
        %dma_start3A_532 = tpu.memref_squeeze %dma_start3A_531 : memref<1x16x1024xf32, #tpu.memory_space<hbm>> -> memref<16x1024xf32, #tpu.memory_space<hbm>>
        tpu.enqueue_dma source(%dma_start3A_532 : memref<16x1024xf32, #tpu.memory_space<hbm>>) target(%dma_start3A_529 : memref<16x1024xf32, #tpu.memory_space<vmem>>) target_semaphore(%arg10 : memref<!tpu.dma_semaphore, #tpu.memory_space<semaphore_mem>>)
      } else {
      }
      %mul3A_345 = arith.constant 2 : i32
      %mul3A_346 = arith.muli %scan3A_217, %mul3A_345 : i32
      %add3A_347 = arith.constant 1 : i32
      %add3A_348 = arith.addi %mul3A_346, %add3A_347 : i32
      %mul3A_349 = arith.constant 32 : i32
      %mul3A_350 = arith.muli %add3A_348, %mul3A_349 : i32
      %add3A_351 = arith.addi %add3A, %mul3A_350 : i32
      %jit3A_352 = arith.constant 97 : i32
      %div3A_353 = arith.divsi %add3A_351, %jit3A_352 : i32
      %sign3A_354 = arith.constant 0 : i32
      %sign3A_355 = arith.cmpi sgt, %add3A_351, %sign3A_354 : i32
      %sign3A_356 = arith.extui %sign3A_355 : i1 to i32
      %sign3A_357 = arith.constant 0 : i32
      %sign3A_358 = arith.cmpi slt, %add3A_351, %sign3A_357 : i32
      %sign3A_359 = arith.extui %sign3A_358 : i1 to i32
      %sign3A_360 = arith.subi %sign3A_356, %sign3A_359 : i32
      %sign3A_361 = arith.constant 0 : i32
      %sign3A_362 = arith.cmpi sgt, %jit3A_352, %sign3A_361 : i32
      %sign3A_363 = arith.extui %sign3A_362 : i1 to i32
      %sign3A_364 = arith.constant 0 : i32
      %sign3A_365 = arith.cmpi slt, %jit3A_352, %sign3A_364 : i32
      %sign3A_366 = arith.extui %sign3A_365 : i1 to i32
      %sign3A_367 = arith.subi %sign3A_363, %sign3A_366 : i32
      %ne3A_368 = arith.cmpi ne, %sign3A_360, %sign3A_367 : i32
      %rem3A_369 = arith.remsi %add3A_351, %jit3A_352 : i32
      %ne3A_370 = arith.constant 0 : i32
      %ne3A_371 = arith.cmpi ne, %rem3A_369, %ne3A_370 : i32
      %and3A_372 = arith.andi %ne3A_368, %ne3A_371 : i1
      %sub3A_373 = arith.constant 1 : i32
      %sub3A_374 = arith.subi %div3A_353, %sub3A_373 : i32
      %select_n3A_375 = arith.select %and3A_372, %sub3A_374, %div3A_353 : i32
      %jit3A_376 = arith.constant 97 : i32
      %eq3A_377 = arith.constant 0 : i32
      %eq3A_378 = arith.cmpi eq, %jit3A_376, %eq3A_377 : i32
      %jit3A_379 = arith.constant 1 : i32
      %select_n3A_380 = arith.select %eq3A_378, %jit3A_379, %jit3A_376 : i32
      %rem3A_381 = arith.remsi %add3A_351, %select_n3A_380 : i32
      %ne3A_382 = arith.constant 0 : i32
      %ne3A_383 = arith.cmpi ne, %rem3A_381, %ne3A_382 : i32
      %lt3A_384 = arith.constant 0 : i32
      %lt3A_385 = arith.cmpi slt, %rem3A_381, %lt3A_384 : i32
      %lt3A_386 = arith.constant 0 : i32
      %lt3A_387 = arith.cmpi slt, %select_n3A_380, %lt3A_386 : i32
      %ne3A_388 = arith.xori %lt3A_385, %lt3A_387 : i1
      %and3A_389 = arith.andi %ne3A_388, %ne3A_383 : i1
      %add3A_390 = arith.addi %rem3A_381, %select_n3A_380 : i32
      %select_n3A_391 = arith.select %and3A_389, %add3A_390, %rem3A_381 : i32
      %mul3A_392 = arith.constant 1024 : i32
      %mul3A_393 = arith.muli %select_n3A_391, %mul3A_392 : i32
      %dma_wait3A_394 = arith.constant 0 : i32
      %dma_wait3A_395 = arith.constant 0 : i32
      %dma_wait3A_396 = tpu.memref_slice %arg5[%dma_wait3A_394, %dma_wait3A_395] : memref<16x1025xf32, #tpu.memory_space<vmem>> -> memref<16x1024xf32, #tpu.memory_space<vmem>>
      %dma_wait3A_397 = arith.constant 0 : i32
      %dma_wait3A_398 = tpu.memref_slice %arg2[%select_n3A_375, %dma_wait3A_397, %mul3A_393] : memref<26x16x100000xf32, #tpu.memory_space<hbm>> -> memref<1x16x1024xf32, #tpu.memory_space<hbm>>
      %dma_wait3A_399 = tpu.memref_squeeze %dma_wait3A_398 : memref<1x16x1024xf32, #tpu.memory_space<hbm>> -> memref<16x1024xf32, #tpu.memory_space<hbm>>
      %dma_wait3A_400 = arith.constant 0 : i32
      %dma_wait3A_401 = arith.constant 0 : i32
      %dma_wait3A_402 = tpu.memref_slice %arg5[%dma_wait3A_400, %dma_wait3A_401] : memref<16x1025xf32, #tpu.memory_space<vmem>> -> memref<16x1024xf32, #tpu.memory_space<vmem>>
      %dma_wait3A_403 = arith.constant 0 : i32
      %dma_wait3A_404 = tpu.memref_slice %arg2[%select_n3A_375, %dma_wait3A_403, %mul3A_393] : memref<26x16x100000xf32, #tpu.memory_space<hbm>> -> memref<1x16x1024xf32, #tpu.memory_space<hbm>>
      %dma_wait3A_405 = tpu.memref_squeeze %dma_wait3A_404 : memref<1x16x1024xf32, #tpu.memory_space<hbm>> -> memref<16x1024xf32, #tpu.memory_space<hbm>>
      tpu.wait_dma2 semaphore(%arg11 : memref<!tpu.dma_semaphore, #tpu.memory_space<semaphore_mem>>) src(%dma_wait3A_405 : memref<16x1024xf32, #tpu.memory_space<hbm>>) dst(%dma_wait3A_402 : memref<16x1024xf32, #tpu.memory_space<vmem>>)
      %gt3A_406 = arith.constant 0 : i32
      %gt3A_407 = arith.cmpi sgt, %scan3A_217, %gt3A_406 : i32
      %convert_element_type3A_408 = arith.extui %gt3A_407 : i1 to i32
      %cond3A_409 = arith.constant 0 : i32
      %cond3A_410 = arith.cmpi ne, %convert_element_type3A_408, %cond3A_409 : i32
      scf.if %cond3A_410 {
        %sub3A_474 = arith.constant 2 : i32
        %sub3A_475 = arith.subi %add3A_348, %sub3A_474 : i32
        %mul3A_476 = arith.constant 32 : i32
        %mul3A_477 = arith.muli %sub3A_475, %mul3A_476 : i32
        %add3A_478 = arith.addi %add3A, %mul3A_477 : i32
        %jit3A_479 = arith.constant 97 : i32
        %div3A_480 = arith.divsi %add3A_478, %jit3A_479 : i32
        %sign3A_481 = arith.constant 0 : i32
        %sign3A_482 = arith.cmpi sgt, %add3A_478, %sign3A_481 : i32
        %sign3A_483 = arith.extui %sign3A_482 : i1 to i32
        %sign3A_484 = arith.constant 0 : i32
        %sign3A_485 = arith.cmpi slt, %add3A_478, %sign3A_484 : i32
        %sign3A_486 = arith.extui %sign3A_485 : i1 to i32
        %sign3A_487 = arith.subi %sign3A_483, %sign3A_486 : i32
        %sign3A_488 = arith.constant 0 : i32
        %sign3A_489 = arith.cmpi sgt, %jit3A_479, %sign3A_488 : i32
        %sign3A_490 = arith.extui %sign3A_489 : i1 to i32
        %sign3A_491 = arith.constant 0 : i32
        %sign3A_492 = arith.cmpi slt, %jit3A_479, %sign3A_491 : i32
        %sign3A_493 = arith.extui %sign3A_492 : i1 to i32
        %sign3A_494 = arith.subi %sign3A_490, %sign3A_493 : i32
        %ne3A_495 = arith.cmpi ne, %sign3A_487, %sign3A_494 : i32
        %rem3A_496 = arith.remsi %add3A_478, %jit3A_479 : i32
        %ne3A_497 = arith.constant 0 : i32
        %ne3A_498 = arith.cmpi ne, %rem3A_496, %ne3A_497 : i32
        %and3A_499 = arith.andi %ne3A_495, %ne3A_498 : i1
        %sub3A_500 = arith.constant 1 : i32
        %sub3A_501 = arith.subi %div3A_480, %sub3A_500 : i32
        %select_n3A_502 = arith.select %and3A_499, %sub3A_501, %div3A_480 : i32
        %jit3A_503 = arith.constant 97 : i32
        %eq3A_504 = arith.constant 0 : i32
        %eq3A_505 = arith.cmpi eq, %jit3A_503, %eq3A_504 : i32
        %jit3A_506 = arith.constant 1 : i32
        %select_n3A_507 = arith.select %eq3A_505, %jit3A_506, %jit3A_503 : i32
        %rem3A_508 = arith.remsi %add3A_478, %select_n3A_507 : i32
        %ne3A_509 = arith.constant 0 : i32
        %ne3A_510 = arith.cmpi ne, %rem3A_508, %ne3A_509 : i32
        %lt3A_511 = arith.constant 0 : i32
        %lt3A_512 = arith.cmpi slt, %rem3A_508, %lt3A_511 : i32
        %lt3A_513 = arith.constant 0 : i32
        %lt3A_514 = arith.cmpi slt, %select_n3A_507, %lt3A_513 : i32
        %ne3A_515 = arith.xori %lt3A_512, %lt3A_514 : i1
        %and3A_516 = arith.andi %ne3A_515, %ne3A_510 : i1
        %add3A_517 = arith.addi %rem3A_508, %select_n3A_507 : i32
        %select_n3A_518 = arith.select %and3A_516, %add3A_517, %rem3A_508 : i32
        %mul3A_519 = arith.constant 12512 : i32
        %mul3A_520 = arith.muli %select_n3A_502, %mul3A_519 : i32
        %mul3A_521 = arith.constant 128 : i32
        %mul3A_522 = arith.muli %select_n3A_518, %mul3A_521 : i32
        %add3A_523 = arith.addi %mul3A_520, %mul3A_522 : i32
        %dma_wait3A_524 = arith.constant 0 : i32
        %dma_wait3A_525 = tpu.memref_slice %arg3[%add3A_523, %dma_wait3A_524] : memref<325312x128xf32, #tpu.memory_space<hbm>> -> memref<128x128xf32, #tpu.memory_space<hbm>>
        %dma_wait3A_526 = arith.constant 0 : i32
        %dma_wait3A_527 = tpu.memref_slice %arg3[%add3A_523, %dma_wait3A_526] : memref<325312x128xf32, #tpu.memory_space<hbm>> -> memref<128x128xf32, #tpu.memory_space<hbm>>
        tpu.wait_dma2 semaphore(%arg13 : memref<!tpu.dma_semaphore, #tpu.memory_space<semaphore_mem>>) src(%arg7 : memref<128x128xf32, #tpu.memory_space<vmem>>) dst(%dma_wait3A_527 : memref<128x128xf32, #tpu.memory_space<hbm>>)
      } else {
      }
      %parallel_loop3A_411 = arith.constant 0 : i32
      %parallel_loop3A_412 = arith.constant 128 : i32
      %parallel_loop3A_413 = arith.constant 1 : i32
      scf.for %parallel_loop3A_474 = %parallel_loop3A_411 to %parallel_loop3A_412 step %parallel_loop3A_413  : i32 {
        %parallel_loop3A_475 = arith.constant 8 : i32
        %parallel_loop3A_476 = arith.muli %parallel_loop3A_474, %parallel_loop3A_475 : i32
        %parallel_loop3A_477 = arith.constant 0 : i32
        %parallel_loop3A_478 = arith.addi %parallel_loop3A_476, %parallel_loop3A_477 : i32
        %parallel_loop3A_479 = vector.broadcast %parallel_loop3A_478 : i32 to vector<16xi32>
        %parallel_loop3A_480 = tpu.vector_load_idx %arg5[%iota3A, %parallel_loop3A_479] : memref<16x1025xf32, #tpu.memory_space<vmem>>[vector<16xi32>, vector<16xi32>], vector<16xf32>,
        %parallel_loop3A_481 = arith.constant 8 : i32
        %parallel_loop3A_482 = arith.muli %parallel_loop3A_474, %parallel_loop3A_481 : i32
        %parallel_loop3A_483 = arith.constant 1 : i32
        %parallel_loop3A_484 = arith.addi %parallel_loop3A_482, %parallel_loop3A_483 : i32
        %parallel_loop3A_485 = vector.broadcast %parallel_loop3A_484 : i32 to vector<16xi32>
        %parallel_loop3A_486 = tpu.vector_load_idx %arg5[%iota3A, %parallel_loop3A_485] : memref<16x1025xf32, #tpu.memory_space<vmem>>[vector<16xi32>, vector<16xi32>], vector<16xf32>,
        %parallel_loop3A_487 = arith.constant 8 : i32
        %parallel_loop3A_488 = arith.muli %parallel_loop3A_474, %parallel_loop3A_487 : i32
        %parallel_loop3A_489 = arith.constant 2 : i32
        %parallel_loop3A_490 = arith.addi %parallel_loop3A_488, %parallel_loop3A_489 : i32
        %parallel_loop3A_491 = vector.broadcast %parallel_loop3A_490 : i32 to vector<16xi32>
        %parallel_loop3A_492 = tpu.vector_load_idx %arg5[%iota3A, %parallel_loop3A_491] : memref<16x1025xf32, #tpu.memory_space<vmem>>[vector<16xi32>, vector<16xi32>], vector<16xf32>,
        %parallel_loop3A_493 = arith.constant 8 : i32
        %parallel_loop3A_494 = arith.muli %parallel_loop3A_474, %parallel_loop3A_493 : i32
        %parallel_loop3A_495 = arith.constant 3 : i32
        %parallel_loop3A_496 = arith.addi %parallel_loop3A_494, %parallel_loop3A_495 : i32
        %parallel_loop3A_497 = vector.broadcast %parallel_loop3A_496 : i32 to vector<16xi32>
        %parallel_loop3A_498 = tpu.vector_load_idx %arg5[%iota3A, %parallel_loop3A_497] : memref<16x1025xf32, #tpu.memory_space<vmem>>[vector<16xi32>, vector<16xi32>], vector<16xf32>,
        %parallel_loop3A_499 = arith.constant 8 : i32
        %parallel_loop3A_500 = arith.muli %parallel_loop3A_474, %parallel_loop3A_499 : i32
        %parallel_loop3A_501 = arith.constant 4 : i32
        %parallel_loop3A_502 = arith.addi %parallel_loop3A_500, %parallel_loop3A_501 : i32
        %parallel_loop3A_503 = vector.broadcast %parallel_loop3A_502 : i32 to vector<16xi32>
        %parallel_loop3A_504 = tpu.vector_load_idx %arg5[%iota3A, %parallel_loop3A_503] : memref<16x1025xf32, #tpu.memory_space<vmem>>[vector<16xi32>, vector<16xi32>], vector<16xf32>,
        %parallel_loop3A_505 = arith.constant 8 : i32
        %parallel_loop3A_506 = arith.muli %parallel_loop3A_474, %parallel_loop3A_505 : i32
        %parallel_loop3A_507 = arith.constant 5 : i32
        %parallel_loop3A_508 = arith.addi %parallel_loop3A_506, %parallel_loop3A_507 : i32
        %parallel_loop3A_509 = vector.broadcast %parallel_loop3A_508 : i32 to vector<16xi32>
        %parallel_loop3A_510 = tpu.vector_load_idx %arg5[%iota3A, %parallel_loop3A_509] : memref<16x1025xf32, #tpu.memory_space<vmem>>[vector<16xi32>, vector<16xi32>], vector<16xf32>,
        %parallel_loop3A_511 = arith.constant 8 : i32
        %parallel_loop3A_512 = arith.muli %parallel_loop3A_474, %parallel_loop3A_511 : i32
        %parallel_loop3A_513 = arith.constant 6 : i32
        %parallel_loop3A_514 = arith.addi %parallel_loop3A_512, %parallel_loop3A_513 : i32
        %parallel_loop3A_515 = vector.broadcast %parallel_loop3A_514 : i32 to vector<16xi32>
        %parallel_loop3A_516 = tpu.vector_load_idx %arg5[%iota3A, %parallel_loop3A_515] : memref<16x1025xf32, #tpu.memory_space<vmem>>[vector<16xi32>, vector<16xi32>], vector<16xf32>,
        %parallel_loop3A_517 = arith.constant 8 : i32
        %parallel_loop3A_518 = arith.muli %parallel_loop3A_474, %parallel_loop3A_517 : i32
        %parallel_loop3A_519 = arith.constant 7 : i32
        %parallel_loop3A_520 = arith.addi %parallel_loop3A_518, %parallel_loop3A_519 : i32
        %parallel_loop3A_521 = vector.broadcast %parallel_loop3A_520 : i32 to vector<16xi32>
        %parallel_loop3A_522 = tpu.vector_load_idx %arg5[%iota3A, %parallel_loop3A_521] : memref<16x1025xf32, #tpu.memory_space<vmem>>[vector<16xi32>, vector<16xi32>], vector<16xf32>,
        %parallel_loop3A_523 = arith.index_cast %parallel_loop3A_474 : i32 to index
        %parallel_loop3A_524 = arith.constant 0 : index
        %parallel_loop3A_525 = tpu.vector_load %arg7[%parallel_loop3A_523, %parallel_loop3A_524] {strides = array<i32>} : memref<128x128xf32, #tpu.memory_space<vmem>>, vector<16xf32>,
        tpu.vector_store %arg7[%parallel_loop3A_523, %parallel_loop3A_524], %parallel_loop3A_480 {strides = array<i32>} : memref<128x128xf32, #tpu.memory_space<vmem>>, vector<16xf32>,
        %parallel_loop3A_526 = arith.index_cast %parallel_loop3A_474 : i32 to index
        %parallel_loop3A_527 = arith.constant 16 : index
        %parallel_loop3A_528 = tpu.vector_load %arg7[%parallel_loop3A_526, %parallel_loop3A_527] {strides = array<i32>} : memref<128x128xf32, #tpu.memory_space<vmem>>, vector<16xf32>,
        tpu.vector_store %arg7[%parallel_loop3A_526, %parallel_loop3A_527], %parallel_loop3A_486 {strides = array<i32>} : memref<128x128xf32, #tpu.memory_space<vmem>>, vector<16xf32>,
        %parallel_loop3A_529 = arith.index_cast %parallel_loop3A_474 : i32 to index
        %parallel_loop3A_530 = arith.constant 32 : index
        %parallel_loop3A_531 = tpu.vector_load %arg7[%parallel_loop3A_529, %parallel_loop3A_530] {strides = array<i32>} : memref<128x128xf32, #tpu.memory_space<vmem>>, vector<16xf32>,
        tpu.vector_store %arg7[%parallel_loop3A_529, %parallel_loop3A_530], %parallel_loop3A_492 {strides = array<i32>} : memref<128x128xf32, #tpu.memory_space<vmem>>, vector<16xf32>,
        %parallel_loop3A_532 = arith.index_cast %parallel_loop3A_474 : i32 to index
        %parallel_loop3A_533 = arith.constant 48 : index
        %parallel_loop3A_534 = tpu.vector_load %arg7[%parallel_loop3A_532, %parallel_loop3A_533] {strides = array<i32>} : memref<128x128xf32, #tpu.memory_space<vmem>>, vector<16xf32>,
        tpu.vector_store %arg7[%parallel_loop3A_532, %parallel_loop3A_533], %parallel_loop3A_498 {strides = array<i32>} : memref<128x128xf32, #tpu.memory_space<vmem>>, vector<16xf32>,
        %parallel_loop3A_535 = arith.index_cast %parallel_loop3A_474 : i32 to index
        %parallel_loop3A_536 = arith.constant 64 : index
        %parallel_loop3A_537 = tpu.vector_load %arg7[%parallel_loop3A_535, %parallel_loop3A_536] {strides = array<i32>} : memref<128x128xf32, #tpu.memory_space<vmem>>, vector<16xf32>,
        tpu.vector_store %arg7[%parallel_loop3A_535, %parallel_loop3A_536], %parallel_loop3A_504 {strides = array<i32>} : memref<128x128xf32, #tpu.memory_space<vmem>>, vector<16xf32>,
        %parallel_loop3A_538 = arith.index_cast %parallel_loop3A_474 : i32 to index
        %parallel_loop3A_539 = arith.constant 80 : index
        %parallel_loop3A_540 = tpu.vector_load %arg7[%parallel_loop3A_538, %parallel_loop3A_539] {strides = array<i32>} : memref<128x128xf32, #tpu.memory_space<vmem>>, vector<16xf32>,
        tpu.vector_store %arg7[%parallel_loop3A_538, %parallel_loop3A_539], %parallel_loop3A_510 {strides = array<i32>} : memref<128x128xf32, #tpu.memory_space<vmem>>, vector<16xf32>,
        %parallel_loop3A_541 = arith.index_cast %parallel_loop3A_474 : i32 to index
        %parallel_loop3A_542 = arith.constant 96 : index
        %parallel_loop3A_543 = tpu.vector_load %arg7[%parallel_loop3A_541, %parallel_loop3A_542] {strides = array<i32>} : memref<128x128xf32, #tpu.memory_space<vmem>>, vector<16xf32>,
        tpu.vector_store %arg7[%parallel_loop3A_541, %parallel_loop3A_542], %parallel_loop3A_516 {strides = array<i32>} : memref<128x128xf32, #tpu.memory_space<vmem>>, vector<16xf32>,
        %parallel_loop3A_544 = arith.index_cast %parallel_loop3A_474 : i32 to index
        %parallel_loop3A_545 = arith.constant 112 : index
        %parallel_loop3A_546 = tpu.vector_load %arg7[%parallel_loop3A_544, %parallel_loop3A_545] {strides = array<i32>} : memref<128x128xf32, #tpu.memory_space<vmem>>, vector<16xf32>,
        tpu.vector_store %arg7[%parallel_loop3A_544, %parallel_loop3A_545], %parallel_loop3A_522 {strides = array<i32>} : memref<128x128xf32, #tpu.memory_space<vmem>>, vector<16xf32>,
      } {sc.loop_unroll_factor = 2 : i64, sc.parallel_access}
      %mul3A_414 = arith.constant 32 : i32
      %mul3A_415 = arith.muli %add3A_348, %mul3A_414 : i32
      %add3A_416 = arith.addi %add3A, %mul3A_415 : i32
      %jit3A_417 = arith.constant 97 : i32
      %div3A_418 = arith.divsi %add3A_416, %jit3A_417 : i32
      %sign3A_419 = arith.constant 0 : i32
      %sign3A_420 = arith.cmpi sgt, %add3A_416, %sign3A_419 : i32
      %sign3A_421 = arith.extui %sign3A_420 : i1 to i32
      %sign3A_422 = arith.constant 0 : i32
      %sign3A_423 = arith.cmpi slt, %add3A_416, %sign3A_422 : i32
      %sign3A_424 = arith.extui %sign3A_423 : i1 to i32
      %sign3A_425 = arith.subi %sign3A_421, %sign3A_424 : i32
      %sign3A_426 = arith.constant 0 : i32
      %sign3A_427 = arith.cmpi sgt, %jit3A_417, %sign3A_426 : i32
      %sign3A_428 = arith.extui %sign3A_427 : i1 to i32
      %sign3A_429 = arith.constant 0 : i32
      %sign3A_430 = arith.cmpi slt, %jit3A_417, %sign3A_429 : i32
      %sign3A_431 = arith.extui %sign3A_430 : i1 to i32
      %sign3A_432 = arith.subi %sign3A_428, %sign3A_431 : i32
      %ne3A_433 = arith.cmpi ne, %sign3A_425, %sign3A_432 : i32
      %rem3A_434 = arith.remsi %add3A_416, %jit3A_417 : i32
      %ne3A_435 = arith.constant 0 : i32
      %ne3A_436 = arith.cmpi ne, %rem3A_434, %ne3A_435 : i32
      %and3A_437 = arith.andi %ne3A_433, %ne3A_436 : i1
      %sub3A_438 = arith.constant 1 : i32
      %sub3A_439 = arith.subi %div3A_418, %sub3A_438 : i32
      %select_n3A_440 = arith.select %and3A_437, %sub3A_439, %div3A_418 : i32
      %jit3A_441 = arith.constant 97 : i32
      %eq3A_442 = arith.constant 0 : i32
      %eq3A_443 = arith.cmpi eq, %jit3A_441, %eq3A_442 : i32
      %jit3A_444 = arith.constant 1 : i32
      %select_n3A_445 = arith.select %eq3A_443, %jit3A_444, %jit3A_441 : i32
      %rem3A_446 = arith.remsi %add3A_416, %select_n3A_445 : i32
      %ne3A_447 = arith.constant 0 : i32
      %ne3A_448 = arith.cmpi ne, %rem3A_446, %ne3A_447 : i32
      %lt3A_449 = arith.constant 0 : i32
      %lt3A_450 = arith.cmpi slt, %rem3A_446, %lt3A_449 : i32
      %lt3A_451 = arith.constant 0 : i32
      %lt3A_452 = arith.cmpi slt, %select_n3A_445, %lt3A_451 : i32
      %ne3A_453 = arith.xori %lt3A_450, %lt3A_452 : i1
      %and3A_454 = arith.andi %ne3A_453, %ne3A_448 : i1
      %add3A_455 = arith.addi %rem3A_446, %select_n3A_445 : i32
      %select_n3A_456 = arith.select %and3A_454, %add3A_455, %rem3A_446 : i32
      %mul3A_457 = arith.constant 12512 : i32
      %mul3A_458 = arith.muli %select_n3A_440, %mul3A_457 : i32
      %mul3A_459 = arith.constant 128 : i32
      %mul3A_460 = arith.muli %select_n3A_456, %mul3A_459 : i32
      %add3A_461 = arith.addi %mul3A_458, %mul3A_460 : i32
      %dma_start3A_462 = arith.constant 0 : i32
      %dma_start3A_463 = tpu.memref_slice %arg3[%add3A_461, %dma_start3A_462] : memref<325312x128xf32, #tpu.memory_space<hbm>> -> memref<128x128xf32, #tpu.memory_space<hbm>>
      %dma_start3A_464 = arith.constant 0 : i32
      %dma_start3A_465 = tpu.memref_slice %arg3[%add3A_461, %dma_start3A_464] : memref<325312x128xf32, #tpu.memory_space<hbm>> -> memref<128x128xf32, #tpu.memory_space<hbm>>
      tpu.enqueue_dma source(%arg7 : memref<128x128xf32, #tpu.memory_space<vmem>>) target(%dma_start3A_465 : memref<128x128xf32, #tpu.memory_space<hbm>>) target_semaphore(%arg13 : memref<!tpu.dma_semaphore, #tpu.memory_space<semaphore_mem>>)
      %add3A_466 = arith.constant 2 : i32
      %add3A_467 = arith.addi %add3A_348, %add3A_466 : i32
      %lt3A_468 = arith.constant 78 : i32
      %lt3A_469 = arith.cmpi slt, %add3A_467, %lt3A_468 : i32
      %convert_element_type3A_470 = arith.extui %lt3A_469 : i1 to i32
      %cond3A_471 = arith.constant 0 : i32
      %cond3A_472 = arith.cmpi ne, %convert_element_type3A_470, %cond3A_471 : i32
      scf.if %cond3A_472 {
        %add3A_474 = arith.constant 2 : i32
        %add3A_475 = arith.addi %add3A_348, %add3A_474 : i32
        %mul3A_476 = arith.constant 32 : i32
        %mul3A_477 = arith.muli %add3A_475, %mul3A_476 : i32
        %add3A_478 = arith.addi %add3A, %mul3A_477 : i32
        %jit3A_479 = arith.constant 97 : i32
        %div3A_480 = arith.divsi %add3A_478, %jit3A_479 : i32
        %sign3A_481 = arith.constant 0 : i32
        %sign3A_482 = arith.cmpi sgt, %add3A_478, %sign3A_481 : i32
        %sign3A_483 = arith.extui %sign3A_482 : i1 to i32
        %sign3A_484 = arith.constant 0 : i32
        %sign3A_485 = arith.cmpi slt, %add3A_478, %sign3A_484 : i32
        %sign3A_486 = arith.extui %sign3A_485 : i1 to i32
        %sign3A_487 = arith.subi %sign3A_483, %sign3A_486 : i32
        %sign3A_488 = arith.constant 0 : i32
        %sign3A_489 = arith.cmpi sgt, %jit3A_479, %sign3A_488 : i32
        %sign3A_490 = arith.extui %sign3A_489 : i1 to i32
        %sign3A_491 = arith.constant 0 : i32
        %sign3A_492 = arith.cmpi slt, %jit3A_479, %sign3A_491 : i32
        %sign3A_493 = arith.extui %sign3A_492 : i1 to i32
        %sign3A_494 = arith.subi %sign3A_490, %sign3A_493 : i32
        %ne3A_495 = arith.cmpi ne, %sign3A_487, %sign3A_494 : i32
        %rem3A_496 = arith.remsi %add3A_478, %jit3A_479 : i32
        %ne3A_497 = arith.constant 0 : i32
        %ne3A_498 = arith.cmpi ne, %rem3A_496, %ne3A_497 : i32
        %and3A_499 = arith.andi %ne3A_495, %ne3A_498 : i1
        %sub3A_500 = arith.constant 1 : i32
        %sub3A_501 = arith.subi %div3A_480, %sub3A_500 : i32
        %select_n3A_502 = arith.select %and3A_499, %sub3A_501, %div3A_480 : i32
        %jit3A_503 = arith.constant 97 : i32
        %eq3A_504 = arith.constant 0 : i32
        %eq3A_505 = arith.cmpi eq, %jit3A_503, %eq3A_504 : i32
        %jit3A_506 = arith.constant 1 : i32
        %select_n3A_507 = arith.select %eq3A_505, %jit3A_506, %jit3A_503 : i32
        %rem3A_508 = arith.remsi %add3A_478, %select_n3A_507 : i32
        %ne3A_509 = arith.constant 0 : i32
        %ne3A_510 = arith.cmpi ne, %rem3A_508, %ne3A_509 : i32
        %lt3A_511 = arith.constant 0 : i32
        %lt3A_512 = arith.cmpi slt, %rem3A_508, %lt3A_511 : i32
        %lt3A_513 = arith.constant 0 : i32
        %lt3A_514 = arith.cmpi slt, %select_n3A_507, %lt3A_513 : i32
        %ne3A_515 = arith.xori %lt3A_512, %lt3A_514 : i1
        %and3A_516 = arith.andi %ne3A_515, %ne3A_510 : i1
        %add3A_517 = arith.addi %rem3A_508, %select_n3A_507 : i32
        %select_n3A_518 = arith.select %and3A_516, %add3A_517, %rem3A_508 : i32
        %mul3A_519 = arith.constant 1024 : i32
        %mul3A_520 = arith.muli %select_n3A_518, %mul3A_519 : i32
        %dma_start3A_521 = arith.constant 0 : i32
        %dma_start3A_522 = arith.constant 0 : i32
        %dma_start3A_523 = tpu.memref_slice %arg5[%dma_start3A_521, %dma_start3A_522] : memref<16x1025xf32, #tpu.memory_space<vmem>> -> memref<16x1024xf32, #tpu.memory_space<vmem>>
        %dma_start3A_524 = arith.constant 0 : i32
        %dma_start3A_525 = tpu.memref_slice %arg2[%select_n3A_502, %dma_start3A_524, %mul3A_520] : memref<26x16x100000xf32, #tpu.memory_space<hbm>> -> memref<1x16x1024xf32, #tpu.memory_space<hbm>>
        %dma_start3A_526 = tpu.memref_squeeze %dma_start3A_525 : memref<1x16x1024xf32, #tpu.memory_space<hbm>> -> memref<16x1024xf32, #tpu.memory_space<hbm>>
        %dma_start3A_527 = arith.constant 0 : i32
        %dma_start3A_528 = arith.constant 0 : i32
        %dma_start3A_529 = tpu.memref_slice %arg5[%dma_start3A_527, %dma_start3A_528] : memref<16x1025xf32, #tpu.memory_space<vmem>> -> memref<16x1024xf32, #tpu.memory_space<vmem>>
        %dma_start3A_530 = arith.constant 0 : i32
        %dma_start3A_531 = tpu.memref_slice %arg2[%select_n3A_502, %dma_start3A_530, %mul3A_520] : memref<26x16x100000xf32, #tpu.memory_space<hbm>> -> memref<1x16x1024xf32, #tpu.memory_space<hbm>>
        %dma_start3A_532 = tpu.memref_squeeze %dma_start3A_531 : memref<1x16x1024xf32, #tpu.memory_space<hbm>> -> memref<16x1024xf32, #tpu.memory_space<hbm>>
        tpu.enqueue_dma source(%dma_start3A_532 : memref<16x1024xf32, #tpu.memory_space<hbm>>) target(%dma_start3A_529 : memref<16x1024xf32, #tpu.memory_space<vmem>>) target_semaphore(%arg11 : memref<!tpu.dma_semaphore, #tpu.memory_space<semaphore_mem>>)
      } else {
      }
      %scan3A_473 = arith.constant 0 : i32
      scf.yield %scan3A_473 : i32
    }
    %scan3A_107 = arith.constant 39 : i32
    %add3A_108 = arith.constant 2432 : i32
    %add3A_109 = arith.addi %add3A, %add3A_108 : i32
    %jit3A_110 = arith.constant 97 : i32
    %div3A_111 = arith.divsi %add3A_109, %jit3A_110 : i32
    %sign3A_112 = arith.constant 0 : i32
    %sign3A_113 = arith.cmpi sgt, %add3A_109, %sign3A_112 : i32
    %sign3A_114 = arith.extui %sign3A_113 : i1 to i32
    %sign3A_115 = arith.constant 0 : i32
    %sign3A_116 = arith.cmpi slt, %add3A_109, %sign3A_115 : i32
    %sign3A_117 = arith.extui %sign3A_116 : i1 to i32
    %sign3A_118 = arith.subi %sign3A_114, %sign3A_117 : i32
    %sign3A_119 = arith.constant 0 : i32
    %sign3A_120 = arith.cmpi sgt, %jit3A_110, %sign3A_119 : i32
    %sign3A_121 = arith.extui %sign3A_120 : i1 to i32
    %sign3A_122 = arith.constant 0 : i32
    %sign3A_123 = arith.cmpi slt, %jit3A_110, %sign3A_122 : i32
    %sign3A_124 = arith.extui %sign3A_123 : i1 to i32
    %sign3A_125 = arith.subi %sign3A_121, %sign3A_124 : i32
    %ne3A_126 = arith.cmpi ne, %sign3A_118, %sign3A_125 : i32
    %rem3A_127 = arith.remsi %add3A_109, %jit3A_110 : i32
    %ne3A_128 = arith.constant 0 : i32
    %ne3A_129 = arith.cmpi ne, %rem3A_127, %ne3A_128 : i32
    %and3A_130 = arith.andi %ne3A_126, %ne3A_129 : i1
    %sub3A_131 = arith.constant 1 : i32
    %sub3A_132 = arith.subi %div3A_111, %sub3A_131 : i32
    %select_n3A_133 = arith.select %and3A_130, %sub3A_132, %div3A_111 : i32
    %jit3A_134 = arith.constant 97 : i32
    %eq3A_135 = arith.constant 0 : i32
    %eq3A_136 = arith.cmpi eq, %jit3A_134, %eq3A_135 : i32
    %jit3A_137 = arith.constant 1 : i32
    %select_n3A_138 = arith.select %eq3A_136, %jit3A_137, %jit3A_134 : i32
    %rem3A_139 = arith.remsi %add3A_109, %select_n3A_138 : i32
    %ne3A_140 = arith.constant 0 : i32
    %ne3A_141 = arith.cmpi ne, %rem3A_139, %ne3A_140 : i32
    %lt3A_142 = arith.constant 0 : i32
    %lt3A_143 = arith.cmpi slt, %rem3A_139, %lt3A_142 : i32
    %lt3A_144 = arith.constant 0 : i32
    %lt3A_145 = arith.cmpi slt, %select_n3A_138, %lt3A_144 : i32
    %ne3A_146 = arith.xori %lt3A_143, %lt3A_145 : i1
    %and3A_147 = arith.andi %ne3A_146, %ne3A_141 : i1
    %add3A_148 = arith.addi %rem3A_139, %select_n3A_138 : i32
    %select_n3A_149 = arith.select %and3A_147, %add3A_148, %rem3A_139 : i32
    %mul3A_150 = arith.constant 12512 : i32
    %mul3A_151 = arith.muli %select_n3A_133, %mul3A_150 : i32
    %mul3A_152 = arith.constant 128 : i32
    %mul3A_153 = arith.muli %select_n3A_149, %mul3A_152 : i32
    %add3A_154 = arith.addi %mul3A_151, %mul3A_153 : i32
    %dma_wait3A = arith.constant 0 : i32
    %dma_wait3A_155 = tpu.memref_slice %arg3[%add3A_154, %dma_wait3A] : memref<325312x128xf32, #tpu.memory_space<hbm>> -> memref<128x128xf32, #tpu.memory_space<hbm>>
    %dma_wait3A_156 = arith.constant 0 : i32
    %dma_wait3A_157 = tpu.memref_slice %arg3[%add3A_154, %dma_wait3A_156] : memref<325312x128xf32, #tpu.memory_space<hbm>> -> memref<128x128xf32, #tpu.memory_space<hbm>>
    tpu.wait_dma2 semaphore(%arg12 : memref<!tpu.dma_semaphore, #tpu.memory_space<semaphore_mem>>) src(%arg6 : memref<128x128xf32, #tpu.memory_space<vmem>>) dst(%dma_wait3A_157 : memref<128x128xf32, #tpu.memory_space<hbm>>)
    %add3A_158 = arith.constant 2464 : i32
    %add3A_159 = arith.addi %add3A, %add3A_158 : i32
    %jit3A_160 = arith.constant 97 : i32
    %div3A_161 = arith.divsi %add3A_159, %jit3A_160 : i32
    %sign3A_162 = arith.constant 0 : i32
    %sign3A_163 = arith.cmpi sgt, %add3A_159, %sign3A_162 : i32
    %sign3A_164 = arith.extui %sign3A_163 : i1 to i32
    %sign3A_165 = arith.constant 0 : i32
    %sign3A_166 = arith.cmpi slt, %add3A_159, %sign3A_165 : i32
    %sign3A_167 = arith.extui %sign3A_166 : i1 to i32
    %sign3A_168 = arith.subi %sign3A_164, %sign3A_167 : i32
    %sign3A_169 = arith.constant 0 : i32
    %sign3A_170 = arith.cmpi sgt, %jit3A_160, %sign3A_169 : i32
    %sign3A_171 = arith.extui %sign3A_170 : i1 to i32
    %sign3A_172 = arith.constant 0 : i32
    %sign3A_173 = arith.cmpi slt, %jit3A_160, %sign3A_172 : i32
    %sign3A_174 = arith.extui %sign3A_173 : i1 to i32
    %sign3A_175 = arith.subi %sign3A_171, %sign3A_174 : i32
    %ne3A_176 = arith.cmpi ne, %sign3A_168, %sign3A_175 : i32
    %rem3A_177 = arith.remsi %add3A_159, %jit3A_160 : i32
    %ne3A_178 = arith.constant 0 : i32
    %ne3A_179 = arith.cmpi ne, %rem3A_177, %ne3A_178 : i32
    %and3A_180 = arith.andi %ne3A_176, %ne3A_179 : i1
    %sub3A_181 = arith.constant 1 : i32
    %sub3A_182 = arith.subi %div3A_161, %sub3A_181 : i32
    %select_n3A_183 = arith.select %and3A_180, %sub3A_182, %div3A_161 : i32
    %jit3A_184 = arith.constant 97 : i32
    %eq3A_185 = arith.constant 0 : i32
    %eq3A_186 = arith.cmpi eq, %jit3A_184, %eq3A_185 : i32
    %jit3A_187 = arith.constant 1 : i32
    %select_n3A_188 = arith.select %eq3A_186, %jit3A_187, %jit3A_184 : i32
    %rem3A_189 = arith.remsi %add3A_159, %select_n3A_188 : i32
    %ne3A_190 = arith.constant 0 : i32
    %ne3A_191 = arith.cmpi ne, %rem3A_189, %ne3A_190 : i32
    %lt3A_192 = arith.constant 0 : i32
    %lt3A_193 = arith.cmpi slt, %rem3A_189, %lt3A_192 : i32
    %lt3A_194 = arith.constant 0 : i32
    %lt3A_195 = arith.cmpi slt, %select_n3A_188, %lt3A_194 : i32
    %ne3A_196 = arith.xori %lt3A_193, %lt3A_195 : i1
    %and3A_197 = arith.andi %ne3A_196, %ne3A_191 : i1
    %add3A_198 = arith.addi %rem3A_189, %select_n3A_188 : i32
    %select_n3A_199 = arith.select %and3A_197, %add3A_198, %rem3A_189 : i32
    %mul3A_200 = arith.constant 12512 : i32
    %mul3A_201 = arith.muli %select_n3A_183, %mul3A_200 : i32
    %mul3A_202 = arith.constant 128 : i32
    %mul3A_203 = arith.muli %select_n3A_199, %mul3A_202 : i32
    %add3A_204 = arith.addi %mul3A_201, %mul3A_203 : i32
    %dma_wait3A_205 = arith.constant 0 : i32
    %dma_wait3A_206 = tpu.memref_slice %arg3[%add3A_204, %dma_wait3A_205] : memref<325312x128xf32, #tpu.memory_space<hbm>> -> memref<128x128xf32, #tpu.memory_space<hbm>>
    %dma_wait3A_207 = arith.constant 0 : i32
    %dma_wait3A_208 = tpu.memref_slice %arg3[%add3A_204, %dma_wait3A_207] : memref<325312x128xf32, #tpu.memory_space<hbm>> -> memref<128x128xf32, #tpu.memory_space<hbm>>
    tpu.wait_dma2 semaphore(%arg13 : memref<!tpu.dma_semaphore, #tpu.memory_space<semaphore_mem>>) src(%arg7 : memref<128x128xf32, #tpu.memory_space<vmem>>) dst(%dma_wait3A_208 : memref<128x128xf32, #tpu.memory_space<hbm>>)
    %lt3A_209 = arith.constant 26 : i32
    %lt3A_210 = arith.cmpi slt, %add3A, %lt3A_209 : i32
    %convert_element_type3A = arith.extui %lt3A_210 : i1 to i32
    %cond3A = arith.constant 0 : i32
    %cond3A_211 = arith.cmpi ne, %convert_element_type3A, %cond3A : i32
    scf.if %cond3A_211 {
      %add3A_217 = arith.constant 2496 : i32
      %add3A_218 = arith.addi %add3A_217, %add3A : i32
      %jit3A_219 = arith.constant 97 : i32
      %div3A_220 = arith.divsi %add3A_218, %jit3A_219 : i32
      %sign3A_221 = arith.constant 0 : i32
      %sign3A_222 = arith.cmpi sgt, %add3A_218, %sign3A_221 : i32
      %sign3A_223 = arith.extui %sign3A_222 : i1 to i32
      %sign3A_224 = arith.constant 0 : i32
      %sign3A_225 = arith.cmpi slt, %add3A_218, %sign3A_224 : i32
      %sign3A_226 = arith.extui %sign3A_225 : i1 to i32
      %sign3A_227 = arith.subi %sign3A_223, %sign3A_226 : i32
      %sign3A_228 = arith.constant 0 : i32
      %sign3A_229 = arith.cmpi sgt, %jit3A_219, %sign3A_228 : i32
      %sign3A_230 = arith.extui %sign3A_229 : i1 to i32
      %sign3A_231 = arith.constant 0 : i32
      %sign3A_232 = arith.cmpi slt, %jit3A_219, %sign3A_231 : i32
      %sign3A_233 = arith.extui %sign3A_232 : i1 to i32
      %sign3A_234 = arith.subi %sign3A_230, %sign3A_233 : i32
      %ne3A_235 = arith.cmpi ne, %sign3A_227, %sign3A_234 : i32
      %rem3A_236 = arith.remsi %add3A_218, %jit3A_219 : i32
      %ne3A_237 = arith.constant 0 : i32
      %ne3A_238 = arith.cmpi ne, %rem3A_236, %ne3A_237 : i32
      %and3A_239 = arith.andi %ne3A_235, %ne3A_238 : i1
      %sub3A_240 = arith.constant 1 : i32
      %sub3A_241 = arith.subi %div3A_220, %sub3A_240 : i32
      %select_n3A_242 = arith.select %and3A_239, %sub3A_241, %div3A_220 : i32
      %jit3A_243 = arith.constant 97 : i32
      %eq3A_244 = arith.constant 0 : i32
      %eq3A_245 = arith.cmpi eq, %jit3A_243, %eq3A_244 : i32
      %jit3A_246 = arith.constant 1 : i32
      %select_n3A_247 = arith.select %eq3A_245, %jit3A_246, %jit3A_243 : i32
      %rem3A_248 = arith.remsi %add3A_218, %select_n3A_247 : i32
      %ne3A_249 = arith.constant 0 : i32
      %ne3A_250 = arith.cmpi ne, %rem3A_248, %ne3A_249 : i32
      %lt3A_251 = arith.constant 0 : i32
      %lt3A_252 = arith.cmpi slt, %rem3A_248, %lt3A_251 : i32
      %lt3A_253 = arith.constant 0 : i32
      %lt3A_254 = arith.cmpi slt, %select_n3A_247, %lt3A_253 : i32
      %ne3A_255 = arith.xori %lt3A_252, %lt3A_254 : i1
      %and3A_256 = arith.andi %ne3A_255, %ne3A_250 : i1
      %add3A_257 = arith.addi %rem3A_248, %select_n3A_247 : i32
      %select_n3A_258 = arith.select %and3A_256, %add3A_257, %rem3A_248 : i32
      %mul3A_259 = arith.constant 1024 : i32
      %mul3A_260 = arith.muli %select_n3A_258, %mul3A_259 : i32
      "tpu.region"() ({
        %run_scoped3A = tpu.sem_alloc : memref<!tpu.dma_semaphore, #tpu.memory_space<semaphore_mem>>
        %dma_start3A_268 = arith.constant 0 : i32
        %dma_start3A_269 = arith.constant 0 : i32
        %dma_start3A_270 = tpu.memref_slice %arg4[%dma_start3A_268, %dma_start3A_269] : memref<16x1025xf32, #tpu.memory_space<vmem>> -> memref<16x1024xf32, #tpu.memory_space<vmem>>
        %dma_start3A_271 = arith.constant 0 : i32
        %dma_start3A_272 = tpu.memref_slice %arg2[%select_n3A_242, %dma_start3A_271, %mul3A_260] : memref<26x16x100000xf32, #tpu.memory_space<hbm>> -> memref<1x16x1024xf32, #tpu.memory_space<hbm>>
        %dma_start3A_273 = tpu.memref_squeeze %dma_start3A_272 : memref<1x16x1024xf32, #tpu.memory_space<hbm>> -> memref<16x1024xf32, #tpu.memory_space<hbm>>
        %dma_start3A_274 = arith.constant 0 : i32
        %dma_start3A_275 = arith.constant 0 : i32
        %dma_start3A_276 = tpu.memref_slice %arg4[%dma_start3A_274, %dma_start3A_275] : memref<16x1025xf32, #tpu.memory_space<vmem>> -> memref<16x1024xf32, #tpu.memory_space<vmem>>
        %dma_start3A_277 = arith.constant 0 : i32
        %dma_start3A_278 = tpu.memref_slice %arg2[%select_n3A_242, %dma_start3A_277, %mul3A_260] : memref<26x16x100000xf32, #tpu.memory_space<hbm>> -> memref<1x16x1024xf32, #tpu.memory_space<hbm>>
        %dma_start3A_279 = tpu.memref_squeeze %dma_start3A_278 : memref<1x16x1024xf32, #tpu.memory_space<hbm>> -> memref<16x1024xf32, #tpu.memory_space<hbm>>
        tpu.enqueue_dma source(%dma_start3A_279 : memref<16x1024xf32, #tpu.memory_space<hbm>>) target(%dma_start3A_276 : memref<16x1024xf32, #tpu.memory_space<vmem>>) target_semaphore(%run_scoped3A : memref<!tpu.dma_semaphore, #tpu.memory_space<semaphore_mem>>)
        %dma_wait3A_280 = arith.constant 0 : i32
        %dma_wait3A_281 = arith.constant 0 : i32
        %dma_wait3A_282 = tpu.memref_slice %arg4[%dma_wait3A_280, %dma_wait3A_281] : memref<16x1025xf32, #tpu.memory_space<vmem>> -> memref<16x1024xf32, #tpu.memory_space<vmem>>
        %dma_wait3A_283 = arith.constant 0 : i32
        %dma_wait3A_284 = tpu.memref_slice %arg2[%select_n3A_242, %dma_wait3A_283, %mul3A_260] : memref<26x16x100000xf32, #tpu.memory_space<hbm>> -> memref<1x16x1024xf32, #tpu.memory_space<hbm>>
        %dma_wait3A_285 = tpu.memref_squeeze %dma_wait3A_284 : memref<1x16x1024xf32, #tpu.memory_space<hbm>> -> memref<16x1024xf32, #tpu.memory_space<hbm>>
        %dma_wait3A_286 = arith.constant 0 : i32
        %dma_wait3A_287 = arith.constant 0 : i32
        %dma_wait3A_288 = tpu.memref_slice %arg4[%dma_wait3A_286, %dma_wait3A_287] : memref<16x1025xf32, #tpu.memory_space<vmem>> -> memref<16x1024xf32, #tpu.memory_space<vmem>>
        %dma_wait3A_289 = arith.constant 0 : i32
        %dma_wait3A_290 = tpu.memref_slice %arg2[%select_n3A_242, %dma_wait3A_289, %mul3A_260] : memref<26x16x100000xf32, #tpu.memory_space<hbm>> -> memref<1x16x1024xf32, #tpu.memory_space<hbm>>
        %dma_wait3A_291 = tpu.memref_squeeze %dma_wait3A_290 : memref<1x16x1024xf32, #tpu.memory_space<hbm>> -> memref<16x1024xf32, #tpu.memory_space<hbm>>
        tpu.wait_dma2 semaphore(%run_scoped3A : memref<!tpu.dma_semaphore, #tpu.memory_space<semaphore_mem>>) src(%dma_wait3A_291 : memref<16x1024xf32, #tpu.memory_space<hbm>>) dst(%dma_wait3A_288 : memref<16x1024xf32, #tpu.memory_space<vmem>>)
        tpu.yield
      }) : () -> ()
      %parallel_loop3A = arith.constant 0 : i32
      %parallel_loop3A_261 = arith.constant 128 : i32
      %parallel_loop3A_262 = arith.constant 1 : i32
      scf.for %parallel_loop3A_268 = %parallel_loop3A to %parallel_loop3A_261 step %parallel_loop3A_262  : i32 {
        %parallel_loop3A_269 = arith.constant 8 : i32
        %parallel_loop3A_270 = arith.muli %parallel_loop3A_268, %parallel_loop3A_269 : i32
        %parallel_loop3A_271 = arith.constant 0 : i32
        %parallel_loop3A_272 = arith.addi %parallel_loop3A_270, %parallel_loop3A_271 : i32
        %parallel_loop3A_273 = vector.broadcast %parallel_loop3A_272 : i32 to vector<16xi32>
        %parallel_loop3A_274 = tpu.vector_load_idx %arg4[%iota3A, %parallel_loop3A_273] : memref<16x1025xf32, #tpu.memory_space<vmem>>[vector<16xi32>, vector<16xi32>], vector<16xf32>,
        %parallel_loop3A_275 = arith.constant 8 : i32
        %parallel_loop3A_276 = arith.muli %parallel_loop3A_268, %parallel_loop3A_275 : i32
        %parallel_loop3A_277 = arith.constant 1 : i32
        %parallel_loop3A_278 = arith.addi %parallel_loop3A_276, %parallel_loop3A_277 : i32
        %parallel_loop3A_279 = vector.broadcast %parallel_loop3A_278 : i32 to vector<16xi32>
        %parallel_loop3A_280 = tpu.vector_load_idx %arg4[%iota3A, %parallel_loop3A_279] : memref<16x1025xf32, #tpu.memory_space<vmem>>[vector<16xi32>, vector<16xi32>], vector<16xf32>,
        %parallel_loop3A_281 = arith.constant 8 : i32
        %parallel_loop3A_282 = arith.muli %parallel_loop3A_268, %parallel_loop3A_281 : i32
        %parallel_loop3A_283 = arith.constant 2 : i32
        %parallel_loop3A_284 = arith.addi %parallel_loop3A_282, %parallel_loop3A_283 : i32
        %parallel_loop3A_285 = vector.broadcast %parallel_loop3A_284 : i32 to vector<16xi32>
        %parallel_loop3A_286 = tpu.vector_load_idx %arg4[%iota3A, %parallel_loop3A_285] : memref<16x1025xf32, #tpu.memory_space<vmem>>[vector<16xi32>, vector<16xi32>], vector<16xf32>,
        %parallel_loop3A_287 = arith.constant 8 : i32
        %parallel_loop3A_288 = arith.muli %parallel_loop3A_268, %parallel_loop3A_287 : i32
        %parallel_loop3A_289 = arith.constant 3 : i32
        %parallel_loop3A_290 = arith.addi %parallel_loop3A_288, %parallel_loop3A_289 : i32
        %parallel_loop3A_291 = vector.broadcast %parallel_loop3A_290 : i32 to vector<16xi32>
        %parallel_loop3A_292 = tpu.vector_load_idx %arg4[%iota3A, %parallel_loop3A_291] : memref<16x1025xf32, #tpu.memory_space<vmem>>[vector<16xi32>, vector<16xi32>], vector<16xf32>,
        %parallel_loop3A_293 = arith.constant 8 : i32
        %parallel_loop3A_294 = arith.muli %parallel_loop3A_268, %parallel_loop3A_293 : i32
        %parallel_loop3A_295 = arith.constant 4 : i32
        %parallel_loop3A_296 = arith.addi %parallel_loop3A_294, %parallel_loop3A_295 : i32
        %parallel_loop3A_297 = vector.broadcast %parallel_loop3A_296 : i32 to vector<16xi32>
        %parallel_loop3A_298 = tpu.vector_load_idx %arg4[%iota3A, %parallel_loop3A_297] : memref<16x1025xf32, #tpu.memory_space<vmem>>[vector<16xi32>, vector<16xi32>], vector<16xf32>,
        %parallel_loop3A_299 = arith.constant 8 : i32
        %parallel_loop3A_300 = arith.muli %parallel_loop3A_268, %parallel_loop3A_299 : i32
        %parallel_loop3A_301 = arith.constant 5 : i32
        %parallel_loop3A_302 = arith.addi %parallel_loop3A_300, %parallel_loop3A_301 : i32
        %parallel_loop3A_303 = vector.broadcast %parallel_loop3A_302 : i32 to vector<16xi32>
        %parallel_loop3A_304 = tpu.vector_load_idx %arg4[%iota3A, %parallel_loop3A_303] : memref<16x1025xf32, #tpu.memory_space<vmem>>[vector<16xi32>, vector<16xi32>], vector<16xf32>,
        %parallel_loop3A_305 = arith.constant 8 : i32
        %parallel_loop3A_306 = arith.muli %parallel_loop3A_268, %parallel_loop3A_305 : i32
        %parallel_loop3A_307 = arith.constant 6 : i32
        %parallel_loop3A_308 = arith.addi %parallel_loop3A_306, %parallel_loop3A_307 : i32
        %parallel_loop3A_309 = vector.broadcast %parallel_loop3A_308 : i32 to vector<16xi32>
        %parallel_loop3A_310 = tpu.vector_load_idx %arg4[%iota3A, %parallel_loop3A_309] : memref<16x1025xf32, #tpu.memory_space<vmem>>[vector<16xi32>, vector<16xi32>], vector<16xf32>,
        %parallel_loop3A_311 = arith.constant 8 : i32
        %parallel_loop3A_312 = arith.muli %parallel_loop3A_268, %parallel_loop3A_311 : i32
        %parallel_loop3A_313 = arith.constant 7 : i32
        %parallel_loop3A_314 = arith.addi %parallel_loop3A_312, %parallel_loop3A_313 : i32
        %parallel_loop3A_315 = vector.broadcast %parallel_loop3A_314 : i32 to vector<16xi32>
        %parallel_loop3A_316 = tpu.vector_load_idx %arg4[%iota3A, %parallel_loop3A_315] : memref<16x1025xf32, #tpu.memory_space<vmem>>[vector<16xi32>, vector<16xi32>], vector<16xf32>,
        %parallel_loop3A_317 = arith.index_cast %parallel_loop3A_268 : i32 to index
        %parallel_loop3A_318 = arith.constant 0 : index
        %parallel_loop3A_319 = tpu.vector_load %arg6[%parallel_loop3A_317, %parallel_loop3A_318] {strides = array<i32>} : memref<128x128xf32, #tpu.memory_space<vmem>>, vector<16xf32>,
        tpu.vector_store %arg6[%parallel_loop3A_317, %parallel_loop3A_318], %parallel_loop3A_274 {strides = array<i32>} : memref<128x128xf32, #tpu.memory_space<vmem>>, vector<16xf32>,
        %parallel_loop3A_320 = arith.index_cast %parallel_loop3A_268 : i32 to index
        %parallel_loop3A_321 = arith.constant 16 : index
        %parallel_loop3A_322 = tpu.vector_load %arg6[%parallel_loop3A_320, %parallel_loop3A_321] {strides = array<i32>} : memref<128x128xf32, #tpu.memory_space<vmem>>, vector<16xf32>,
        tpu.vector_store %arg6[%parallel_loop3A_320, %parallel_loop3A_321], %parallel_loop3A_280 {strides = array<i32>} : memref<128x128xf32, #tpu.memory_space<vmem>>, vector<16xf32>,
        %parallel_loop3A_323 = arith.index_cast %parallel_loop3A_268 : i32 to index
        %parallel_loop3A_324 = arith.constant 32 : index
        %parallel_loop3A_325 = tpu.vector_load %arg6[%parallel_loop3A_323, %parallel_loop3A_324] {strides = array<i32>} : memref<128x128xf32, #tpu.memory_space<vmem>>, vector<16xf32>,
        tpu.vector_store %arg6[%parallel_loop3A_323, %parallel_loop3A_324], %parallel_loop3A_286 {strides = array<i32>} : memref<128x128xf32, #tpu.memory_space<vmem>>, vector<16xf32>,
        %parallel_loop3A_326 = arith.index_cast %parallel_loop3A_268 : i32 to index
        %parallel_loop3A_327 = arith.constant 48 : index
        %parallel_loop3A_328 = tpu.vector_load %arg6[%parallel_loop3A_326, %parallel_loop3A_327] {strides = array<i32>} : memref<128x128xf32, #tpu.memory_space<vmem>>, vector<16xf32>,
        tpu.vector_store %arg6[%parallel_loop3A_326, %parallel_loop3A_327], %parallel_loop3A_292 {strides = array<i32>} : memref<128x128xf32, #tpu.memory_space<vmem>>, vector<16xf32>,
        %parallel_loop3A_329 = arith.index_cast %parallel_loop3A_268 : i32 to index
        %parallel_loop3A_330 = arith.constant 64 : index
        %parallel_loop3A_331 = tpu.vector_load %arg6[%parallel_loop3A_329, %parallel_loop3A_330] {strides = array<i32>} : memref<128x128xf32, #tpu.memory_space<vmem>>, vector<16xf32>,
        tpu.vector_store %arg6[%parallel_loop3A_329, %parallel_loop3A_330], %parallel_loop3A_298 {strides = array<i32>} : memref<128x128xf32, #tpu.memory_space<vmem>>, vector<16xf32>,
        %parallel_loop3A_332 = arith.index_cast %parallel_loop3A_268 : i32 to index
        %parallel_loop3A_333 = arith.constant 80 : index
        %parallel_loop3A_334 = tpu.vector_load %arg6[%parallel_loop3A_332, %parallel_loop3A_333] {strides = array<i32>} : memref<128x128xf32, #tpu.memory_space<vmem>>, vector<16xf32>,
        tpu.vector_store %arg6[%parallel_loop3A_332, %parallel_loop3A_333], %parallel_loop3A_304 {strides = array<i32>} : memref<128x128xf32, #tpu.memory_space<vmem>>, vector<16xf32>,
        %parallel_loop3A_335 = arith.index_cast %parallel_loop3A_268 : i32 to index
        %parallel_loop3A_336 = arith.constant 96 : index
        %parallel_loop3A_337 = tpu.vector_load %arg6[%parallel_loop3A_335, %parallel_loop3A_336] {strides = array<i32>} : memref<128x128xf32, #tpu.memory_space<vmem>>, vector<16xf32>,
        tpu.vector_store %arg6[%parallel_loop3A_335, %parallel_loop3A_336], %parallel_loop3A_310 {strides = array<i32>} : memref<128x128xf32, #tpu.memory_space<vmem>>, vector<16xf32>,
        %parallel_loop3A_338 = arith.index_cast %parallel_loop3A_268 : i32 to index
        %parallel_loop3A_339 = arith.constant 112 : index
        %parallel_loop3A_340 = tpu.vector_load %arg6[%parallel_loop3A_338, %parallel_loop3A_339] {strides = array<i32>} : memref<128x128xf32, #tpu.memory_space<vmem>>, vector<16xf32>,
        tpu.vector_store %arg6[%parallel_loop3A_338, %parallel_loop3A_339], %parallel_loop3A_316 {strides = array<i32>} : memref<128x128xf32, #tpu.memory_space<vmem>>, vector<16xf32>,
      } {sc.loop_unroll_factor = 2 : i64, sc.parallel_access}
      %mul3A_263 = arith.constant 12512 : i32
      %mul3A_264 = arith.muli %select_n3A_242, %mul3A_263 : i32
      %mul3A_265 = arith.constant 128 : i32
      %mul3A_266 = arith.muli %select_n3A_258, %mul3A_265 : i32
      %add3A_267 = arith.addi %mul3A_264, %mul3A_266 : i32
      "tpu.region"() ({
        %run_scoped3A = tpu.sem_alloc : memref<!tpu.dma_semaphore, #tpu.memory_space<semaphore_mem>>
        %dma_start3A_268 = arith.constant 0 : i32
        %dma_start3A_269 = tpu.memref_slice %arg3[%add3A_267, %dma_start3A_268] : memref<325312x128xf32, #tpu.memory_space<hbm>> -> memref<128x128xf32, #tpu.memory_space<hbm>>
        %dma_start3A_270 = arith.constant 0 : i32
        %dma_start3A_271 = tpu.memref_slice %arg3[%add3A_267, %dma_start3A_270] : memref<325312x128xf32, #tpu.memory_space<hbm>> -> memref<128x128xf32, #tpu.memory_space<hbm>>
        tpu.enqueue_dma source(%arg6 : memref<128x128xf32, #tpu.memory_space<vmem>>) target(%dma_start3A_271 : memref<128x128xf32, #tpu.memory_space<hbm>>) target_semaphore(%run_scoped3A : memref<!tpu.dma_semaphore, #tpu.memory_space<semaphore_mem>>)
        %dma_wait3A_272 = arith.constant 0 : i32
        %dma_wait3A_273 = tpu.memref_slice %arg3[%add3A_267, %dma_wait3A_272] : memref<325312x128xf32, #tpu.memory_space<hbm>> -> memref<128x128xf32, #tpu.memory_space<hbm>>
        %dma_wait3A_274 = arith.constant 0 : i32
        %dma_wait3A_275 = tpu.memref_slice %arg3[%add3A_267, %dma_wait3A_274] : memref<325312x128xf32, #tpu.memory_space<hbm>> -> memref<128x128xf32, #tpu.memory_space<hbm>>
        tpu.wait_dma2 semaphore(%run_scoped3A : memref<!tpu.dma_semaphore, #tpu.memory_space<semaphore_mem>>) src(%arg6 : memref<128x128xf32, #tpu.memory_space<vmem>>) dst(%dma_wait3A_275 : memref<128x128xf32, #tpu.memory_space<hbm>>)
        tpu.yield
      }) : () -> ()
    } else {
    }
    %lt3A_212 = arith.constant 26 : i32
    %lt3A_213 = arith.cmpi slt, %add3A, %lt3A_212 : i32
    %convert_element_type3A_214 = arith.extui %lt3A_213 : i1 to i32
    %cond3A_215 = arith.constant 0 : i32
    %cond3A_216 = arith.cmpi ne, %convert_element_type3A_214, %cond3A_215 : i32
    scf.if %cond3A_216 {
      %mul3A_217 = arith.constant 0 : i32
      %mul3A_218 = arith.muli %add3A, %mul3A_217 : i32
      %add3A_219 = arith.constant 99328 : i32
      %add3A_220 = arith.addi %add3A_219, %mul3A_218 : i32
      "tpu.region"() ({
        %run_scoped3A = tpu.sem_alloc : memref<!tpu.dma_semaphore, #tpu.memory_space<semaphore_mem>>
        %dma_start3A_227 = arith.constant 0 : i32
        %dma_start3A_228 = arith.constant 0 : i32
        %dma_start3A_229 = tpu.memref_slice %arg8[%dma_start3A_227, %dma_start3A_228] : memref<16x769xf32, #tpu.memory_space<vmem>> -> memref<16x768xf32, #tpu.memory_space<vmem>>
        %dma_start3A_230 = arith.constant 0 : i32
        %dma_start3A_231 = tpu.memref_slice %arg2[%add3A, %dma_start3A_230, %add3A_220] : memref<26x16x100000xf32, #tpu.memory_space<hbm>> -> memref<1x16x768xf32, #tpu.memory_space<hbm>>
        %dma_start3A_232 = tpu.memref_squeeze %dma_start3A_231 : memref<1x16x768xf32, #tpu.memory_space<hbm>> -> memref<16x768xf32, #tpu.memory_space<hbm>>
        %dma_start3A_233 = arith.constant 0 : i32
        %dma_start3A_234 = arith.constant 0 : i32
        %dma_start3A_235 = tpu.memref_slice %arg8[%dma_start3A_233, %dma_start3A_234] : memref<16x769xf32, #tpu.memory_space<vmem>> -> memref<16x768xf32, #tpu.memory_space<vmem>>
        %dma_start3A_236 = arith.constant 0 : i32
        %dma_start3A_237 = tpu.memref_slice %arg2[%add3A, %dma_start3A_236, %add3A_220] : memref<26x16x100000xf32, #tpu.memory_space<hbm>> -> memref<1x16x768xf32, #tpu.memory_space<hbm>>
        %dma_start3A_238 = tpu.memref_squeeze %dma_start3A_237 : memref<1x16x768xf32, #tpu.memory_space<hbm>> -> memref<16x768xf32, #tpu.memory_space<hbm>>
        tpu.enqueue_dma source(%dma_start3A_238 : memref<16x768xf32, #tpu.memory_space<hbm>>) target(%dma_start3A_235 : memref<16x768xf32, #tpu.memory_space<vmem>>) target_semaphore(%run_scoped3A : memref<!tpu.dma_semaphore, #tpu.memory_space<semaphore_mem>>)
        %dma_wait3A_239 = arith.constant 0 : i32
        %dma_wait3A_240 = arith.constant 0 : i32
        %dma_wait3A_241 = tpu.memref_slice %arg8[%dma_wait3A_239, %dma_wait3A_240] : memref<16x769xf32, #tpu.memory_space<vmem>> -> memref<16x768xf32, #tpu.memory_space<vmem>>
        %dma_wait3A_242 = arith.constant 0 : i32
        %dma_wait3A_243 = tpu.memref_slice %arg2[%add3A, %dma_wait3A_242, %add3A_220] : memref<26x16x100000xf32, #tpu.memory_space<hbm>> -> memref<1x16x768xf32, #tpu.memory_space<hbm>>
        %dma_wait3A_244 = tpu.memref_squeeze %dma_wait3A_243 : memref<1x16x768xf32, #tpu.memory_space<hbm>> -> memref<16x768xf32, #tpu.memory_space<hbm>>
        %dma_wait3A_245 = arith.constant 0 : i32
        %dma_wait3A_246 = arith.constant 0 : i32
        %dma_wait3A_247 = tpu.memref_slice %arg8[%dma_wait3A_245, %dma_wait3A_246] : memref<16x769xf32, #tpu.memory_space<vmem>> -> memref<16x768xf32, #tpu.memory_space<vmem>>
        %dma_wait3A_248 = arith.constant 0 : i32
        %dma_wait3A_249 = tpu.memref_slice %arg2[%add3A, %dma_wait3A_248, %add3A_220] : memref<26x16x100000xf32, #tpu.memory_space<hbm>> -> memref<1x16x768xf32, #tpu.memory_space<hbm>>
        %dma_wait3A_250 = tpu.memref_squeeze %dma_wait3A_249 : memref<1x16x768xf32, #tpu.memory_space<hbm>> -> memref<16x768xf32, #tpu.memory_space<hbm>>
        tpu.wait_dma2 semaphore(%run_scoped3A : memref<!tpu.dma_semaphore, #tpu.memory_space<semaphore_mem>>) src(%dma_wait3A_250 : memref<16x768xf32, #tpu.memory_space<hbm>>) dst(%dma_wait3A_247 : memref<16x768xf32, #tpu.memory_space<vmem>>)
        tpu.yield
      }) : () -> ()
      %parallel_loop3A = arith.constant 0 : i32
      %parallel_loop3A_221 = arith.constant 96 : i32
      %parallel_loop3A_222 = arith.constant 1 : i32
      scf.for %parallel_loop3A_227 = %parallel_loop3A to %parallel_loop3A_221 step %parallel_loop3A_222  : i32 {
        %parallel_loop3A_228 = arith.constant 8 : i32
        %parallel_loop3A_229 = arith.muli %parallel_loop3A_227, %parallel_loop3A_228 : i32
        %parallel_loop3A_230 = arith.constant 0 : i32
        %parallel_loop3A_231 = arith.addi %parallel_loop3A_229, %parallel_loop3A_230 : i32
        %parallel_loop3A_232 = vector.broadcast %parallel_loop3A_231 : i32 to vector<16xi32>
        %parallel_loop3A_233 = tpu.vector_load_idx %arg8[%iota3A, %parallel_loop3A_232] : memref<16x769xf32, #tpu.memory_space<vmem>>[vector<16xi32>, vector<16xi32>], vector<16xf32>,
        %parallel_loop3A_234 = arith.constant 8 : i32
        %parallel_loop3A_235 = arith.muli %parallel_loop3A_227, %parallel_loop3A_234 : i32
        %parallel_loop3A_236 = arith.constant 1 : i32
        %parallel_loop3A_237 = arith.addi %parallel_loop3A_235, %parallel_loop3A_236 : i32
        %parallel_loop3A_238 = vector.broadcast %parallel_loop3A_237 : i32 to vector<16xi32>
        %parallel_loop3A_239 = tpu.vector_load_idx %arg8[%iota3A, %parallel_loop3A_238] : memref<16x769xf32, #tpu.memory_space<vmem>>[vector<16xi32>, vector<16xi32>], vector<16xf32>,
        %parallel_loop3A_240 = arith.constant 8 : i32
        %parallel_loop3A_241 = arith.muli %parallel_loop3A_227, %parallel_loop3A_240 : i32
        %parallel_loop3A_242 = arith.constant 2 : i32
        %parallel_loop3A_243 = arith.addi %parallel_loop3A_241, %parallel_loop3A_242 : i32
        %parallel_loop3A_244 = vector.broadcast %parallel_loop3A_243 : i32 to vector<16xi32>
        %parallel_loop3A_245 = tpu.vector_load_idx %arg8[%iota3A, %parallel_loop3A_244] : memref<16x769xf32, #tpu.memory_space<vmem>>[vector<16xi32>, vector<16xi32>], vector<16xf32>,
        %parallel_loop3A_246 = arith.constant 8 : i32
        %parallel_loop3A_247 = arith.muli %parallel_loop3A_227, %parallel_loop3A_246 : i32
        %parallel_loop3A_248 = arith.constant 3 : i32
        %parallel_loop3A_249 = arith.addi %parallel_loop3A_247, %parallel_loop3A_248 : i32
        %parallel_loop3A_250 = vector.broadcast %parallel_loop3A_249 : i32 to vector<16xi32>
        %parallel_loop3A_251 = tpu.vector_load_idx %arg8[%iota3A, %parallel_loop3A_250] : memref<16x769xf32, #tpu.memory_space<vmem>>[vector<16xi32>, vector<16xi32>], vector<16xf32>,
        %parallel_loop3A_252 = arith.constant 8 : i32
        %parallel_loop3A_253 = arith.muli %parallel_loop3A_227, %parallel_loop3A_252 : i32
        %parallel_loop3A_254 = arith.constant 4 : i32
        %parallel_loop3A_255 = arith.addi %parallel_loop3A_253, %parallel_loop3A_254 : i32
        %parallel_loop3A_256 = vector.broadcast %parallel_loop3A_255 : i32 to vector<16xi32>
        %parallel_loop3A_257 = tpu.vector_load_idx %arg8[%iota3A, %parallel_loop3A_256] : memref<16x769xf32, #tpu.memory_space<vmem>>[vector<16xi32>, vector<16xi32>], vector<16xf32>,
        %parallel_loop3A_258 = arith.constant 8 : i32
        %parallel_loop3A_259 = arith.muli %parallel_loop3A_227, %parallel_loop3A_258 : i32
        %parallel_loop3A_260 = arith.constant 5 : i32
        %parallel_loop3A_261 = arith.addi %parallel_loop3A_259, %parallel_loop3A_260 : i32
        %parallel_loop3A_262 = vector.broadcast %parallel_loop3A_261 : i32 to vector<16xi32>
        %parallel_loop3A_263 = tpu.vector_load_idx %arg8[%iota3A, %parallel_loop3A_262] : memref<16x769xf32, #tpu.memory_space<vmem>>[vector<16xi32>, vector<16xi32>], vector<16xf32>,
        %parallel_loop3A_264 = arith.constant 8 : i32
        %parallel_loop3A_265 = arith.muli %parallel_loop3A_227, %parallel_loop3A_264 : i32
        %parallel_loop3A_266 = arith.constant 6 : i32
        %parallel_loop3A_267 = arith.addi %parallel_loop3A_265, %parallel_loop3A_266 : i32
        %parallel_loop3A_268 = vector.broadcast %parallel_loop3A_267 : i32 to vector<16xi32>
        %parallel_loop3A_269 = tpu.vector_load_idx %arg8[%iota3A, %parallel_loop3A_268] : memref<16x769xf32, #tpu.memory_space<vmem>>[vector<16xi32>, vector<16xi32>], vector<16xf32>,
        %parallel_loop3A_270 = arith.constant 8 : i32
        %parallel_loop3A_271 = arith.muli %parallel_loop3A_227, %parallel_loop3A_270 : i32
        %parallel_loop3A_272 = arith.constant 7 : i32
        %parallel_loop3A_273 = arith.addi %parallel_loop3A_271, %parallel_loop3A_272 : i32
        %parallel_loop3A_274 = vector.broadcast %parallel_loop3A_273 : i32 to vector<16xi32>
        %parallel_loop3A_275 = tpu.vector_load_idx %arg8[%iota3A, %parallel_loop3A_274] : memref<16x769xf32, #tpu.memory_space<vmem>>[vector<16xi32>, vector<16xi32>], vector<16xf32>,
        %parallel_loop3A_276 = arith.index_cast %parallel_loop3A_227 : i32 to index
        %parallel_loop3A_277 = arith.constant 0 : index
        %parallel_loop3A_278 = tpu.vector_load %arg9[%parallel_loop3A_276, %parallel_loop3A_277] {strides = array<i32>} : memref<96x128xf32, #tpu.memory_space<vmem>>, vector<16xf32>,
        tpu.vector_store %arg9[%parallel_loop3A_276, %parallel_loop3A_277], %parallel_loop3A_233 {strides = array<i32>} : memref<96x128xf32, #tpu.memory_space<vmem>>, vector<16xf32>,
        %parallel_loop3A_279 = arith.index_cast %parallel_loop3A_227 : i32 to index
        %parallel_loop3A_280 = arith.constant 16 : index
        %parallel_loop3A_281 = tpu.vector_load %arg9[%parallel_loop3A_279, %parallel_loop3A_280] {strides = array<i32>} : memref<96x128xf32, #tpu.memory_space<vmem>>, vector<16xf32>,
        tpu.vector_store %arg9[%parallel_loop3A_279, %parallel_loop3A_280], %parallel_loop3A_239 {strides = array<i32>} : memref<96x128xf32, #tpu.memory_space<vmem>>, vector<16xf32>,
        %parallel_loop3A_282 = arith.index_cast %parallel_loop3A_227 : i32 to index
        %parallel_loop3A_283 = arith.constant 32 : index
        %parallel_loop3A_284 = tpu.vector_load %arg9[%parallel_loop3A_282, %parallel_loop3A_283] {strides = array<i32>} : memref<96x128xf32, #tpu.memory_space<vmem>>, vector<16xf32>,
        tpu.vector_store %arg9[%parallel_loop3A_282, %parallel_loop3A_283], %parallel_loop3A_245 {strides = array<i32>} : memref<96x128xf32, #tpu.memory_space<vmem>>, vector<16xf32>,
        %parallel_loop3A_285 = arith.index_cast %parallel_loop3A_227 : i32 to index
        %parallel_loop3A_286 = arith.constant 48 : index
        %parallel_loop3A_287 = tpu.vector_load %arg9[%parallel_loop3A_285, %parallel_loop3A_286] {strides = array<i32>} : memref<96x128xf32, #tpu.memory_space<vmem>>, vector<16xf32>,
        tpu.vector_store %arg9[%parallel_loop3A_285, %parallel_loop3A_286], %parallel_loop3A_251 {strides = array<i32>} : memref<96x128xf32, #tpu.memory_space<vmem>>, vector<16xf32>,
        %parallel_loop3A_288 = arith.index_cast %parallel_loop3A_227 : i32 to index
        %parallel_loop3A_289 = arith.constant 64 : index
        %parallel_loop3A_290 = tpu.vector_load %arg9[%parallel_loop3A_288, %parallel_loop3A_289] {strides = array<i32>} : memref<96x128xf32, #tpu.memory_space<vmem>>, vector<16xf32>,
        tpu.vector_store %arg9[%parallel_loop3A_288, %parallel_loop3A_289], %parallel_loop3A_257 {strides = array<i32>} : memref<96x128xf32, #tpu.memory_space<vmem>>, vector<16xf32>,
        %parallel_loop3A_291 = arith.index_cast %parallel_loop3A_227 : i32 to index
        %parallel_loop3A_292 = arith.constant 80 : index
        %parallel_loop3A_293 = tpu.vector_load %arg9[%parallel_loop3A_291, %parallel_loop3A_292] {strides = array<i32>} : memref<96x128xf32, #tpu.memory_space<vmem>>, vector<16xf32>,
        tpu.vector_store %arg9[%parallel_loop3A_291, %parallel_loop3A_292], %parallel_loop3A_263 {strides = array<i32>} : memref<96x128xf32, #tpu.memory_space<vmem>>, vector<16xf32>,
        %parallel_loop3A_294 = arith.index_cast %parallel_loop3A_227 : i32 to index
        %parallel_loop3A_295 = arith.constant 96 : index
        %parallel_loop3A_296 = tpu.vector_load %arg9[%parallel_loop3A_294, %parallel_loop3A_295] {strides = array<i32>} : memref<96x128xf32, #tpu.memory_space<vmem>>, vector<16xf32>,
        tpu.vector_store %arg9[%parallel_loop3A_294, %parallel_loop3A_295], %parallel_loop3A_269 {strides = array<i32>} : memref<96x128xf32, #tpu.memory_space<vmem>>, vector<16xf32>,
        %parallel_loop3A_297 = arith.index_cast %parallel_loop3A_227 : i32 to index
        %parallel_loop3A_298 = arith.constant 112 : index
        %parallel_loop3A_299 = tpu.vector_load %arg9[%parallel_loop3A_297, %parallel_loop3A_298] {strides = array<i32>} : memref<96x128xf32, #tpu.memory_space<vmem>>, vector<16xf32>,
        tpu.vector_store %arg9[%parallel_loop3A_297, %parallel_loop3A_298], %parallel_loop3A_275 {strides = array<i32>} : memref<96x128xf32, #tpu.memory_space<vmem>>, vector<16xf32>,
      } {sc.loop_unroll_factor = 2 : i64, sc.parallel_access}
      %mul3A_223 = arith.constant 12512 : i32
      %mul3A_224 = arith.muli %add3A, %mul3A_223 : i32
      %add3A_225 = arith.constant 12416 : i32
      %add3A_226 = arith.addi %mul3A_224, %add3A_225 : i32
      "tpu.region"() ({
        %run_scoped3A = tpu.sem_alloc : memref<!tpu.dma_semaphore, #tpu.memory_space<semaphore_mem>>
        %dma_start3A_227 = arith.constant 0 : i32
        %dma_start3A_228 = tpu.memref_slice %arg3[%add3A_226, %dma_start3A_227] : memref<325312x128xf32, #tpu.memory_space<hbm>> -> memref<96x128xf32, #tpu.memory_space<hbm>>
        %dma_start3A_229 = arith.constant 0 : i32
        %dma_start3A_230 = tpu.memref_slice %arg3[%add3A_226, %dma_start3A_229] : memref<325312x128xf32, #tpu.memory_space<hbm>> -> memref<96x128xf32, #tpu.memory_space<hbm>>
        tpu.enqueue_dma source(%arg9 : memref<96x128xf32, #tpu.memory_space<vmem>>) target(%dma_start3A_230 : memref<96x128xf32, #tpu.memory_space<hbm>>) target_semaphore(%run_scoped3A : memref<!tpu.dma_semaphore, #tpu.memory_space<semaphore_mem>>)
        %dma_wait3A_231 = arith.constant 0 : i32
        %dma_wait3A_232 = tpu.memref_slice %arg3[%add3A_226, %dma_wait3A_231] : memref<325312x128xf32, #tpu.memory_space<hbm>> -> memref<96x128xf32, #tpu.memory_space<hbm>>
        %dma_wait3A_233 = arith.constant 0 : i32
        %dma_wait3A_234 = tpu.memref_slice %arg3[%add3A_226, %dma_wait3A_233] : memref<325312x128xf32, #tpu.memory_space<hbm>> -> memref<96x128xf32, #tpu.memory_space<hbm>>
        tpu.wait_dma2 semaphore(%run_scoped3A : memref<!tpu.dma_semaphore, #tpu.memory_space<semaphore_mem>>) src(%arg9 : memref<96x128xf32, #tpu.memory_space<vmem>>) dst(%dma_wait3A_234 : memref<96x128xf32, #tpu.memory_space<hbm>>)
        tpu.yield
      }) : () -> ()
    } else {
    }
    return
  }
}

</mosaic_0001>

<sc_bundles>
// kernel: kernel.4.cloned.1.call-start
scs
__scs_entry_jumppad:
0x0: {  	(pc) =	sbr.rel $0x88, $3  }
0x1: {  	(tag) =	ssettag $0x0;
	lr =	simm.s32 $0x1  }
0x2: {  	[smem:$0x3F9C] =	sst lr;
	_ =	strace $0xD0000000  }
0x3: {  	_ = 	snop  }
0x4: {  	_ = 	snop  }
0x5: {  	_ = 	snop  }
0x6: {  	_ = 	snop  }
0x7: {  	_ = 	snop  }
__scs_overlays_trampoline_lowered:
0x8: {  	[smem:$0x3FAB] =	sst s0  }
0x9: {  	[smem:$0x3FAC] =	sst s1  }
0xa: {  	[smem:$0x3FAD] =	sst s2  }
0xb: {  	[smem:$0x3FAE] =	sst s3  }
0xc: {  	[smem:$0x3FAF] =	sst s4  }
0xd: {  	[smem:$0x3FB0] =	sst s5  }
0xe: {  	[smem:$0x3FB1] =	sst s6  }
0xf: {  	[smem:$0x3FB2] =	sst s7  }
0x10: {  	[smem:$0x3FB3] =	sst s8  }
0x11: {  	[smem:$0x3FB4] =	sst s9;
	s0 =	simm.s32 @!p0 $0x0  }
0x12: {  	s1 =	sld [smem:$0x3F9A];
	s0 =	simm.s32 @p0 $0x1  }
0x13: {  	[smem:$0x3FB5] =	sst s0;
	s0 =	simm.s32 @!p1 $0x0  }
0x14: {  	s2 =	sld [smem:$0x3F99];
	s0 =	simm.s32 @p1 $0x1  }
0x15: {  	[smem:$0x3FB6] =	sst s0;
	s0 =	simm.s32 @!p2 $0x0  }
0x16: {  	s3 =	sld [smem:$0x3FDB];
	s0 =	simm.s32 @p2 $0x1  }
0x17: {  	s4 =	simm.s32 $0x1BF5;
	[smem:$0x3FB8] =	sst s0  }
0x18: {  	s0 =	sld [smem:$0x3F9B];
	_ =	swait.ge [sflag:s4], $0x0  }
0x19: {  	s7 =	sld [smem:$0x3F9C]  }
0x1a: {  	s8 =	sadd.s32 $0xFFFFE003, lr  }
0x1b: {  	s9 =	sadd.s32 $0xFFFFFEF7, lr;
	s5 =	simm.s32 $0xFFFFFFFF;
	p2 =	slt.u32 s8, $0xFFFFF086  }
0x1c: {  	p1 =	slt.u32 s9, $0xF7A;
	s5 =	simm.s32 @!p2 $0x0  }
0x1d: {  	s5 =	simm.s32 @p1 $0x1;
	p0 =	seq.s32 s7, s2  }
0x1e: {  	s7 =	smul.u32 @!p0 $0xF7A, s2;
	p2 =	seq.s32 @!p0 s5, $0x0  }
0x1f: {  	s9 =	smul.u32 $0xF7A, s1;
	s8 =	simm.s32 @!p0 $0x1BF5;
	p2 =	por !p2, p0  }
0x20: {  	[sflag:s8] =	ssyncset.s32 @!p0 $0xFFFFF086;
	s6 =	sadd.s32 @!p0 s3, s7;
	s7 =	simm.s32 @!p0 $0x108  }
0x21: {  	s3 =	sadd.s32 s3, s9;
	s6 =	sadd.s32 @!p0 $0x88, s6;
	s7 =	simm.s32 @p2 $0x1082  }
0x22: {  	[simem:s7], [sflag:s8] =	dma.local @!p0 [hbm:s6], $0xF7A  }
0x23: {  	s9 =	sor.u32 $0xD0000000, s2;
	s6 =	simm.s32 $0x108;
	_ =	swait.ge @!p0 [sflag:s8], $0x0  }
0x24: {  	s3 =	sadd.s32 $0x88, s3;
	s6 =	simm.s32 @!p1 $0x1082;
	[sflag:s4] =	ssyncset.s32 $0xFFFFF086  }
0x25: {  	[simem:s6], [sflag:s4] =	dma.local [hbm:s3], $0xF7A  }
0x26: {  	[smem:$0x3F9C] =	sst s1;
	(tag) =	ssettag s2;
	_ =	strace s9  }
0x27: {  	s1 =	sld [smem:$0x3FAC]  }
0x28: {  	s2 =	sld [smem:$0x3FAD]  }
0x29: {  	s4 =	sld [smem:$0x3FAF]  }
0x2a: {  	p0 =	seq.s32 s5, $0x0;
	s5 =	sld [smem:$0x3FB0]  }
0x2b: {  	s6 =	sld [smem:$0x3FB1]  }
0x2c: {  	s7 =	sld [smem:$0x3FB2]  }
0x2d: {  	s3 =	simm.s32 $0x108;
	s8 =	sld [smem:$0x3FB3]  }
0x2e: {  	s3 =	simm.s32 @!p0 $0x1082;
	s9 =	sld [smem:$0x3FB4]  }
0x2f: {  	lr =	sadd.s32 s0, s3;
	s0 =	sld [smem:$0x3FAB]  }
0x30: {  	s3 =	sld [smem:$0x3FAE]  }
0x31: {  	[smem:$0x3FB7] =	sst s10  }
0x32: {  	s10 =	sld [smem:$0x3FB5];
	_ =	sdelay $0x3  }
0x33: {  	p0 =	seq.s32 s10, $0x1;
	s10 =	sld [smem:$0x3FB7];
	_ =	sdelay $0x3  }
0x34: {  	[smem:$0x3FB7] =	sst s10  }
0x35: {  	s10 =	sld [smem:$0x3FB6];
	_ =	sdelay $0x3  }
0x36: {  	p1 =	seq.s32 s10, $0x1;
	s10 =	sld [smem:$0x3FB7];
	_ =	sdelay $0x3  }
0x37: {  	[smem:$0x3FB7] =	sst s10  }
0x38: {  	s10 =	sld [smem:$0x3FB8]  }
0x39: {  	_ = 	snop;
	(pc) =	sbr.ind lr, $3  }
0x3a: {  	_ = 	snop  }
0x3b: {  	_ = 	snop  }
0x3c: {  	p2 =	seq.s32 s10, $0x1;
	s10 =	sld [smem:$0x3FB7]  }
0x3d: {  	_ =	shalt  }
0x3e: {  	_ =	shalt  }
0x3f: {  	_ =	shalt  }
0x40: {  	_ =	shalt  }
0x41: {  	_ =	shalt  }
0x42: {  	_ =	shalt  }
0x43: {  	_ =	shalt  }
0x44: {  	_ =	shalt  }
0x45: {  	_ =	shalt  }
0x46: {  	_ =	shalt  }
0x47: {  	_ =	shalt  }
0x48: {  	_ =	shalt  }
0x49: {  	_ =	shalt  }
0x4a: {  	_ =	shalt  }
0x4b: {  	_ =	shalt  }
0x4c: {  	_ =	shalt  }
0x4d: {  	_ =	shalt  }
0x4e: {  	_ =	shalt  }
0x4f: {  	_ =	shalt  }
0x50: {  	_ =	shalt  }
0x51: {  	_ =	shalt  }
0x52: {  	_ =	shalt  }
0x53: {  	_ =	shalt  }
0x54: {  	_ =	shalt  }
0x55: {  	_ =	shalt  }
0x56: {  	_ =	shalt  }
0x57: {  	_ =	shalt  }
0x58: {  	_ =	shalt  }
0x59: {  	_ =	shalt  }
0x5a: {  	_ =	shalt  }
0x5b: {  	_ =	shalt  }
0x5c: {  	_ =	shalt  }
0x5d: {  	_ =	shalt  }
0x5e: {  	_ =	shalt  }
0x5f: {  	_ =	shalt  }
0x60: {  	_ =	shalt  }
0x61: {  	_ =	shalt  }
0x62: {  	_ =	shalt  }
0x63: {  	_ =	shalt  }
0x64: {  	_ =	shalt  }
0x65: {  	_ =	shalt  }
0x66: {  	_ =	shalt  }
0x67: {  	_ =	shalt  }
0x68: {  	_ =	shalt  }
0x69: {  	_ =	shalt  }
0x6a: {  	_ =	shalt  }
0x6b: {  	_ =	shalt  }
0x6c: {  	_ =	shalt  }
0x6d: {  	_ =	shalt  }
0x6e: {  	_ =	shalt  }
0x6f: {  	_ =	shalt  }
0x70: {  	_ =	shalt  }
0x71: {  	_ =	shalt  }
0x72: {  	_ =	shalt  }
0x73: {  	_ =	shalt  }
0x74: {  	_ =	shalt  }
0x75: {  	_ =	shalt  }
0x76: {  	_ =	shalt  }
0x77: {  	_ =	shalt  }
0x78: {  	_ =	shalt  }
0x79: {  	_ =	shalt  }
0x7a: {  	_ =	shalt  }
0x7b: {  	_ =	shalt  }
0x7c: {  	_ =	shalt  }
0x7d: {  	_ =	shalt  }
0x7e: {  	_ =	shalt  }
0x7f: {  	_ =	shalt  }
0x80: {  	_ =	shalt  }
0x81: {  	_ =	shalt  }
0x82: {  	_ =	shalt  }
0x83: {  	_ =	shalt  }
0x84: {  	_ =	shalt  }
0x85: {  	_ =	shalt  }
0x86: {  	_ =	shalt  }
0x87: {  	_ =	shalt  }
.Lfunc_end0:
.L_simem_size_0:
called_computation_lowered:
.L_overlay_start_0:
0x88: {  	s2 =	sld [smem:$0x3FD9]  }
0x89: {  	s3 =	sld [smem:$0x3FFE];
	_ =	sdelay $0x1  }
0x8a: {  	s1 =	srdreg.scid  }
0x8b: {  	s0 =	sand.u32 $0x1, s1  }
0x8c: {  	s17 =	sshll.u32 s0, $0xA;
	s2 =	sadd.s32 s3, s2  }
0x8d: {  	s2 =	sadd.s32 s2, s17  }
0x8e: {  	[smem:$0x3FC3] =	sst s2  }
0x8f: {  	_ = 	snop  }
0x90: {  	s2 =	sld [smem:$0x3FC7];
	(tm) =	ssettm $0x1  }
0x91: {  	s18 =	sld [smem:$0x3FFB];
	_ =	sdelay $0x3  }
0x92: {  	_ =	strace s18  }
0x93: {  	s3 =	sld [smem:$0x3FFC];
	_ =	sdelay $0x3  }
0x94: {  	_ =	strace s3  }
0x95: {  	s3 =	sld [smem:$0x3FFD];
	_ =	sdelay $0x3  }
0x96: {  	_ =	strace s3  }
0x97: {  	_ =	strace $0x8FFFFFFF  }
0x98: {  	s19 =	sld [smem:$0x3FDB];
	_ =	sdelay $0x1  }
0x99: {  	s4 =	simm.s32 $_scs_section_size  }
0x9a: {  	s5 =	simm.s32 $_size__tile_overlayer_lowered;
	s6 =	simm.s32 $_tile_overlayer_lowered  }
0x9b: {  	s22 =	simm.s32 $0x1BFF;
	s21 =	sshll.u32 s6, $0x1;
	s3 =	sadd.s32 s4, s19  }
0x9c: {  	s7 =	simm.s32 $0x0;
	s20 =	sshll.u32 s5, $0x1;
	s5 =	sadd.s32 s21, s3  }
0x9d: {  	[timem:s7], [sflag:s22] =	dma.local [hbm:s5], s20  }
0x9e: {  	_ =	swait.ge [sflag:s22], s20  }
0x9f: {  	s4 =	ssub.s32 $0x0, s20;
	[sflag:s22] =	ssyncset.done $0x0  }
0xa0: {  	[sflag:s22] =	ssyncadd.s32 s4;
	_ =	sdelay $0x1  }
0xa1: {  	s23 =	simm.s32 $0x1B8B  }
0xa2: {  	_ =	swait.ge [sflag:s23], $0x1  }
0xa3: {  	[sflag:s23] =	ssyncset.done $0x0  }
0xa4: {  	s25 =	simm.s32 $0x1B8E;
	s24 =	sld [smem:$0x3FFE];
	[sflag:s23] =	ssyncadd.s32 $0xFFFFFFFF  }
0xa5: {  	s26 =	simm.s32 $execute0_lowered;
	[smem:$0x3FD2] =	sst s25  }
0xa6: {  	s5 =	sshll.u32 s26, $0x1;
	_ =	strace $0x80000046;
	[dreg:$0x1] =	wrdreg $0xFFFFFFFF  }
0xa7: {  	s28 =	simm.s32 $_size_execute0_lowered;
	s3 =	sadd.s32 s3, s5;
	[dreg:$0x0] =	wrdreg $0x0  }
0xa8: {  	s5 =	sshll.u32 s28, $0x1;
	[dreg:$0x2] =	wrdreg s3  }
0xa9: {  	[dreg:$0x3] =	wrdreg s5  }
0xaa: {  	[dreg:$0x4] =	wrdreg $0xC0  }
0xab: {  	_ =	task [dreg:s7], $0x5FFFF  }
0xac: {  	[dreg:$0x1] =	wrdreg $0xFFFFFFFF  }
0xad: {  	[dreg:$0x0] =	wrdreg $0x60  }
0xae: {  	[dreg:$0x2] =	wrdreg s2  }
0xaf: {  	[dreg:$0x3] =	wrdreg s24  }
0xb0: {  	[dreg:$0x4] =	wrdreg $0x9  }
0xb1: {  	_ =	task.clear_ibuf [dreg:s7], $0x5FFFF;
	_ =	strace $0x90000046  }
0xb2: {  	s29 =	simm.s32 $0x9;
	_ =	strace $0x80000048  }
0xb3: {  	_ =	swait.ge [sflag:s29], $0x1  }
0xb4: {  	[sflag:s29] =	ssyncadd.s32 $0xFFFFFFFF  }
0xb5: {  	_ =	strace $0x90000048  }
0xb6: {  	_ =	sfence  }
0xb7: {  	s30 =	sld [smem:$0x0];
	_ =	sdelay $0x2  }
0xb8: {  	s31 =	sshll.u32 s1, $0xD;
	s1 =	sshrl.u32 s1, $0x2  }
0xb9: {  	s3 =	sand.u32 $0x4000, s31;
	s1 =	sadd.s32 s1, s30  }
0xba: {  	s0 =	sor.u32 s3, s0;
	s1 =	sshll.u32 s1, $0x11  }
0xbb: {  	s0 =	sor.u32 s1, s0  }
0xbc: {  	s0 =	sadd.s32 $0x8F2B, s0  }
0xbd: {  	[sflag:s0] =	ssyncadd.remote.s32 $0x1  }
0xbe: {  	_ =	sfence.sel $0xFFFF  }
0xbf: {  	[dreg:$0x0] =	wrdreg $0xFFFFFFFF;
	(pc) =	sbr.abs _section_cstart, $3  }
0xc0: {  	[dreg:$0x1] =	wrdreg $0xFFFFFFFF  }
0xc1: {  	_ =	task.clear_ibuf [dreg:s7], $0x2FFFF;
	_ =	strace $0x9FFFFFFF  }
0xc2: {  	(tm) =	ssettm $0x7FFFFFFF  }
0xc3: {  	_ =	shalt  }
tec
execute0_lowered:
.L_overlay_start_1:
0x0: {  	(tag) =	ssettag $0x1  }
0x1: {  	s0 =	srdreg.scid  }
0x2: {  	s9 =	stileid.u32;
	s3 =	rddreg [dreg:$0x0]  }
0x3: {  	s6 =	rddreg [dreg:$0x1];
	s4 =	simm.s32 $0x0;
	s18 =	simm.s32 $0x4800  }
0x4: {  	s19 =	simm.s32 $0x6C00;
	s28 =	simm.s32 $0x11000;
	s31 =	simm.s32 $0x0  }
0x5: {  	s0 =	sand.u32 $0x1, s0;
	s1 =	sshll.u32 s9, $0x1;
	[smem:$0x7FF] =	sst s4  }
0x6: {  	v0 =	vimm.s32 $0x2780;
	vm0 =	vcmask $0x300;
	v1 =	vimm.s32 $0x1F80;
	p0 =	sgt.u32 s9, $0xC;
	s2 =	sor.u32 s0, s1;
	_ =	strace $0x80000047  }
0x7: {  	vm1 =	vcmask $0x704;
	v0 =	vsel vm0, $0x0, v0;
	v1 =	vsel vm0, $0x0, v1;
	s0 =	ssub.s32 $0x2, s0;
	s1 =	sor.u32 $0x9C0, s2;
	s23 =	smul.u32 $0x187000, s2  }
0x8: {  	vm15 =	vcmask $0xB08;
	v0 =	vsel vm1, $0x80, v0;
	v1 =	vsel vm1, $0x80, v1;
	s20 =	sshrl.u32 s0, $0x1;
	s8 =	sshll.u32 s2, $0xA;
	s5 =	smul.u32 $0xA8F, s1  }
0x9: {  	vm4 =	vcmask $0xF0C;
	v0 =	vsel vm15, $0x100, v0;
	v1 =	vsel vm15, $0x100, v1;
	s11 =	sor.u32 $0x60, s2;
	s0 =	ssub.s32 s0, s20;
	s10 =	sadd.s32 s3, s8  }
0xa: {  	vm5 =	vcmask $0x1310;
	v0 =	vsel vm4, $0x180, v0;
	v1 =	vsel vm4, $0x180, v1;
	s8 =	sor.u32 $0x40, s2;
	s20 =	simm.s32 $0x1;
	s5 =	sshrl.u32 s5, $0x12  }
0xb: {  	vm6 =	vcmask $0x1714;
	s21 =	sadd.s32 $0x8000, s10;
	v0 =	vsel vm5, $0x200, v0;
	v1 =	vsel vm5, $0x200, v1;
	[dreg:$0x3] =	wrdreg s10;
	s7 =	smul.u32 $0x61, s5  }
0xc: {  	vm7 =	vcmask $0x1B18;
	s24 =	sshrl.u32 s23, $0x3;
	s0 =	smax.u32 s0, $0x1;
	[dreg:$0x4] =	wrdreg s21;
	v0 =	vsel vm6, $0x280, v0;
	v1 =	vsel vm6, $0x280, v1  }
0xd: {  	vm8 =	vcmask $0x1F1C;
	s29 =	sadd.s32 $0x18700, s10;
	[dreg:$0x9] =	wrdreg s0;
	v0 =	vsel vm7, $0x300, v0;
	v1 =	vsel vm7, $0x300, v1;
	s1 =	ssub.s32 s1, s7  }
0xe: {  	vm9 =	vcmask $0x2320;
	s30 =	sadd.s32 $0x20700, s10;
	[dreg:$0xa] =	wrdreg s29;
	v0 =	vsel vm8, $0x380, v0;
	v1 =	vsel vm8, $0x380, v1;
	s1 =	sand.u32 $0xFFFF, s1  }
0xf: {  	vm10 =	vcmask $0x2724;
	s23 =	simm.s32 $0xD000;
	[dreg:$0xb] =	wrdreg s30;
	v0 =	vsel vm9, $0x2400, v0;
	v1 =	vsel vm9, $0x1C00, v1;
	s22 =	sshll.u32 s1, $0xA  }
0x10: {  	vm11 =	vcmask $0x2B28;
	s5 =	sadd.s32 $0xE00, s6;
	v0 =	vsel vm10, $0x2480, v0;
	v1 =	vsel vm10, $0x1C80, v1;
	s1 =	sshll.u32 s1, $0xB;
	s6 =	sadd.s32 s22, s3  }
.Ltmp0:
0x11: {  	vm12 =	vcmask $0x2F2C;
	v0 =	vsel vm11, $0x2500, v0;
	v1 =	vsel vm11, $0x1D00, v1;
	s1 =	sadd.s32 s1, s5;
	s6 =	sadd.s32 $0x4C5E00, s6;
	(pc) =	sbr.rel .LBB2_1-.Ltmp0, $4  }
0x12: {  	vm13 =	vcmask $0x3330;
	s25 =	sadd.s32 s3, s24;
	v0 =	vsel vm12, $0x2580, v0;
	v1 =	vsel vm12, $0x1D80, v1;
	s1 =	sadd.s32 $0x4C5E00, s1;
	[dreg:$0x5] =	wrdreg s6  }
0x13: {  	vm14 =	vcmask $0x3734;
	v0 =	vsel vm13, $0x2600, v0;
	v1 =	vsel vm13, $0x1E00, v1;
	[dreg:$0x6] =	wrdreg s1;
	s6 =	sadd.s32 s5, s24;
	s1 =	sadd.s32 $0x18400, s25  }
0x14: {  	vm15 =	vcmask $0x3B38;
	s21 =	simm.s32 $0x9000;
	v0 =	vsel vm14, $0x2680, v0;
	v1 =	vsel vm14, $0x1E80, v1;
	[dreg:$0x7] =	wrdreg s1;
	s26 =	sadd.s32 $0x30800, s6  }
0x15: {  	s22 =	simm.s32 $0x2;
	v0 =	vsel vm15, $0x2700, v0;
	v1 =	vsel vm15, $0x1F00, v1;
	[dreg:$0x8] =	wrdreg s26;
	s26 =	simm.s32 $0x5  }
.LBB2_14:
0x16: {  	s31 =	sadd.s32 $0x1, s31;
	s0 =	rddreg [dreg:$0x9]  }
0x17: {  	p1 =	sne.s32 s31, s0  }
.Ltmp1:
0x18: {  	_ = 	snop;
	(pc) =	sbr.rel @!p1 .LBB2_15-.Ltmp1, $1  }
0x19: {  	_ =	sdelay $0x3  }
.LBB2_1:
0x1a: {  	s0 =	rddreg [dreg:$0x3]  }
0x1b: {  	[tilespmem:s4], [sflag:$0x1] =	stream.linear.gather [hbm4b:s0+s4], $0x2000, $0x38;
	[tilespmem:$0x17800] =	vst v63  }
0x1c: {  	s25 =	rddreg [dreg:$0xa];
	s1 =	simm.s32 $0x2400  }
0x1d: {  	[tilespmem:s1], [sflag:$0x1] =	stream.linear.gather [hbm4b:s25+s4], $0x2000, $0x38;
	[tilespmem:$0x17800] =	vst v63  }
0x1e: {  	s29 =	rddreg [dreg:$0x4]  }
0x1f: {  	[tilespmem:s18], [sflag:$0x2] =	stream.linear.gather [hbm4b:s29+s4], $0x2000, $0x38;
	[tilespmem:$0x17800] =	vst v63  }
0x20: {  	s30 =	rddreg [dreg:$0xb];
	s1 =	simm.s32 $0x0  }
0x21: {  	[tilespmem:s19], [sflag:$0x2] =	stream.linear.gather [hbm4b:s30+s4], $0x2000, $0x38;
	[tilespmem:$0x17800] =	vst v63  }
.LBB2_2:
0x22: {  	s0 =	simm.s32 $0xF  }
0x23: {  	s6 =	simm.s32 $0x1;
	s24 =	simm.s32 $0x8;
	s25 =	simm.s32 $0x9;
	v2 =	vmov s0  }
0x24: {  	s7 =	simm.s32 $0xA;
	s9 =	simm.s32 $0xB;
	s10 =	simm.s32 $0xC;
	v3 =	vmov s6;
	v5 =	vmov s24;
	v6 =	vmov s25  }
0x25: {  	s12 =	simm.s32 $0xD;
	s13 =	simm.s32 $0xE;
	s15 =	simm.s32 $0x2;
	v7 =	vmov s7;
	v8 =	vmov s9;
	v9 =	vmov s10  }
0x26: {  	s16 =	simm.s32 $0x3;
	s17 =	simm.s32 $0x4;
	v10 =	vmov s12;
	v13 =	vmov s13;
	v52 =	vmov s15  }
0x27: {  	v53 =	vmov s16;
	v54 =	vmov s17;
	v4 =	vand.u32 $0x7F, v2  }
0x28: {  	v2 =	vshll.u32 v2, $0x3;
	v11 =	vand.u32 $0x78, v5;
	v12 =	vand.u32 $0x79, v6  }
0x29: {  	v14 =	vand.u32 $0x7A, v7;
	v15 =	vand.u32 $0x7B, v8;
	v16 =	vand.u32 $0x7C, v9  }
0x2a: {  	v17 =	vand.u32 $0x7D, v10;
	v18 =	vand.u32 $0x7E, v13;
	v5 =	vshll.u32 v5, $0x3  }
0x2b: {  	v6 =	vshll.u32 v6, $0x3;
	v7 =	vshll.u32 v7, $0x3;
	v8 =	vshll.u32 v8, $0x3  }
0x2c: {  	s9 =	simm.s32 $0x5;
	s10 =	simm.s32 $0x6;
	v9 =	vshll.u32 v9, $0x3;
	v13 =	vshll.u32 v13, $0x3;
	v10 =	vshll.u32 v10, $0x3  }
0x2d: {  	v55 =	vmov s9;
	v56 =	vmov s10;
	v2 =	vand.u32 $0x7FFFFC00, v2  }
0x2e: {  	_ =	swait.ge [sflag:s20], $0x4000;
	v13 =	vand.u32 $0x7FFFFC00, v13;
	v6 =	vand.u32 $0x7FFFFC00, v6;
	v2 =	vor.u32 v4, v2  }
0x2f: {  	p1 =	seq.s32 s1, $0x0;
	[sflag:s20] =	ssyncset.done $0x0;
	v4 =	vand.u32 $0x1C00, v5;
	v5 =	vor.u32 v18, v13;
	v2 =	vadd.s32 v0, v2  }
0x30: {  	s0 =	simm.s32 @!p1 $0x3;
	[sflag:s20] =	ssyncadd.s32 $0xFFFFC000;
	v7 =	vand.u32 $0x7FFFFC00, v7;
	v6 =	vor.u32 v12, v6;
	v5 =	vadd.s32 v0, v5  }
0x31: {  	_ =	swait.ge @!p1 [sflag:s0], $0x4000;
	v8 =	vand.u32 $0x7FFFFC00, v8;
	v7 =	vor.u32 v14, v7;
	v6 =	vadd.s32 v0, v6  }
0x32: {  	v9 =	vand.u32 $0x7FFFFC00, v9;
	[sflag:s0] =	ssyncset.done @!p1 $0x0;
	v8 =	vor.u32 v15, v8;
	v7 =	vadd.s32 v0, v7  }
0x33: {  	v58 =	vshll.u32 v3, $0x3;
	v9 =	vor.u32 v16, v9;
	[sflag:s0] =	ssyncadd.s32 @!p1 $0xFFFFC000;
	v8 =	vadd.s32 v0, v8  }
0x34: {  	s24 =	simm.s32 $0x7;
	v10 =	vand.u32 $0x7FFFFC00, v10;
	v4 =	vor.u32 v11, v4;
	v9 =	vadd.s32 v0, v9;
	v11 =	vld.idx.msk [tilespmem:v2+s4+$0x0], $0xffff  }
0x35: {  	v19 =	vmov s24;
	v10 =	vor.u32 v17, v10;
	v4 =	vadd.s32 v0, v4;
	v5 =	vld.idx.msk [tilespmem:v5+s4+$0x0], $0xffff  }
0x36: {  	v20 =	vshll.u32 v52, $0x3;
	v21 =	vshll.u32 v53, $0x3;
	v10 =	vadd.s32 v0, v10;
	v6 =	vld.idx.msk [tilespmem:v6+s4+$0x0], $0xffff  }
0x37: {  	v22 =	vshll.u32 v54, $0x3;
	v3 =	vand.u32 $0x71, v3;
	v60 =	vand.u32 $0x73, v53;
	v7 =	vld.idx.msk [tilespmem:v7+s4+$0x0], $0xffff  }
0x38: {  	v23 =	vshll.u32 v55, $0x3;
	v24 =	vshll.u32 v56, $0x3;
	v25 =	vshll.u32 v19, $0x3;
	v8 =	vld.idx.msk [tilespmem:v8+s4+$0x0], $0xffff  }
0x39: {  	v20 =	vand.u32 $0x1C00, v20;
	v21 =	vand.u32 $0x1C00, v21;
	v22 =	vand.u32 $0x1C00, v22;
	v9 =	vld.idx.msk [tilespmem:v9+s4+$0x0], $0xffff  }
0x3a: {  	s14 =	simm.s32 $0x0;
	s30 =	simm.s32 $0x9080;
	v61 =	vand.u32 $0x75, v55;
	v62 =	vand.u32 $0x76, v56;
	v18 =	vand.u32 $0x1C00, v58;
	v4 =	vld.idx.msk [tilespmem:v4+s4+$0x0], $0xffff  }
0x3b: {  	v23 =	vand.u32 $0x1C00, v23;
	v59 =	vand.u32 $0x1C00, v25;
	s0 =	sshll.u32 s1, $0x6;
	v2 =	vmov s14;
	v10 =	vld.idx.msk [tilespmem:v10+s4+$0x0], $0xffff;
	[tilespmem:s30+$0x60] =	vst v5  }
0x3c: {  	v12 =	vor.u32 v60, v21;
	v3 =	vor.u32 v3, v18;
	s29 =	sor.u32 s2, s0;
	v57 =	vshll.u32 v2, $0x3;
	[tilespmem:s30+$0x10] =	vst v6  }
0x3d: {  	v13 =	vor.u32 v61, v23;
	s25 =	smulhi.u32 $0x151D07EB, s29;
	v2 =	vand.u32 $0x70, v2;
	v17 =	vand.u32 $0x1C00, v57;
	[tilespmem:s30+$0x20] =	vst v7  }
0x3e: {  	v5 =	vand.u32 $0x1C00, v24;
	v6 =	vand.u32 $0x74, v54;
	v7 =	vor.u32 v2, v17;
	[tilespmem:s30+$0x30] =	vst v8  }
0x3f: {  	s10 =	sshrl.u32 s25, $0x3;
	v2 =	vand.u32 $0x77, v19;
	[tilespmem:s30+$0x0] =	vst v4;
	v4 =	vand.u32 $0x72, v52;
	v63 =	vor.u32 v6, v22  }
0x40: {  	s6 =	smul.u32 $0x61, s10;
	[tilespmem:s30+$0x40] =	vst v9;
	v9 =	vor.u32 v62, v5;
	v2 =	vor.u32 v2, v59;
	v8 =	vadd.s32 v0, v7  }
0x41: {  	[tilespmem:s30+$0x50] =	vst v10;
	v7 =	vadd.s32 v0, v3;
	v5 =	vadd.s32 v0, v12;
	v4 =	vor.u32 v4, v20  }
0x42: {  	s17 =	simm.s32 $0x0;
	s7 =	simm.s32 $0x1F;
	s13 =	ssub.s32 s29, s6;
	[tilespmem:s30+$0x70] =	vst v11;
	v3 =	vadd.s32 v0, v13;
	v6 =	vadd.s32 v0, v4;
	v4 =	vadd.s32 v0, v63  }
.LBB2_3:
0x43: {  	s6 =	sadd.s32 $0xFFFFFFF2, s7;
	s9 =	sadd.s32 $0xFFFFFFF3, s7;
	s12 =	sadd.s32 $0xFFFFFFF4, s7;
	v10 =	vmov s7;
	v9 =	vadd.s32 v0, v9;
	v11 =	vadd.s32 v0, v2  }
0x44: {  	s14 =	sadd.s32 $0xFFFFFFFA, s7;
	s15 =	sadd.s32 $0xFFFFFFFB, s7;
	v2 =	vmov s6;
	s6 =	sadd.s32 $0xFFFFFFF9, s7;
	v12 =	vand.u32 $0x7F, v10;
	v10 =	vshll.u32 v10, $0x3  }
0x45: {  	s16 =	sadd.s32 $0xFFFFFFFD, s7;
	s24 =	sadd.s32 $0xFFFFFFFE, s7;
	v14 =	vmov s14;
	v15 =	vmov s15;
	v13 =	vmov s6;
	s6 =	sadd.s32 $0xFFFFFFFC, s7  }
0x46: {  	s25 =	sadd.s32 $0xFFFFFFFF, s7;
	s14 =	sadd.s32 $0xFFFFFFF5, s7;
	s15 =	sadd.s32 $0xFFFFFFF6, s7;
	v17 =	vmov s16;
	v18 =	vmov s24;
	v16 =	vmov s6;
	v8 =	vld.idx.msk [tilespmem:v8+s4+$0x0], $0xffff  }
0x47: {  	s24 =	sadd.s32 $0xFFFFFFF1, s7;
	s16 =	sadd.s32 $0xFFFFFFF8, s7;
	v21 =	vmov s25;
	v20 =	vand.u32 $0x79, v14;
	s6 =	sadd.s32 $0xFFFFFFF7, s7;
	v19 =	vand.u32 $0x78, v13;
	v7 =	vld.idx.msk [tilespmem:v7+s4+$0x0], $0xffff  }
0x48: {  	v22 =	vand.u32 $0x7A, v15;
	v24 =	vand.u32 $0x7C, v17;
	v23 =	vand.u32 $0x7B, v16;
	v6 =	vld.idx.msk [tilespmem:v6+s4+$0x0], $0xffff  }
0x49: {  	s17 =	sadd.s32 $0x2, s17;
	v25 =	vand.u32 $0x7D, v18;
	v26 =	vand.u32 $0x7E, v21;
	v10 =	vand.u32 $0x7FFFFC00, v10;
	v5 =	vld.idx.msk [tilespmem:v5+s4+$0x0], $0xffff  }
0x4a: {  	p2 =	slt.u32 s17, $0x7E;
	v14 =	vshll.u32 v14, $0x3;
	v15 =	vshll.u32 v15, $0x3;
	v13 =	vshll.u32 v13, $0x3;
	v4 =	vld.idx.msk [tilespmem:v4+s4+$0x0], $0xffff  }
0x4b: {  	v17 =	vshll.u32 v17, $0x3;
	v21 =	vshll.u32 v21, $0x3;
	v16 =	vshll.u32 v16, $0x3;
	v3 =	vld.idx.msk [tilespmem:v3+s4+$0x0], $0xffff  }
0x4c: {  	v18 =	vshll.u32 v18, $0x3;
	v21 =	vand.u32 $0x7FFFFC00, v21;
	v10 =	vor.u32 v12, v10;
	v9 =	vld.idx.msk [tilespmem:v9+s4+$0x0], $0xffff  }
0x4d: {  	v12 =	vand.u32 $0x1C00, v13;
	v13 =	vor.u32 v26, v21;
	v10 =	vadd.s32 v0, v10;
	v11 =	vld.idx.msk [tilespmem:v11+s4+$0x0], $0xffff;
	[tilespmem:s30+$0xFFFFFF80] =	vst v8  }
0x4e: {  	v13 =	vadd.s32 v0, v13;
	v8 =	vor.u32 v19, v12;
	v12 =	vand.u32 $0x7FFFFC00, v14;
	[tilespmem:s30+$0xFFFFFF90] =	vst v7  }
0x4f: {  	v7 =	vadd.s32 v0, v8;
	v8 =	vor.u32 v20, v12;
	v12 =	vand.u32 $0x7FFFFC00, v15;
	[tilespmem:s30+$0xFFFFFFA0] =	vst v6  }
0x50: {  	v6 =	vadd.s32 v0, v8;
	v8 =	vor.u32 v22, v12;
	v12 =	vand.u32 $0x7FFFFC00, v16;
	[tilespmem:s30+$0xFFFFFFB0] =	vst v5  }
0x51: {  	v5 =	vadd.s32 v0, v8;
	v8 =	vor.u32 v23, v12;
	v12 =	vand.u32 $0x7FFFFC00, v17;
	[tilespmem:s30+$0xFFFFFFC0] =	vst v4  }
0x52: {  	v4 =	vadd.s32 v0, v8;
	v8 =	vor.u32 v24, v12;
	v12 =	vand.u32 $0x7FFFFC00, v18;
	v10 =	vld.idx.msk [tilespmem:v10+s4+$0x0], $0xffff;
	[tilespmem:s30+$0xFFFFFFD0] =	vst v3  }
0x53: {  	v3 =	vmov s24;
	v8 =	vadd.s32 v0, v8;
	v12 =	vor.u32 v25, v12;
	v13 =	vld.idx.msk [tilespmem:v13+s4+$0x0], $0xffff;
	[tilespmem:s30+$0xFFFFFFE0] =	vst v9  }
0x54: {  	v14 =	vmov s12;
	v9 =	vmov s9;
	v12 =	vadd.s32 v0, v12;
	v7 =	vld.idx.msk [tilespmem:v7+s4+$0x0], $0xffff;
	[tilespmem:s30+$0xFFFFFFF0] =	vst v11  }
0x55: {  	v15 =	vmov s15;
	v16 =	vmov s6;
	v11 =	vmov s14;
	v6 =	vld.idx.msk [tilespmem:v6+s4+$0x0], $0xffff  }
0x56: {  	v19 =	vmov s16;
	v18 =	vshll.u32 v2, $0x3;
	v17 =	vshll.u32 v3, $0x3;
	v5 =	vld.idx.msk [tilespmem:v5+s4+$0x0], $0xffff  }
0x57: {  	v21 =	vshll.u32 v14, $0x3;
	v20 =	vshll.u32 v9, $0x3;
	v22 =	vshll.u32 v11, $0x3;
	v4 =	vld.idx.msk [tilespmem:v4+s4+$0x0], $0xffff  }
0x58: {  	v23 =	vshll.u32 v15, $0x3;
	v24 =	vshll.u32 v16, $0x3;
	v25 =	vshll.u32 v19, $0x3;
	s30 =	sadd.s32 $0x100, s30;
	v8 =	vld.idx.msk [tilespmem:v8+s4+$0x0], $0xffff  }
0x59: {  	v18 =	vand.u32 $0x1C00, v18;
	v17 =	vand.u32 $0x1C00, v17;
	v20 =	vand.u32 $0x1C00, v20;
	v12 =	vld.idx.msk [tilespmem:v12+s4+$0x0], $0xffff;
	[tilespmem:s30+$0x60] =	vst v13  }
0x5a: {  	v13 =	vand.u32 $0x1C00, v21;
	v21 =	vand.u32 $0x1C00, v22;
	v22 =	vand.u32 $0x1C00, v23;
	[tilespmem:s30+$0x0] =	vst v7  }
0x5b: {  	v3 =	vand.u32 $0x70, v3;
	v23 =	vand.u32 $0x1C00, v25;
	v7 =	vand.u32 $0x1C00, v24;
	[tilespmem:s30+$0x10] =	vst v6  }
0x5c: {  	v2 =	vand.u32 $0x71, v2;
	v6 =	vand.u32 $0x72, v9;
	v9 =	vand.u32 $0x73, v14;
	[tilespmem:s30+$0x20] =	vst v5  }
0x5d: {  	v14 =	vand.u32 $0x76, v16;
	v5 =	vand.u32 $0x74, v11;
	v11 =	vand.u32 $0x75, v15;
	[tilespmem:s30+$0x30] =	vst v4  }
.Ltmp2:
0x5e: {  	v3 =	vor.u32 v3, v17;
	v4 =	vor.u32 v2, v18;
	v2 =	vand.u32 $0x77, v19;
	[tilespmem:s30+$0x40] =	vst v8;
	(pc) =	sbr.rel @p2 .LBB2_3-.Ltmp2, $4  }
0x5f: {  	v6 =	vor.u32 v6, v20;
	v13 =	vor.u32 v9, v13;
	v15 =	vor.u32 v5, v21;
	[tilespmem:s30+$0x50] =	vst v12  }
0x60: {  	v9 =	vor.u32 v14, v7;
	v11 =	vor.u32 v11, v22;
	v2 =	vor.u32 v2, v23;
	[tilespmem:s30+$0x70] =	vst v10  }
0x61: {  	v6 =	vadd.s32 v0, v6;
	v8 =	vadd.s32 v0, v3;
	v7 =	vadd.s32 v0, v4  }
0x62: {  	s7 =	sadd.s32 $0x10, s7;
	v5 =	vadd.s32 v0, v13;
	v4 =	vadd.s32 v0, v15;
	v3 =	vadd.s32 v0, v11  }
0x63: {  	_ =	sdelay $0x3  }
0x64: {  	v8 =	vld.idx.msk [tilespmem:v8+s4+$0x0], $0xffff  }
0x65: {  	v9 =	vadd.s32 v0, v9;
	v7 =	vld.idx.msk [tilespmem:v7+s4+$0x0], $0xffff  }
0x66: {  	v2 =	vadd.s32 v0, v2;
	v6 =	vld.idx.msk [tilespmem:v6+s4+$0x0], $0xffff  }
0x67: {  	v5 =	vld.idx.msk [tilespmem:v5+s4+$0x0], $0xffff  }
0x68: {  	v4 =	vld.idx.msk [tilespmem:v4+s4+$0x0], $0xffff  }
0x69: {  	v3 =	vld.idx.msk [tilespmem:v3+s4+$0x0], $0xffff  }
0x6a: {  	v9 =	vld.idx.msk [tilespmem:v9+s4+$0x0], $0xffff  }
0x6b: {  	v2 =	vld.idx.msk [tilespmem:v2+s4+$0x0], $0xffff;
	[tilespmem:s30+$0xFFFFFF80] =	vst v8  }
0x6c: {  	[tilespmem:s30+$0xFFFFFF90] =	vst v7  }
0x6d: {  	[tilespmem:s30+$0xFFFFFFA0] =	vst v6  }
0x6e: {  	[tilespmem:s30+$0xFFFFFFB0] =	vst v5  }
0x6f: {  	s6 =	smul.u32 $0x30E00, s10;
	[tilespmem:s30+$0xFFFFFFC0] =	vst v4  }
0x70: {  	p2 =	seq.s32 s1, $0x26;
	[tilespmem:s30+$0xFFFFFFD0] =	vst v3  }
0x71: {  	s7 =	sshll.u32 s13, $0xB;
	s9 =	sadd.s32 @!p2 s8, s0;
	s6 =	sadd.s32 s5, s6;
	[tilespmem:s30+$0xFFFFFFE0] =	vst v9  }
0x72: {  	s25 =	simm.s32 $0xD;
	s6 =	sadd.s32 s7, s6;
	s7 =	smulhi.u32 @!p2 $0x151D07EB, s9;
	[tilespmem:s30+$0xFFFFFFF0] =	vst v2  }
0x73: {  	[hbm4b:s6+s4] =	stream.linear.scatter [tilespmem:s21], [sflag:$0x3], $0x4000, $0x38;
	[tilespmem:$0x17800] =	vst v63  }
0x74: {  	s10 =	simm.s32 $0xE;
	v10 =	vmov s25;
	s6 =	sshrl.u32 @!p2 s7, $0x3  }
0x75: {  	v13 =	vmov s10;
	v17 =	vand.u32 $0x7D, v10;
	v10 =	vshll.u32 v10, $0x3;
	s7 =	smul.u32 @!p2 $0x61, s6  }
0x76: {  	s14 =	simm.s32 $0x1;
	s15 =	simm.s32 $0x8;
	s16 =	simm.s32 $0x9;
	v18 =	vand.u32 $0x7E, v13;
	v13 =	vshll.u32 v13, $0x3;
	v10 =	vand.u32 $0x7FFFFC00, v10  }
0x77: {  	s12 =	simm.s32 $0xA;
	v13 =	vand.u32 $0x7FFFFC00, v13;
	v10 =	vor.u32 v17, v10;
	v3 =	vmov s14;
	s6 =	smul.u32 @!p2 $0x187000, s6;
	s7 =	ssub.s32 @!p2 s9, s7  }
0x78: {  	s17 =	simm.s32 $0xB;
	v5 =	vmov s15;
	v6 =	vmov s16;
	v7 =	vmov s12;
	s7 =	sshll.u32 @!p2 s7, $0xD  }
0x79: {  	v8 =	vmov s17;
	v10 =	vadd.s32 v0, v10;
	v11 =	vand.u32 $0x78, v5;
	s6 =	sadd.s32 @!p2 s7, s6  }
0x7a: {  	s13 =	simm.s32 $0xF;
	s14 =	simm.s32 $0x3;
	v12 =	vand.u32 $0x79, v6;
	v14 =	vand.u32 $0x7A, v7;
	v15 =	vand.u32 $0x7B, v8;
	s6 =	sshrl.u32 @!p2 s6, $0x3  }
0x7b: {  	s15 =	simm.s32 $0x4;
	v5 =	vshll.u32 v5, $0x3;
	v6 =	vshll.u32 v6, $0x3;
	v7 =	vshll.u32 v7, $0x3;
	s7 =	simm.s32 @!p2 $0x0;
	s6 =	sadd.s32 @!p2 s3, s6  }
0x7c: {  	v8 =	vshll.u32 v8, $0x3;
	v53 =	vmov s14;
	v2 =	vmov s13;
	[tilespmem:s7], [sflag:$0x1] =	stream.linear.gather @!p2 [hbm4b:s6+s7], $0x2000, $0x38;
	[tilespmem:$0x17800] =	vst v63  }
0x7d: {  	s16 =	simm.s32 $0x5;
	v54 =	vmov s15;
	v4 =	vand.u32 $0x7F, v2;
	v2 =	vshll.u32 v2, $0x3;
	s9 =	simm.s32 @!p2 $0x2400;
	s6 =	sadd.s32 @!p2 $0x18700, s6  }
0x7e: {  	v55 =	vmov s16;
	v6 =	vand.u32 $0x7FFFFC00, v6;
	v2 =	vand.u32 $0x7FFFFC00, v2;
	[tilespmem:s9], [sflag:$0x1] =	stream.linear.gather @!p2 [hbm4b:s6+s7], $0x2000, $0x38;
	[tilespmem:$0x17800] =	vst v63  }
0x7f: {  	v7 =	vand.u32 $0x7FFFFC00, v7;
	v8 =	vand.u32 $0x7FFFFC00, v8;
	v2 =	vor.u32 v4, v2;
	_ =	swait.ge [sflag:s22], $0x4000  }
0x80: {  	v4 =	vand.u32 $0x1C00, v5;
	v5 =	vor.u32 v18, v13;
	v2 =	vadd.s32 v0, v2;
	[sflag:s22] =	ssyncset.done $0x0  }
0x81: {  	s24 =	simm.s32 $0xC;
	v6 =	vor.u32 v12, v6;
	v4 =	vor.u32 v11, v4;
	v5 =	vadd.s32 v0, v5;
	s6 =	simm.s32 @!p1 $0x4;
	[sflag:s22] =	ssyncadd.s32 $0xFFFFC000  }
0x82: {  	v7 =	vor.u32 v14, v7;
	v9 =	vmov s24;
	v4 =	vadd.s32 v0, v4;
	_ =	swait.ge @!p1 [sflag:s6], $0x4000  }
0x83: {  	v6 =	vadd.s32 v0, v6;
	v16 =	vand.u32 $0x7C, v9;
	v9 =	vshll.u32 v9, $0x3;
	[sflag:s6] =	ssyncset.done @!p1 $0x0  }
0x84: {  	s17 =	simm.s32 $0x6;
	v8 =	vor.u32 v15, v8;
	v7 =	vadd.s32 v0, v7;
	v9 =	vand.u32 $0x7FFFFC00, v9;
	[sflag:s6] =	ssyncadd.s32 @!p1 $0xFFFFC000  }
0x85: {  	v56 =	vmov s17;
	v8 =	vadd.s32 v0, v8;
	v9 =	vor.u32 v16, v9;
	v11 =	vld.idx.msk [tilespmem:v2+s18+$0x0], $0xffff  }
0x86: {  	v58 =	vshll.u32 v3, $0x3;
	v3 =	vand.u32 $0x71, v3;
	v9 =	vadd.s32 v0, v9;
	v5 =	vld.idx.msk [tilespmem:v5+s18+$0x0], $0xffff  }
0x87: {  	v21 =	vshll.u32 v53, $0x3;
	v22 =	vshll.u32 v54, $0x3;
	v23 =	vshll.u32 v55, $0x3;
	v4 =	vld.idx.msk [tilespmem:v4+s18+$0x0], $0xffff  }
0x88: {  	v24 =	vshll.u32 v56, $0x3;
	v60 =	vand.u32 $0x73, v53;
	v61 =	vand.u32 $0x75, v55;
	v6 =	vld.idx.msk [tilespmem:v6+s18+$0x0], $0xffff  }
0x89: {  	v62 =	vand.u32 $0x76, v56;
	v21 =	vand.u32 $0x1C00, v21;
	v22 =	vand.u32 $0x1C00, v22;
	s13 =	simm.s32 $0x2;
	s24 =	simm.s32 $0x7;
	v7 =	vld.idx.msk [tilespmem:v7+s18+$0x0], $0xffff  }
0x8a: {  	v23 =	vand.u32 $0x1C00, v23;
	v52 =	vmov s13;
	v19 =	vmov s24;
	v8 =	vld.idx.msk [tilespmem:v8+s18+$0x0], $0xffff  }
0x8b: {  	s12 =	simm.s32 $0x0;
	v12 =	vor.u32 v60, v21;
	s30 =	simm.s32 $0xD080;
	v20 =	vshll.u32 v52, $0x3;
	v25 =	vshll.u32 v19, $0x3;
	v9 =	vld.idx.msk [tilespmem:v9+s18+$0x0], $0xffff  }
0x8c: {  	v18 =	vand.u32 $0x1C00, v58;
	v20 =	vand.u32 $0x1C00, v20;
	v2 =	vmov s12;
	v10 =	vld.idx.msk [tilespmem:v10+s18+$0x0], $0xffff;
	[tilespmem:s30+$0x60] =	vst v5  }
0x8d: {  	s25 =	sor.u32 $0x20, s29;
	v59 =	vand.u32 $0x1C00, v25;
	v13 =	vor.u32 v61, v23;
	v57 =	vshll.u32 v2, $0x3;
	[tilespmem:s30+$0x0] =	vst v4  }
0x8e: {  	s29 =	smulhi.u32 $0x151D07EB, s25;
	v3 =	vor.u32 v3, v18;
	v2 =	vand.u32 $0x70, v2;
	v17 =	vand.u32 $0x1C00, v57;
	[tilespmem:s30+$0x10] =	vst v6  }
0x8f: {  	v5 =	vand.u32 $0x1C00, v24;
	v4 =	vand.u32 $0x72, v52;
	v6 =	vand.u32 $0x74, v54;
	[tilespmem:s30+$0x20] =	vst v7  }
0x90: {  	s10 =	sshrl.u32 s29, $0x3;
	v7 =	vor.u32 v2, v17;
	v2 =	vand.u32 $0x77, v19;
	[tilespmem:s30+$0x30] =	vst v8;
	v4 =	vor.u32 v4, v20  }
0x91: {  	s7 =	smul.u32 $0x61, s10;
	[tilespmem:s30+$0x40] =	vst v9;
	v63 =	vor.u32 v6, v22;
	v9 =	vor.u32 v62, v5;
	v2 =	vor.u32 v2, v59  }
0x92: {  	[tilespmem:s30+$0x50] =	vst v10;
	v8 =	vadd.s32 v0, v7;
	v7 =	vadd.s32 v0, v3;
	v5 =	vadd.s32 v0, v12  }
0x93: {  	s17 =	simm.s32 $0x0;
	s13 =	ssub.s32 s25, s7;
	s7 =	simm.s32 $0x1F;
	[tilespmem:s30+$0x70] =	vst v11;
	v3 =	vadd.s32 v0, v13;
	v6 =	vadd.s32 v0, v4;
	v4 =	vadd.s32 v0, v63  }
.LBB2_5:
0x94: {  	s6 =	sadd.s32 $0xFFFFFFF2, s7;
	s9 =	sadd.s32 $0xFFFFFFF3, s7;
	s12 =	sadd.s32 $0xFFFFFFF4, s7;
	v10 =	vmov s7;
	v9 =	vadd.s32 v0, v9;
	v11 =	vadd.s32 v0, v2  }
0x95: {  	s14 =	sadd.s32 $0xFFFFFFFA, s7;
	s15 =	sadd.s32 $0xFFFFFFFB, s7;
	v2 =	vmov s6;
	s6 =	sadd.s32 $0xFFFFFFF9, s7;
	v12 =	vand.u32 $0x7F, v10;
	v10 =	vshll.u32 v10, $0x3  }
0x96: {  	s16 =	sadd.s32 $0xFFFFFFFD, s7;
	s24 =	sadd.s32 $0xFFFFFFFE, s7;
	v14 =	vmov s14;
	v15 =	vmov s15;
	v13 =	vmov s6;
	s6 =	sadd.s32 $0xFFFFFFFC, s7  }
0x97: {  	s25 =	sadd.s32 $0xFFFFFFFF, s7;
	s14 =	sadd.s32 $0xFFFFFFF5, s7;
	s15 =	sadd.s32 $0xFFFFFFF6, s7;
	v17 =	vmov s16;
	v18 =	vmov s24;
	v16 =	vmov s6;
	v8 =	vld.idx.msk [tilespmem:v8+s18+$0x0], $0xffff  }
0x98: {  	s24 =	sadd.s32 $0xFFFFFFF1, s7;
	s16 =	sadd.s32 $0xFFFFFFF8, s7;
	v21 =	vmov s25;
	v20 =	vand.u32 $0x79, v14;
	s6 =	sadd.s32 $0xFFFFFFF7, s7;
	v19 =	vand.u32 $0x78, v13;
	v7 =	vld.idx.msk [tilespmem:v7+s18+$0x0], $0xffff  }
0x99: {  	v22 =	vand.u32 $0x7A, v15;
	v24 =	vand.u32 $0x7C, v17;
	v23 =	vand.u32 $0x7B, v16;
	v6 =	vld.idx.msk [tilespmem:v6+s18+$0x0], $0xffff  }
0x9a: {  	s17 =	sadd.s32 $0x2, s17;
	v25 =	vand.u32 $0x7D, v18;
	v26 =	vand.u32 $0x7E, v21;
	v10 =	vand.u32 $0x7FFFFC00, v10;
	v5 =	vld.idx.msk [tilespmem:v5+s18+$0x0], $0xffff  }
0x9b: {  	p1 =	slt.u32 s17, $0x7E;
	v14 =	vshll.u32 v14, $0x3;
	v15 =	vshll.u32 v15, $0x3;
	v13 =	vshll.u32 v13, $0x3;
	v4 =	vld.idx.msk [tilespmem:v4+s18+$0x0], $0xffff  }
0x9c: {  	v17 =	vshll.u32 v17, $0x3;
	v21 =	vshll.u32 v21, $0x3;
	v16 =	vshll.u32 v16, $0x3;
	v3 =	vld.idx.msk [tilespmem:v3+s18+$0x0], $0xffff  }
0x9d: {  	v18 =	vshll.u32 v18, $0x3;
	v21 =	vand.u32 $0x7FFFFC00, v21;
	v10 =	vor.u32 v12, v10;
	v9 =	vld.idx.msk [tilespmem:v9+s18+$0x0], $0xffff  }
0x9e: {  	v12 =	vand.u32 $0x1C00, v13;
	v13 =	vor.u32 v26, v21;
	v10 =	vadd.s32 v0, v10;
	v11 =	vld.idx.msk [tilespmem:v11+s18+$0x0], $0xffff;
	[tilespmem:s30+$0xFFFFFF80] =	vst v8  }
0x9f: {  	v13 =	vadd.s32 v0, v13;
	v8 =	vor.u32 v19, v12;
	v12 =	vand.u32 $0x7FFFFC00, v14;
	[tilespmem:s30+$0xFFFFFF90] =	vst v7  }
0xa0: {  	v7 =	vadd.s32 v0, v8;
	v8 =	vor.u32 v20, v12;
	v12 =	vand.u32 $0x7FFFFC00, v15;
	[tilespmem:s30+$0xFFFFFFA0] =	vst v6  }
0xa1: {  	v6 =	vadd.s32 v0, v8;
	v8 =	vor.u32 v22, v12;
	v12 =	vand.u32 $0x7FFFFC00, v16;
	[tilespmem:s30+$0xFFFFFFB0] =	vst v5  }
0xa2: {  	v5 =	vadd.s32 v0, v8;
	v8 =	vor.u32 v23, v12;
	v12 =	vand.u32 $0x7FFFFC00, v17;
	[tilespmem:s30+$0xFFFFFFC0] =	vst v4  }
0xa3: {  	v4 =	vadd.s32 v0, v8;
	v8 =	vor.u32 v24, v12;
	v12 =	vand.u32 $0x7FFFFC00, v18;
	v10 =	vld.idx.msk [tilespmem:v10+s18+$0x0], $0xffff;
	[tilespmem:s30+$0xFFFFFFD0] =	vst v3  }
0xa4: {  	v3 =	vmov s24;
	v8 =	vadd.s32 v0, v8;
	v12 =	vor.u32 v25, v12;
	v13 =	vld.idx.msk [tilespmem:v13+s18+$0x0], $0xffff;
	[tilespmem:s30+$0xFFFFFFE0] =	vst v9  }
0xa5: {  	v14 =	vmov s12;
	v9 =	vmov s9;
	v12 =	vadd.s32 v0, v12;
	v7 =	vld.idx.msk [tilespmem:v7+s18+$0x0], $0xffff;
	[tilespmem:s30+$0xFFFFFFF0] =	vst v11  }
0xa6: {  	v15 =	vmov s15;
	v16 =	vmov s6;
	v11 =	vmov s14;
	v6 =	vld.idx.msk [tilespmem:v6+s18+$0x0], $0xffff  }
0xa7: {  	v19 =	vmov s16;
	v18 =	vshll.u32 v2, $0x3;
	v17 =	vshll.u32 v3, $0x3;
	v5 =	vld.idx.msk [tilespmem:v5+s18+$0x0], $0xffff  }
0xa8: {  	v21 =	vshll.u32 v14, $0x3;
	v20 =	vshll.u32 v9, $0x3;
	v22 =	vshll.u32 v11, $0x3;
	v4 =	vld.idx.msk [tilespmem:v4+s18+$0x0], $0xffff  }
0xa9: {  	v23 =	vshll.u32 v15, $0x3;
	v24 =	vshll.u32 v16, $0x3;
	v25 =	vshll.u32 v19, $0x3;
	s30 =	sadd.s32 $0x100, s30;
	v8 =	vld.idx.msk [tilespmem:v8+s18+$0x0], $0xffff  }
0xaa: {  	v18 =	vand.u32 $0x1C00, v18;
	v17 =	vand.u32 $0x1C00, v17;
	v20 =	vand.u32 $0x1C00, v20;
	v12 =	vld.idx.msk [tilespmem:v12+s18+$0x0], $0xffff;
	[tilespmem:s30+$0x60] =	vst v13  }
0xab: {  	v13 =	vand.u32 $0x1C00, v21;
	v21 =	vand.u32 $0x1C00, v22;
	v22 =	vand.u32 $0x1C00, v23;
	[tilespmem:s30+$0x0] =	vst v7  }
0xac: {  	v3 =	vand.u32 $0x70, v3;
	v23 =	vand.u32 $0x1C00, v25;
	v7 =	vand.u32 $0x1C00, v24;
	[tilespmem:s30+$0x10] =	vst v6  }
0xad: {  	v2 =	vand.u32 $0x71, v2;
	v6 =	vand.u32 $0x72, v9;
	v9 =	vand.u32 $0x73, v14;
	[tilespmem:s30+$0x20] =	vst v5  }
0xae: {  	v14 =	vand.u32 $0x76, v16;
	v5 =	vand.u32 $0x74, v11;
	v11 =	vand.u32 $0x75, v15;
	[tilespmem:s30+$0x30] =	vst v4  }
.Ltmp3:
0xaf: {  	v3 =	vor.u32 v3, v17;
	v4 =	vor.u32 v2, v18;
	v2 =	vand.u32 $0x77, v19;
	[tilespmem:s30+$0x40] =	vst v8;
	(pc) =	sbr.rel @p1 .LBB2_5-.Ltmp3, $4  }
0xb0: {  	v6 =	vor.u32 v6, v20;
	v13 =	vor.u32 v9, v13;
	v15 =	vor.u32 v5, v21;
	[tilespmem:s30+$0x50] =	vst v12  }
0xb1: {  	v9 =	vor.u32 v14, v7;
	v11 =	vor.u32 v11, v22;
	v2 =	vor.u32 v2, v23;
	[tilespmem:s30+$0x70] =	vst v10  }
0xb2: {  	v6 =	vadd.s32 v0, v6;
	v8 =	vadd.s32 v0, v3;
	v7 =	vadd.s32 v0, v4  }
0xb3: {  	s7 =	sadd.s32 $0x10, s7;
	v5 =	vadd.s32 v0, v13;
	v4 =	vadd.s32 v0, v15;
	v3 =	vadd.s32 v0, v11  }
0xb4: {  	_ =	sdelay $0x3  }
0xb5: {  	v8 =	vld.idx.msk [tilespmem:v8+s18+$0x0], $0xffff  }
0xb6: {  	v9 =	vadd.s32 v0, v9;
	v7 =	vld.idx.msk [tilespmem:v7+s18+$0x0], $0xffff  }
0xb7: {  	v2 =	vadd.s32 v0, v2;
	v6 =	vld.idx.msk [tilespmem:v6+s18+$0x0], $0xffff  }
0xb8: {  	v5 =	vld.idx.msk [tilespmem:v5+s18+$0x0], $0xffff  }
0xb9: {  	v4 =	vld.idx.msk [tilespmem:v4+s18+$0x0], $0xffff  }
0xba: {  	v3 =	vld.idx.msk [tilespmem:v3+s18+$0x0], $0xffff  }
0xbb: {  	v9 =	vld.idx.msk [tilespmem:v9+s18+$0x0], $0xffff  }
0xbc: {  	v2 =	vld.idx.msk [tilespmem:v2+s18+$0x0], $0xffff;
	[tilespmem:s30+$0xFFFFFF80] =	vst v8  }
0xbd: {  	[tilespmem:s30+$0xFFFFFF90] =	vst v7  }
0xbe: {  	[tilespmem:s30+$0xFFFFFFA0] =	vst v6  }
0xbf: {  	s6 =	smul.u32 $0x30E00, s10;
	[tilespmem:s30+$0xFFFFFFB0] =	vst v5  }
.Ltmp4:
0xc0: {  	[tilespmem:s30+$0xFFFFFFC0] =	vst v4;
	(pc) =	sbr.rel @p2 .LBB2_8-.Ltmp4, $4  }
0xc1: {  	[tilespmem:s30+$0xFFFFFFD0] =	vst v3  }
0xc2: {  	s7 =	sshll.u32 s13, $0xB;
	s6 =	sadd.s32 s5, s6;
	[tilespmem:s30+$0xFFFFFFE0] =	vst v9  }
0xc3: {  	s6 =	sadd.s32 s7, s6;
	[tilespmem:s30+$0xFFFFFFF0] =	vst v2  }
0xc4: {  	[hbm4b:s6+s4] =	stream.linear.scatter [tilespmem:s23], [sflag:$0x4], $0x4000, $0x38;
	[tilespmem:$0x17800] =	vst v63  }
0xc5: {  	s0 =	sadd.s32 s11, s0  }
0xc6: {  	s6 =	smulhi.u32 $0x151D07EB, s0;
	_ =	sdelay $0x1  }
0xc7: {  	s6 =	sshrl.u32 s6, $0x3  }
0xc8: {  	s7 =	smul.u32 $0x61, s6;
	_ =	sdelay $0x1  }
0xc9: {  	s6 =	smul.u32 $0x187000, s6;
	s0 =	ssub.s32 s0, s7  }
0xca: {  	s0 =	sshll.u32 s0, $0xD  }
0xcb: {  	s0 =	sadd.s32 s0, s6  }
.Ltmp5:
0xcc: {  	s0 =	sshrl.u32 s0, $0x3;
	(pc) =	sbr.rel .LBB2_2-.Ltmp5, $4  }
0xcd: {  	s0 =	sadd.s32 s3, s0  }
0xce: {  	[tilespmem:s18], [sflag:$0x2] =	stream.linear.gather [hbm4b:s0+s4], $0x2000, $0x38;
	[tilespmem:$0x17800] =	vst v63  }
0xcf: {  	s1 =	sadd.s32 $0x1, s1;
	s0 =	sadd.s32 $0x18700, s0  }
0xd0: {  	[tilespmem:s19], [sflag:$0x2] =	stream.linear.gather [hbm4b:s0+s4], $0x2000, $0x38;
	[tilespmem:$0x17800] =	vst v63  }
.LBB2_8:
0xd1: {  	s0 =	simm.s32 $0x3  }
0xd2: {  	_ =	swait.ge [sflag:s0], $0x4000  }
.Ltmp6:
0xd3: {  	[sflag:s0] =	ssyncset.done $0x0;
	(pc) =	sbr.rel @p0 .LBB2_14-.Ltmp6, $4  }
0xd4: {  	s30 =	simm.s32 $0x4;
	[sflag:s0] =	ssyncadd.s32 $0xFFFFC000  }
0xd5: {  	_ =	swait.ge [sflag:s30], $0x4000  }
0xd6: {  	[sflag:s30] =	ssyncset.done $0x0  }
0xd7: {  	[sflag:s30] =	ssyncadd.s32 $0xFFFFC000  }
0xd8: {  	s0 =	simm.s32 $0xF  }
0xd9: {  	s1 =	simm.s32 $0x1;
	s7 =	simm.s32 $0x8;
	s9 =	simm.s32 $0x9;
	v2 =	vmov s0  }
0xda: {  	s6 =	simm.s32 $0xA;
	s10 =	simm.s32 $0xB;
	s12 =	simm.s32 $0xC;
	v3 =	vmov s1;
	v5 =	vmov s7;
	v6 =	vmov s9  }
0xdb: {  	s13 =	simm.s32 $0xD;
	s14 =	simm.s32 $0xE;
	s24 =	simm.s32 $0x2;
	v7 =	vmov s6;
	v8 =	vmov s10;
	v9 =	vmov s12  }
0xdc: {  	s25 =	simm.s32 $0x3;
	s29 =	simm.s32 $0x4;
	s30 =	simm.s32 $0x7;
	v10 =	vmov s13;
	v13 =	vmov s14;
	v52 =	vmov s24  }
0xdd: {  	v53 =	vmov s25;
	v54 =	vmov s29;
	v19 =	vmov s30  }
0xde: {  	v4 =	vand.u32 $0x7F, v2;
	v2 =	vshll.u32 v2, $0x3;
	v11 =	vand.u32 $0x78, v5  }
0xdf: {  	v12 =	vand.u32 $0x79, v6;
	v14 =	vand.u32 $0x7A, v7;
	v15 =	vand.u32 $0x7B, v8  }
0xe0: {  	v16 =	vand.u32 $0x7C, v9;
	v17 =	vand.u32 $0x7D, v10;
	v18 =	vand.u32 $0x7E, v13  }
0xe1: {  	v5 =	vshll.u32 v5, $0x3;
	v6 =	vshll.u32 v6, $0x3;
	v7 =	vshll.u32 v7, $0x3  }
0xe2: {  	s7 =	simm.s32 $0x5;
	v8 =	vshll.u32 v8, $0x3;
	v9 =	vshll.u32 v9, $0x3;
	v13 =	vshll.u32 v13, $0x3  }
0xe3: {  	s15 =	rddreg [dreg:$0x5];
	v10 =	vshll.u32 v10, $0x3;
	v55 =	vmov s7;
	v2 =	vand.u32 $0x7FFFFC00, v2  }
0xe4: {  	[tilespmem:s4], [sflag:$0x5] =	stream.linear.gather [hbm4b:s15+s4], $0x2000, $0x38;
	v13 =	vand.u32 $0x7FFFFC00, v13;
	v6 =	vand.u32 $0x7FFFFC00, v6;
	v2 =	vor.u32 v4, v2;
	[tilespmem:$0x17800] =	vst v63  }
0xe5: {  	s16 =	simm.s32 $0x2400;
	s0 =	sadd.s32 $0x18700, s15;
	v4 =	vand.u32 $0x1C00, v5;
	v5 =	vor.u32 v18, v13;
	v2 =	vadd.s32 v0, v2  }
0xe6: {  	[tilespmem:s16], [sflag:$0x5] =	stream.linear.gather [hbm4b:s0+s4], $0x2000, $0x38;
	v7 =	vand.u32 $0x7FFFFC00, v7;
	v6 =	vor.u32 v12, v6;
	v5 =	vadd.s32 v0, v5;
	[tilespmem:$0x17800] =	vst v63  }
0xe7: {  	v8 =	vand.u32 $0x7FFFFC00, v8;
	_ =	swait.ge [sflag:s26], $0x4000;
	v7 =	vor.u32 v14, v7;
	v6 =	vadd.s32 v0, v6  }
0xe8: {  	s9 =	simm.s32 $0x6;
	v9 =	vand.u32 $0x7FFFFC00, v9;
	v8 =	vor.u32 v15, v8;
	[sflag:s26] =	ssyncset.done $0x0;
	v7 =	vadd.s32 v0, v7  }
0xe9: {  	v56 =	vmov s9;
	v9 =	vor.u32 v16, v9;
	v8 =	vadd.s32 v0, v8;
	[sflag:s26] =	ssyncadd.s32 $0xFFFFC000  }
0xea: {  	v10 =	vand.u32 $0x7FFFFC00, v10;
	v4 =	vor.u32 v11, v4;
	v9 =	vadd.s32 v0, v9;
	v11 =	vld.idx.msk [tilespmem:v2+s4+$0x0], $0xffff  }
0xeb: {  	v58 =	vshll.u32 v3, $0x3;
	v10 =	vor.u32 v17, v10;
	v4 =	vadd.s32 v0, v4;
	v5 =	vld.idx.msk [tilespmem:v5+s4+$0x0], $0xffff  }
0xec: {  	v20 =	vshll.u32 v52, $0x3;
	v21 =	vshll.u32 v53, $0x3;
	v10 =	vadd.s32 v0, v10;
	v6 =	vld.idx.msk [tilespmem:v6+s4+$0x0], $0xffff  }
0xed: {  	v22 =	vshll.u32 v54, $0x3;
	v25 =	vshll.u32 v19, $0x3;
	v3 =	vand.u32 $0x71, v3;
	v7 =	vld.idx.msk [tilespmem:v7+s4+$0x0], $0xffff  }
0xee: {  	v60 =	vand.u32 $0x73, v53;
	v23 =	vshll.u32 v55, $0x3;
	v24 =	vshll.u32 v56, $0x3;
	v8 =	vld.idx.msk [tilespmem:v8+s4+$0x0], $0xffff  }
0xef: {  	v20 =	vand.u32 $0x1C00, v20;
	v21 =	vand.u32 $0x1C00, v21;
	v22 =	vand.u32 $0x1C00, v22;
	v9 =	vld.idx.msk [tilespmem:v9+s4+$0x0], $0xffff  }
0xf0: {  	s17 =	simm.s32 $0x0;
	s0 =	simm.s32 $0x9080;
	v59 =	vand.u32 $0x1C00, v25;
	v61 =	vand.u32 $0x75, v55;
	v62 =	vand.u32 $0x76, v56;
	v4 =	vld.idx.msk [tilespmem:v4+s4+$0x0], $0xffff  }
0xf1: {  	v18 =	vand.u32 $0x1C00, v58;
	v23 =	vand.u32 $0x1C00, v23;
	v2 =	vmov s17;
	v10 =	vld.idx.msk [tilespmem:v10+s4+$0x0], $0xffff;
	[tilespmem:s0+$0x60] =	vst v5  }
0xf2: {  	v12 =	vor.u32 v60, v21;
	v3 =	vor.u32 v3, v18;
	v57 =	vshll.u32 v2, $0x3;
	[tilespmem:s0+$0x10] =	vst v6  }
0xf3: {  	v13 =	vor.u32 v61, v23;
	v2 =	vand.u32 $0x70, v2;
	v17 =	vand.u32 $0x1C00, v57;
	[tilespmem:s0+$0x20] =	vst v7  }
0xf4: {  	v5 =	vand.u32 $0x1C00, v24;
	v6 =	vand.u32 $0x74, v54;
	v7 =	vor.u32 v2, v17;
	[tilespmem:s0+$0x30] =	vst v8  }
0xf5: {  	v2 =	vand.u32 $0x77, v19;
	[tilespmem:s0+$0x0] =	vst v4;
	v4 =	vand.u32 $0x72, v52;
	v63 =	vor.u32 v6, v22  }
0xf6: {  	[tilespmem:s0+$0x40] =	vst v9;
	v9 =	vor.u32 v62, v5;
	v2 =	vor.u32 v2, v59;
	v8 =	vadd.s32 v0, v7  }
0xf7: {  	[tilespmem:s0+$0x50] =	vst v10;
	v7 =	vadd.s32 v0, v3;
	v5 =	vadd.s32 v0, v12;
	v4 =	vor.u32 v4, v20  }
0xf8: {  	s1 =	simm.s32 $0x0;
	s7 =	simm.s32 $0x1F;
	[tilespmem:s0+$0x70] =	vst v11;
	v3 =	vadd.s32 v0, v13;
	v6 =	vadd.s32 v0, v4;
	v4 =	vadd.s32 v0, v63  }
.LBB2_10:
0xf9: {  	s6 =	sadd.s32 $0xFFFFFFF2, s7;
	s9 =	sadd.s32 $0xFFFFFFF3, s7;
	s10 =	sadd.s32 $0xFFFFFFF4, s7;
	v10 =	vmov s7;
	v9 =	vadd.s32 v0, v9;
	v11 =	vadd.s32 v0, v2  }
0xfa: {  	s12 =	sadd.s32 $0xFFFFFFFA, s7;
	s13 =	sadd.s32 $0xFFFFFFFB, s7;
	v2 =	vmov s6;
	s6 =	sadd.s32 $0xFFFFFFF9, s7;
	v12 =	vand.u32 $0x7F, v10;
	v10 =	vshll.u32 v10, $0x3  }
0xfb: {  	s14 =	sadd.s32 $0xFFFFFFFD, s7;
	s15 =	sadd.s32 $0xFFFFFFFE, s7;
	v14 =	vmov s12;
	v15 =	vmov s13;
	v13 =	vmov s6;
	s6 =	sadd.s32 $0xFFFFFFFC, s7  }
0xfc: {  	s16 =	sadd.s32 $0xFFFFFFFF, s7;
	s12 =	sadd.s32 $0xFFFFFFF5, s7;
	s13 =	sadd.s32 $0xFFFFFFF6, s7;
	v17 =	vmov s14;
	v18 =	vmov s15;
	v16 =	vmov s6;
	v8 =	vld.idx.msk [tilespmem:v8+s4+$0x0], $0xffff  }
0xfd: {  	s15 =	sadd.s32 $0xFFFFFFF1, s7;
	s14 =	sadd.s32 $0xFFFFFFF8, s7;
	v21 =	vmov s16;
	v20 =	vand.u32 $0x79, v14;
	s6 =	sadd.s32 $0xFFFFFFF7, s7;
	v19 =	vand.u32 $0x78, v13;
	v7 =	vld.idx.msk [tilespmem:v7+s4+$0x0], $0xffff  }
0xfe: {  	v22 =	vand.u32 $0x7A, v15;
	v24 =	vand.u32 $0x7C, v17;
	v23 =	vand.u32 $0x7B, v16;
	v6 =	vld.idx.msk [tilespmem:v6+s4+$0x0], $0xffff  }
0xff: {  	s1 =	sadd.s32 $0x2, s1;
	v25 =	vand.u32 $0x7D, v18;
	v26 =	vand.u32 $0x7E, v21;
	v10 =	vand.u32 $0x7FFFFC00, v10;
	v5 =	vld.idx.msk [tilespmem:v5+s4+$0x0], $0xffff  }
0x100: {  	p1 =	slt.u32 s1, $0x7E;
	v14 =	vshll.u32 v14, $0x3;
	v15 =	vshll.u32 v15, $0x3;
	v13 =	vshll.u32 v13, $0x3;
	v4 =	vld.idx.msk [tilespmem:v4+s4+$0x0], $0xffff  }
0x101: {  	v17 =	vshll.u32 v17, $0x3;
	v21 =	vshll.u32 v21, $0x3;
	v16 =	vshll.u32 v16, $0x3;
	v3 =	vld.idx.msk [tilespmem:v3+s4+$0x0], $0xffff  }
0x102: {  	v18 =	vshll.u32 v18, $0x3;
	v21 =	vand.u32 $0x7FFFFC00, v21;
	v10 =	vor.u32 v12, v10;
	v9 =	vld.idx.msk [tilespmem:v9+s4+$0x0], $0xffff  }
0x103: {  	v12 =	vand.u32 $0x1C00, v13;
	v13 =	vor.u32 v26, v21;
	v10 =	vadd.s32 v0, v10;
	v11 =	vld.idx.msk [tilespmem:v11+s4+$0x0], $0xffff;
	[tilespmem:s0+$0xFFFFFF80] =	vst v8  }
0x104: {  	v13 =	vadd.s32 v0, v13;
	v8 =	vor.u32 v19, v12;
	v12 =	vand.u32 $0x7FFFFC00, v14;
	[tilespmem:s0+$0xFFFFFF90] =	vst v7  }
0x105: {  	v7 =	vadd.s32 v0, v8;
	v8 =	vor.u32 v20, v12;
	v12 =	vand.u32 $0x7FFFFC00, v15;
	[tilespmem:s0+$0xFFFFFFA0] =	vst v6  }
0x106: {  	v6 =	vadd.s32 v0, v8;
	v8 =	vor.u32 v22, v12;
	v12 =	vand.u32 $0x7FFFFC00, v16;
	[tilespmem:s0+$0xFFFFFFB0] =	vst v5  }
0x107: {  	v5 =	vadd.s32 v0, v8;
	v8 =	vor.u32 v23, v12;
	v12 =	vand.u32 $0x7FFFFC00, v17;
	[tilespmem:s0+$0xFFFFFFC0] =	vst v4  }
0x108: {  	v4 =	vadd.s32 v0, v8;
	v8 =	vor.u32 v24, v12;
	v12 =	vand.u32 $0x7FFFFC00, v18;
	v10 =	vld.idx.msk [tilespmem:v10+s4+$0x0], $0xffff;
	[tilespmem:s0+$0xFFFFFFD0] =	vst v3  }
0x109: {  	v3 =	vmov s15;
	v8 =	vadd.s32 v0, v8;
	v12 =	vor.u32 v25, v12;
	v13 =	vld.idx.msk [tilespmem:v13+s4+$0x0], $0xffff;
	[tilespmem:s0+$0xFFFFFFE0] =	vst v9  }
0x10a: {  	v14 =	vmov s10;
	v9 =	vmov s9;
	v12 =	vadd.s32 v0, v12;
	v7 =	vld.idx.msk [tilespmem:v7+s4+$0x0], $0xffff;
	[tilespmem:s0+$0xFFFFFFF0] =	vst v11  }
0x10b: {  	v15 =	vmov s13;
	v16 =	vmov s6;
	v11 =	vmov s12;
	v6 =	vld.idx.msk [tilespmem:v6+s4+$0x0], $0xffff  }
0x10c: {  	v19 =	vmov s14;
	v18 =	vshll.u32 v2, $0x3;
	v17 =	vshll.u32 v3, $0x3;
	v5 =	vld.idx.msk [tilespmem:v5+s4+$0x0], $0xffff  }
0x10d: {  	v21 =	vshll.u32 v14, $0x3;
	v20 =	vshll.u32 v9, $0x3;
	v22 =	vshll.u32 v11, $0x3;
	v4 =	vld.idx.msk [tilespmem:v4+s4+$0x0], $0xffff  }
0x10e: {  	v23 =	vshll.u32 v15, $0x3;
	v24 =	vshll.u32 v16, $0x3;
	v25 =	vshll.u32 v19, $0x3;
	s0 =	sadd.s32 $0x100, s0;
	v8 =	vld.idx.msk [tilespmem:v8+s4+$0x0], $0xffff  }
0x10f: {  	v18 =	vand.u32 $0x1C00, v18;
	v17 =	vand.u32 $0x1C00, v17;
	v20 =	vand.u32 $0x1C00, v20;
	v12 =	vld.idx.msk [tilespmem:v12+s4+$0x0], $0xffff;
	[tilespmem:s0+$0x60] =	vst v13  }
0x110: {  	v13 =	vand.u32 $0x1C00, v21;
	v21 =	vand.u32 $0x1C00, v22;
	v22 =	vand.u32 $0x1C00, v23;
	[tilespmem:s0+$0x0] =	vst v7  }
0x111: {  	v3 =	vand.u32 $0x70, v3;
	v23 =	vand.u32 $0x1C00, v25;
	v7 =	vand.u32 $0x1C00, v24;
	[tilespmem:s0+$0x10] =	vst v6  }
0x112: {  	v2 =	vand.u32 $0x71, v2;
	v6 =	vand.u32 $0x72, v9;
	v9 =	vand.u32 $0x73, v14;
	[tilespmem:s0+$0x20] =	vst v5  }
0x113: {  	v14 =	vand.u32 $0x76, v16;
	v5 =	vand.u32 $0x74, v11;
	v11 =	vand.u32 $0x75, v15;
	[tilespmem:s0+$0x30] =	vst v4  }
.Ltmp7:
0x114: {  	v3 =	vor.u32 v3, v17;
	v4 =	vor.u32 v2, v18;
	v2 =	vand.u32 $0x77, v19;
	[tilespmem:s0+$0x40] =	vst v8;
	(pc) =	sbr.rel @p1 .LBB2_10-.Ltmp7, $4  }
0x115: {  	v6 =	vor.u32 v6, v20;
	v13 =	vor.u32 v9, v13;
	v15 =	vor.u32 v5, v21;
	[tilespmem:s0+$0x50] =	vst v12  }
0x116: {  	v9 =	vor.u32 v14, v7;
	v11 =	vor.u32 v11, v22;
	v2 =	vor.u32 v2, v23;
	[tilespmem:s0+$0x70] =	vst v10  }
0x117: {  	v6 =	vadd.s32 v0, v6;
	v8 =	vadd.s32 v0, v3;
	v7 =	vadd.s32 v0, v4  }
0x118: {  	s7 =	sadd.s32 $0x10, s7;
	v5 =	vadd.s32 v0, v13;
	v4 =	vadd.s32 v0, v15;
	v3 =	vadd.s32 v0, v11  }
0x119: {  	_ =	sdelay $0x3  }
0x11a: {  	v8 =	vld.idx.msk [tilespmem:v8+s4+$0x0], $0xffff  }
0x11b: {  	v9 =	vadd.s32 v0, v9;
	v7 =	vld.idx.msk [tilespmem:v7+s4+$0x0], $0xffff  }
0x11c: {  	v2 =	vadd.s32 v0, v2;
	v6 =	vld.idx.msk [tilespmem:v6+s4+$0x0], $0xffff  }
0x11d: {  	v5 =	vld.idx.msk [tilespmem:v5+s4+$0x0], $0xffff  }
0x11e: {  	v4 =	vld.idx.msk [tilespmem:v4+s4+$0x0], $0xffff  }
0x11f: {  	v3 =	vld.idx.msk [tilespmem:v3+s4+$0x0], $0xffff  }
0x120: {  	v9 =	vld.idx.msk [tilespmem:v9+s4+$0x0], $0xffff  }
0x121: {  	v2 =	vld.idx.msk [tilespmem:v2+s4+$0x0], $0xffff;
	[tilespmem:s0+$0xFFFFFF80] =	vst v8  }
0x122: {  	s10 =	simm.s32 $0xC;
	[tilespmem:s0+$0xFFFFFF90] =	vst v7  }
0x123: {  	s12 =	simm.s32 $0xD;
	s13 =	simm.s32 $0xE;
	s17 =	simm.s32 $0x2;
	v10 =	vmov s10;
	[tilespmem:s0+$0xFFFFFFA0] =	vst v6  }
0x124: {  	s24 =	simm.s32 $0x3;
	s25 =	simm.s32 $0x4;
	v11 =	vmov s12;
	v13 =	vmov s13;
	v53 =	vmov s17;
	[tilespmem:s0+$0xFFFFFFB0] =	vst v5  }
0x125: {  	v54 =	vmov s24;
	v55 =	vmov s25;
	v16 =	vand.u32 $0x7C, v10;
	[tilespmem:s0+$0xFFFFFFC0] =	vst v4  }
0x126: {  	v17 =	vand.u32 $0x7D, v11;
	v18 =	vand.u32 $0x7E, v13;
	v10 =	vshll.u32 v10, $0x3;
	[tilespmem:s0+$0xFFFFFFD0] =	vst v3  }
0x127: {  	v13 =	vshll.u32 v13, $0x3;
	v11 =	vshll.u32 v11, $0x3;
	v20 =	vshll.u32 v53, $0x3;
	[tilespmem:s0+$0xFFFFFFE0] =	vst v9  }
0x128: {  	s1 =	simm.s32 $0xF;
	s29 =	simm.s32 $0x8;
	v21 =	vshll.u32 v54, $0x3;
	v22 =	vshll.u32 v55, $0x3;
	v61 =	vand.u32 $0x73, v54;
	[tilespmem:s0+$0xFFFFFFF0] =	vst v2  }
0x129: {  	s30 =	simm.s32 $0x9;
	s7 =	simm.s32 $0xA;
	v13 =	vand.u32 $0x7FFFFC00, v13;
	v5 =	vmov s1;
	v3 =	vmov s29;
	s0 =	rddreg [dreg:$0x6]  }
0x12a: {  	v7 =	vmov s30;
	v6 =	vand.u32 $0x7F, v5;
	v5 =	vshll.u32 v5, $0x3;
	[hbm4b:s0+s4] =	stream.linear.scatter [tilespmem:s21], [sflag:$0x5], $0x4000, $0x38;
	[tilespmem:$0x17800] =	vst v63  }
0x12b: {  	v8 =	vmov s7;
	v12 =	vand.u32 $0x79, v7;
	v5 =	vand.u32 $0x7FFFFC00, v5;
	_ =	swait.ge [sflag:s26], $0x4000  }
0x12c: {  	v14 =	vand.u32 $0x7A, v8;
	v7 =	vshll.u32 v7, $0x3;
	v5 =	vor.u32 v6, v5;
	[sflag:s26] =	ssyncset.done $0x0  }
0x12d: {  	s9 =	simm.s32 $0xB;
	v8 =	vshll.u32 v8, $0x3;
	v6 =	vor.u32 v18, v13;
	v5 =	vadd.s32 v1, v5;
	s14 =	rddreg [dreg:$0x7];
	[sflag:s26] =	ssyncadd.s32 $0xFFFFC000  }
0x12e: {  	v9 =	vmov s9;
	v2 =	vand.u32 $0x78, v3;
	v3 =	vshll.u32 v3, $0x3;
	[tilespmem:s28], [sflag:$0x5] =	stream.linear.gather [hbm4b:s14+s4], $0x1800, $0x38;
	[tilespmem:$0x17800] =	vst v63  }
0x12f: {  	s15 =	simm.s32 $0x12C00;
	v6 =	vadd.s32 v1, v6;
	v15 =	vand.u32 $0x7B, v9;
	v3 =	vand.u32 $0x1C00, v3;
	s0 =	sadd.s32 $0x18700, s14  }
0x130: {  	v9 =	vshll.u32 v9, $0x3;
	v2 =	vor.u32 v2, v3;
	v3 =	vand.u32 $0x7FFFFC00, v7;
	[tilespmem:s15], [sflag:$0x5] =	stream.linear.gather [hbm4b:s0+s4], $0x1800, $0x38;
	[tilespmem:$0x17800] =	vst v63  }
0x131: {  	v7 =	vand.u32 $0x7FFFFC00, v8;
	v2 =	vadd.s32 v1, v2;
	v3 =	vor.u32 v12, v3;
	_ =	swait.ge [sflag:s26], $0x3000  }
0x132: {  	v8 =	vand.u32 $0x7FFFFC00, v9;
	v7 =	vor.u32 v14, v7;
	v3 =	vadd.s32 v1, v3;
	[sflag:s26] =	ssyncset.done $0x0  }
0x133: {  	v9 =	vand.u32 $0x7FFFFC00, v10;
	v8 =	vor.u32 v15, v8;
	v7 =	vadd.s32 v1, v7;
	[sflag:s26] =	ssyncadd.s32 $0xFFFFD000  }
0x134: {  	v10 =	vand.u32 $0x7FFFFC00, v11;
	v9 =	vor.u32 v16, v9;
	v8 =	vadd.s32 v1, v8;
	v5 =	vld.idx.msk [tilespmem:v5+s28+$0x0], $0xffff  }
0x135: {  	v20 =	vand.u32 $0x1C00, v20;
	v10 =	vor.u32 v17, v10;
	v9 =	vadd.s32 v1, v9;
	v6 =	vld.idx.msk [tilespmem:v6+s28+$0x0], $0xffff  }
0x136: {  	s6 =	simm.s32 $0x1;
	v21 =	vand.u32 $0x1C00, v21;
	v22 =	vand.u32 $0x1C00, v22;
	s29 =	simm.s32 $0x5;
	s30 =	simm.s32 $0x7;
	v10 =	vadd.s32 v1, v10;
	v2 =	vld.idx.msk [tilespmem:v2+s28+$0x0], $0xffff  }
0x137: {  	v4 =	vmov s6;
	v56 =	vmov s29;
	v19 =	vmov s30;
	v3 =	vld.idx.msk [tilespmem:v3+s28+$0x0], $0xffff  }
0x138: {  	v59 =	vshll.u32 v4, $0x3;
	v23 =	vshll.u32 v56, $0x3;
	v25 =	vshll.u32 v19, $0x3;
	v7 =	vld.idx.msk [tilespmem:v7+s28+$0x0], $0xffff  }
0x139: {  	s16 =	simm.s32 $0x0;
	v62 =	vand.u32 $0x75, v56;
	v18 =	vand.u32 $0x1C00, v59;
	v23 =	vand.u32 $0x1C00, v23;
	s9 =	simm.s32 $0x6;
	v8 =	vld.idx.msk [tilespmem:v8+s28+$0x0], $0xffff  }
0x13a: {  	v60 =	vand.u32 $0x1C00, v25;
	v57 =	vmov s9;
	v11 =	vmov s16;
	s0 =	simm.s32 $0x14880;
	v9 =	vld.idx.msk [tilespmem:v9+s28+$0x0], $0xffff  }
0x13b: {  	v13 =	vor.u32 v62, v23;
	v24 =	vshll.u32 v57, $0x3;
	v58 =	vshll.u32 v11, $0x3;
	v10 =	vld.idx.msk [tilespmem:v10+s28+$0x0], $0xffff;
	[tilespmem:s0+$0x60] =	vst v6  }
0x13c: {  	v63 =	vand.u32 $0x76, v57;
	v12 =	vor.u32 v61, v21;
	v17 =	vand.u32 $0x1C00, v58;
	[tilespmem:s0+$0x0] =	vst v2  }
0x13d: {  	v6 =	vand.u32 $0x70, v11;
	v11 =	vand.u32 $0x1C00, v24;
	v2 =	vand.u32 $0x71, v4;
	[tilespmem:s0+$0x10] =	vst v3  }
0x13e: {  	v4 =	vand.u32 $0x72, v53;
	v3 =	vand.u32 $0x74, v55;
	[tilespmem:s0+$0x70] =	vst v5;
	v5 =	vadd.s32 v1, v12  }
0x13f: {  	[tilespmem:s0+$0x20] =	vst v7;
	v6 =	vor.u32 v6, v17;
	v7 =	vor.u32 v2, v18;
	v2 =	vand.u32 $0x77, v19  }
0x140: {  	[tilespmem:s0+$0x40] =	vst v9;
	v4 =	vor.u32 v4, v20;
	v3 =	vor.u32 v3, v22;
	v9 =	vor.u32 v63, v11  }
0x141: {  	[tilespmem:s0+$0x30] =	vst v8;
	v2 =	vor.u32 v2, v60;
	v8 =	vadd.s32 v1, v6;
	v7 =	vadd.s32 v1, v7  }
0x142: {  	s1 =	simm.s32 $0x0;
	s7 =	simm.s32 $0x1F;
	[tilespmem:s0+$0x50] =	vst v10;
	v6 =	vadd.s32 v1, v4;
	v4 =	vadd.s32 v1, v3;
	v3 =	vadd.s32 v1, v13  }
.LBB2_12:
0x143: {  	s6 =	sadd.s32 $0xFFFFFFF2, s7;
	s9 =	sadd.s32 $0xFFFFFFF3, s7;
	s10 =	sadd.s32 $0xFFFFFFF4, s7;
	v10 =	vmov s7;
	v9 =	vadd.s32 v1, v9;
	v11 =	vadd.s32 v1, v2  }
0x144: {  	s12 =	sadd.s32 $0xFFFFFFFA, s7;
	s13 =	sadd.s32 $0xFFFFFFFB, s7;
	v2 =	vmov s6;
	s6 =	sadd.s32 $0xFFFFFFF9, s7;
	v12 =	vand.u32 $0x7F, v10;
	v10 =	vshll.u32 v10, $0x3  }
0x145: {  	s14 =	sadd.s32 $0xFFFFFFFD, s7;
	s15 =	sadd.s32 $0xFFFFFFFE, s7;
	v14 =	vmov s12;
	v15 =	vmov s13;
	v13 =	vmov s6;
	s6 =	sadd.s32 $0xFFFFFFFC, s7  }
0x146: {  	s16 =	sadd.s32 $0xFFFFFFFF, s7;
	s12 =	sadd.s32 $0xFFFFFFF5, s7;
	s13 =	sadd.s32 $0xFFFFFFF6, s7;
	v17 =	vmov s14;
	v18 =	vmov s15;
	v16 =	vmov s6;
	v8 =	vld.idx.msk [tilespmem:v8+s28+$0x0], $0xffff  }
0x147: {  	s15 =	sadd.s32 $0xFFFFFFF1, s7;
	s14 =	sadd.s32 $0xFFFFFFF8, s7;
	v21 =	vmov s16;
	v20 =	vand.u32 $0x79, v14;
	s6 =	sadd.s32 $0xFFFFFFF7, s7;
	v19 =	vand.u32 $0x78, v13;
	v7 =	vld.idx.msk [tilespmem:v7+s28+$0x0], $0xffff  }
0x148: {  	v22 =	vand.u32 $0x7A, v15;
	v24 =	vand.u32 $0x7C, v17;
	v23 =	vand.u32 $0x7B, v16;
	v6 =	vld.idx.msk [tilespmem:v6+s28+$0x0], $0xffff  }
0x149: {  	s1 =	sadd.s32 $0x2, s1;
	v25 =	vand.u32 $0x7D, v18;
	v26 =	vand.u32 $0x7E, v21;
	v10 =	vand.u32 $0x7FFFFC00, v10;
	v5 =	vld.idx.msk [tilespmem:v5+s28+$0x0], $0xffff  }
0x14a: {  	p1 =	slt.u32 s1, $0x5E;
	v14 =	vshll.u32 v14, $0x3;
	v15 =	vshll.u32 v15, $0x3;
	v13 =	vshll.u32 v13, $0x3;
	v4 =	vld.idx.msk [tilespmem:v4+s28+$0x0], $0xffff  }
0x14b: {  	v17 =	vshll.u32 v17, $0x3;
	v21 =	vshll.u32 v21, $0x3;
	v16 =	vshll.u32 v16, $0x3;
	v3 =	vld.idx.msk [tilespmem:v3+s28+$0x0], $0xffff  }
0x14c: {  	v18 =	vshll.u32 v18, $0x3;
	v21 =	vand.u32 $0x7FFFFC00, v21;
	v10 =	vor.u32 v12, v10;
	v9 =	vld.idx.msk [tilespmem:v9+s28+$0x0], $0xffff  }
0x14d: {  	v12 =	vand.u32 $0x1C00, v13;
	v13 =	vor.u32 v26, v21;
	v10 =	vadd.s32 v1, v10;
	v11 =	vld.idx.msk [tilespmem:v11+s28+$0x0], $0xffff;
	[tilespmem:s0+$0xFFFFFF80] =	vst v8  }
0x14e: {  	v13 =	vadd.s32 v1, v13;
	v8 =	vor.u32 v19, v12;
	v12 =	vand.u32 $0x7FFFFC00, v14;
	[tilespmem:s0+$0xFFFFFF90] =	vst v7  }
0x14f: {  	v7 =	vadd.s32 v1, v8;
	v8 =	vor.u32 v20, v12;
	v12 =	vand.u32 $0x7FFFFC00, v15;
	[tilespmem:s0+$0xFFFFFFA0] =	vst v6  }
0x150: {  	v6 =	vadd.s32 v1, v8;
	v8 =	vor.u32 v22, v12;
	v12 =	vand.u32 $0x7FFFFC00, v16;
	[tilespmem:s0+$0xFFFFFFB0] =	vst v5  }
0x151: {  	v5 =	vadd.s32 v1, v8;
	v8 =	vor.u32 v23, v12;
	v12 =	vand.u32 $0x7FFFFC00, v17;
	[tilespmem:s0+$0xFFFFFFC0] =	vst v4  }
0x152: {  	v4 =	vadd.s32 v1, v8;
	v8 =	vor.u32 v24, v12;
	v12 =	vand.u32 $0x7FFFFC00, v18;
	v10 =	vld.idx.msk [tilespmem:v10+s28+$0x0], $0xffff;
	[tilespmem:s0+$0xFFFFFFD0] =	vst v3  }
0x153: {  	v3 =	vmov s15;
	v8 =	vadd.s32 v1, v8;
	v12 =	vor.u32 v25, v12;
	v13 =	vld.idx.msk [tilespmem:v13+s28+$0x0], $0xffff;
	[tilespmem:s0+$0xFFFFFFE0] =	vst v9  }
0x154: {  	v14 =	vmov s10;
	v9 =	vmov s9;
	v12 =	vadd.s32 v1, v12;
	v7 =	vld.idx.msk [tilespmem:v7+s28+$0x0], $0xffff;
	[tilespmem:s0+$0xFFFFFFF0] =	vst v11  }
0x155: {  	v15 =	vmov s13;
	v16 =	vmov s6;
	v11 =	vmov s12;
	v6 =	vld.idx.msk [tilespmem:v6+s28+$0x0], $0xffff  }
0x156: {  	v19 =	vmov s14;
	v18 =	vshll.u32 v2, $0x3;
	v17 =	vshll.u32 v3, $0x3;
	v5 =	vld.idx.msk [tilespmem:v5+s28+$0x0], $0xffff  }
0x157: {  	v21 =	vshll.u32 v14, $0x3;
	v20 =	vshll.u32 v9, $0x3;
	v22 =	vshll.u32 v11, $0x3;
	v4 =	vld.idx.msk [tilespmem:v4+s28+$0x0], $0xffff  }
0x158: {  	v23 =	vshll.u32 v15, $0x3;
	v24 =	vshll.u32 v16, $0x3;
	v25 =	vshll.u32 v19, $0x3;
	s0 =	sadd.s32 $0x100, s0;
	v8 =	vld.idx.msk [tilespmem:v8+s28+$0x0], $0xffff  }
0x159: {  	v18 =	vand.u32 $0x1C00, v18;
	v17 =	vand.u32 $0x1C00, v17;
	v20 =	vand.u32 $0x1C00, v20;
	v12 =	vld.idx.msk [tilespmem:v12+s28+$0x0], $0xffff;
	[tilespmem:s0+$0x60] =	vst v13  }
0x15a: {  	v13 =	vand.u32 $0x1C00, v21;
	v21 =	vand.u32 $0x1C00, v22;
	v22 =	vand.u32 $0x1C00, v23;
	[tilespmem:s0+$0x0] =	vst v7  }
0x15b: {  	v3 =	vand.u32 $0x70, v3;
	v23 =	vand.u32 $0x1C00, v25;
	v7 =	vand.u32 $0x1C00, v24;
	[tilespmem:s0+$0x10] =	vst v6  }
0x15c: {  	v2 =	vand.u32 $0x71, v2;
	v6 =	vand.u32 $0x72, v9;
	v9 =	vand.u32 $0x73, v14;
	[tilespmem:s0+$0x20] =	vst v5  }
0x15d: {  	v14 =	vand.u32 $0x76, v16;
	v5 =	vand.u32 $0x74, v11;
	v11 =	vand.u32 $0x75, v15;
	[tilespmem:s0+$0x30] =	vst v4  }
.Ltmp8:
0x15e: {  	v3 =	vor.u32 v3, v17;
	v4 =	vor.u32 v2, v18;
	v2 =	vand.u32 $0x77, v19;
	[tilespmem:s0+$0x40] =	vst v8;
	(pc) =	sbr.rel @p1 .LBB2_12-.Ltmp8, $4  }
0x15f: {  	v6 =	vor.u32 v6, v20;
	v13 =	vor.u32 v9, v13;
	v15 =	vor.u32 v5, v21;
	[tilespmem:s0+$0x50] =	vst v12  }
0x160: {  	v9 =	vor.u32 v14, v7;
	v11 =	vor.u32 v11, v22;
	v2 =	vor.u32 v2, v23;
	[tilespmem:s0+$0x70] =	vst v10  }
0x161: {  	v6 =	vadd.s32 v1, v6;
	v8 =	vadd.s32 v1, v3;
	v7 =	vadd.s32 v1, v4  }
0x162: {  	s7 =	sadd.s32 $0x10, s7;
	v5 =	vadd.s32 v1, v13;
	v4 =	vadd.s32 v1, v15;
	v3 =	vadd.s32 v1, v11  }
0x163: {  	_ =	sdelay $0x3  }
0x164: {  	v8 =	vld.idx.msk [tilespmem:v8+s28+$0x0], $0xffff  }
0x165: {  	v9 =	vadd.s32 v1, v9;
	v7 =	vld.idx.msk [tilespmem:v7+s28+$0x0], $0xffff  }
0x166: {  	v2 =	vadd.s32 v1, v2;
	v6 =	vld.idx.msk [tilespmem:v6+s28+$0x0], $0xffff  }
0x167: {  	v5 =	vld.idx.msk [tilespmem:v5+s28+$0x0], $0xffff  }
0x168: {  	v4 =	vld.idx.msk [tilespmem:v4+s28+$0x0], $0xffff  }
0x169: {  	v3 =	vld.idx.msk [tilespmem:v3+s28+$0x0], $0xffff  }
0x16a: {  	v9 =	vld.idx.msk [tilespmem:v9+s28+$0x0], $0xffff  }
0x16b: {  	v2 =	vld.idx.msk [tilespmem:v2+s28+$0x0], $0xffff;
	[tilespmem:s0+$0xFFFFFF80] =	vst v8  }
0x16c: {  	[tilespmem:s0+$0xFFFFFF90] =	vst v7  }
0x16d: {  	[tilespmem:s0+$0xFFFFFFA0] =	vst v6  }
0x16e: {  	[tilespmem:s0+$0xFFFFFFB0] =	vst v5  }
0x16f: {  	[tilespmem:s0+$0xFFFFFFC0] =	vst v4  }
0x170: {  	[tilespmem:s0+$0xFFFFFFD0] =	vst v3  }
0x171: {  	[tilespmem:s0+$0xFFFFFFE0] =	vst v9  }
0x172: {  	[tilespmem:s0+$0xFFFFFFF0] =	vst v2  }
.Ltmp9:
0x173: {  	s1 =	simm.s32 $0x14800;
	s0 =	rddreg [dreg:$0x8];
	(pc) =	sbr.rel .LBB2_14-.Ltmp9, $4  }
0x174: {  	[hbm4b:s0+s4] =	stream.linear.scatter [tilespmem:s1], [sflag:$0x5], $0x3000, $0x38;
	[tilespmem:$0x17800] =	vst v63  }
0x175: {  	_ =	swait.ge [sflag:s26], $0x3000  }
0x176: {  	[sflag:s26] =	ssyncset.done $0x0  }
0x177: {  	[sflag:s26] =	ssyncadd.s32 $0xFFFFD000  }
.LBB2_15:
0x178: {  	_ =	sfence.sel $0x180000  }
0x179: {  	[bflag:$0x0] =	sbarrier.arrive $0xFFFF  }
0x17a: {  	_ =	strace $0x90000047  }
0x17b: {  	s0 =	stileid.u32;
	[bflag:$0x2] =	sbarrier.arrive $0xFFFF  }
0x17c: {  	p0 =	sne.s32 s0, $0x0;
	s0 =	rddreg [dreg:$0x2]  }
0x17d: {  	s0 =	sadd.s32 @!p0 $0x100000, s0  }
0x17e: {  	[sflag:s0] =	ssyncadd.tile.s32 @!p0 $0x1;
	_ =	shalt  }
.Lfunc_end2:
_tile_overlayer_lowered:
.L_overlay_start_2:
0x17f: {  	(tag) =	ssettag $0x2  }
0x180: {  	s0 =	rddreg [dreg:$0x0];
	s2 =	stileid.u32  }
0x181: {  	s1 =	rddreg [dreg:$0x1];
	p0 =	sne.s32 s2, $0x0  }
0x182: {  	s3 =	rddreg [dreg:$0x2];
	[bflag:$0x3] =	sbarrier.arrive $0xFFFF;
	s2 =	simm.s32 @!p0 $0x1C05  }
0x183: {  	[timem:s3], [sflag:s2] =	dma.local @!p0 [hbm:s0], s1  }
0x184: {  	s0 =	simm.s32 @!p0 $0x5  }
0x185: {  	_ =	swait.ge @!p0 [sflag:s0], s1  }
0x186: {  	s1 =	ssub.s32 @!p0 $0x0, s1;
	[sflag:s0] =	ssyncset.done @!p0 $0x0  }
0x187: {  	[sflag:s0] =	ssyncadd.s32 @!p0 s1  }
0x188: {  	[bflag:$0x3] =	sbarrier.arrive $0xFFFF  }
0x189: {  	_ =	shalt  }

// kernel: kernel.7.cloned.1.call-start
scs
__scs_entry_jumppad:
0x0: {  	(pc) =	sbr.rel $0x88, $3  }
0x1: {  	(tag) =	ssettag $0x0;
	lr =	simm.s32 $0x1  }
0x2: {  	[smem:$0x3F9C] =	sst lr;
	_ =	strace $0xD0000000  }
0x3: {  	_ = 	snop  }
0x4: {  	_ = 	snop  }
0x5: {  	_ = 	snop  }
0x6: {  	_ = 	snop  }
0x7: {  	_ = 	snop  }
__scs_overlays_trampoline_lowered:
0x8: {  	[smem:$0x3FAB] =	sst s0  }
0x9: {  	[smem:$0x3FAC] =	sst s1  }
0xa: {  	[smem:$0x3FAD] =	sst s2  }
0xb: {  	[smem:$0x3FAE] =	sst s3  }
0xc: {  	[smem:$0x3FAF] =	sst s4  }
0xd: {  	[smem:$0x3FB0] =	sst s5  }
0xe: {  	[smem:$0x3FB1] =	sst s6  }
0xf: {  	[smem:$0x3FB2] =	sst s7  }
0x10: {  	[smem:$0x3FB3] =	sst s8  }
0x11: {  	[smem:$0x3FB4] =	sst s9;
	s0 =	simm.s32 @!p0 $0x0  }
0x12: {  	s1 =	sld [smem:$0x3F9A];
	s0 =	simm.s32 @p0 $0x1  }
0x13: {  	[smem:$0x3FB5] =	sst s0;
	s0 =	simm.s32 @!p1 $0x0  }
0x14: {  	s2 =	sld [smem:$0x3F99];
	s0 =	simm.s32 @p1 $0x1  }
0x15: {  	[smem:$0x3FB6] =	sst s0;
	s0 =	simm.s32 @!p2 $0x0  }
0x16: {  	s3 =	sld [smem:$0x3FDB];
	s0 =	simm.s32 @p2 $0x1  }
0x17: {  	s4 =	simm.s32 $0x1BF5;
	[smem:$0x3FB8] =	sst s0  }
0x18: {  	s0 =	sld [smem:$0x3F9B];
	_ =	swait.ge [sflag:s4], $0x0  }
0x19: {  	s7 =	sld [smem:$0x3F9C]  }
0x1a: {  	s8 =	sadd.s32 $0xFFFFE003, lr  }
0x1b: {  	s9 =	sadd.s32 $0xFFFFFEF7, lr;
	s5 =	simm.s32 $0xFFFFFFFF;
	p2 =	slt.u32 s8, $0xFFFFF086  }
0x1c: {  	p1 =	slt.u32 s9, $0xF7A;
	s5 =	simm.s32 @!p2 $0x0  }
0x1d: {  	s5 =	simm.s32 @p1 $0x1;
	p0 =	seq.s32 s7, s2  }
0x1e: {  	s7 =	smul.u32 @!p0 $0xF7A, s2;
	p2 =	seq.s32 @!p0 s5, $0x0  }
0x1f: {  	s9 =	smul.u32 $0xF7A, s1;
	s8 =	simm.s32 @!p0 $0x1BF5;
	p2 =	por !p2, p0  }
0x20: {  	[sflag:s8] =	ssyncset.s32 @!p0 $0xFFFFF086;
	s6 =	sadd.s32 @!p0 s3, s7;
	s7 =	simm.s32 @!p0 $0x108  }
0x21: {  	s3 =	sadd.s32 s3, s9;
	s6 =	sadd.s32 @!p0 $0x88, s6;
	s7 =	simm.s32 @p2 $0x1082  }
0x22: {  	[simem:s7], [sflag:s8] =	dma.local @!p0 [hbm:s6], $0xF7A  }
0x23: {  	s9 =	sor.u32 $0xD0000000, s2;
	s6 =	simm.s32 $0x108;
	_ =	swait.ge @!p0 [sflag:s8], $0x0  }
0x24: {  	s3 =	sadd.s32 $0x88, s3;
	s6 =	simm.s32 @!p1 $0x1082;
	[sflag:s4] =	ssyncset.s32 $0xFFFFF086  }
0x25: {  	[simem:s6], [sflag:s4] =	dma.local [hbm:s3], $0xF7A  }
0x26: {  	[smem:$0x3F9C] =	sst s1;
	(tag) =	ssettag s2;
	_ =	strace s9  }
0x27: {  	s1 =	sld [smem:$0x3FAC]  }
0x28: {  	s2 =	sld [smem:$0x3FAD]  }
0x29: {  	s4 =	sld [smem:$0x3FAF]  }
0x2a: {  	p0 =	seq.s32 s5, $0x0;
	s5 =	sld [smem:$0x3FB0]  }
0x2b: {  	s6 =	sld [smem:$0x3FB1]  }
0x2c: {  	s7 =	sld [smem:$0x3FB2]  }
0x2d: {  	s3 =	simm.s32 $0x108;
	s8 =	sld [smem:$0x3FB3]  }
0x2e: {  	s3 =	simm.s32 @!p0 $0x1082;
	s9 =	sld [smem:$0x3FB4]  }
0x2f: {  	lr =	sadd.s32 s0, s3;
	s0 =	sld [smem:$0x3FAB]  }
0x30: {  	s3 =	sld [smem:$0x3FAE]  }
0x31: {  	[smem:$0x3FB7] =	sst s10  }
0x32: {  	s10 =	sld [smem:$0x3FB5];
	_ =	sdelay $0x3  }
0x33: {  	p0 =	seq.s32 s10, $0x1;
	s10 =	sld [smem:$0x3FB7];
	_ =	sdelay $0x3  }
0x34: {  	[smem:$0x3FB7] =	sst s10  }
0x35: {  	s10 =	sld [smem:$0x3FB6];
	_ =	sdelay $0x3  }
0x36: {  	p1 =	seq.s32 s10, $0x1;
	s10 =	sld [smem:$0x3FB7];
	_ =	sdelay $0x3  }
0x37: {  	[smem:$0x3FB7] =	sst s10  }
0x38: {  	s10 =	sld [smem:$0x3FB8]  }
0x39: {  	_ = 	snop;
	(pc) =	sbr.ind lr, $3  }
0x3a: {  	_ = 	snop  }
0x3b: {  	_ = 	snop  }
0x3c: {  	p2 =	seq.s32 s10, $0x1;
	s10 =	sld [smem:$0x3FB7]  }
0x3d: {  	_ =	shalt  }
0x3e: {  	_ =	shalt  }
0x3f: {  	_ =	shalt  }
0x40: {  	_ =	shalt  }
0x41: {  	_ =	shalt  }
0x42: {  	_ =	shalt  }
0x43: {  	_ =	shalt  }
0x44: {  	_ =	shalt  }
0x45: {  	_ =	shalt  }
0x46: {  	_ =	shalt  }
0x47: {  	_ =	shalt  }
0x48: {  	_ =	shalt  }
0x49: {  	_ =	shalt  }
0x4a: {  	_ =	shalt  }
0x4b: {  	_ =	shalt  }
0x4c: {  	_ =	shalt  }
0x4d: {  	_ =	shalt  }
0x4e: {  	_ =	shalt  }
0x4f: {  	_ =	shalt  }
0x50: {  	_ =	shalt  }
0x51: {  	_ =	shalt  }
0x52: {  	_ =	shalt  }
0x53: {  	_ =	shalt  }
0x54: {  	_ =	shalt  }
0x55: {  	_ =	shalt  }
0x56: {  	_ =	shalt  }
0x57: {  	_ =	shalt  }
0x58: {  	_ =	shalt  }
0x59: {  	_ =	shalt  }
0x5a: {  	_ =	shalt  }
0x5b: {  	_ =	shalt  }
0x5c: {  	_ =	shalt  }
0x5d: {  	_ =	shalt  }
0x5e: {  	_ =	shalt  }
0x5f: {  	_ =	shalt  }
0x60: {  	_ =	shalt  }
0x61: {  	_ =	shalt  }
0x62: {  	_ =	shalt  }
0x63: {  	_ =	shalt  }
0x64: {  	_ =	shalt  }
0x65: {  	_ =	shalt  }
0x66: {  	_ =	shalt  }
0x67: {  	_ =	shalt  }
0x68: {  	_ =	shalt  }
0x69: {  	_ =	shalt  }
0x6a: {  	_ =	shalt  }
0x6b: {  	_ =	shalt  }
0x6c: {  	_ =	shalt  }
0x6d: {  	_ =	shalt  }
0x6e: {  	_ =	shalt  }
0x6f: {  	_ =	shalt  }
0x70: {  	_ =	shalt  }
0x71: {  	_ =	shalt  }
0x72: {  	_ =	shalt  }
0x73: {  	_ =	shalt  }
0x74: {  	_ =	shalt  }
0x75: {  	_ =	shalt  }
0x76: {  	_ =	shalt  }
0x77: {  	_ =	shalt  }
0x78: {  	_ =	shalt  }
0x79: {  	_ =	shalt  }
0x7a: {  	_ =	shalt  }
0x7b: {  	_ =	shalt  }
0x7c: {  	_ =	shalt  }
0x7d: {  	_ =	shalt  }
0x7e: {  	_ =	shalt  }
0x7f: {  	_ =	shalt  }
0x80: {  	_ =	shalt  }
0x81: {  	_ =	shalt  }
0x82: {  	_ =	shalt  }
0x83: {  	_ =	shalt  }
0x84: {  	_ =	shalt  }
0x85: {  	_ =	shalt  }
0x86: {  	_ =	shalt  }
0x87: {  	_ =	shalt  }
.Lfunc_end0:
.L_simem_size_0:
called_computation.1_lowered:
.L_overlay_start_0:
0x88: {  	s2 =	sld [smem:$0x3FD9]  }
0x89: {  	s3 =	sld [smem:$0x3FFE];
	_ =	sdelay $0x1  }
0x8a: {  	s1 =	srdreg.scid  }
0x8b: {  	s0 =	sand.u32 $0x1, s1  }
0x8c: {  	s17 =	sshll.u32 s0, $0xA;
	s2 =	sadd.s32 s3, s2  }
0x8d: {  	s2 =	sadd.s32 s2, s17  }
0x8e: {  	[smem:$0x3FC3] =	sst s2  }
0x8f: {  	_ = 	snop  }
0x90: {  	s2 =	sld [smem:$0x3FD0];
	(tm) =	ssettm $0x1  }
0x91: {  	s18 =	sld [smem:$0x3FFB];
	_ =	sdelay $0x3  }
0x92: {  	_ =	strace s18  }
0x93: {  	s3 =	sld [smem:$0x3FFC];
	_ =	sdelay $0x3  }
0x94: {  	_ =	strace s3  }
0x95: {  	s3 =	sld [smem:$0x3FFD];
	_ =	sdelay $0x3  }
0x96: {  	_ =	strace s3  }
0x97: {  	_ =	strace $0x8FFFFFFF  }
0x98: {  	s19 =	sld [smem:$0x3FDB];
	_ =	sdelay $0x1  }
0x99: {  	s4 =	simm.s32 $_scs_section_size  }
0x9a: {  	s5 =	simm.s32 $_size__tile_overlayer_lowered;
	s6 =	simm.s32 $_tile_overlayer_lowered  }
0x9b: {  	s22 =	simm.s32 $0x1BFF;
	s21 =	sshll.u32 s6, $0x1;
	s3 =	sadd.s32 s4, s19  }
0x9c: {  	s7 =	simm.s32 $0x0;
	s20 =	sshll.u32 s5, $0x1;
	s5 =	sadd.s32 s21, s3  }
0x9d: {  	[timem:s7], [sflag:s22] =	dma.local [hbm:s5], s20  }
0x9e: {  	_ =	swait.ge [sflag:s22], s20  }
0x9f: {  	s4 =	ssub.s32 $0x0, s20;
	[sflag:s22] =	ssyncset.done $0x0  }
0xa0: {  	[sflag:s22] =	ssyncadd.s32 s4;
	_ =	sdelay $0x1  }
0xa1: {  	s23 =	simm.s32 $0x1B8B  }
0xa2: {  	_ =	swait.ge [sflag:s23], $0x1  }
0xa3: {  	[sflag:s23] =	ssyncset.done $0x0  }
0xa4: {  	s25 =	simm.s32 $0x1B8E;
	s24 =	sld [smem:$0x3FFE];
	[sflag:s23] =	ssyncadd.s32 $0xFFFFFFFF  }
0xa5: {  	s26 =	simm.s32 $execute0_lowered;
	[smem:$0x3FD2] =	sst s25  }
0xa6: {  	s5 =	sshll.u32 s26, $0x1;
	_ =	strace $0x80000049;
	[dreg:$0x1] =	wrdreg $0xFFFFFFFF  }
0xa7: {  	s28 =	simm.s32 $_size_execute0_lowered;
	s3 =	sadd.s32 s3, s5;
	[dreg:$0x0] =	wrdreg $0x0  }
0xa8: {  	s5 =	sshll.u32 s28, $0x1;
	[dreg:$0x2] =	wrdreg s3  }
0xa9: {  	[dreg:$0x3] =	wrdreg s5  }
0xaa: {  	[dreg:$0x4] =	wrdreg $0xC0  }
0xab: {  	_ =	task [dreg:s7], $0x5FFFF  }
0xac: {  	[dreg:$0x1] =	wrdreg $0xFFFFFFFF  }
0xad: {  	[dreg:$0x0] =	wrdreg $0x60  }
0xae: {  	[dreg:$0x2] =	wrdreg s24  }
0xaf: {  	[dreg:$0x3] =	wrdreg s2  }
0xb0: {  	[dreg:$0x4] =	wrdreg $0x9  }
0xb1: {  	_ =	task.clear_ibuf [dreg:s7], $0x5FFFF;
	_ =	strace $0x90000049  }
0xb2: {  	s29 =	simm.s32 $0x9;
	_ =	strace $0x8000004B  }
0xb3: {  	_ =	swait.ge [sflag:s29], $0x1  }
0xb4: {  	[sflag:s29] =	ssyncadd.s32 $0xFFFFFFFF  }
0xb5: {  	_ =	strace $0x9000004B  }
0xb6: {  	_ =	sfence  }
0xb7: {  	s30 =	sld [smem:$0x0];
	_ =	sdelay $0x2  }
0xb8: {  	s31 =	sshll.u32 s1, $0xD;
	s1 =	sshrl.u32 s1, $0x2  }
0xb9: {  	s3 =	sand.u32 $0x4000, s31;
	s1 =	sadd.s32 s1, s30  }
0xba: {  	s0 =	sor.u32 s3, s0;
	s1 =	sshll.u32 s1, $0x11  }
0xbb: {  	s0 =	sor.u32 s1, s0  }
0xbc: {  	s0 =	sadd.s32 $0x8F2B, s0  }
0xbd: {  	[sflag:s0] =	ssyncadd.remote.s32 $0x1  }
0xbe: {  	_ =	sfence.sel $0xFFFF  }
0xbf: {  	[dreg:$0x0] =	wrdreg $0xFFFFFFFF;
	(pc) =	sbr.abs _section_cstart, $3  }
0xc0: {  	[dreg:$0x1] =	wrdreg $0xFFFFFFFF  }
0xc1: {  	_ =	task.clear_ibuf [dreg:s7], $0x2FFFF;
	_ =	strace $0x9FFFFFFF  }
0xc2: {  	(tm) =	ssettm $0x7FFFFFFF  }
0xc3: {  	_ =	shalt  }
tec
execute0_lowered:
.L_overlay_start_1:
0x0: {  	(tag) =	ssettag $0x1  }
0x1: {  	v0 =	vimm.s32 $0xFEDCBA9;
	v2 =	vimm.s32 $0x87654321  }
0x2: {  	v3 =	vimm.s32 $0x98765432;
	v4 =	vimm.s32 $0x210FEDCB;
	v5 =	vimm.s32 $0xA9876543  }
0x3: {  	v15 =	vimm.s32 $0xCBA98765;
	v17 =	vimm.s32 $0x6543210F;
	v18 =	vimm.s32 $0xEDCBA987  }
0x4: {  	v19 =	vimm.s32 $0xFEDCBA98;
	v20 =	vimm.s32 $0x76543210;
	v1 =	vunpack.c.l.s4.s8 v0  }
0x5: {  	v0 =	vlaneseq.u32;
	v3 =	vunpack.c.l.s4.s8 v3;
	v4 =	vunpack.c.l.s4.s8 v4  }
0x6: {  	v17 =	vunpack.c.l.s4.s8 v17;
	v18 =	vunpack.c.l.s4.s8 v18;
	v19 =	vunpack.c.l.s4.s8 v19  }
0x7: {  	v29 =	vmul.u32 $0x80, v0;
	v7 =	vunpack.c.0.s8.s32 v1;
	v1 =	vunpack.c.l.s4.s8 v2  }
0x8: {  	v2 =	vimm.s32 $0x10FEDCBA;
	v10 =	vunpack.c.0.s8.s32 v3;
	v11 =	vunpack.c.0.s8.s32 v4  }
0x9: {  	v17 =	vunpack.c.0.s8.s32 v17;
	v18 =	vunpack.c.0.s8.s32 v18;
	v2 =	vunpack.c.l.s4.s8 v2  }
0xa: {  	v19 =	vunpack.c.0.s8.s32 v19;
	v8 =	vunpack.c.0.s8.s32 v1;
	v1 =	vunpack.c.l.s4.s8 v5  }
0xb: {  	v23 =	vcombine.low v18, v17;
	v9 =	vunpack.c.0.s8.s32 v2;
	v2 =	vimm.s32 $0x3210FEDC  }
0xc: {  	v19 =	vand.u32 $0xF, v19;
	v12 =	vunpack.c.0.s8.s32 v1;
	v1 =	vunpack.c.l.s4.s8 v2  }
0xd: {  	v2 =	vimm.s32 $0xBA987654;
	v3 =	vcombine.low v8, v7;
	v63 =	vcombine.low v7, v8  }
0xe: {  	v8 =	vand.u32 $0xF, v23;
	v4 =	vcombine.low v10, v9;
	v2 =	vunpack.c.l.s4.s8 v2  }
0xf: {  	v10 =	vcombine.low v9, v10;
	v5 =	vcombine.low v12, v11;
	v13 =	vunpack.c.0.s8.s32 v1  }
0x10: {  	s0 =	rddreg [dreg:$0x0];
	v1 =	vimm.s32 $0x43210FED;
	v11 =	vcombine.low v11, v12;
	v14 =	vunpack.c.0.s8.s32 v2  }
0x11: {  	s1 =	rddreg [dreg:$0x1];
	s2 =	simm.s32 $0x0;
	v6 =	vunpack.c.l.s4.s8 v1;
	v2 =	vand.u32 $0xF, v4;
	v4 =	vunpack.c.l.s4.s8 v15  }
0x12: {  	s3 =	srdreg.scid;
	s9 =	stileid.u32;
	s10 =	simm.s32 $0x13000;
	v9 =	vand.u32 $0xF, v63;
	v1 =	vand.u32 $0xF, v3;
	v10 =	vand.u32 $0xF, v10  }
0x13: {  	s11 =	simm.s32 $0x3;
	s12 =	simm.s32 $0x4000;
	s14 =	simm.s32 $0x8000;
	v3 =	vand.u32 $0xF, v5;
	v15 =	vunpack.c.0.s8.s32 v6;
	v16 =	vunpack.c.0.s8.s32 v4  }
0x14: {  	s13 =	simm.s32 $0x80;
	s15 =	simm.s32 $0xA000;
	s16 =	simm.s32 $0x8080;
	v4 =	vimm.s32 $0x543210FE;
	v6 =	vimm.s32 $0xDCBA9876;
	v12 =	vcombine.low v13, v14  }
0x15: {  	s17 =	simm.s32 $0xE000;
	s18 =	simm.s32 $0x1;
	s19 =	simm.s32 $0x2;
	v11 =	vand.u32 $0xF, v11;
	v4 =	vunpack.c.l.s4.s8 v4;
	v6 =	vunpack.c.l.s4.s8 v6  }
0x16: {  	s20 =	simm.s32 $0x13200;
	[smem:$0x7FF] =	sst s2;
	s5 =	sand.u32 $0x1, s3;
	v5 =	vcombine.low v14, v13;
	v13 =	vcombine.low v15, v16;
	v12 =	vand.u32 $0xF, v12  }
0x17: {  	s3 =	sadd.s32 $0xE00, s0;
	s4 =	sadd.s32 $0x4F7A00, s0;
	s7 =	ssub.s32 $0x2, s5;
	v21 =	vunpack.c.0.s8.s32 v4;
	v22 =	vunpack.c.0.s8.s32 v6;
	v6 =	vunpack.c.l.s4.s8 v20  }
0x18: {  	s6 =	sadd.s32 $0x537A00, s0;
	s30 =	sshll.u32 s9, $0x3;
	s8 =	sshrl.u32 s7, $0x1;
	v4 =	vand.u32 $0xF, v5;
	v5 =	vcombine.low v16, v15;
	v15 =	vcombine.low v17, v18  }
0x19: {  	s0 =	sadd.s32 $0x577A00, s0;
	_ =	strace $0x8000004A;
	s7 =	ssub.s32 s7, s8;
	v6 =	vunpack.c.0.s8.s32 v6;
	v62 =	vcombine.low v22, v21;
	v14 =	vcombine.low v21, v22  }
0x1a: {  	s5 =	sshll.u32 s5, $0x2;
	[dreg:$0x3] =	wrdreg s0;
	s31 =	smax.u32 s7, $0x1;
	v13 =	vand.u32 $0xF, v13;
	v5 =	vand.u32 $0xF, v5;
	v15 =	vand.u32 $0xF, v15  }
0x1b: {  	s21 =	simm.s32 $0x0;
	s8 =	sor.u32 s5, s30;
	[dreg:$0x4] =	wrdreg s31;
	v6 =	vcombine.low v19, v6;
	v7 =	vand.u32 $0xF, v62;
	v14 =	vand.u32 $0xF, v14  }
.LBB2_1:
0x1c: {  	s0 =	rddreg [dreg:$0x3];
	v16 =	vimm.s32 $0x80  }
0x1d: {  	[tilespmem:s10], [sflag:$0x3] =	stream.linear.gather [hbm4b:s0+s2], $0x180, $0x38;
	[tilespmem:$0x13280] =	vst v63  }
0x1e: {  	_ =	swait.ge [sflag:s11], $0x180  }
0x1f: {  	[sflag:s11] =	ssyncset.done $0x0  }
0x20: {  	[sflag:s11] =	ssyncadd.s32 $0xFFFFFE80  }
0x21: {  	v47 =	vld.idx.msk [tilespmem:v16+s10+$0x0], $0xffff;
	v16 =	vimm.s32 $0x81;
	_ =	sdelay $0x4  }
0x22: {  	v48 =	vld.idx.msk [tilespmem:v16+s10+$0x0], $0xffff;
	v16 =	vimm.s32 $0x82;
	_ =	sdelay $0x4  }
0x23: {  	v49 =	vld.idx.msk [tilespmem:v16+s10+$0x0], $0xffff;
	v16 =	vimm.s32 $0x83;
	_ =	sdelay $0x4  }
0x24: {  	v50 =	vld.idx.msk [tilespmem:v16+s10+$0x0], $0xffff;
	v16 =	vimm.s32 $0x84;
	_ =	sdelay $0x4  }
0x25: {  	v51 =	vld.idx.msk [tilespmem:v16+s10+$0x0], $0xffff;
	v16 =	vimm.s32 $0x85;
	_ =	sdelay $0x4  }
0x26: {  	v52 =	vld.idx.msk [tilespmem:v16+s10+$0x0], $0xffff;
	v16 =	vimm.s32 $0x86;
	_ =	sdelay $0x4  }
0x27: {  	v53 =	vld.idx.msk [tilespmem:v16+s10+$0x0], $0xffff;
	v16 =	vimm.s32 $0x87;
	_ =	sdelay $0x4  }
0x28: {  	v54 =	vld.idx.msk [tilespmem:v16+s10+$0x0], $0xffff;
	v16 =	vimm.s32 $0x88  }
0x29: {  	v27 =	vld.idx.msk [tilespmem:v0+s10+$0x0], $0xffff  }
0x2a: {  	v28 =	vld.idx.msk [tilespmem:v1+s10+$0x0], $0xffff  }
0x2b: {  	v30 =	vld.idx.msk [tilespmem:v2+s10+$0x0], $0xffff  }
0x2c: {  	v31 =	vld.idx.msk [tilespmem:v3+s10+$0x0], $0xffff  }
0x2d: {  	v55 =	vld.idx.msk [tilespmem:v16+s10+$0x0], $0xffff;
	v16 =	vimm.s32 $0x89  }
0x2e: {  	v32 =	vld.idx.msk [tilespmem:v4+s10+$0x0], $0xffff  }
0x2f: {  	v33 =	vld.idx.msk [tilespmem:v5+s10+$0x0], $0xffff  }
0x30: {  	v34 =	vld.idx.msk [tilespmem:v7+s10+$0x0], $0xffff  }
0x31: {  	v35 =	vld.idx.msk [tilespmem:v8+s10+$0x0], $0xffff  }
0x32: {  	[tilespmem:$0x1FF00] =	vst v27;
	v56 =	vld.idx.msk [tilespmem:v16+s10+$0x0], $0xffff;
	v16 =	vimm.s32 $0x8A  }
0x33: {  	v36 =	vld.idx.msk [tilespmem:v6+s10+$0x0], $0xffff;
	[tilespmem:$0x1FF10] =	vst v28  }
0x34: {  	v37 =	vld.idx.msk [tilespmem:v9+s10+$0x0], $0xffff;
	[tilespmem:$0x1FF20] =	vst v30  }
0x35: {  	v38 =	vld.idx.msk [tilespmem:v10+s10+$0x0], $0xffff;
	[tilespmem:$0x1FF30] =	vst v31  }
0x36: {  	v39 =	vld.idx.msk [tilespmem:v11+s10+$0x0], $0xffff;
	[tilespmem:$0x1FF40] =	vst v32  }
0x37: {  	[tilespmem:$0x1FF50] =	vst v33;
	v57 =	vld.idx.msk [tilespmem:v16+s10+$0x0], $0xffff;
	v16 =	vimm.s32 $0x8B  }
0x38: {  	v40 =	vld.idx.msk [tilespmem:v12+s10+$0x0], $0xffff;
	[tilespmem:$0x1FF60] =	vst v34  }
0x39: {  	v41 =	vld.idx.msk [tilespmem:v13+s10+$0x0], $0xffff;
	[tilespmem:$0x1FF70] =	vst v35  }
0x3a: {  	v42 =	vld.idx.msk [tilespmem:v14+s10+$0x0], $0xffff;
	[tilespmem:$0x1FF80] =	vst v36  }
0x3b: {  	v43 =	vld.idx.msk [tilespmem:v15+s10+$0x0], $0xffff;
	[tilespmem:$0x1FF90] =	vst v37  }
0x3c: {  	[tilespmem:$0x1FFA0] =	vst v38;
	v58 =	vld.idx.msk [tilespmem:v16+s10+$0x0], $0xffff;
	v16 =	vimm.s32 $0x8C  }
0x3d: {  	[tilespmem:$0x1FFB0] =	vst v39  }
0x3e: {  	[tilespmem:$0x1FFC0] =	vst v40  }
0x3f: {  	[tilespmem:$0x1FFD0] =	vst v41  }
0x40: {  	v60 =	vld [tilespmem:$0x13100];
	[tilespmem:$0x1FFE0] =	vst v42  }
0x41: {  	s22 =	simm.s32 $0x0;
	[tilespmem:$0x1FFF0] =	vst v43;
	v59 =	vld.idx.msk [tilespmem:v16+s10+$0x0], $0xffff  }
.LBB2_2:
0x42: {  	s23 =	sadd.s32 s8, s22  }
0x43: {  	s0 =	sshll.u32 s23, $0xB  }
0x44: {  	s7 =	simm.s32 $0x0;
	s5 =	sadd.s32 s4, s0  }
0x45: {  	[tilespmem:s7], [sflag:$0x3] =	stream.linear.gather [hbm4b:s5+s7], $0x4000, $0x38;
	[tilespmem:$0x13280] =	vst v63  }
0x46: {  	v16 =	vmov s7;
	_ =	swait.ge [sflag:s11], $0x4000  }
0x47: {  	v16 =	vshll.u32 v16, $0x7;
	[sflag:s11] =	ssyncset.done $0x0  }
0x48: {  	s0 =	sadd.s32 s6, s0;
	v61 =	vor.u32 v29, v16;
	[sflag:s11] =	ssyncadd.s32 $0xFFFFC000  }
0x49: {  	[tilespmem:s12], [sflag:$0x3] =	stream.linear.gather [hbm4b:s0+s7], $0x4000, $0x38;
	[tilespmem:$0x13280] =	vst v63  }
0x4a: {  	_ =	swait.ge [sflag:s11], $0x4000  }
0x4b: {  	[sflag:s11] =	ssyncset.done $0x0  }
0x4c: {  	[sflag:s11] =	ssyncadd.s32 $0xFFFFC000  }
0x4d: {  	v16 =	vld.idx.msk [tilespmem:v61+s2+$0x0], $0xffff;
	_ =	sdelay $0x2  }
0x4e: {  	v17 =	vor.u32 $0x1, v61;
	_ =	sdelay $0x1  }
0x4f: {  	s25 =	simm.s32 $0x8680;
	v18 =	vshrl.u32 v16, $0x3;
	v16 =	vshll.u32 v16, $0x4  }
0x50: {  	s24 =	simm.s32 $0x9680;
	[tilespmem:s25+$0xFFFFF980] =	vst v18;
	v16 =	vand.u32 $0x70, v16  }
0x51: {  	[tilespmem:s24+$0xFFFFF980] =	vst v16  }
0x52: {  	v16 =	vld.idx.msk [tilespmem:v17+s2+$0x0], $0xffff;
	_ =	sdelay $0x3  }
0x53: {  	v17 =	vor.u32 $0x2, v61  }
0x54: {  	v18 =	vshrl.u32 v16, $0x3  }
0x55: {  	v16 =	vshll.u32 v16, $0x4;
	v18 =	vadd.s32 $0x30E0, v18  }
0x56: {  	v16 =	vand.u32 $0x70, v16;
	[tilespmem:s25+$0xFFFFFA00] =	vst v18  }
0x57: {  	[tilespmem:s24+$0xFFFFFA00] =	vst v16  }
0x58: {  	v16 =	vld.idx.msk [tilespmem:v17+s2+$0x0], $0xffff;
	_ =	sdelay $0x3  }
0x59: {  	v17 =	vor.u32 $0x3, v61  }
0x5a: {  	v18 =	vshrl.u32 v16, $0x3  }
0x5b: {  	v16 =	vshll.u32 v16, $0x4;
	v18 =	vadd.s32 $0x61C0, v18  }
0x5c: {  	v16 =	vand.u32 $0x70, v16;
	[tilespmem:s25+$0xFFFFFA80] =	vst v18  }
0x5d: {  	[tilespmem:s24+$0xFFFFFA80] =	vst v16  }
0x5e: {  	v16 =	vld.idx.msk [tilespmem:v17+s2+$0x0], $0xffff;
	_ =	sdelay $0x3  }
0x5f: {  	v17 =	vor.u32 $0x4, v61  }
0x60: {  	v18 =	vshrl.u32 v16, $0x3  }
0x61: {  	v16 =	vshll.u32 v16, $0x4;
	v18 =	vadd.s32 $0x92A0, v18  }
0x62: {  	v16 =	vand.u32 $0x70, v16;
	[tilespmem:s25+$0xFFFFFB00] =	vst v18  }
0x63: {  	[tilespmem:s24+$0xFFFFFB00] =	vst v16  }
0x64: {  	v16 =	vld.idx.msk [tilespmem:v17+s2+$0x0], $0xffff;
	_ =	sdelay $0x3  }
0x65: {  	v17 =	vor.u32 $0x5, v61  }
0x66: {  	v18 =	vshrl.u32 v16, $0x3  }
0x67: {  	v16 =	vshll.u32 v16, $0x4;
	v18 =	vadd.s32 $0xC380, v18  }
0x68: {  	v16 =	vand.u32 $0x70, v16;
	[tilespmem:s25+$0xFFFFFB80] =	vst v18  }
0x69: {  	[tilespmem:s24+$0xFFFFFB80] =	vst v16  }
0x6a: {  	v16 =	vld.idx.msk [tilespmem:v17+s2+$0x0], $0xffff;
	_ =	sdelay $0x3  }
0x6b: {  	v17 =	vor.u32 $0x6, v61  }
0x6c: {  	v18 =	vshrl.u32 v16, $0x3  }
0x6d: {  	v16 =	vshll.u32 v16, $0x4;
	v18 =	vadd.s32 $0xF460, v18  }
0x6e: {  	v16 =	vand.u32 $0x70, v16;
	[tilespmem:s25+$0xFFFFFC00] =	vst v18  }
0x6f: {  	[tilespmem:s24+$0xFFFFFC00] =	vst v16  }
0x70: {  	v16 =	vld.idx.msk [tilespmem:v17+s2+$0x0], $0xffff;
	_ =	sdelay $0x3  }
0x71: {  	v17 =	vor.u32 $0x7, v61  }
0x72: {  	v18 =	vshrl.u32 v16, $0x3  }
0x73: {  	v16 =	vshll.u32 v16, $0x4;
	v18 =	vadd.s32 $0x12540, v18  }
0x74: {  	v16 =	vand.u32 $0x70, v16;
	[tilespmem:s25+$0xFFFFFC80] =	vst v18  }
0x75: {  	[tilespmem:s24+$0xFFFFFC80] =	vst v16  }
0x76: {  	v16 =	vld.idx.msk [tilespmem:v17+s2+$0x0], $0xffff;
	_ =	sdelay $0x3  }
0x77: {  	v17 =	vor.u32 $0x8, v61  }
0x78: {  	v18 =	vshrl.u32 v16, $0x3  }
0x79: {  	v16 =	vshll.u32 v16, $0x4;
	v18 =	vadd.s32 $0x15620, v18  }
0x7a: {  	v16 =	vand.u32 $0x70, v16;
	[tilespmem:s25+$0xFFFFFD00] =	vst v18  }
0x7b: {  	[tilespmem:s24+$0xFFFFFD00] =	vst v16  }
0x7c: {  	v16 =	vld.idx.msk [tilespmem:v17+s2+$0x0], $0xffff;
	_ =	sdelay $0x3  }
0x7d: {  	v17 =	vor.u32 $0x9, v61  }
0x7e: {  	v18 =	vshrl.u32 v16, $0x3  }
0x7f: {  	v16 =	vshll.u32 v16, $0x4;
	v18 =	vadd.s32 $0x18700, v18  }
0x80: {  	v16 =	vand.u32 $0x70, v16;
	[tilespmem:s25+$0xFFFFFD80] =	vst v18  }
0x81: {  	[tilespmem:s24+$0xFFFFFD80] =	vst v16  }
0x82: {  	v16 =	vld.idx.msk [tilespmem:v17+s2+$0x0], $0xffff;
	_ =	sdelay $0x3  }
0x83: {  	v17 =	vor.u32 $0xA, v61  }
0x84: {  	v18 =	vshrl.u32 v16, $0x3  }
0x85: {  	v16 =	vshll.u32 v16, $0x4;
	v18 =	vadd.s32 $0x1B7E0, v18  }
0x86: {  	v16 =	vand.u32 $0x70, v16;
	[tilespmem:s25+$0xFFFFFE00] =	vst v18  }
0x87: {  	[tilespmem:s24+$0xFFFFFE00] =	vst v16  }
0x88: {  	v16 =	vld.idx.msk [tilespmem:v17+s2+$0x0], $0xffff;
	_ =	sdelay $0x3  }
0x89: {  	v17 =	vor.u32 $0xB, v61  }
0x8a: {  	v18 =	vshrl.u32 v16, $0x3  }
0x8b: {  	v16 =	vshll.u32 v16, $0x4;
	v18 =	vadd.s32 $0x1E8C0, v18  }
0x8c: {  	v16 =	vand.u32 $0x70, v16;
	[tilespmem:s25+$0xFFFFFE80] =	vst v18  }
0x8d: {  	[tilespmem:s24+$0xFFFFFE80] =	vst v16  }
0x8e: {  	v16 =	vld.idx.msk [tilespmem:v17+s2+$0x0], $0xffff;
	_ =	sdelay $0x3  }
0x8f: {  	v17 =	vor.u32 $0xC, v61  }
0x90: {  	v18 =	vshrl.u32 v16, $0x3  }
0x91: {  	v16 =	vshll.u32 v16, $0x4;
	v18 =	vadd.s32 $0x219A0, v18  }
0x92: {  	v16 =	vand.u32 $0x70, v16;
	[tilespmem:s25+$0xFFFFFF00] =	vst v18  }
0x93: {  	[tilespmem:s24+$0xFFFFFF00] =	vst v16  }
0x94: {  	v16 =	vld.idx.msk [tilespmem:v17+s2+$0x0], $0xffff;
	_ =	sdelay $0x3  }
0x95: {  	v17 =	vor.u32 $0xD, v61  }
0x96: {  	v18 =	vshrl.u32 v16, $0x3  }
0x97: {  	v16 =	vshll.u32 v16, $0x4;
	v18 =	vadd.s32 $0x24A80, v18  }
0x98: {  	v16 =	vand.u32 $0x70, v16;
	[tilespmem:s25+$0xFFFFFF80] =	vst v18  }
0x99: {  	[tilespmem:s24+$0xFFFFFF80] =	vst v16  }
0x9a: {  	v16 =	vld.idx.msk [tilespmem:v17+s2+$0x0], $0xffff;
	_ =	sdelay $0x3  }
0x9b: {  	v17 =	vor.u32 $0xE, v61  }
0x9c: {  	v18 =	vshrl.u32 v16, $0x3  }
0x9d: {  	v16 =	vshll.u32 v16, $0x4;
	v18 =	vadd.s32 $0x27B60, v18  }
0x9e: {  	v16 =	vand.u32 $0x70, v16;
	[tilespmem:s25+$0x0] =	vst v18  }
0x9f: {  	[tilespmem:s24+$0x0] =	vst v16  }
0xa0: {  	v16 =	vld.idx.msk [tilespmem:v17+s2+$0x0], $0xffff;
	_ =	sdelay $0x3  }
0xa1: {  	v17 =	vor.u32 $0xF, v61  }
0xa2: {  	v18 =	vshrl.u32 v16, $0x3  }
0xa3: {  	v16 =	vshll.u32 v16, $0x4;
	v18 =	vadd.s32 $0x2AC40, v18  }
0xa4: {  	v16 =	vand.u32 $0x70, v16;
	[tilespmem:s25+$0x80] =	vst v18  }
0xa5: {  	[tilespmem:s24+$0x80] =	vst v16  }
0xa6: {  	v16 =	vld.idx.msk [tilespmem:v17+s2+$0x0], $0xffff;
	_ =	sdelay $0x3  }
0xa7: {  	v17 =	vor.u32 $0x10, v61  }
0xa8: {  	v18 =	vshrl.u32 v16, $0x3  }
0xa9: {  	v16 =	vshll.u32 v16, $0x4;
	v18 =	vadd.s32 $0x2DD20, v18  }
0xaa: {  	v16 =	vand.u32 $0x70, v16;
	[tilespmem:s25+$0x100] =	vst v18  }
0xab: {  	[tilespmem:s24+$0x100] =	vst v16  }
0xac: {  	v16 =	vld.idx.msk [tilespmem:v17+s2+$0x0], $0xffff;
	_ =	sdelay $0x3  }
0xad: {  	v17 =	vor.u32 $0x11, v61  }
0xae: {  	v18 =	vshrl.u32 v16, $0x3  }
0xaf: {  	v16 =	vshll.u32 v16, $0x4;
	v18 =	vadd.s32 $0x30E00, v18  }
0xb0: {  	v16 =	vand.u32 $0x70, v16;
	[tilespmem:s25+$0x180] =	vst v18  }
0xb1: {  	[tilespmem:s24+$0x180] =	vst v16  }
0xb2: {  	v16 =	vld.idx.msk [tilespmem:v17+s2+$0x0], $0xffff;
	_ =	sdelay $0x3  }
0xb3: {  	v17 =	vor.u32 $0x12, v61  }
0xb4: {  	v18 =	vshrl.u32 v16, $0x3  }
0xb5: {  	v16 =	vshll.u32 v16, $0x4;
	v18 =	vadd.s32 $0x33EE0, v18  }
0xb6: {  	v16 =	vand.u32 $0x70, v16;
	[tilespmem:s25+$0x200] =	vst v18  }
0xb7: {  	[tilespmem:s24+$0x200] =	vst v16  }
0xb8: {  	v16 =	vld.idx.msk [tilespmem:v17+s2+$0x0], $0xffff;
	_ =	sdelay $0x3  }
0xb9: {  	v17 =	vor.u32 $0x13, v61  }
0xba: {  	v18 =	vshrl.u32 v16, $0x3  }
0xbb: {  	v16 =	vshll.u32 v16, $0x4;
	v18 =	vadd.s32 $0x36FC0, v18  }
0xbc: {  	v16 =	vand.u32 $0x70, v16;
	[tilespmem:s25+$0x280] =	vst v18  }
0xbd: {  	[tilespmem:s24+$0x280] =	vst v16  }
0xbe: {  	v16 =	vld.idx.msk [tilespmem:v17+s2+$0x0], $0xffff;
	_ =	sdelay $0x3  }
0xbf: {  	v17 =	vor.u32 $0x14, v61  }
0xc0: {  	v18 =	vshrl.u32 v16, $0x3  }
0xc1: {  	v16 =	vshll.u32 v16, $0x4;
	v18 =	vadd.s32 $0x3A0A0, v18  }
0xc2: {  	v16 =	vand.u32 $0x70, v16;
	[tilespmem:s25+$0x300] =	vst v18  }
0xc3: {  	[tilespmem:s24+$0x300] =	vst v16  }
0xc4: {  	v16 =	vld.idx.msk [tilespmem:v17+s2+$0x0], $0xffff;
	_ =	sdelay $0x3  }
0xc5: {  	v17 =	vor.u32 $0x15, v61  }
0xc6: {  	v18 =	vshrl.u32 v16, $0x3  }
0xc7: {  	v16 =	vshll.u32 v16, $0x4;
	v18 =	vadd.s32 $0x3D180, v18  }
0xc8: {  	v16 =	vand.u32 $0x70, v16;
	[tilespmem:s25+$0x380] =	vst v18  }
0xc9: {  	[tilespmem:s24+$0x380] =	vst v16  }
0xca: {  	v16 =	vld.idx.msk [tilespmem:v17+s2+$0x0], $0xffff;
	_ =	sdelay $0x3  }
0xcb: {  	v17 =	vor.u32 $0x16, v61  }
0xcc: {  	v18 =	vshrl.u32 v16, $0x3  }
0xcd: {  	v16 =	vshll.u32 v16, $0x4;
	v18 =	vadd.s32 $0x40260, v18  }
0xce: {  	v16 =	vand.u32 $0x70, v16;
	[tilespmem:s25+$0x400] =	vst v18  }
0xcf: {  	[tilespmem:s24+$0x400] =	vst v16  }
0xd0: {  	v16 =	vld.idx.msk [tilespmem:v17+s2+$0x0], $0xffff;
	_ =	sdelay $0x3  }
0xd1: {  	v17 =	vor.u32 $0x17, v61  }
0xd2: {  	v18 =	vshrl.u32 v16, $0x3  }
0xd3: {  	v16 =	vshll.u32 v16, $0x4;
	v18 =	vadd.s32 $0x43340, v18  }
0xd4: {  	v16 =	vand.u32 $0x70, v16;
	[tilespmem:s25+$0x480] =	vst v18  }
0xd5: {  	[tilespmem:s24+$0x480] =	vst v16  }
0xd6: {  	v16 =	vld.idx.msk [tilespmem:v17+s2+$0x0], $0xffff;
	_ =	sdelay $0x3  }
0xd7: {  	v17 =	vor.u32 $0x18, v61  }
0xd8: {  	v18 =	vshrl.u32 v16, $0x3  }
0xd9: {  	v16 =	vshll.u32 v16, $0x4;
	v18 =	vadd.s32 $0x46420, v18  }
0xda: {  	v16 =	vand.u32 $0x70, v16;
	[tilespmem:s25+$0x500] =	vst v18  }
0xdb: {  	[tilespmem:s24+$0x500] =	vst v16  }
0xdc: {  	v16 =	vld.idx.msk [tilespmem:v17+s2+$0x0], $0xffff;
	_ =	sdelay $0x3  }
0xdd: {  	v17 =	vor.u32 $0x19, v61  }
0xde: {  	v18 =	vshrl.u32 v16, $0x3  }
0xdf: {  	v16 =	vshll.u32 v16, $0x4;
	v18 =	vadd.s32 $0x49500, v18  }
0xe0: {  	v16 =	vand.u32 $0x70, v16;
	[tilespmem:s25+$0x580] =	vst v18  }
0xe1: {  	[tilespmem:s24+$0x580] =	vst v16  }
0xe2: {  	v16 =	vld.idx.msk [tilespmem:v17+s2+$0x0], $0xffff;
	_ =	sdelay $0x1  }
0xe3: {  	s31 =	simm.s32 $0x10  }
0xe4: {  	v17 =	vmov s31  }
0xe5: {  	v17 =	vshll.u32 v17, $0x7  }
0xe6: {  	v61 =	vor.u32 v29, v17;
	v18 =	vshrl.u32 v16, $0x3  }
0xe7: {  	v16 =	vshll.u32 v16, $0x4;
	v18 =	vadd.s32 $0x4C5E0, v18  }
0xe8: {  	s0 =	simm.s32 $0x20;
	v16 =	vand.u32 $0x70, v16;
	[tilespmem:s25+$0x600] =	vst v18  }
.LBB2_3:
0xe9: {  	[tilespmem:s24+$0x600] =	vst v16;
	s24 =	sadd.s32 $0x10, s24  }
0xea: {  	s25 =	sadd.s32 $0x10, s25;
	s28 =	smov.u32 s0;
	s26 =	sadd.s32 $0x10, s0  }
0xeb: {  	p0 =	sne.s32 s0, $0x70;
	v16 =	vld.idx.msk [tilespmem:v61+s2+$0x0], $0xffff;
	_ =	sdelay $0x3  }
0xec: {  	v17 =	vor.u32 $0x1, v61;
	_ =	sdelay $0x1  }
0xed: {  	v18 =	vshrl.u32 v16, $0x3;
	v16 =	vshll.u32 v16, $0x4  }
0xee: {  	v16 =	vand.u32 $0x70, v16;
	[tilespmem:s25+$0xFFFFF980] =	vst v18  }
0xef: {  	[tilespmem:s24+$0xFFFFF980] =	vst v16  }
0xf0: {  	v16 =	vld.idx.msk [tilespmem:v17+s2+$0x0], $0xffff;
	_ =	sdelay $0x4  }
0xf1: {  	v17 =	vor.u32 $0x2, v61  }
0xf2: {  	v18 =	vshrl.u32 v16, $0x3;
	v16 =	vshll.u32 v16, $0x4  }
0xf3: {  	v18 =	vadd.s32 $0x30E0, v18  }
0xf4: {  	v16 =	vand.u32 $0x70, v16;
	[tilespmem:s25+$0xFFFFFA00] =	vst v18  }
0xf5: {  	[tilespmem:s24+$0xFFFFFA00] =	vst v16  }
0xf6: {  	v16 =	vld.idx.msk [tilespmem:v17+s2+$0x0], $0xffff;
	_ =	sdelay $0x4  }
0xf7: {  	v17 =	vor.u32 $0x3, v61  }
0xf8: {  	v18 =	vshrl.u32 v16, $0x3;
	v16 =	vshll.u32 v16, $0x4  }
0xf9: {  	v18 =	vadd.s32 $0x61C0, v18  }
0xfa: {  	v16 =	vand.u32 $0x70, v16;
	[tilespmem:s25+$0xFFFFFA80] =	vst v18  }
0xfb: {  	[tilespmem:s24+$0xFFFFFA80] =	vst v16  }
0xfc: {  	v16 =	vld.idx.msk [tilespmem:v17+s2+$0x0], $0xffff;
	_ =	sdelay $0x4  }
0xfd: {  	v17 =	vor.u32 $0x4, v61  }
0xfe: {  	v18 =	vshrl.u32 v16, $0x3;
	v16 =	vshll.u32 v16, $0x4  }
0xff: {  	v18 =	vadd.s32 $0x92A0, v18  }
0x100: {  	v16 =	vand.u32 $0x70, v16;
	[tilespmem:s25+$0xFFFFFB00] =	vst v18  }
0x101: {  	[tilespmem:s24+$0xFFFFFB00] =	vst v16  }
0x102: {  	v16 =	vld.idx.msk [tilespmem:v17+s2+$0x0], $0xffff;
	_ =	sdelay $0x4  }
0x103: {  	v17 =	vor.u32 $0x5, v61  }
0x104: {  	v18 =	vshrl.u32 v16, $0x3;
	v16 =	vshll.u32 v16, $0x4  }
0x105: {  	v18 =	vadd.s32 $0xC380, v18  }
0x106: {  	v16 =	vand.u32 $0x70, v16;
	[tilespmem:s25+$0xFFFFFB80] =	vst v18  }
0x107: {  	[tilespmem:s24+$0xFFFFFB80] =	vst v16  }
0x108: {  	v16 =	vld.idx.msk [tilespmem:v17+s2+$0x0], $0xffff;
	_ =	sdelay $0x4  }
0x109: {  	v17 =	vor.u32 $0x6, v61  }
0x10a: {  	v18 =	vshrl.u32 v16, $0x3;
	v16 =	vshll.u32 v16, $0x4  }
0x10b: {  	v18 =	vadd.s32 $0xF460, v18  }
0x10c: {  	v16 =	vand.u32 $0x70, v16;
	[tilespmem:s25+$0xFFFFFC00] =	vst v18  }
0x10d: {  	[tilespmem:s24+$0xFFFFFC00] =	vst v16  }
0x10e: {  	v16 =	vld.idx.msk [tilespmem:v17+s2+$0x0], $0xffff;
	_ =	sdelay $0x4  }
0x10f: {  	v17 =	vor.u32 $0x7, v61  }
0x110: {  	v18 =	vshrl.u32 v16, $0x3;
	v16 =	vshll.u32 v16, $0x4  }
0x111: {  	v18 =	vadd.s32 $0x12540, v18  }
0x112: {  	v16 =	vand.u32 $0x70, v16;
	[tilespmem:s25+$0xFFFFFC80] =	vst v18  }
0x113: {  	[tilespmem:s24+$0xFFFFFC80] =	vst v16  }
0x114: {  	v16 =	vld.idx.msk [tilespmem:v17+s2+$0x0], $0xffff;
	_ =	sdelay $0x4  }
0x115: {  	v17 =	vor.u32 $0x8, v61  }
0x116: {  	v18 =	vshrl.u32 v16, $0x3;
	v16 =	vshll.u32 v16, $0x4  }
0x117: {  	v18 =	vadd.s32 $0x15620, v18  }
0x118: {  	v16 =	vand.u32 $0x70, v16;
	[tilespmem:s25+$0xFFFFFD00] =	vst v18  }
0x119: {  	[tilespmem:s24+$0xFFFFFD00] =	vst v16  }
0x11a: {  	v16 =	vld.idx.msk [tilespmem:v17+s2+$0x0], $0xffff;
	_ =	sdelay $0x4  }
0x11b: {  	v17 =	vor.u32 $0x9, v61  }
0x11c: {  	v18 =	vshrl.u32 v16, $0x3;
	v16 =	vshll.u32 v16, $0x4  }
0x11d: {  	v18 =	vadd.s32 $0x18700, v18  }
0x11e: {  	v16 =	vand.u32 $0x70, v16;
	[tilespmem:s25+$0xFFFFFD80] =	vst v18  }
0x11f: {  	[tilespmem:s24+$0xFFFFFD80] =	vst v16  }
0x120: {  	v16 =	vld.idx.msk [tilespmem:v17+s2+$0x0], $0xffff;
	_ =	sdelay $0x4  }
0x121: {  	v17 =	vor.u32 $0xA, v61  }
0x122: {  	v18 =	vshrl.u32 v16, $0x3;
	v16 =	vshll.u32 v16, $0x4  }
0x123: {  	v18 =	vadd.s32 $0x1B7E0, v18  }
0x124: {  	v16 =	vand.u32 $0x70, v16;
	[tilespmem:s25+$0xFFFFFE00] =	vst v18  }
0x125: {  	[tilespmem:s24+$0xFFFFFE00] =	vst v16  }
0x126: {  	v16 =	vld.idx.msk [tilespmem:v17+s2+$0x0], $0xffff;
	_ =	sdelay $0x4  }
0x127: {  	v17 =	vor.u32 $0xB, v61  }
0x128: {  	v18 =	vshrl.u32 v16, $0x3;
	v16 =	vshll.u32 v16, $0x4  }
0x129: {  	v18 =	vadd.s32 $0x1E8C0, v18  }
0x12a: {  	v16 =	vand.u32 $0x70, v16;
	[tilespmem:s25+$0xFFFFFE80] =	vst v18  }
0x12b: {  	[tilespmem:s24+$0xFFFFFE80] =	vst v16  }
0x12c: {  	v16 =	vld.idx.msk [tilespmem:v17+s2+$0x0], $0xffff;
	_ =	sdelay $0x4  }
0x12d: {  	v17 =	vor.u32 $0xC, v61  }
0x12e: {  	v18 =	vshrl.u32 v16, $0x3;
	v16 =	vshll.u32 v16, $0x4  }
0x12f: {  	v18 =	vadd.s32 $0x219A0, v18  }
0x130: {  	v16 =	vand.u32 $0x70, v16;
	[tilespmem:s25+$0xFFFFFF00] =	vst v18  }
0x131: {  	[tilespmem:s24+$0xFFFFFF00] =	vst v16  }
0x132: {  	v16 =	vld.idx.msk [tilespmem:v17+s2+$0x0], $0xffff;
	_ =	sdelay $0x4  }
0x133: {  	v17 =	vor.u32 $0xD, v61  }
0x134: {  	v18 =	vshrl.u32 v16, $0x3;
	v16 =	vshll.u32 v16, $0x4  }
0x135: {  	v18 =	vadd.s32 $0x24A80, v18  }
0x136: {  	v16 =	vand.u32 $0x70, v16;
	[tilespmem:s25+$0xFFFFFF80] =	vst v18  }
0x137: {  	[tilespmem:s24+$0xFFFFFF80] =	vst v16  }
0x138: {  	v16 =	vld.idx.msk [tilespmem:v17+s2+$0x0], $0xffff;
	_ =	sdelay $0x4  }
0x139: {  	v17 =	vor.u32 $0xE, v61  }
0x13a: {  	v18 =	vshrl.u32 v16, $0x3;
	v16 =	vshll.u32 v16, $0x4  }
0x13b: {  	v18 =	vadd.s32 $0x27B60, v18  }
0x13c: {  	v16 =	vand.u32 $0x70, v16;
	[tilespmem:s25+$0x0] =	vst v18  }
0x13d: {  	[tilespmem:s24+$0x0] =	vst v16  }
0x13e: {  	v16 =	vld.idx.msk [tilespmem:v17+s2+$0x0], $0xffff;
	_ =	sdelay $0x4  }
0x13f: {  	v17 =	vor.u32 $0xF, v61  }
0x140: {  	v18 =	vshrl.u32 v16, $0x3;
	v16 =	vshll.u32 v16, $0x4  }
0x141: {  	v18 =	vadd.s32 $0x2AC40, v18  }
0x142: {  	v16 =	vand.u32 $0x70, v16;
	[tilespmem:s25+$0x80] =	vst v18  }
0x143: {  	[tilespmem:s24+$0x80] =	vst v16  }
0x144: {  	v16 =	vld.idx.msk [tilespmem:v17+s2+$0x0], $0xffff;
	_ =	sdelay $0x4  }
0x145: {  	v17 =	vor.u32 $0x10, v61  }
0x146: {  	v18 =	vshrl.u32 v16, $0x3;
	v16 =	vshll.u32 v16, $0x4  }
0x147: {  	v18 =	vadd.s32 $0x2DD20, v18  }
0x148: {  	v16 =	vand.u32 $0x70, v16;
	[tilespmem:s25+$0x100] =	vst v18  }
0x149: {  	[tilespmem:s24+$0x100] =	vst v16  }
0x14a: {  	v16 =	vld.idx.msk [tilespmem:v17+s2+$0x0], $0xffff;
	_ =	sdelay $0x4  }
0x14b: {  	v17 =	vor.u32 $0x11, v61  }
0x14c: {  	v18 =	vshrl.u32 v16, $0x3;
	v16 =	vshll.u32 v16, $0x4  }
0x14d: {  	v18 =	vadd.s32 $0x30E00, v18  }
0x14e: {  	v16 =	vand.u32 $0x70, v16;
	[tilespmem:s25+$0x180] =	vst v18  }
0x14f: {  	[tilespmem:s24+$0x180] =	vst v16  }
0x150: {  	v16 =	vld.idx.msk [tilespmem:v17+s2+$0x0], $0xffff;
	_ =	sdelay $0x4  }
0x151: {  	v17 =	vor.u32 $0x12, v61  }
0x152: {  	v18 =	vshrl.u32 v16, $0x3;
	v16 =	vshll.u32 v16, $0x4  }
0x153: {  	v18 =	vadd.s32 $0x33EE0, v18  }
0x154: {  	v16 =	vand.u32 $0x70, v16;
	[tilespmem:s25+$0x200] =	vst v18  }
0x155: {  	[tilespmem:s24+$0x200] =	vst v16  }
0x156: {  	v16 =	vld.idx.msk [tilespmem:v17+s2+$0x0], $0xffff;
	_ =	sdelay $0x4  }
0x157: {  	v17 =	vor.u32 $0x13, v61  }
0x158: {  	v18 =	vshrl.u32 v16, $0x3;
	v16 =	vshll.u32 v16, $0x4  }
0x159: {  	v18 =	vadd.s32 $0x36FC0, v18  }
0x15a: {  	v16 =	vand.u32 $0x70, v16;
	[tilespmem:s25+$0x280] =	vst v18  }
0x15b: {  	[tilespmem:s24+$0x280] =	vst v16  }
0x15c: {  	v16 =	vld.idx.msk [tilespmem:v17+s2+$0x0], $0xffff;
	_ =	sdelay $0x4  }
0x15d: {  	v17 =	vor.u32 $0x14, v61  }
0x15e: {  	v18 =	vshrl.u32 v16, $0x3;
	v16 =	vshll.u32 v16, $0x4  }
0x15f: {  	v18 =	vadd.s32 $0x3A0A0, v18  }
0x160: {  	v16 =	vand.u32 $0x70, v16;
	[tilespmem:s25+$0x300] =	vst v18  }
0x161: {  	[tilespmem:s24+$0x300] =	vst v16  }
0x162: {  	v16 =	vld.idx.msk [tilespmem:v17+s2+$0x0], $0xffff;
	_ =	sdelay $0x4  }
0x163: {  	v17 =	vor.u32 $0x15, v61  }
0x164: {  	v18 =	vshrl.u32 v16, $0x3;
	v16 =	vshll.u32 v16, $0x4  }
0x165: {  	v18 =	vadd.s32 $0x3D180, v18  }
0x166: {  	v16 =	vand.u32 $0x70, v16;
	[tilespmem:s25+$0x380] =	vst v18  }
0x167: {  	[tilespmem:s24+$0x380] =	vst v16  }
0x168: {  	v16 =	vld.idx.msk [tilespmem:v17+s2+$0x0], $0xffff;
	_ =	sdelay $0x4  }
0x169: {  	v17 =	vor.u32 $0x16, v61  }
0x16a: {  	v18 =	vshrl.u32 v16, $0x3;
	v16 =	vshll.u32 v16, $0x4  }
0x16b: {  	v18 =	vadd.s32 $0x40260, v18  }
0x16c: {  	v16 =	vand.u32 $0x70, v16;
	[tilespmem:s25+$0x400] =	vst v18  }
0x16d: {  	[tilespmem:s24+$0x400] =	vst v16  }
0x16e: {  	v16 =	vld.idx.msk [tilespmem:v17+s2+$0x0], $0xffff;
	_ =	sdelay $0x4  }
0x16f: {  	v17 =	vor.u32 $0x17, v61  }
0x170: {  	v18 =	vshrl.u32 v16, $0x3;
	v16 =	vshll.u32 v16, $0x4  }
0x171: {  	v18 =	vadd.s32 $0x43340, v18  }
0x172: {  	v16 =	vand.u32 $0x70, v16;
	[tilespmem:s25+$0x480] =	vst v18  }
0x173: {  	[tilespmem:s24+$0x480] =	vst v16  }
0x174: {  	v16 =	vld.idx.msk [tilespmem:v17+s2+$0x0], $0xffff;
	_ =	sdelay $0x4  }
0x175: {  	v17 =	vor.u32 $0x18, v61  }
0x176: {  	v18 =	vshrl.u32 v16, $0x3;
	v16 =	vshll.u32 v16, $0x4  }
0x177: {  	v18 =	vadd.s32 $0x46420, v18  }
0x178: {  	v16 =	vand.u32 $0x70, v16;
	[tilespmem:s25+$0x500] =	vst v18  }
0x179: {  	[tilespmem:s24+$0x500] =	vst v16  }
0x17a: {  	v16 =	vld.idx.msk [tilespmem:v17+s2+$0x0], $0xffff;
	_ =	sdelay $0x4  }
0x17b: {  	v17 =	vor.u32 $0x19, v61  }
0x17c: {  	v18 =	vshrl.u32 v16, $0x3;
	v16 =	vshll.u32 v16, $0x4  }
0x17d: {  	v18 =	vadd.s32 $0x49500, v18  }
0x17e: {  	v16 =	vand.u32 $0x70, v16;
	[tilespmem:s25+$0x580] =	vst v18  }
0x17f: {  	[tilespmem:s24+$0x580] =	vst v16  }
0x180: {  	v16 =	vld.idx.msk [tilespmem:v17+s2+$0x0], $0xffff;
	_ =	sdelay $0x2  }
0x181: {  	v17 =	vmov s28  }
.Ltmp0:
0x182: {  	v17 =	vshll.u32 v17, $0x7;
	(pc) =	sbr.rel @p0 .LBB2_3-.Ltmp0, $4  }
0x183: {  	v61 =	vor.u32 v29, v17  }
0x184: {  	v17 =	vshrl.u32 v16, $0x3;
	v16 =	vshll.u32 v16, $0x4  }
0x185: {  	v17 =	vadd.s32 $0x4C5E0, v17  }
0x186: {  	s0 =	smov.u32 s26;
	v16 =	vand.u32 $0x70, v16;
	[tilespmem:s25+$0x600] =	vst v17  }
0x187: {  	_ =	sdelay $0x2  }
0x188: {  	[tilespmem:s24+$0x600] =	vst v16  }
0x189: {  	v16 =	vld.idx.msk [tilespmem:v61+s2+$0x0], $0xffff;
	_ =	sdelay $0x2  }
0x18a: {  	v17 =	vor.u32 $0x1, v61;
	_ =	sdelay $0x1  }
0x18b: {  	s0 =	sadd.s32 $0x10, s25;
	v18 =	vshrl.u32 v16, $0x3;
	v16 =	vshll.u32 v16, $0x4  }
0x18c: {  	s5 =	sadd.s32 $0x10, s24;
	[tilespmem:s0+$0xFFFFF980] =	vst v18;
	v16 =	vand.u32 $0x70, v16  }
0x18d: {  	[tilespmem:s5+$0xFFFFF980] =	vst v16  }
0x18e: {  	v16 =	vld.idx.msk [tilespmem:v17+s2+$0x0], $0xffff;
	_ =	sdelay $0x3  }
0x18f: {  	v17 =	vor.u32 $0x2, v61  }
0x190: {  	v63 =	vshrl.u32 v16, $0x3  }
0x191: {  	v16 =	vshll.u32 v16, $0x4;
	v18 =	vadd.s32 $0x30E0, v63  }
0x192: {  	v16 =	vand.u32 $0x70, v16;
	[tilespmem:s0+$0xFFFFFA00] =	vst v18  }
0x193: {  	[tilespmem:s5+$0xFFFFFA00] =	vst v16  }
0x194: {  	v16 =	vld.idx.msk [tilespmem:v17+s2+$0x0], $0xffff;
	_ =	sdelay $0x3  }
0x195: {  	v17 =	vor.u32 $0x3, v61  }
0x196: {  	v21 =	vshrl.u32 v16, $0x3  }
0x197: {  	v16 =	vshll.u32 v16, $0x4;
	v18 =	vadd.s32 $0x61C0, v21  }
0x198: {  	v16 =	vand.u32 $0x70, v16;
	[tilespmem:s0+$0xFFFFFA80] =	vst v18  }
0x199: {  	[tilespmem:s5+$0xFFFFFA80] =	vst v16  }
0x19a: {  	v16 =	vld.idx.msk [tilespmem:v17+s2+$0x0], $0xffff;
	_ =	sdelay $0x3  }
0x19b: {  	v17 =	vor.u32 $0x4, v61  }
0x19c: {  	v22 =	vshrl.u32 v16, $0x3  }
0x19d: {  	v16 =	vshll.u32 v16, $0x4;
	v18 =	vadd.s32 $0x92A0, v22  }
0x19e: {  	v16 =	vand.u32 $0x70, v16;
	[tilespmem:s0+$0xFFFFFB00] =	vst v18  }
0x19f: {  	[tilespmem:s5+$0xFFFFFB00] =	vst v16  }
0x1a0: {  	v16 =	vld.idx.msk [tilespmem:v17+s2+$0x0], $0xffff;
	_ =	sdelay $0x3  }
0x1a1: {  	v17 =	vor.u32 $0x5, v61  }
0x1a2: {  	v23 =	vshrl.u32 v16, $0x3  }
0x1a3: {  	v16 =	vshll.u32 v16, $0x4;
	v18 =	vadd.s32 $0xC380, v23  }
0x1a4: {  	v16 =	vand.u32 $0x70, v16;
	[tilespmem:s0+$0xFFFFFB80] =	vst v18  }
0x1a5: {  	[tilespmem:s5+$0xFFFFFB80] =	vst v16  }
0x1a6: {  	v16 =	vld.idx.msk [tilespmem:v17+s2+$0x0], $0xffff;
	_ =	sdelay $0x3  }
0x1a7: {  	v17 =	vor.u32 $0x6, v61  }
0x1a8: {  	v24 =	vshrl.u32 v16, $0x3  }
0x1a9: {  	v16 =	vshll.u32 v16, $0x4;
	v18 =	vadd.s32 $0xF460, v24  }
0x1aa: {  	v16 =	vand.u32 $0x70, v16;
	[tilespmem:s0+$0xFFFFFC00] =	vst v18  }
0x1ab: {  	[tilespmem:s5+$0xFFFFFC00] =	vst v16  }
0x1ac: {  	v16 =	vld.idx.msk [tilespmem:v17+s2+$0x0], $0xffff;
	_ =	sdelay $0x3  }
0x1ad: {  	v17 =	vor.u32 $0x7, v61  }
0x1ae: {  	v25 =	vshrl.u32 v16, $0x3  }
0x1af: {  	v16 =	vshll.u32 v16, $0x4;
	v18 =	vadd.s32 $0x12540, v25  }
0x1b0: {  	v16 =	vand.u32 $0x70, v16;
	[tilespmem:s0+$0xFFFFFC80] =	vst v18  }
0x1b1: {  	[tilespmem:s5+$0xFFFFFC80] =	vst v16  }
0x1b2: {  	v16 =	vld.idx.msk [tilespmem:v17+s2+$0x0], $0xffff;
	_ =	sdelay $0x3  }
0x1b3: {  	v17 =	vor.u32 $0x8, v61  }
0x1b4: {  	v26 =	vshrl.u32 v16, $0x3  }
0x1b5: {  	v16 =	vshll.u32 v16, $0x4;
	v18 =	vadd.s32 $0x15620, v26  }
0x1b6: {  	v16 =	vand.u32 $0x70, v16;
	[tilespmem:s0+$0xFFFFFD00] =	vst v18  }
0x1b7: {  	[tilespmem:s5+$0xFFFFFD00] =	vst v16  }
0x1b8: {  	v16 =	vld.idx.msk [tilespmem:v17+s2+$0x0], $0xffff;
	_ =	sdelay $0x3  }
0x1b9: {  	v17 =	vor.u32 $0x9, v61  }
0x1ba: {  	v32 =	vshrl.u32 v16, $0x3  }
0x1bb: {  	v16 =	vshll.u32 v16, $0x4;
	v18 =	vadd.s32 $0x18700, v32  }
0x1bc: {  	v16 =	vand.u32 $0x70, v16;
	[tilespmem:s0+$0xFFFFFD80] =	vst v18  }
0x1bd: {  	[tilespmem:s5+$0xFFFFFD80] =	vst v16  }
0x1be: {  	v16 =	vld.idx.msk [tilespmem:v17+s2+$0x0], $0xffff;
	_ =	sdelay $0x3  }
0x1bf: {  	v17 =	vor.u32 $0xA, v61  }
0x1c0: {  	v33 =	vshrl.u32 v16, $0x3  }
0x1c1: {  	v16 =	vshll.u32 v16, $0x4;
	v18 =	vadd.s32 $0x1B7E0, v33  }
0x1c2: {  	v16 =	vand.u32 $0x70, v16;
	[tilespmem:s0+$0xFFFFFE00] =	vst v18  }
0x1c3: {  	[tilespmem:s5+$0xFFFFFE00] =	vst v16  }
0x1c4: {  	v16 =	vld.idx.msk [tilespmem:v17+s2+$0x0], $0xffff;
	_ =	sdelay $0x3  }
0x1c5: {  	v17 =	vor.u32 $0xB, v61  }
0x1c6: {  	v34 =	vshrl.u32 v16, $0x3  }
0x1c7: {  	v16 =	vshll.u32 v16, $0x4;
	v18 =	vadd.s32 $0x1E8C0, v34  }
0x1c8: {  	v16 =	vand.u32 $0x70, v16;
	[tilespmem:s0+$0xFFFFFE80] =	vst v18  }
0x1c9: {  	[tilespmem:s5+$0xFFFFFE80] =	vst v16  }
0x1ca: {  	v16 =	vld.idx.msk [tilespmem:v17+s2+$0x0], $0xffff;
	_ =	sdelay $0x3  }
0x1cb: {  	v17 =	vor.u32 $0xC, v61  }
0x1cc: {  	v35 =	vshrl.u32 v16, $0x3  }
0x1cd: {  	v16 =	vshll.u32 v16, $0x4;
	v18 =	vadd.s32 $0x219A0, v35  }
0x1ce: {  	v16 =	vand.u32 $0x70, v16;
	[tilespmem:s0+$0xFFFFFF00] =	vst v18  }
0x1cf: {  	[tilespmem:s5+$0xFFFFFF00] =	vst v16  }
0x1d0: {  	v16 =	vld.idx.msk [tilespmem:v17+s2+$0x0], $0xffff;
	_ =	sdelay $0x3  }
0x1d1: {  	v17 =	vor.u32 $0xD, v61  }
0x1d2: {  	v36 =	vshrl.u32 v16, $0x3  }
0x1d3: {  	v16 =	vshll.u32 v16, $0x4;
	v18 =	vadd.s32 $0x24A80, v36  }
0x1d4: {  	v16 =	vand.u32 $0x70, v16;
	[tilespmem:s0+$0xFFFFFF80] =	vst v18  }
0x1d5: {  	[tilespmem:s5+$0xFFFFFF80] =	vst v16  }
0x1d6: {  	v16 =	vld.idx.msk [tilespmem:v17+s2+$0x0], $0xffff;
	_ =	sdelay $0x3  }
0x1d7: {  	v17 =	vor.u32 $0xE, v61  }
0x1d8: {  	v37 =	vshrl.u32 v16, $0x3  }
0x1d9: {  	v16 =	vshll.u32 v16, $0x4;
	v18 =	vadd.s32 $0x27B60, v37  }
0x1da: {  	v16 =	vand.u32 $0x70, v16;
	[tilespmem:s0+$0x0] =	vst v18  }
0x1db: {  	[tilespmem:s5+$0x0] =	vst v16  }
0x1dc: {  	v16 =	vld.idx.msk [tilespmem:v17+s2+$0x0], $0xffff;
	_ =	sdelay $0x3  }
0x1dd: {  	v17 =	vor.u32 $0xF, v61  }
0x1de: {  	v38 =	vshrl.u32 v16, $0x3  }
0x1df: {  	v16 =	vshll.u32 v16, $0x4;
	v18 =	vadd.s32 $0x2AC40, v38  }
0x1e0: {  	v16 =	vand.u32 $0x70, v16;
	[tilespmem:s0+$0x80] =	vst v18  }
0x1e1: {  	[tilespmem:s5+$0x80] =	vst v16  }
0x1e2: {  	v16 =	vld.idx.msk [tilespmem:v17+s2+$0x0], $0xffff;
	_ =	sdelay $0x3  }
0x1e3: {  	v17 =	vor.u32 $0x10, v61  }
0x1e4: {  	v39 =	vshrl.u32 v16, $0x3  }
0x1e5: {  	v16 =	vshll.u32 v16, $0x4;
	v18 =	vadd.s32 $0x2DD20, v39  }
0x1e6: {  	v16 =	vand.u32 $0x70, v16;
	[tilespmem:s0+$0x100] =	vst v18  }
0x1e7: {  	[tilespmem:s5+$0x100] =	vst v16  }
0x1e8: {  	v16 =	vld.idx.msk [tilespmem:v17+s2+$0x0], $0xffff;
	_ =	sdelay $0x3  }
0x1e9: {  	v17 =	vor.u32 $0x11, v61  }
0x1ea: {  	v40 =	vshrl.u32 v16, $0x3  }
0x1eb: {  	v16 =	vshll.u32 v16, $0x4;
	v18 =	vadd.s32 $0x30E00, v40  }
0x1ec: {  	v16 =	vand.u32 $0x70, v16;
	[tilespmem:s0+$0x180] =	vst v18  }
0x1ed: {  	[tilespmem:s5+$0x180] =	vst v16  }
0x1ee: {  	v16 =	vld.idx.msk [tilespmem:v17+s2+$0x0], $0xffff;
	_ =	sdelay $0x3  }
0x1ef: {  	v17 =	vor.u32 $0x12, v61  }
0x1f0: {  	v41 =	vshrl.u32 v16, $0x3  }
0x1f1: {  	v16 =	vshll.u32 v16, $0x4;
	v18 =	vadd.s32 $0x33EE0, v41  }
0x1f2: {  	v16 =	vand.u32 $0x70, v16;
	[tilespmem:s0+$0x200] =	vst v18  }
0x1f3: {  	[tilespmem:s5+$0x200] =	vst v16  }
0x1f4: {  	v16 =	vld.idx.msk [tilespmem:v17+s2+$0x0], $0xffff;
	_ =	sdelay $0x3  }
0x1f5: {  	v17 =	vor.u32 $0x13, v61  }
0x1f6: {  	v42 =	vshrl.u32 v16, $0x3  }
0x1f7: {  	v16 =	vshll.u32 v16, $0x4;
	v18 =	vadd.s32 $0x36FC0, v42  }
0x1f8: {  	v16 =	vand.u32 $0x70, v16;
	[tilespmem:s0+$0x280] =	vst v18  }
0x1f9: {  	[tilespmem:s5+$0x280] =	vst v16  }
0x1fa: {  	v16 =	vld.idx.msk [tilespmem:v17+s2+$0x0], $0xffff;
	_ =	sdelay $0x3  }
0x1fb: {  	v17 =	vor.u32 $0x14, v61  }
0x1fc: {  	v43 =	vshrl.u32 v16, $0x3  }
0x1fd: {  	v16 =	vshll.u32 v16, $0x4;
	v18 =	vadd.s32 $0x3A0A0, v43  }
0x1fe: {  	v16 =	vand.u32 $0x70, v16;
	[tilespmem:s0+$0x300] =	vst v18  }
0x1ff: {  	[tilespmem:s5+$0x300] =	vst v16  }
0x200: {  	v16 =	vld.idx.msk [tilespmem:v17+s2+$0x0], $0xffff;
	_ =	sdelay $0x3  }
0x201: {  	v17 =	vor.u32 $0x15, v61  }
0x202: {  	v44 =	vshrl.u32 v16, $0x3  }
0x203: {  	v16 =	vshll.u32 v16, $0x4;
	v18 =	vadd.s32 $0x3D180, v44  }
0x204: {  	v16 =	vand.u32 $0x70, v16;
	[tilespmem:s0+$0x380] =	vst v18  }
0x205: {  	[tilespmem:s5+$0x380] =	vst v16  }
0x206: {  	v16 =	vld.idx.msk [tilespmem:v17+s2+$0x0], $0xffff;
	_ =	sdelay $0x3  }
0x207: {  	v17 =	vor.u32 $0x16, v61  }
0x208: {  	v45 =	vshrl.u32 v16, $0x3  }
0x209: {  	v16 =	vshll.u32 v16, $0x4;
	v18 =	vadd.s32 $0x40260, v45  }
0x20a: {  	v16 =	vand.u32 $0x70, v16;
	[tilespmem:s0+$0x400] =	vst v18  }
0x20b: {  	[tilespmem:s5+$0x400] =	vst v16  }
0x20c: {  	v16 =	vld.idx.msk [tilespmem:v17+s2+$0x0], $0xffff;
	_ =	sdelay $0x3  }
0x20d: {  	v17 =	vor.u32 $0x17, v61  }
0x20e: {  	v46 =	vshrl.u32 v16, $0x3  }
0x20f: {  	v16 =	vshll.u32 v16, $0x4;
	v18 =	vadd.s32 $0x43340, v46  }
0x210: {  	v16 =	vand.u32 $0x70, v16;
	[tilespmem:s0+$0x480] =	vst v18  }
0x211: {  	[tilespmem:s5+$0x480] =	vst v16  }
0x212: {  	v16 =	vld.idx.msk [tilespmem:v17+s2+$0x0], $0xffff;
	_ =	sdelay $0x3  }
0x213: {  	v17 =	vor.u32 $0x18, v61  }
0x214: {  	v62 =	vshrl.u32 v16, $0x3  }
0x215: {  	v16 =	vshll.u32 v16, $0x4;
	v18 =	vadd.s32 $0x46420, v62  }
0x216: {  	v16 =	vand.u32 $0x70, v16;
	[tilespmem:s0+$0x500] =	vst v18  }
0x217: {  	[tilespmem:s5+$0x500] =	vst v16  }
0x218: {  	v16 =	vld.idx.msk [tilespmem:v17+s2+$0x0], $0xffff;
	_ =	sdelay $0x3  }
0x219: {  	v17 =	vor.u32 $0x19, v61  }
0x21a: {  	v63 =	vshrl.u32 v16, $0x3  }
0x21b: {  	v16 =	vshll.u32 v16, $0x4;
	v18 =	vadd.s32 $0x49500, v63  }
0x21c: {  	v16 =	vand.u32 $0x70, v16;
	[tilespmem:s0+$0x580] =	vst v18  }
0x21d: {  	[tilespmem:s5+$0x580] =	vst v16  }
0x21e: {  	v16 =	vld.idx.msk [tilespmem:v17+s2+$0x0], $0xffff;
	_ =	sdelay $0x4  }
0x21f: {  	v17 =	vshrl.u32 v16, $0x3  }
0x220: {  	v16 =	vshll.u32 v16, $0x4;
	v17 =	vadd.s32 $0x4C5E0, v17  }
0x221: {  	v16 =	vand.u32 $0x70, v16;
	[tilespmem:s0+$0x600] =	vst v17  }
0x222: {  	[tilespmem:s5+$0x600] =	vst v16;
	v16 =	vimm.f32 $0.0e+00  }
0x223: {  	[tilespmem:$0x12000] =	vst v16  }
0x224: {  	[tilespmem:$0x12800] =	vst v16  }
0x225: {  	[tilespmem:$0x12080] =	vst v16  }
0x226: {  	[tilespmem:$0x12880] =	vst v16  }
0x227: {  	[tilespmem:$0x12100] =	vst v16  }
0x228: {  	[tilespmem:$0x12900] =	vst v16  }
0x229: {  	[tilespmem:$0x12180] =	vst v16  }
0x22a: {  	[tilespmem:$0x12980] =	vst v16  }
0x22b: {  	[tilespmem:$0x12200] =	vst v16  }
0x22c: {  	[tilespmem:$0x12A00] =	vst v16  }
0x22d: {  	[tilespmem:$0x12280] =	vst v16  }
0x22e: {  	[tilespmem:$0x12A80] =	vst v16  }
0x22f: {  	[tilespmem:$0x12300] =	vst v16  }
0x230: {  	[tilespmem:$0x12B00] =	vst v16  }
0x231: {  	[tilespmem:$0x12380] =	vst v16  }
0x232: {  	[tilespmem:$0x12B80] =	vst v16  }
0x233: {  	[tilespmem:$0x12400] =	vst v16  }
0x234: {  	[tilespmem:$0x12C00] =	vst v16  }
0x235: {  	[tilespmem:$0x12480] =	vst v16  }
0x236: {  	[tilespmem:$0x12C80] =	vst v16  }
0x237: {  	[tilespmem:$0x12500] =	vst v16  }
0x238: {  	[tilespmem:$0x12D00] =	vst v16  }
0x239: {  	[tilespmem:$0x12580] =	vst v16  }
0x23a: {  	[tilespmem:$0x12D80] =	vst v16  }
0x23b: {  	[tilespmem:$0x12600] =	vst v16  }
0x23c: {  	[tilespmem:$0x12E00] =	vst v16  }
0x23d: {  	[tilespmem:$0x12680] =	vst v16  }
0x23e: {  	[tilespmem:$0x12E80] =	vst v16  }
0x23f: {  	[tilespmem:$0x12700] =	vst v16  }
0x240: {  	[tilespmem:$0x12F00] =	vst v16  }
0x241: {  	[tilespmem:$0x12780] =	vst v16  }
0x242: {  	[tilespmem:$0x12F80] =	vst v16  }
0x243: {  	[tilespmem:$0x12010] =	vst v16  }
0x244: {  	[tilespmem:$0x12810] =	vst v16  }
0x245: {  	[tilespmem:$0x12090] =	vst v16  }
0x246: {  	[tilespmem:$0x12890] =	vst v16  }
0x247: {  	[tilespmem:$0x12110] =	vst v16  }
0x248: {  	[tilespmem:$0x12910] =	vst v16  }
0x249: {  	[tilespmem:$0x12190] =	vst v16  }
0x24a: {  	[tilespmem:$0x12990] =	vst v16  }
0x24b: {  	[tilespmem:$0x12210] =	vst v16  }
0x24c: {  	[tilespmem:$0x12A10] =	vst v16  }
0x24d: {  	[tilespmem:$0x12290] =	vst v16  }
0x24e: {  	[tilespmem:$0x12A90] =	vst v16  }
0x24f: {  	[tilespmem:$0x12310] =	vst v16  }
0x250: {  	[tilespmem:$0x12B10] =	vst v16  }
0x251: {  	[tilespmem:$0x12390] =	vst v16  }
0x252: {  	[tilespmem:$0x12B90] =	vst v16  }
0x253: {  	[tilespmem:$0x12410] =	vst v16  }
0x254: {  	[tilespmem:$0x12C10] =	vst v16  }
0x255: {  	[tilespmem:$0x12490] =	vst v16  }
0x256: {  	[tilespmem:$0x12C90] =	vst v16  }
0x257: {  	[tilespmem:$0x12510] =	vst v16  }
0x258: {  	[tilespmem:$0x12D10] =	vst v16  }
0x259: {  	[tilespmem:$0x12590] =	vst v16  }
0x25a: {  	[tilespmem:$0x12D90] =	vst v16  }
0x25b: {  	[tilespmem:$0x12610] =	vst v16  }
0x25c: {  	[tilespmem:$0x12E10] =	vst v16  }
0x25d: {  	[tilespmem:$0x12690] =	vst v16  }
0x25e: {  	[tilespmem:$0x12E90] =	vst v16  }
0x25f: {  	[tilespmem:$0x12710] =	vst v16  }
0x260: {  	[tilespmem:$0x12F10] =	vst v16  }
0x261: {  	[tilespmem:$0x12790] =	vst v16  }
0x262: {  	[tilespmem:$0x12F90] =	vst v16  }
0x263: {  	[tilespmem:$0x12020] =	vst v16  }
0x264: {  	[tilespmem:$0x12820] =	vst v16  }
0x265: {  	[tilespmem:$0x120A0] =	vst v16  }
0x266: {  	[tilespmem:$0x128A0] =	vst v16  }
0x267: {  	[tilespmem:$0x12120] =	vst v16  }
0x268: {  	[tilespmem:$0x12920] =	vst v16  }
0x269: {  	[tilespmem:$0x121A0] =	vst v16  }
0x26a: {  	[tilespmem:$0x129A0] =	vst v16  }
0x26b: {  	[tilespmem:$0x12220] =	vst v16  }
0x26c: {  	[tilespmem:$0x12A20] =	vst v16  }
0x26d: {  	[tilespmem:$0x122A0] =	vst v16  }
0x26e: {  	[tilespmem:$0x12AA0] =	vst v16  }
0x26f: {  	[tilespmem:$0x12320] =	vst v16  }
0x270: {  	[tilespmem:$0x12B20] =	vst v16  }
0x271: {  	[tilespmem:$0x123A0] =	vst v16  }
0x272: {  	[tilespmem:$0x12BA0] =	vst v16  }
0x273: {  	[tilespmem:$0x12420] =	vst v16  }
0x274: {  	[tilespmem:$0x12C20] =	vst v16  }
0x275: {  	[tilespmem:$0x124A0] =	vst v16  }
0x276: {  	[tilespmem:$0x12CA0] =	vst v16  }
0x277: {  	[tilespmem:$0x12520] =	vst v16  }
0x278: {  	[tilespmem:$0x12D20] =	vst v16  }
0x279: {  	[tilespmem:$0x125A0] =	vst v16  }
0x27a: {  	[tilespmem:$0x12DA0] =	vst v16  }
0x27b: {  	[tilespmem:$0x12620] =	vst v16  }
0x27c: {  	[tilespmem:$0x12E20] =	vst v16  }
0x27d: {  	[tilespmem:$0x126A0] =	vst v16  }
0x27e: {  	[tilespmem:$0x12EA0] =	vst v16  }
0x27f: {  	[tilespmem:$0x12720] =	vst v16  }
0x280: {  	[tilespmem:$0x12F20] =	vst v16  }
0x281: {  	[tilespmem:$0x127A0] =	vst v16  }
0x282: {  	[tilespmem:$0x12FA0] =	vst v16  }
0x283: {  	[tilespmem:$0x12030] =	vst v16  }
0x284: {  	[tilespmem:$0x12830] =	vst v16  }
0x285: {  	[tilespmem:$0x120B0] =	vst v16  }
0x286: {  	[tilespmem:$0x128B0] =	vst v16  }
0x287: {  	[tilespmem:$0x12130] =	vst v16  }
0x288: {  	[tilespmem:$0x12930] =	vst v16  }
0x289: {  	[tilespmem:$0x121B0] =	vst v16  }
0x28a: {  	[tilespmem:$0x129B0] =	vst v16  }
0x28b: {  	[tilespmem:$0x12230] =	vst v16  }
0x28c: {  	[tilespmem:$0x12A30] =	vst v16  }
0x28d: {  	[tilespmem:$0x122B0] =	vst v16  }
0x28e: {  	[tilespmem:$0x12AB0] =	vst v16  }
0x28f: {  	[tilespmem:$0x12330] =	vst v16  }
0x290: {  	[tilespmem:$0x12B30] =	vst v16  }
0x291: {  	[tilespmem:$0x123B0] =	vst v16  }
0x292: {  	[tilespmem:$0x12BB0] =	vst v16  }
0x293: {  	[tilespmem:$0x12430] =	vst v16  }
0x294: {  	[tilespmem:$0x12C30] =	vst v16  }
0x295: {  	[tilespmem:$0x124B0] =	vst v16  }
0x296: {  	[tilespmem:$0x12CB0] =	vst v16  }
0x297: {  	[tilespmem:$0x12530] =	vst v16  }
0x298: {  	[tilespmem:$0x12D30] =	vst v16  }
0x299: {  	[tilespmem:$0x125B0] =	vst v16  }
0x29a: {  	[tilespmem:$0x12DB0] =	vst v16  }
0x29b: {  	[tilespmem:$0x12630] =	vst v16  }
0x29c: {  	[tilespmem:$0x12E30] =	vst v16  }
0x29d: {  	[tilespmem:$0x126B0] =	vst v16  }
0x29e: {  	[tilespmem:$0x12EB0] =	vst v16  }
0x29f: {  	[tilespmem:$0x12730] =	vst v16  }
0x2a0: {  	[tilespmem:$0x12F30] =	vst v16  }
0x2a1: {  	[tilespmem:$0x127B0] =	vst v16  }
0x2a2: {  	[tilespmem:$0x12FB0] =	vst v16  }
0x2a3: {  	[tilespmem:$0x12040] =	vst v16  }
0x2a4: {  	[tilespmem:$0x12840] =	vst v16  }
0x2a5: {  	[tilespmem:$0x120C0] =	vst v16  }
0x2a6: {  	[tilespmem:$0x128C0] =	vst v16  }
0x2a7: {  	[tilespmem:$0x12140] =	vst v16  }
0x2a8: {  	[tilespmem:$0x12940] =	vst v16  }
0x2a9: {  	[tilespmem:$0x121C0] =	vst v16  }
0x2aa: {  	[tilespmem:$0x129C0] =	vst v16  }
0x2ab: {  	[tilespmem:$0x12240] =	vst v16  }
0x2ac: {  	[tilespmem:$0x12A40] =	vst v16  }
0x2ad: {  	[tilespmem:$0x122C0] =	vst v16  }
0x2ae: {  	[tilespmem:$0x12AC0] =	vst v16  }
0x2af: {  	[tilespmem:$0x12340] =	vst v16  }
0x2b0: {  	[tilespmem:$0x12B40] =	vst v16  }
0x2b1: {  	[tilespmem:$0x123C0] =	vst v16  }
0x2b2: {  	[tilespmem:$0x12BC0] =	vst v16  }
0x2b3: {  	[tilespmem:$0x12440] =	vst v16  }
0x2b4: {  	[tilespmem:$0x12C40] =	vst v16  }
0x2b5: {  	[tilespmem:$0x124C0] =	vst v16  }
0x2b6: {  	[tilespmem:$0x12CC0] =	vst v16  }
0x2b7: {  	[tilespmem:$0x12540] =	vst v16  }
0x2b8: {  	[tilespmem:$0x12D40] =	vst v16  }
0x2b9: {  	[tilespmem:$0x125C0] =	vst v16  }
0x2ba: {  	[tilespmem:$0x12DC0] =	vst v16  }
0x2bb: {  	[tilespmem:$0x12640] =	vst v16  }
0x2bc: {  	[tilespmem:$0x12E40] =	vst v16  }
0x2bd: {  	[tilespmem:$0x126C0] =	vst v16  }
0x2be: {  	[tilespmem:$0x12EC0] =	vst v16  }
0x2bf: {  	[tilespmem:$0x12740] =	vst v16  }
0x2c0: {  	[tilespmem:$0x12F40] =	vst v16  }
0x2c1: {  	[tilespmem:$0x127C0] =	vst v16  }
0x2c2: {  	[tilespmem:$0x12FC0] =	vst v16  }
0x2c3: {  	[tilespmem:$0x12050] =	vst v16  }
0x2c4: {  	[tilespmem:$0x12850] =	vst v16  }
0x2c5: {  	[tilespmem:$0x120D0] =	vst v16  }
0x2c6: {  	[tilespmem:$0x128D0] =	vst v16  }
0x2c7: {  	[tilespmem:$0x12150] =	vst v16  }
0x2c8: {  	[tilespmem:$0x12950] =	vst v16  }
0x2c9: {  	[tilespmem:$0x121D0] =	vst v16  }
0x2ca: {  	[tilespmem:$0x129D0] =	vst v16  }
0x2cb: {  	[tilespmem:$0x12250] =	vst v16  }
0x2cc: {  	[tilespmem:$0x12A50] =	vst v16  }
0x2cd: {  	[tilespmem:$0x122D0] =	vst v16  }
0x2ce: {  	[tilespmem:$0x12AD0] =	vst v16  }
0x2cf: {  	[tilespmem:$0x12350] =	vst v16  }
0x2d0: {  	[tilespmem:$0x12B50] =	vst v16  }
0x2d1: {  	[tilespmem:$0x123D0] =	vst v16  }
0x2d2: {  	[tilespmem:$0x12BD0] =	vst v16  }
0x2d3: {  	[tilespmem:$0x12450] =	vst v16  }
0x2d4: {  	[tilespmem:$0x12C50] =	vst v16  }
0x2d5: {  	[tilespmem:$0x124D0] =	vst v16  }
0x2d6: {  	[tilespmem:$0x12CD0] =	vst v16  }
0x2d7: {  	[tilespmem:$0x12550] =	vst v16  }
0x2d8: {  	[tilespmem:$0x12D50] =	vst v16  }
0x2d9: {  	[tilespmem:$0x125D0] =	vst v16  }
0x2da: {  	[tilespmem:$0x12DD0] =	vst v16  }
0x2db: {  	[tilespmem:$0x12650] =	vst v16  }
0x2dc: {  	[tilespmem:$0x12E50] =	vst v16  }
0x2dd: {  	[tilespmem:$0x126D0] =	vst v16  }
0x2de: {  	[tilespmem:$0x12ED0] =	vst v16  }
0x2df: {  	[tilespmem:$0x12750] =	vst v16  }
0x2e0: {  	[tilespmem:$0x12F50] =	vst v16  }
0x2e1: {  	[tilespmem:$0x127D0] =	vst v16  }
0x2e2: {  	[tilespmem:$0x12FD0] =	vst v16  }
0x2e3: {  	[tilespmem:$0x12060] =	vst v16  }
0x2e4: {  	[tilespmem:$0x12860] =	vst v16  }
0x2e5: {  	[tilespmem:$0x120E0] =	vst v16  }
0x2e6: {  	[tilespmem:$0x128E0] =	vst v16  }
0x2e7: {  	[tilespmem:$0x12160] =	vst v16  }
0x2e8: {  	[tilespmem:$0x12960] =	vst v16  }
0x2e9: {  	[tilespmem:$0x121E0] =	vst v16  }
0x2ea: {  	[tilespmem:$0x129E0] =	vst v16  }
0x2eb: {  	[tilespmem:$0x12260] =	vst v16  }
0x2ec: {  	[tilespmem:$0x12A60] =	vst v16  }
0x2ed: {  	[tilespmem:$0x122E0] =	vst v16  }
0x2ee: {  	[tilespmem:$0x12AE0] =	vst v16  }
0x2ef: {  	[tilespmem:$0x12360] =	vst v16  }
0x2f0: {  	[tilespmem:$0x12B60] =	vst v16  }
0x2f1: {  	[tilespmem:$0x123E0] =	vst v16  }
0x2f2: {  	[tilespmem:$0x12BE0] =	vst v16  }
0x2f3: {  	[tilespmem:$0x12460] =	vst v16  }
0x2f4: {  	[tilespmem:$0x12C60] =	vst v16  }
0x2f5: {  	[tilespmem:$0x124E0] =	vst v16  }
0x2f6: {  	[tilespmem:$0x12CE0] =	vst v16  }
0x2f7: {  	[tilespmem:$0x12560] =	vst v16  }
0x2f8: {  	[tilespmem:$0x12D60] =	vst v16  }
0x2f9: {  	[tilespmem:$0x125E0] =	vst v16  }
0x2fa: {  	[tilespmem:$0x12DE0] =	vst v16  }
0x2fb: {  	[tilespmem:$0x12660] =	vst v16  }
0x2fc: {  	[tilespmem:$0x12E60] =	vst v16  }
0x2fd: {  	[tilespmem:$0x126E0] =	vst v16  }
0x2fe: {  	[tilespmem:$0x12EE0] =	vst v16  }
0x2ff: {  	[tilespmem:$0x12760] =	vst v16  }
0x300: {  	[tilespmem:$0x12F60] =	vst v16  }
0x301: {  	[tilespmem:$0x127E0] =	vst v16  }
0x302: {  	[tilespmem:$0x12FE0] =	vst v16  }
0x303: {  	[tilespmem:$0x12070] =	vst v16  }
0x304: {  	[tilespmem:$0x12870] =	vst v16  }
0x305: {  	[tilespmem:$0x120F0] =	vst v16  }
0x306: {  	[tilespmem:$0x128F0] =	vst v16  }
0x307: {  	[tilespmem:$0x12170] =	vst v16  }
0x308: {  	[tilespmem:$0x12970] =	vst v16  }
0x309: {  	[tilespmem:$0x121F0] =	vst v16  }
0x30a: {  	[tilespmem:$0x129F0] =	vst v16  }
0x30b: {  	[tilespmem:$0x12270] =	vst v16  }
0x30c: {  	[tilespmem:$0x12A70] =	vst v16  }
0x30d: {  	[tilespmem:$0x122F0] =	vst v16  }
0x30e: {  	[tilespmem:$0x12AF0] =	vst v16  }
0x30f: {  	[tilespmem:$0x12370] =	vst v16  }
0x310: {  	[tilespmem:$0x12B70] =	vst v16  }
0x311: {  	[tilespmem:$0x123F0] =	vst v16  }
0x312: {  	[tilespmem:$0x12BF0] =	vst v16  }
0x313: {  	[tilespmem:$0x12470] =	vst v16  }
0x314: {  	[tilespmem:$0x12C70] =	vst v16  }
0x315: {  	[tilespmem:$0x124F0] =	vst v16  }
0x316: {  	[tilespmem:$0x12CF0] =	vst v16  }
0x317: {  	[tilespmem:$0x12570] =	vst v16  }
0x318: {  	[tilespmem:$0x12D70] =	vst v16  }
0x319: {  	[tilespmem:$0x125F0] =	vst v16  }
0x31a: {  	[tilespmem:$0x12DF0] =	vst v16  }
0x31b: {  	[tilespmem:$0x12670] =	vst v16  }
0x31c: {  	[tilespmem:$0x12E70] =	vst v16  }
0x31d: {  	[tilespmem:$0x126F0] =	vst v16  }
0x31e: {  	[tilespmem:$0x12EF0] =	vst v16  }
0x31f: {  	[tilespmem:$0x12770] =	vst v16  }
0x320: {  	[tilespmem:$0x12F70] =	vst v16  }
0x321: {  	[tilespmem:$0x127F0] =	vst v16  }
0x322: {  	s24 =	simm.s32 $0x0;
	[tilespmem:$0x12FF0] =	vst v16  }
0x323: {  	[tilespmem:s15], [sflag:$0x1] =	stream.indirect.gather [hbm4b:s3+s13], $0x80, s14, s13, $0xb8;
	[tilespmem:$0x13280] =	vst v63  }
0x324: {  	s25 =	simm.s32 $0x9000;
	s26 =	simm.s32 $0x9080;
	s28 =	simm.s32 $0x0  }
0x325: {  	[tilespmem:s17], [sflag:$0x2] =	stream.indirect.gather [hbm4b:s3+s13], $0x80, s16, s13, $0xb8;
	[tilespmem:$0x13280] =	vst v63  }
.LBB2_5:
0x326: {  	v61 =	vmov s25;
	_ =	sdelay $0x1  }
0x327: {  	_ =	swait.ge [sflag:s18], $0x4000  }
0x328: {  	[sflag:s18] =	ssyncset.done $0x0  }
0x329: {  	s30 =	simm.s32 $0x0;
	[sflag:s18] =	ssyncadd.s32 $0xFFFFC000  }
0x32a: {  	v16 =	vld.idx.msk [tilespmem:v61+s30+$0x0 ss:$0x1], $0xffff;
	_ =	sdelay $0x3  }
0x32b: {  	v17 =	vmov s24  }
0x32c: {  	v17 =	vshll.u32 v17, $0x7;
	v18 =	vadd.s32 v0, v16  }
0x32d: {  	v17 =	vor.u32 v29, v17;
	v19 =	vand.u32 $0xFFFFFF80, v18  }
0x32e: {  	v18 =	vand.u32 $0x7F, v18;
	v19 =	vadd.s32 v17, v19  }
0x32f: {  	v18 =	vor.u32 v18, v19;
	_ =	sdelay $0x4  }
0x330: {  	v19 =	vadd.s32 v1, v16;
	v18 =	vld.idx.msk [tilespmem:v18+s15+$0x0], $0xffff  }
0x331: {  	v20 =	vand.u32 $0xFFFFFF80, v19  }
0x332: {  	v19 =	vand.u32 $0x7F, v19;
	v20 =	vadd.s32 v17, v20  }
0x333: {  	v19 =	vor.u32 v19, v20;
	_ =	sdelay $0x1  }
0x334: {  	v42 =	vmul.f32 v18, v18  }
0x335: {  	[tilespmem:s30+$0x12000] =	vst.add.f32.msk $0xffff, v18  }
0x336: {  	[tilespmem:s30+$0x12800] =	vst.add.f32.msk $0xffff, v42  }
0x337: {  	v18 =	vadd.s32 v2, v16;
	v19 =	vld.idx.msk [tilespmem:v19+s15+$0x0], $0xffff  }
0x338: {  	v43 =	vand.u32 $0xFFFFFF80, v18  }
0x339: {  	v18 =	vand.u32 $0x7F, v18;
	v20 =	vadd.s32 v17, v43  }
0x33a: {  	v18 =	vor.u32 v18, v20;
	_ =	sdelay $0x1  }
0x33b: {  	v44 =	vmul.f32 v19, v19  }
0x33c: {  	[tilespmem:s30+$0x12080] =	vst.add.f32.msk $0xffff, v19  }
0x33d: {  	[tilespmem:s30+$0x12880] =	vst.add.f32.msk $0xffff, v44  }
0x33e: {  	v19 =	vadd.s32 v3, v16;
	v18 =	vld.idx.msk [tilespmem:v18+s15+$0x0], $0xffff  }
0x33f: {  	v45 =	vand.u32 $0xFFFFFF80, v19  }
0x340: {  	v19 =	vand.u32 $0x7F, v19;
	v20 =	vadd.s32 v17, v45  }
0x341: {  	v19 =	vor.u32 v19, v20;
	_ =	sdelay $0x1  }
0x342: {  	v46 =	vmul.f32 v18, v18  }
0x343: {  	[tilespmem:s30+$0x12100] =	vst.add.f32.msk $0xffff, v18  }
0x344: {  	[tilespmem:s30+$0x12900] =	vst.add.f32.msk $0xffff, v46  }
0x345: {  	v18 =	vadd.s32 v4, v16;
	v19 =	vld.idx.msk [tilespmem:v19+s15+$0x0], $0xffff  }
0x346: {  	v62 =	vand.u32 $0xFFFFFF80, v18  }
0x347: {  	v18 =	vand.u32 $0x7F, v18;
	v20 =	vadd.s32 v17, v62  }
0x348: {  	v18 =	vor.u32 v18, v20;
	_ =	sdelay $0x1  }
0x349: {  	v63 =	vmul.f32 v19, v19  }
0x34a: {  	[tilespmem:s30+$0x12180] =	vst.add.f32.msk $0xffff, v19  }
0x34b: {  	[tilespmem:s30+$0x12980] =	vst.add.f32.msk $0xffff, v63  }
0x34c: {  	v19 =	vadd.s32 v5, v16;
	v18 =	vld.idx.msk [tilespmem:v18+s15+$0x0], $0xffff  }
0x34d: {  	v24 =	vand.u32 $0xFFFFFF80, v19  }
0x34e: {  	v19 =	vand.u32 $0x7F, v19;
	v20 =	vadd.s32 v17, v24  }
0x34f: {  	v19 =	vor.u32 v19, v20;
	_ =	sdelay $0x1  }
0x350: {  	v25 =	vmul.f32 v18, v18  }
0x351: {  	[tilespmem:s30+$0x12200] =	vst.add.f32.msk $0xffff, v18  }
0x352: {  	[tilespmem:s30+$0x12A00] =	vst.add.f32.msk $0xffff, v25  }
0x353: {  	v18 =	vadd.s32 v7, v16;
	v19 =	vld.idx.msk [tilespmem:v19+s15+$0x0], $0xffff  }
0x354: {  	v26 =	vand.u32 $0xFFFFFF80, v18  }
0x355: {  	v18 =	vand.u32 $0x7F, v18;
	v20 =	vadd.s32 v17, v26  }
0x356: {  	v18 =	vor.u32 v18, v20;
	_ =	sdelay $0x1  }
0x357: {  	v32 =	vmul.f32 v19, v19  }
0x358: {  	[tilespmem:s30+$0x12280] =	vst.add.f32.msk $0xffff, v19  }
0x359: {  	[tilespmem:s30+$0x12A80] =	vst.add.f32.msk $0xffff, v32  }
0x35a: {  	v19 =	vadd.s32 v8, v16;
	v18 =	vld.idx.msk [tilespmem:v18+s15+$0x0], $0xffff  }
0x35b: {  	v33 =	vand.u32 $0xFFFFFF80, v19  }
0x35c: {  	v19 =	vand.u32 $0x7F, v19;
	v20 =	vadd.s32 v17, v33  }
0x35d: {  	v19 =	vor.u32 v19, v20;
	_ =	sdelay $0x1  }
0x35e: {  	v34 =	vmul.f32 v18, v18  }
0x35f: {  	[tilespmem:s30+$0x12300] =	vst.add.f32.msk $0xffff, v18  }
0x360: {  	[tilespmem:s30+$0x12B00] =	vst.add.f32.msk $0xffff, v34  }
0x361: {  	v18 =	vadd.s32 v6, v16;
	v19 =	vld.idx.msk [tilespmem:v19+s15+$0x0], $0xffff  }
0x362: {  	v35 =	vand.u32 $0xFFFFFF80, v18  }
0x363: {  	v18 =	vand.u32 $0x7F, v18;
	v20 =	vadd.s32 v17, v35  }
0x364: {  	v18 =	vor.u32 v18, v20;
	_ =	sdelay $0x1  }
0x365: {  	v36 =	vmul.f32 v19, v19  }
0x366: {  	[tilespmem:s30+$0x12380] =	vst.add.f32.msk $0xffff, v19  }
0x367: {  	[tilespmem:s30+$0x12B80] =	vst.add.f32.msk $0xffff, v36  }
0x368: {  	v19 =	vadd.s32 v9, v16;
	v18 =	vld.idx.msk [tilespmem:v18+s15+$0x0], $0xffff  }
0x369: {  	v37 =	vand.u32 $0xFFFFFF80, v19  }
0x36a: {  	v19 =	vand.u32 $0x7F, v19;
	v20 =	vadd.s32 v17, v37  }
0x36b: {  	v19 =	vor.u32 v19, v20;
	_ =	sdelay $0x1  }
0x36c: {  	v38 =	vmul.f32 v18, v18  }
0x36d: {  	[tilespmem:s30+$0x12400] =	vst.add.f32.msk $0xffff, v18  }
0x36e: {  	[tilespmem:s30+$0x12C00] =	vst.add.f32.msk $0xffff, v38  }
0x36f: {  	v18 =	vadd.s32 v10, v16;
	v19 =	vld.idx.msk [tilespmem:v19+s15+$0x0], $0xffff  }
0x370: {  	v39 =	vand.u32 $0xFFFFFF80, v18  }
0x371: {  	v18 =	vand.u32 $0x7F, v18;
	v20 =	vadd.s32 v17, v39  }
0x372: {  	v18 =	vor.u32 v18, v20;
	_ =	sdelay $0x1  }
0x373: {  	v40 =	vmul.f32 v19, v19  }
0x374: {  	[tilespmem:s30+$0x12480] =	vst.add.f32.msk $0xffff, v19  }
0x375: {  	[tilespmem:s30+$0x12C80] =	vst.add.f32.msk $0xffff, v40  }
0x376: {  	v19 =	vadd.s32 v11, v16;
	v18 =	vld.idx.msk [tilespmem:v18+s15+$0x0], $0xffff  }
0x377: {  	v41 =	vand.u32 $0xFFFFFF80, v19  }
0x378: {  	v19 =	vand.u32 $0x7F, v19;
	v20 =	vadd.s32 v17, v41  }
0x379: {  	v19 =	vor.u32 v19, v20;
	_ =	sdelay $0x1  }
0x37a: {  	v42 =	vmul.f32 v18, v18  }
0x37b: {  	[tilespmem:s30+$0x12500] =	vst.add.f32.msk $0xffff, v18  }
0x37c: {  	[tilespmem:s30+$0x12D00] =	vst.add.f32.msk $0xffff, v42  }
0x37d: {  	v18 =	vadd.s32 v12, v16;
	v19 =	vld.idx.msk [tilespmem:v19+s15+$0x0], $0xffff  }
0x37e: {  	v43 =	vand.u32 $0xFFFFFF80, v18  }
0x37f: {  	v18 =	vand.u32 $0x7F, v18;
	v20 =	vadd.s32 v17, v43  }
0x380: {  	v18 =	vor.u32 v18, v20;
	_ =	sdelay $0x1  }
0x381: {  	v44 =	vmul.f32 v19, v19  }
0x382: {  	[tilespmem:s30+$0x12580] =	vst.add.f32.msk $0xffff, v19  }
0x383: {  	[tilespmem:s30+$0x12D80] =	vst.add.f32.msk $0xffff, v44  }
0x384: {  	v19 =	vadd.s32 v13, v16;
	v18 =	vld.idx.msk [tilespmem:v18+s15+$0x0], $0xffff  }
0x385: {  	v45 =	vand.u32 $0xFFFFFF80, v19  }
0x386: {  	v19 =	vand.u32 $0x7F, v19;
	v20 =	vadd.s32 v17, v45  }
0x387: {  	v19 =	vor.u32 v19, v20;
	_ =	sdelay $0x1  }
0x388: {  	v46 =	vmul.f32 v18, v18  }
0x389: {  	[tilespmem:s30+$0x12600] =	vst.add.f32.msk $0xffff, v18  }
0x38a: {  	[tilespmem:s30+$0x12E00] =	vst.add.f32.msk $0xffff, v46  }
0x38b: {  	v18 =	vadd.s32 v14, v16;
	v19 =	vld.idx.msk [tilespmem:v19+s15+$0x0], $0xffff  }
0x38c: {  	v62 =	vand.u32 $0xFFFFFF80, v18  }
0x38d: {  	v18 =	vand.u32 $0x7F, v18;
	v20 =	vadd.s32 v17, v62  }
0x38e: {  	v18 =	vor.u32 v18, v20;
	_ =	sdelay $0x1  }
0x38f: {  	v63 =	vmul.f32 v19, v19  }
0x390: {  	[tilespmem:s30+$0x12680] =	vst.add.f32.msk $0xffff, v19  }
0x391: {  	[tilespmem:s30+$0x12E80] =	vst.add.f32.msk $0xffff, v63  }
0x392: {  	v16 =	vadd.s32 v15, v16;
	v18 =	vld.idx.msk [tilespmem:v18+s15+$0x0], $0xffff  }
0x393: {  	v19 =	vand.u32 $0xFFFFFF80, v16  }
0x394: {  	v16 =	vand.u32 $0x7F, v16;
	v17 =	vadd.s32 v17, v19  }
0x395: {  	v16 =	vor.u32 v16, v17;
	_ =	sdelay $0x1  }
0x396: {  	v17 =	vmul.f32 v18, v18  }
0x397: {  	[tilespmem:s30+$0x12700] =	vst.add.f32.msk $0xffff, v18  }
0x398: {  	[tilespmem:s30+$0x12F00] =	vst.add.f32.msk $0xffff, v17  }
0x399: {  	v16 =	vld.idx.msk [tilespmem:v16+s15+$0x0], $0xffff;
	_ =	sdelay $0x3  }
0x39a: {  	s29 =	sshll.u32 s28, $0xA  }
0x39b: {  	s0 =	simm.s32 $0x40;
	s5 =	simm.s32 $0x80;
	s31 =	simm.s32 $0x0;
	[tilespmem:s30+$0x12780] =	vst.add.f32.msk $0xffff, v16;
	v16 =	vmul.f32 v16, v16  }
.LBB2_6:
0x39c: {  	s9 =	sshra.s32 s0, $0x2  }
0x39d: {  	s31 =	sadd.s32 $0x10, s31;
	s0 =	smov.u32 s5;
	s7 =	sadd.s32 $0x40, s5  }
0x39e: {  	p0 =	sne.s32 s5, $0x1C0;
	[tilespmem:s30+$0x12F80] =	vst.add.f32.msk $0xffff, v16;
	s30 =	smov.u32 s9  }
0x39f: {  	v17 =	vld.idx.msk [tilespmem:v61+s30+$0x0 ss:$0x1], $0xffff;
	_ =	sdelay $0x3  }
0x3a0: {  	v16 =	vmov s31;
	_ =	sdelay $0x1  }
0x3a1: {  	v16 =	vshll.u32 v16, $0x7;
	v18 =	vadd.s32 v0, v17;
	v19 =	vadd.s32 v1, v17  }
0x3a2: {  	v63 =	vor.u32 v29, v16;
	v20 =	vand.u32 $0xFFFFFF80, v18;
	v18 =	vand.u32 $0x7F, v18  }
0x3a3: {  	v30 =	vadd.s32 v2, v17;
	v16 =	vadd.s32 v63, v20;
	v20 =	vand.u32 $0xFFFFFF80, v19  }
0x3a4: {  	v16 =	vor.u32 v18, v16;
	v18 =	vadd.s32 v63, v20;
	v20 =	vand.u32 $0xFFFFFF80, v30  }
0x3a5: {  	v32 =	vadd.s32 v3, v17;
	v33 =	vadd.s32 v4, v17;
	v31 =	vadd.s32 v63, v20  }
0x3a6: {  	v34 =	vadd.s32 v5, v17;
	v21 =	vand.u32 $0xFFFFFF80, v33;
	v20 =	vand.u32 $0xFFFFFF80, v32  }
0x3a7: {  	v36 =	vadd.s32 v63, v21;
	v35 =	vadd.s32 v63, v20;
	v20 =	vand.u32 $0xFFFFFF80, v34  }
0x3a8: {  	v38 =	vadd.s32 v7, v17;
	v39 =	vadd.s32 v8, v17;
	v37 =	vadd.s32 v63, v20  }
0x3a9: {  	v28 =	vadd.s32 v6, v17;
	v21 =	vand.u32 $0xFFFFFF80, v39;
	v20 =	vand.u32 $0xFFFFFF80, v38;
	v16 =	vld.idx.msk [tilespmem:v16+s15+$0x0], $0xffff  }
0x3aa: {  	v41 =	vadd.s32 v63, v21;
	v40 =	vadd.s32 v63, v20;
	v20 =	vand.u32 $0xFFFFFF80, v28  }
0x3ab: {  	v26 =	vadd.s32 v9, v17;
	v19 =	vand.u32 $0x7F, v19;
	v42 =	vadd.s32 v63, v20  }
0x3ac: {  	v24 =	vadd.s32 v10, v17;
	v20 =	vor.u32 v19, v18;
	v18 =	vand.u32 $0xFFFFFF80, v26  }
0x3ad: {  	v22 =	vadd.s32 v11, v17;
	v27 =	vadd.s32 v63, v18;
	v18 =	vand.u32 $0xFFFFFF80, v24  }
0x3ae: {  	v19 =	vadd.s32 v12, v17;
	v25 =	vadd.s32 v63, v18;
	v18 =	vand.u32 $0xFFFFFF80, v22  }
0x3af: {  	v23 =	vadd.s32 v63, v18;
	v18 =	vand.u32 $0xFFFFFF80, v19;
	v62 =	vmul.f32 v16, v16  }
0x3b0: {  	v21 =	vadd.s32 v63, v18;
	v18 =	vadd.s32 v13, v17;
	[tilespmem:s30+$0x12000] =	vst.add.f32.msk $0xffff, v16;
	v16 =	vadd.s32 v14, v17  }
0x3b1: {  	v43 =	vand.u32 $0xFFFFFF80, v18;
	[tilespmem:s30+$0x12800] =	vst.add.f32.msk $0xffff, v62;
	v44 =	vand.u32 $0xFFFFFF80, v16;
	v62 =	vadd.s32 v15, v17  }
0x3b2: {  	v45 =	vld.idx.msk [tilespmem:v20+s15+$0x0], $0xffff;
	v20 =	vadd.s32 v63, v43;
	v17 =	vadd.s32 v63, v44;
	v43 =	vand.u32 $0xFFFFFF80, v62  }
0x3b3: {  	v63 =	vadd.s32 v63, v43  }
0x3b4: {  	v30 =	vand.u32 $0x7F, v30  }
0x3b5: {  	v30 =	vor.u32 v30, v31;
	_ =	sdelay $0x2  }
0x3b6: {  	v31 =	vmul.f32 v45, v45  }
0x3b7: {  	[tilespmem:s30+$0x12080] =	vst.add.f32.msk $0xffff, v45  }
0x3b8: {  	[tilespmem:s30+$0x12880] =	vst.add.f32.msk $0xffff, v31  }
0x3b9: {  	v30 =	vld.idx.msk [tilespmem:v30+s15+$0x0], $0xffff;
	_ =	sdelay $0x1  }
0x3ba: {  	v31 =	vand.u32 $0x7F, v32  }
0x3bb: {  	v31 =	vor.u32 v31, v35;
	_ =	sdelay $0x2  }
0x3bc: {  	v32 =	vmul.f32 v30, v30  }
0x3bd: {  	[tilespmem:s30+$0x12100] =	vst.add.f32.msk $0xffff, v30  }
0x3be: {  	[tilespmem:s30+$0x12900] =	vst.add.f32.msk $0xffff, v32  }
0x3bf: {  	v30 =	vld.idx.msk [tilespmem:v31+s15+$0x0], $0xffff;
	_ =	sdelay $0x1  }
0x3c0: {  	v31 =	vand.u32 $0x7F, v33  }
0x3c1: {  	v31 =	vor.u32 v31, v36;
	_ =	sdelay $0x2  }
0x3c2: {  	v32 =	vmul.f32 v30, v30  }
0x3c3: {  	[tilespmem:s30+$0x12180] =	vst.add.f32.msk $0xffff, v30  }
0x3c4: {  	[tilespmem:s30+$0x12980] =	vst.add.f32.msk $0xffff, v32  }
0x3c5: {  	v30 =	vld.idx.msk [tilespmem:v31+s15+$0x0], $0xffff;
	_ =	sdelay $0x1  }
0x3c6: {  	v31 =	vand.u32 $0x7F, v34  }
0x3c7: {  	v31 =	vor.u32 v31, v37;
	_ =	sdelay $0x2  }
0x3c8: {  	v32 =	vmul.f32 v30, v30  }
0x3c9: {  	[tilespmem:s30+$0x12200] =	vst.add.f32.msk $0xffff, v30  }
0x3ca: {  	[tilespmem:s30+$0x12A00] =	vst.add.f32.msk $0xffff, v32  }
0x3cb: {  	v30 =	vld.idx.msk [tilespmem:v31+s15+$0x0], $0xffff;
	_ =	sdelay $0x1  }
0x3cc: {  	v31 =	vand.u32 $0x7F, v38  }
0x3cd: {  	v31 =	vor.u32 v31, v40;
	_ =	sdelay $0x2  }
0x3ce: {  	v32 =	vmul.f32 v30, v30  }
0x3cf: {  	[tilespmem:s30+$0x12280] =	vst.add.f32.msk $0xffff, v30  }
0x3d0: {  	[tilespmem:s30+$0x12A80] =	vst.add.f32.msk $0xffff, v32  }
0x3d1: {  	v30 =	vld.idx.msk [tilespmem:v31+s15+$0x0], $0xffff;
	_ =	sdelay $0x1  }
0x3d2: {  	v31 =	vand.u32 $0x7F, v39  }
0x3d3: {  	v31 =	vor.u32 v31, v41;
	_ =	sdelay $0x2  }
0x3d4: {  	[tilespmem:s30+$0x12300] =	vst.add.f32.msk $0xffff, v30;
	v30 =	vmul.f32 v30, v30;
	_ =	sdelay $0x1  }
0x3d5: {  	[tilespmem:s30+$0x12B00] =	vst.add.f32.msk $0xffff, v30  }
0x3d6: {  	v30 =	vld.idx.msk [tilespmem:v31+s15+$0x0], $0xffff;
	_ =	sdelay $0x1  }
0x3d7: {  	v28 =	vand.u32 $0x7F, v28  }
0x3d8: {  	v28 =	vor.u32 v28, v42;
	_ =	sdelay $0x2  }
0x3d9: {  	[tilespmem:s30+$0x12380] =	vst.add.f32.msk $0xffff, v30;
	v30 =	vmul.f32 v30, v30;
	_ =	sdelay $0x1  }
0x3da: {  	[tilespmem:s30+$0x12B80] =	vst.add.f32.msk $0xffff, v30  }
0x3db: {  	v28 =	vld.idx.msk [tilespmem:v28+s15+$0x0], $0xffff;
	_ =	sdelay $0x1  }
0x3dc: {  	v26 =	vand.u32 $0x7F, v26  }
0x3dd: {  	v26 =	vor.u32 v26, v27;
	_ =	sdelay $0x2  }
0x3de: {  	v27 =	vmul.f32 v28, v28;
	[tilespmem:s30+$0x12400] =	vst.add.f32.msk $0xffff, v28;
	_ =	sdelay $0x1  }
0x3df: {  	[tilespmem:s30+$0x12C00] =	vst.add.f32.msk $0xffff, v27  }
0x3e0: {  	v26 =	vld.idx.msk [tilespmem:v26+s15+$0x0], $0xffff;
	_ =	sdelay $0x1  }
0x3e1: {  	v24 =	vand.u32 $0x7F, v24  }
0x3e2: {  	v24 =	vor.u32 v24, v25;
	_ =	sdelay $0x2  }
0x3e3: {  	v25 =	vmul.f32 v26, v26;
	[tilespmem:s30+$0x12480] =	vst.add.f32.msk $0xffff, v26;
	_ =	sdelay $0x1  }
0x3e4: {  	[tilespmem:s30+$0x12C80] =	vst.add.f32.msk $0xffff, v25  }
0x3e5: {  	v24 =	vld.idx.msk [tilespmem:v24+s15+$0x0], $0xffff;
	_ =	sdelay $0x1  }
0x3e6: {  	v22 =	vand.u32 $0x7F, v22  }
0x3e7: {  	v22 =	vor.u32 v22, v23;
	_ =	sdelay $0x2  }
0x3e8: {  	v23 =	vmul.f32 v24, v24;
	[tilespmem:s30+$0x12500] =	vst.add.f32.msk $0xffff, v24;
	_ =	sdelay $0x1  }
0x3e9: {  	[tilespmem:s30+$0x12D00] =	vst.add.f32.msk $0xffff, v23  }
0x3ea: {  	v22 =	vld.idx.msk [tilespmem:v22+s15+$0x0], $0xffff;
	_ =	sdelay $0x1  }
0x3eb: {  	v19 =	vand.u32 $0x7F, v19  }
0x3ec: {  	v19 =	vor.u32 v19, v21;
	_ =	sdelay $0x2  }
0x3ed: {  	v21 =	vmul.f32 v22, v22;
	[tilespmem:s30+$0x12580] =	vst.add.f32.msk $0xffff, v22;
	_ =	sdelay $0x1  }
0x3ee: {  	[tilespmem:s30+$0x12D80] =	vst.add.f32.msk $0xffff, v21  }
0x3ef: {  	v19 =	vld.idx.msk [tilespmem:v19+s15+$0x0], $0xffff;
	_ =	sdelay $0x1  }
0x3f0: {  	v18 =	vand.u32 $0x7F, v18  }
0x3f1: {  	v18 =	vor.u32 v18, v20;
	_ =	sdelay $0x2  }
0x3f2: {  	[tilespmem:s30+$0x12600] =	vst.add.f32.msk $0xffff, v19;
	v19 =	vmul.f32 v19, v19;
	_ =	sdelay $0x1  }
0x3f3: {  	[tilespmem:s30+$0x12E00] =	vst.add.f32.msk $0xffff, v19  }
0x3f4: {  	v18 =	vld.idx.msk [tilespmem:v18+s15+$0x0], $0xffff;
	_ =	sdelay $0x1  }
0x3f5: {  	v16 =	vand.u32 $0x7F, v16  }
0x3f6: {  	v16 =	vor.u32 v16, v17;
	_ =	sdelay $0x2  }
0x3f7: {  	v17 =	vmul.f32 v18, v18;
	[tilespmem:s30+$0x12680] =	vst.add.f32.msk $0xffff, v18;
	_ =	sdelay $0x1  }
0x3f8: {  	[tilespmem:s30+$0x12E80] =	vst.add.f32.msk $0xffff, v17  }
0x3f9: {  	v16 =	vld.idx.msk [tilespmem:v16+s15+$0x0], $0xffff;
	_ =	sdelay $0x1  }
0x3fa: {  	v17 =	vand.u32 $0x7F, v62  }
0x3fb: {  	v17 =	vor.u32 v17, v63;
	_ =	sdelay $0x2  }
0x3fc: {  	[tilespmem:s30+$0x12700] =	vst.add.f32.msk $0xffff, v16;
	v16 =	vmul.f32 v16, v16;
	_ =	sdelay $0x1  }
0x3fd: {  	[tilespmem:s30+$0x12F00] =	vst.add.f32.msk $0xffff, v16  }
0x3fe: {  	v16 =	vld.idx.msk [tilespmem:v17+s15+$0x0], $0xffff;
	_ =	sdelay $0x1  }
.Ltmp1:
0x3ff: {  	(pc) =	sbr.rel @p0 .LBB2_6-.Ltmp1, $2  }
0x400: {  	_ =	sdelay $0x2  }
0x401: {  	s5 =	smov.u32 s7;
	[tilespmem:s30+$0x12780] =	vst.add.f32.msk $0xffff, v16;
	v16 =	vmul.f32 v16, v16  }
0x402: {  	_ =	sdelay $0x2  }
0x403: {  	s0 =	sshra.s32 s0, $0x2;
	[tilespmem:s30+$0x12F80] =	vst.add.f32.msk $0xffff, v16  }
0x404: {  	v16 =	vld.idx.msk [tilespmem:v61+s0+$0x0 ss:$0x1], $0xffff;
	_ =	sdelay $0x2  }
0x405: {  	s5 =	sadd.s32 $0x10, s31  }
0x406: {  	v17 =	vmov s5  }
0x407: {  	v17 =	vshll.u32 v17, $0x7;
	v18 =	vadd.s32 v0, v16  }
0x408: {  	v17 =	vor.u32 v29, v17;
	v19 =	vand.u32 $0xFFFFFF80, v18  }
0x409: {  	v18 =	vand.u32 $0x7F, v18;
	v19 =	vadd.s32 v17, v19  }
0x40a: {  	v18 =	vor.u32 v18, v19;
	_ =	sdelay $0x4  }
0x40b: {  	v19 =	vadd.s32 v1, v16;
	v18 =	vld.idx.msk [tilespmem:v18+s15+$0x0], $0xffff  }
0x40c: {  	v20 =	vand.u32 $0xFFFFFF80, v19  }
0x40d: {  	v19 =	vand.u32 $0x7F, v19;
	v20 =	vadd.s32 v17, v20  }
0x40e: {  	v19 =	vor.u32 v19, v20;
	_ =	sdelay $0x1  }
0x40f: {  	v35 =	vmul.f32 v18, v18  }
0x410: {  	[tilespmem:s0+$0x12000] =	vst.add.f32.msk $0xffff, v18  }
0x411: {  	[tilespmem:s0+$0x12800] =	vst.add.f32.msk $0xffff, v35  }
0x412: {  	v18 =	vadd.s32 v2, v16;
	v19 =	vld.idx.msk [tilespmem:v19+s15+$0x0], $0xffff  }
0x413: {  	v36 =	vand.u32 $0xFFFFFF80, v18  }
0x414: {  	v18 =	vand.u32 $0x7F, v18;
	v20 =	vadd.s32 v17, v36  }
0x415: {  	v18 =	vor.u32 v18, v20;
	_ =	sdelay $0x1  }
0x416: {  	v37 =	vmul.f32 v19, v19  }
0x417: {  	[tilespmem:s0+$0x12080] =	vst.add.f32.msk $0xffff, v19  }
0x418: {  	[tilespmem:s0+$0x12880] =	vst.add.f32.msk $0xffff, v37  }
0x419: {  	v19 =	vadd.s32 v3, v16;
	v18 =	vld.idx.msk [tilespmem:v18+s15+$0x0], $0xffff  }
0x41a: {  	v38 =	vand.u32 $0xFFFFFF80, v19  }
0x41b: {  	v19 =	vand.u32 $0x7F, v19;
	v20 =	vadd.s32 v17, v38  }
0x41c: {  	v19 =	vor.u32 v19, v20;
	_ =	sdelay $0x1  }
0x41d: {  	v39 =	vmul.f32 v18, v18  }
0x41e: {  	[tilespmem:s0+$0x12100] =	vst.add.f32.msk $0xffff, v18  }
0x41f: {  	[tilespmem:s0+$0x12900] =	vst.add.f32.msk $0xffff, v39  }
0x420: {  	v18 =	vadd.s32 v4, v16;
	v19 =	vld.idx.msk [tilespmem:v19+s15+$0x0], $0xffff  }
0x421: {  	v40 =	vand.u32 $0xFFFFFF80, v18  }
0x422: {  	v18 =	vand.u32 $0x7F, v18;
	v20 =	vadd.s32 v17, v40  }
0x423: {  	v18 =	vor.u32 v18, v20;
	_ =	sdelay $0x1  }
0x424: {  	v41 =	vmul.f32 v19, v19  }
0x425: {  	[tilespmem:s0+$0x12180] =	vst.add.f32.msk $0xffff, v19  }
0x426: {  	[tilespmem:s0+$0x12980] =	vst.add.f32.msk $0xffff, v41  }
0x427: {  	v19 =	vadd.s32 v5, v16;
	v18 =	vld.idx.msk [tilespmem:v18+s15+$0x0], $0xffff  }
0x428: {  	v42 =	vand.u32 $0xFFFFFF80, v19  }
0x429: {  	v19 =	vand.u32 $0x7F, v19;
	v20 =	vadd.s32 v17, v42  }
0x42a: {  	v19 =	vor.u32 v19, v20;
	_ =	sdelay $0x1  }
0x42b: {  	v43 =	vmul.f32 v18, v18  }
0x42c: {  	[tilespmem:s0+$0x12200] =	vst.add.f32.msk $0xffff, v18  }
0x42d: {  	[tilespmem:s0+$0x12A00] =	vst.add.f32.msk $0xffff, v43  }
0x42e: {  	v18 =	vadd.s32 v7, v16;
	v19 =	vld.idx.msk [tilespmem:v19+s15+$0x0], $0xffff  }
0x42f: {  	v44 =	vand.u32 $0xFFFFFF80, v18  }
0x430: {  	v18 =	vand.u32 $0x7F, v18;
	v20 =	vadd.s32 v17, v44  }
0x431: {  	v18 =	vor.u32 v18, v20;
	_ =	sdelay $0x1  }
0x432: {  	v45 =	vmul.f32 v19, v19  }
0x433: {  	[tilespmem:s0+$0x12280] =	vst.add.f32.msk $0xffff, v19  }
0x434: {  	[tilespmem:s0+$0x12A80] =	vst.add.f32.msk $0xffff, v45  }
0x435: {  	v19 =	vadd.s32 v8, v16;
	v18 =	vld.idx.msk [tilespmem:v18+s15+$0x0], $0xffff  }
0x436: {  	v46 =	vand.u32 $0xFFFFFF80, v19  }
0x437: {  	v19 =	vand.u32 $0x7F, v19;
	v20 =	vadd.s32 v17, v46  }
0x438: {  	v19 =	vor.u32 v19, v20;
	_ =	sdelay $0x1  }
0x439: {  	v61 =	vmul.f32 v18, v18  }
0x43a: {  	[tilespmem:s0+$0x12300] =	vst.add.f32.msk $0xffff, v18  }
0x43b: {  	[tilespmem:s0+$0x12B00] =	vst.add.f32.msk $0xffff, v61  }
0x43c: {  	v18 =	vadd.s32 v6, v16;
	v19 =	vld.idx.msk [tilespmem:v19+s15+$0x0], $0xffff  }
0x43d: {  	v62 =	vand.u32 $0xFFFFFF80, v18  }
0x43e: {  	v18 =	vand.u32 $0x7F, v18;
	v20 =	vadd.s32 v17, v62  }
0x43f: {  	v18 =	vor.u32 v18, v20;
	_ =	sdelay $0x1  }
0x440: {  	v63 =	vmul.f32 v19, v19  }
0x441: {  	[tilespmem:s0+$0x12380] =	vst.add.f32.msk $0xffff, v19  }
0x442: {  	[tilespmem:s0+$0x12B80] =	vst.add.f32.msk $0xffff, v63  }
0x443: {  	v19 =	vadd.s32 v9, v16;
	v18 =	vld.idx.msk [tilespmem:v18+s15+$0x0], $0xffff  }
0x444: {  	v24 =	vand.u32 $0xFFFFFF80, v19  }
0x445: {  	v19 =	vand.u32 $0x7F, v19;
	v20 =	vadd.s32 v17, v24  }
0x446: {  	v19 =	vor.u32 v19, v20;
	_ =	sdelay $0x1  }
0x447: {  	v25 =	vmul.f32 v18, v18  }
0x448: {  	[tilespmem:s0+$0x12400] =	vst.add.f32.msk $0xffff, v18  }
0x449: {  	[tilespmem:s0+$0x12C00] =	vst.add.f32.msk $0xffff, v25  }
0x44a: {  	v18 =	vadd.s32 v10, v16;
	v19 =	vld.idx.msk [tilespmem:v19+s15+$0x0], $0xffff  }
0x44b: {  	v26 =	vand.u32 $0xFFFFFF80, v18  }
0x44c: {  	v18 =	vand.u32 $0x7F, v18;
	v20 =	vadd.s32 v17, v26  }
0x44d: {  	v18 =	vor.u32 v18, v20;
	_ =	sdelay $0x1  }
0x44e: {  	v32 =	vmul.f32 v19, v19  }
0x44f: {  	[tilespmem:s0+$0x12480] =	vst.add.f32.msk $0xffff, v19  }
0x450: {  	[tilespmem:s0+$0x12C80] =	vst.add.f32.msk $0xffff, v32  }
0x451: {  	v19 =	vadd.s32 v11, v16;
	v18 =	vld.idx.msk [tilespmem:v18+s15+$0x0], $0xffff  }
0x452: {  	v33 =	vand.u32 $0xFFFFFF80, v19  }
0x453: {  	v19 =	vand.u32 $0x7F, v19;
	v20 =	vadd.s32 v17, v33  }
0x454: {  	v19 =	vor.u32 v19, v20;
	_ =	sdelay $0x1  }
0x455: {  	v34 =	vmul.f32 v18, v18  }
0x456: {  	[tilespmem:s0+$0x12500] =	vst.add.f32.msk $0xffff, v18  }
0x457: {  	[tilespmem:s0+$0x12D00] =	vst.add.f32.msk $0xffff, v34  }
0x458: {  	v18 =	vadd.s32 v12, v16;
	v19 =	vld.idx.msk [tilespmem:v19+s15+$0x0], $0xffff  }
0x459: {  	v35 =	vand.u32 $0xFFFFFF80, v18  }
0x45a: {  	v18 =	vand.u32 $0x7F, v18;
	v20 =	vadd.s32 v17, v35  }
0x45b: {  	v18 =	vor.u32 v18, v20;
	_ =	sdelay $0x1  }
0x45c: {  	v36 =	vmul.f32 v19, v19  }
0x45d: {  	[tilespmem:s0+$0x12580] =	vst.add.f32.msk $0xffff, v19  }
0x45e: {  	[tilespmem:s0+$0x12D80] =	vst.add.f32.msk $0xffff, v36  }
0x45f: {  	v19 =	vadd.s32 v13, v16;
	v18 =	vld.idx.msk [tilespmem:v18+s15+$0x0], $0xffff  }
0x460: {  	v37 =	vand.u32 $0xFFFFFF80, v19  }
0x461: {  	v19 =	vand.u32 $0x7F, v19;
	v20 =	vadd.s32 v17, v37  }
0x462: {  	v19 =	vor.u32 v19, v20;
	_ =	sdelay $0x1  }
0x463: {  	v38 =	vmul.f32 v18, v18  }
0x464: {  	[tilespmem:s0+$0x12600] =	vst.add.f32.msk $0xffff, v18  }
0x465: {  	[tilespmem:s0+$0x12E00] =	vst.add.f32.msk $0xffff, v38  }
0x466: {  	v18 =	vadd.s32 v14, v16;
	v19 =	vld.idx.msk [tilespmem:v19+s15+$0x0], $0xffff  }
0x467: {  	v39 =	vand.u32 $0xFFFFFF80, v18  }
0x468: {  	v18 =	vand.u32 $0x7F, v18;
	v20 =	vadd.s32 v17, v39  }
0x469: {  	v18 =	vor.u32 v18, v20;
	_ =	sdelay $0x1  }
0x46a: {  	v40 =	vmul.f32 v19, v19  }
0x46b: {  	[tilespmem:s0+$0x12680] =	vst.add.f32.msk $0xffff, v19  }
0x46c: {  	[tilespmem:s0+$0x12E80] =	vst.add.f32.msk $0xffff, v40  }
0x46d: {  	v16 =	vadd.s32 v15, v16;
	v18 =	vld.idx.msk [tilespmem:v18+s15+$0x0], $0xffff  }
0x46e: {  	v19 =	vand.u32 $0xFFFFFF80, v16  }
0x46f: {  	v16 =	vand.u32 $0x7F, v16;
	v17 =	vadd.s32 v17, v19  }
0x470: {  	v16 =	vor.u32 v16, v17;
	_ =	sdelay $0x1  }
0x471: {  	v17 =	vmul.f32 v18, v18  }
0x472: {  	[tilespmem:s0+$0x12700] =	vst.add.f32.msk $0xffff, v18  }
0x473: {  	[tilespmem:s0+$0x12F00] =	vst.add.f32.msk $0xffff, v17  }
0x474: {  	v16 =	vld.idx.msk [tilespmem:v16+s15+$0x0], $0xffff;
	_ =	sdelay $0x4  }
0x475: {  	p0 =	seq.s32 s28, $0xC;
	v17 =	vmul.f32 v16, v16  }
0x476: {  	s5 =	sshrl.u32 @!p0 s29, $0x2;
	[tilespmem:s0+$0x12780] =	vst.add.f32.msk $0xffff, v16  }
0x477: {  	s7 =	simm.s32 @!p0 $0xA000;
	v61 =	vmov s26;
	[tilespmem:s0+$0x12F80] =	vst.add.f32.msk $0xffff, v17;
	s0 =	sadd.s32 @!p0 $0x8100, s5;
	s5 =	simm.s32 @!p0 $0x80  }
0x478: {  	[tilespmem:s7], [sflag:$0x1] =	stream.indirect.gather @!p0 [hbm4b:s3+s5], $0x80, s0, s5, $0xb8;
	[tilespmem:$0x13280] =	vst v63  }
0x479: {  	_ =	swait.ge [sflag:s19], $0x4000  }
0x47a: {  	[sflag:s19] =	ssyncset.done $0x0  }
0x47b: {  	s31 =	simm.s32 $0x0;
	[sflag:s19] =	ssyncadd.s32 $0xFFFFC000  }
0x47c: {  	v16 =	vld.idx.msk [tilespmem:v61+s31+$0x0 ss:$0x1], $0xffff;
	_ =	sdelay $0x2  }
0x47d: {  	s30 =	simm.s32 $0x0  }
0x47e: {  	v17 =	vmov s30  }
0x47f: {  	v17 =	vshll.u32 v17, $0x7;
	v18 =	vadd.s32 v0, v16  }
0x480: {  	v17 =	vor.u32 v29, v17;
	v19 =	vand.u32 $0xFFFFFF80, v18  }
0x481: {  	v18 =	vand.u32 $0x7F, v18;
	v19 =	vadd.s32 v17, v19  }
0x482: {  	v18 =	vor.u32 v18, v19;
	_ =	sdelay $0x4  }
0x483: {  	v19 =	vadd.s32 v1, v16;
	v18 =	vld.idx.msk [tilespmem:v18+s17+$0x0], $0xffff  }
0x484: {  	v41 =	vand.u32 $0xFFFFFF80, v19  }
0x485: {  	v19 =	vand.u32 $0x7F, v19;
	v20 =	vadd.s32 v17, v41  }
0x486: {  	v19 =	vor.u32 v19, v20;
	_ =	sdelay $0x1  }
0x487: {  	v42 =	vmul.f32 v18, v18  }
0x488: {  	[tilespmem:s31+$0x12000] =	vst.add.f32.msk $0xffff, v18  }
0x489: {  	[tilespmem:s31+$0x12800] =	vst.add.f32.msk $0xffff, v42  }
0x48a: {  	v18 =	vadd.s32 v2, v16;
	v19 =	vld.idx.msk [tilespmem:v19+s17+$0x0], $0xffff  }
0x48b: {  	v43 =	vand.u32 $0xFFFFFF80, v18  }
0x48c: {  	v18 =	vand.u32 $0x7F, v18;
	v20 =	vadd.s32 v17, v43  }
0x48d: {  	v18 =	vor.u32 v18, v20;
	_ =	sdelay $0x1  }
0x48e: {  	v44 =	vmul.f32 v19, v19  }
0x48f: {  	[tilespmem:s31+$0x12080] =	vst.add.f32.msk $0xffff, v19  }
0x490: {  	[tilespmem:s31+$0x12880] =	vst.add.f32.msk $0xffff, v44  }
0x491: {  	v19 =	vadd.s32 v3, v16;
	v18 =	vld.idx.msk [tilespmem:v18+s17+$0x0], $0xffff  }
0x492: {  	v45 =	vand.u32 $0xFFFFFF80, v19  }
0x493: {  	v19 =	vand.u32 $0x7F, v19;
	v20 =	vadd.s32 v17, v45  }
0x494: {  	v19 =	vor.u32 v19, v20;
	_ =	sdelay $0x1  }
0x495: {  	v46 =	vmul.f32 v18, v18  }
0x496: {  	[tilespmem:s31+$0x12100] =	vst.add.f32.msk $0xffff, v18  }
0x497: {  	[tilespmem:s31+$0x12900] =	vst.add.f32.msk $0xffff, v46  }
0x498: {  	v18 =	vadd.s32 v4, v16;
	v19 =	vld.idx.msk [tilespmem:v19+s17+$0x0], $0xffff  }
0x499: {  	v62 =	vand.u32 $0xFFFFFF80, v18  }
0x49a: {  	v18 =	vand.u32 $0x7F, v18;
	v20 =	vadd.s32 v17, v62  }
0x49b: {  	v18 =	vor.u32 v18, v20;
	_ =	sdelay $0x1  }
0x49c: {  	v63 =	vmul.f32 v19, v19  }
0x49d: {  	[tilespmem:s31+$0x12180] =	vst.add.f32.msk $0xffff, v19  }
0x49e: {  	[tilespmem:s31+$0x12980] =	vst.add.f32.msk $0xffff, v63  }
0x49f: {  	v19 =	vadd.s32 v5, v16;
	v18 =	vld.idx.msk [tilespmem:v18+s17+$0x0], $0xffff  }
0x4a0: {  	v24 =	vand.u32 $0xFFFFFF80, v19  }
0x4a1: {  	v19 =	vand.u32 $0x7F, v19;
	v20 =	vadd.s32 v17, v24  }
0x4a2: {  	v19 =	vor.u32 v19, v20;
	_ =	sdelay $0x1  }
0x4a3: {  	v25 =	vmul.f32 v18, v18  }
0x4a4: {  	[tilespmem:s31+$0x12200] =	vst.add.f32.msk $0xffff, v18  }
0x4a5: {  	[tilespmem:s31+$0x12A00] =	vst.add.f32.msk $0xffff, v25  }
0x4a6: {  	v18 =	vadd.s32 v7, v16;
	v19 =	vld.idx.msk [tilespmem:v19+s17+$0x0], $0xffff  }
0x4a7: {  	v26 =	vand.u32 $0xFFFFFF80, v18  }
0x4a8: {  	v18 =	vand.u32 $0x7F, v18;
	v20 =	vadd.s32 v17, v26  }
0x4a9: {  	v18 =	vor.u32 v18, v20;
	_ =	sdelay $0x1  }
0x4aa: {  	v32 =	vmul.f32 v19, v19  }
0x4ab: {  	[tilespmem:s31+$0x12280] =	vst.add.f32.msk $0xffff, v19  }
0x4ac: {  	[tilespmem:s31+$0x12A80] =	vst.add.f32.msk $0xffff, v32  }
0x4ad: {  	v19 =	vadd.s32 v8, v16;
	v18 =	vld.idx.msk [tilespmem:v18+s17+$0x0], $0xffff  }
0x4ae: {  	v33 =	vand.u32 $0xFFFFFF80, v19  }
0x4af: {  	v19 =	vand.u32 $0x7F, v19;
	v20 =	vadd.s32 v17, v33  }
0x4b0: {  	v19 =	vor.u32 v19, v20;
	_ =	sdelay $0x1  }
0x4b1: {  	v34 =	vmul.f32 v18, v18  }
0x4b2: {  	[tilespmem:s31+$0x12300] =	vst.add.f32.msk $0xffff, v18  }
0x4b3: {  	[tilespmem:s31+$0x12B00] =	vst.add.f32.msk $0xffff, v34  }
0x4b4: {  	v18 =	vadd.s32 v6, v16;
	v19 =	vld.idx.msk [tilespmem:v19+s17+$0x0], $0xffff  }
0x4b5: {  	v35 =	vand.u32 $0xFFFFFF80, v18  }
0x4b6: {  	v18 =	vand.u32 $0x7F, v18;
	v20 =	vadd.s32 v17, v35  }
0x4b7: {  	v18 =	vor.u32 v18, v20;
	_ =	sdelay $0x1  }
0x4b8: {  	v36 =	vmul.f32 v19, v19  }
0x4b9: {  	[tilespmem:s31+$0x12380] =	vst.add.f32.msk $0xffff, v19  }
0x4ba: {  	[tilespmem:s31+$0x12B80] =	vst.add.f32.msk $0xffff, v36  }
0x4bb: {  	v19 =	vadd.s32 v9, v16;
	v18 =	vld.idx.msk [tilespmem:v18+s17+$0x0], $0xffff  }
0x4bc: {  	v37 =	vand.u32 $0xFFFFFF80, v19  }
0x4bd: {  	v19 =	vand.u32 $0x7F, v19;
	v20 =	vadd.s32 v17, v37  }
0x4be: {  	v19 =	vor.u32 v19, v20;
	_ =	sdelay $0x1  }
0x4bf: {  	v38 =	vmul.f32 v18, v18  }
0x4c0: {  	[tilespmem:s31+$0x12400] =	vst.add.f32.msk $0xffff, v18  }
0x4c1: {  	[tilespmem:s31+$0x12C00] =	vst.add.f32.msk $0xffff, v38  }
0x4c2: {  	v18 =	vadd.s32 v10, v16;
	v19 =	vld.idx.msk [tilespmem:v19+s17+$0x0], $0xffff  }
0x4c3: {  	v39 =	vand.u32 $0xFFFFFF80, v18  }
0x4c4: {  	v18 =	vand.u32 $0x7F, v18;
	v20 =	vadd.s32 v17, v39  }
0x4c5: {  	v18 =	vor.u32 v18, v20;
	_ =	sdelay $0x1  }
0x4c6: {  	v40 =	vmul.f32 v19, v19  }
0x4c7: {  	[tilespmem:s31+$0x12480] =	vst.add.f32.msk $0xffff, v19  }
0x4c8: {  	[tilespmem:s31+$0x12C80] =	vst.add.f32.msk $0xffff, v40  }
0x4c9: {  	v19 =	vadd.s32 v11, v16;
	v18 =	vld.idx.msk [tilespmem:v18+s17+$0x0], $0xffff  }
0x4ca: {  	v41 =	vand.u32 $0xFFFFFF80, v19  }
0x4cb: {  	v19 =	vand.u32 $0x7F, v19;
	v20 =	vadd.s32 v17, v41  }
0x4cc: {  	v19 =	vor.u32 v19, v20;
	_ =	sdelay $0x1  }
0x4cd: {  	v42 =	vmul.f32 v18, v18  }
0x4ce: {  	[tilespmem:s31+$0x12500] =	vst.add.f32.msk $0xffff, v18  }
0x4cf: {  	[tilespmem:s31+$0x12D00] =	vst.add.f32.msk $0xffff, v42  }
0x4d0: {  	v18 =	vadd.s32 v12, v16;
	v19 =	vld.idx.msk [tilespmem:v19+s17+$0x0], $0xffff  }
0x4d1: {  	v43 =	vand.u32 $0xFFFFFF80, v18  }
0x4d2: {  	v18 =	vand.u32 $0x7F, v18;
	v20 =	vadd.s32 v17, v43  }
0x4d3: {  	v18 =	vor.u32 v18, v20;
	_ =	sdelay $0x1  }
0x4d4: {  	v44 =	vmul.f32 v19, v19  }
0x4d5: {  	[tilespmem:s31+$0x12580] =	vst.add.f32.msk $0xffff, v19  }
0x4d6: {  	[tilespmem:s31+$0x12D80] =	vst.add.f32.msk $0xffff, v44  }
0x4d7: {  	v19 =	vadd.s32 v13, v16;
	v18 =	vld.idx.msk [tilespmem:v18+s17+$0x0], $0xffff  }
0x4d8: {  	v45 =	vand.u32 $0xFFFFFF80, v19  }
0x4d9: {  	v19 =	vand.u32 $0x7F, v19;
	v20 =	vadd.s32 v17, v45  }
0x4da: {  	v19 =	vor.u32 v19, v20;
	_ =	sdelay $0x1  }
0x4db: {  	v46 =	vmul.f32 v18, v18  }
0x4dc: {  	[tilespmem:s31+$0x12600] =	vst.add.f32.msk $0xffff, v18  }
0x4dd: {  	[tilespmem:s31+$0x12E00] =	vst.add.f32.msk $0xffff, v46  }
0x4de: {  	v18 =	vadd.s32 v14, v16;
	v19 =	vld.idx.msk [tilespmem:v19+s17+$0x0], $0xffff  }
0x4df: {  	v62 =	vand.u32 $0xFFFFFF80, v18  }
0x4e0: {  	v18 =	vand.u32 $0x7F, v18;
	v20 =	vadd.s32 v17, v62  }
0x4e1: {  	v18 =	vor.u32 v18, v20;
	_ =	sdelay $0x1  }
0x4e2: {  	v63 =	vmul.f32 v19, v19  }
0x4e3: {  	[tilespmem:s31+$0x12680] =	vst.add.f32.msk $0xffff, v19  }
0x4e4: {  	[tilespmem:s31+$0x12E80] =	vst.add.f32.msk $0xffff, v63  }
0x4e5: {  	v16 =	vadd.s32 v15, v16;
	v18 =	vld.idx.msk [tilespmem:v18+s17+$0x0], $0xffff  }
0x4e6: {  	v19 =	vand.u32 $0xFFFFFF80, v16  }
0x4e7: {  	v16 =	vand.u32 $0x7F, v16;
	v17 =	vadd.s32 v17, v19  }
0x4e8: {  	v16 =	vor.u32 v16, v17;
	_ =	sdelay $0x1  }
0x4e9: {  	v17 =	vmul.f32 v18, v18  }
0x4ea: {  	[tilespmem:s31+$0x12700] =	vst.add.f32.msk $0xffff, v18  }
0x4eb: {  	[tilespmem:s31+$0x12F00] =	vst.add.f32.msk $0xffff, v17  }
0x4ec: {  	v16 =	vld.idx.msk [tilespmem:v16+s17+$0x0], $0xffff;
	_ =	sdelay $0x4  }
0x4ed: {  	s0 =	simm.s32 $0x40;
	s7 =	simm.s32 $0x80;
	[tilespmem:s31+$0x12780] =	vst.add.f32.msk $0xffff, v16;
	v16 =	vmul.f32 v16, v16  }
.LBB2_8:
0x4ee: {  	s9 =	sshra.s32 s0, $0x2  }
0x4ef: {  	s30 =	sadd.s32 $0x10, s30;
	s0 =	smov.u32 s7;
	s5 =	sadd.s32 $0x40, s7  }
0x4f0: {  	p1 =	sne.s32 s7, $0x1C0;
	[tilespmem:s31+$0x12F80] =	vst.add.f32.msk $0xffff, v16;
	s31 =	smov.u32 s9  }
0x4f1: {  	v17 =	vld.idx.msk [tilespmem:v61+s31+$0x0 ss:$0x1], $0xffff;
	_ =	sdelay $0x3  }
0x4f2: {  	v16 =	vmov s30;
	_ =	sdelay $0x1  }
0x4f3: {  	v16 =	vshll.u32 v16, $0x7;
	v18 =	vadd.s32 v0, v17;
	v19 =	vadd.s32 v1, v17  }
0x4f4: {  	v30 =	vor.u32 v29, v16;
	v20 =	vand.u32 $0xFFFFFF80, v18;
	v18 =	vand.u32 $0x7F, v18  }
0x4f5: {  	v31 =	vadd.s32 v2, v17;
	v16 =	vadd.s32 v30, v20;
	v20 =	vand.u32 $0xFFFFFF80, v19  }
0x4f6: {  	v16 =	vor.u32 v18, v16;
	v18 =	vadd.s32 v30, v20;
	v20 =	vand.u32 $0xFFFFFF80, v31  }
0x4f7: {  	v33 =	vadd.s32 v3, v17;
	v34 =	vadd.s32 v4, v17;
	v32 =	vadd.s32 v30, v20  }
0x4f8: {  	v35 =	vadd.s32 v5, v17;
	v21 =	vand.u32 $0xFFFFFF80, v34;
	v20 =	vand.u32 $0xFFFFFF80, v33  }
0x4f9: {  	v37 =	vadd.s32 v30, v21;
	v36 =	vadd.s32 v30, v20;
	v20 =	vand.u32 $0xFFFFFF80, v35  }
0x4fa: {  	v39 =	vadd.s32 v7, v17;
	v40 =	vadd.s32 v8, v17;
	v38 =	vadd.s32 v30, v20  }
0x4fb: {  	v28 =	vadd.s32 v6, v17;
	v21 =	vand.u32 $0xFFFFFF80, v40;
	v20 =	vand.u32 $0xFFFFFF80, v39;
	v16 =	vld.idx.msk [tilespmem:v16+s17+$0x0], $0xffff  }
0x4fc: {  	v42 =	vadd.s32 v30, v21;
	v41 =	vadd.s32 v30, v20;
	v20 =	vand.u32 $0xFFFFFF80, v28  }
0x4fd: {  	v26 =	vadd.s32 v9, v17;
	v19 =	vand.u32 $0x7F, v19;
	v43 =	vadd.s32 v30, v20  }
0x4fe: {  	v24 =	vadd.s32 v10, v17;
	v20 =	vor.u32 v19, v18;
	v18 =	vand.u32 $0xFFFFFF80, v26  }
0x4ff: {  	v22 =	vadd.s32 v11, v17;
	v27 =	vadd.s32 v30, v18;
	v18 =	vand.u32 $0xFFFFFF80, v24  }
0x500: {  	v19 =	vadd.s32 v12, v17;
	v25 =	vadd.s32 v30, v18;
	v18 =	vand.u32 $0xFFFFFF80, v22  }
0x501: {  	v23 =	vadd.s32 v30, v18;
	v18 =	vand.u32 $0xFFFFFF80, v19;
	v44 =	vmul.f32 v16, v16  }
0x502: {  	v21 =	vadd.s32 v30, v18;
	v18 =	vadd.s32 v13, v17;
	[tilespmem:s31+$0x12000] =	vst.add.f32.msk $0xffff, v16;
	v16 =	vadd.s32 v14, v17  }
0x503: {  	v62 =	vadd.s32 v15, v17;
	[tilespmem:s31+$0x12800] =	vst.add.f32.msk $0xffff, v44;
	v44 =	vand.u32 $0xFFFFFF80, v18;
	v45 =	vand.u32 $0xFFFFFF80, v16  }
0x504: {  	v46 =	vld.idx.msk [tilespmem:v20+s17+$0x0], $0xffff;
	v20 =	vadd.s32 v30, v44;
	v17 =	vadd.s32 v30, v45;
	v44 =	vand.u32 $0xFFFFFF80, v62  }
0x505: {  	v63 =	vadd.s32 v30, v44  }
0x506: {  	v30 =	vand.u32 $0x7F, v31  }
0x507: {  	v30 =	vor.u32 v30, v32;
	_ =	sdelay $0x2  }
0x508: {  	v31 =	vmul.f32 v46, v46  }
0x509: {  	[tilespmem:s31+$0x12080] =	vst.add.f32.msk $0xffff, v46  }
0x50a: {  	[tilespmem:s31+$0x12880] =	vst.add.f32.msk $0xffff, v31  }
0x50b: {  	v30 =	vld.idx.msk [tilespmem:v30+s17+$0x0], $0xffff;
	_ =	sdelay $0x1  }
0x50c: {  	v31 =	vand.u32 $0x7F, v33  }
0x50d: {  	v31 =	vor.u32 v31, v36;
	_ =	sdelay $0x2  }
0x50e: {  	v32 =	vmul.f32 v30, v30  }
0x50f: {  	[tilespmem:s31+$0x12100] =	vst.add.f32.msk $0xffff, v30  }
0x510: {  	[tilespmem:s31+$0x12900] =	vst.add.f32.msk $0xffff, v32  }
0x511: {  	v30 =	vld.idx.msk [tilespmem:v31+s17+$0x0], $0xffff;
	_ =	sdelay $0x1  }
0x512: {  	v31 =	vand.u32 $0x7F, v34  }
0x513: {  	v31 =	vor.u32 v31, v37;
	_ =	sdelay $0x2  }
0x514: {  	v32 =	vmul.f32 v30, v30  }
0x515: {  	[tilespmem:s31+$0x12180] =	vst.add.f32.msk $0xffff, v30  }
0x516: {  	[tilespmem:s31+$0x12980] =	vst.add.f32.msk $0xffff, v32  }
0x517: {  	v30 =	vld.idx.msk [tilespmem:v31+s17+$0x0], $0xffff;
	_ =	sdelay $0x1  }
0x518: {  	v31 =	vand.u32 $0x7F, v35  }
0x519: {  	v31 =	vor.u32 v31, v38;
	_ =	sdelay $0x2  }
0x51a: {  	v32 =	vmul.f32 v30, v30  }
0x51b: {  	[tilespmem:s31+$0x12200] =	vst.add.f32.msk $0xffff, v30  }
0x51c: {  	[tilespmem:s31+$0x12A00] =	vst.add.f32.msk $0xffff, v32  }
0x51d: {  	v30 =	vld.idx.msk [tilespmem:v31+s17+$0x0], $0xffff;
	_ =	sdelay $0x1  }
0x51e: {  	v31 =	vand.u32 $0x7F, v39  }
0x51f: {  	v31 =	vor.u32 v31, v41;
	_ =	sdelay $0x2  }
0x520: {  	v32 =	vmul.f32 v30, v30  }
0x521: {  	[tilespmem:s31+$0x12280] =	vst.add.f32.msk $0xffff, v30  }
0x522: {  	[tilespmem:s31+$0x12A80] =	vst.add.f32.msk $0xffff, v32  }
0x523: {  	v30 =	vld.idx.msk [tilespmem:v31+s17+$0x0], $0xffff;
	_ =	sdelay $0x1  }
0x524: {  	v31 =	vand.u32 $0x7F, v40  }
0x525: {  	v31 =	vor.u32 v31, v42;
	_ =	sdelay $0x2  }
0x526: {  	[tilespmem:s31+$0x12300] =	vst.add.f32.msk $0xffff, v30;
	v30 =	vmul.f32 v30, v30;
	_ =	sdelay $0x1  }
0x527: {  	[tilespmem:s31+$0x12B00] =	vst.add.f32.msk $0xffff, v30  }
0x528: {  	v30 =	vld.idx.msk [tilespmem:v31+s17+$0x0], $0xffff;
	_ =	sdelay $0x1  }
0x529: {  	v28 =	vand.u32 $0x7F, v28  }
0x52a: {  	v28 =	vor.u32 v28, v43;
	_ =	sdelay $0x2  }
0x52b: {  	[tilespmem:s31+$0x12380] =	vst.add.f32.msk $0xffff, v30;
	v30 =	vmul.f32 v30, v30;
	_ =	sdelay $0x1  }
0x52c: {  	[tilespmem:s31+$0x12B80] =	vst.add.f32.msk $0xffff, v30  }
0x52d: {  	v28 =	vld.idx.msk [tilespmem:v28+s17+$0x0], $0xffff;
	_ =	sdelay $0x1  }
0x52e: {  	v26 =	vand.u32 $0x7F, v26  }
0x52f: {  	v26 =	vor.u32 v26, v27;
	_ =	sdelay $0x2  }
0x530: {  	v27 =	vmul.f32 v28, v28;
	[tilespmem:s31+$0x12400] =	vst.add.f32.msk $0xffff, v28;
	_ =	sdelay $0x1  }
0x531: {  	[tilespmem:s31+$0x12C00] =	vst.add.f32.msk $0xffff, v27  }
0x532: {  	v26 =	vld.idx.msk [tilespmem:v26+s17+$0x0], $0xffff;
	_ =	sdelay $0x1  }
0x533: {  	v24 =	vand.u32 $0x7F, v24  }
0x534: {  	v24 =	vor.u32 v24, v25;
	_ =	sdelay $0x2  }
0x535: {  	v25 =	vmul.f32 v26, v26;
	[tilespmem:s31+$0x12480] =	vst.add.f32.msk $0xffff, v26;
	_ =	sdelay $0x1  }
0x536: {  	[tilespmem:s31+$0x12C80] =	vst.add.f32.msk $0xffff, v25  }
0x537: {  	v24 =	vld.idx.msk [tilespmem:v24+s17+$0x0], $0xffff;
	_ =	sdelay $0x1  }
0x538: {  	v22 =	vand.u32 $0x7F, v22  }
0x539: {  	v22 =	vor.u32 v22, v23;
	_ =	sdelay $0x2  }
0x53a: {  	v23 =	vmul.f32 v24, v24;
	[tilespmem:s31+$0x12500] =	vst.add.f32.msk $0xffff, v24;
	_ =	sdelay $0x1  }
0x53b: {  	[tilespmem:s31+$0x12D00] =	vst.add.f32.msk $0xffff, v23  }
0x53c: {  	v22 =	vld.idx.msk [tilespmem:v22+s17+$0x0], $0xffff;
	_ =	sdelay $0x1  }
0x53d: {  	v19 =	vand.u32 $0x7F, v19  }
0x53e: {  	v19 =	vor.u32 v19, v21;
	_ =	sdelay $0x2  }
0x53f: {  	v21 =	vmul.f32 v22, v22;
	[tilespmem:s31+$0x12580] =	vst.add.f32.msk $0xffff, v22;
	_ =	sdelay $0x1  }
0x540: {  	[tilespmem:s31+$0x12D80] =	vst.add.f32.msk $0xffff, v21  }
0x541: {  	v19 =	vld.idx.msk [tilespmem:v19+s17+$0x0], $0xffff;
	_ =	sdelay $0x1  }
0x542: {  	v18 =	vand.u32 $0x7F, v18  }
0x543: {  	v18 =	vor.u32 v18, v20;
	_ =	sdelay $0x2  }
0x544: {  	[tilespmem:s31+$0x12600] =	vst.add.f32.msk $0xffff, v19;
	v19 =	vmul.f32 v19, v19;
	_ =	sdelay $0x1  }
0x545: {  	[tilespmem:s31+$0x12E00] =	vst.add.f32.msk $0xffff, v19  }
0x546: {  	v18 =	vld.idx.msk [tilespmem:v18+s17+$0x0], $0xffff;
	_ =	sdelay $0x1  }
0x547: {  	v16 =	vand.u32 $0x7F, v16  }
0x548: {  	v16 =	vor.u32 v16, v17;
	_ =	sdelay $0x2  }
0x549: {  	v17 =	vmul.f32 v18, v18;
	[tilespmem:s31+$0x12680] =	vst.add.f32.msk $0xffff, v18;
	_ =	sdelay $0x1  }
0x54a: {  	[tilespmem:s31+$0x12E80] =	vst.add.f32.msk $0xffff, v17  }
0x54b: {  	v16 =	vld.idx.msk [tilespmem:v16+s17+$0x0], $0xffff;
	_ =	sdelay $0x1  }
0x54c: {  	v17 =	vand.u32 $0x7F, v62  }
0x54d: {  	v17 =	vor.u32 v17, v63;
	_ =	sdelay $0x2  }
0x54e: {  	[tilespmem:s31+$0x12700] =	vst.add.f32.msk $0xffff, v16;
	v16 =	vmul.f32 v16, v16;
	_ =	sdelay $0x1  }
0x54f: {  	[tilespmem:s31+$0x12F00] =	vst.add.f32.msk $0xffff, v16  }
0x550: {  	v16 =	vld.idx.msk [tilespmem:v17+s17+$0x0], $0xffff;
	_ =	sdelay $0x1  }
.Ltmp2:
0x551: {  	(pc) =	sbr.rel @p1 .LBB2_8-.Ltmp2, $2  }
0x552: {  	_ =	sdelay $0x2  }
0x553: {  	s7 =	smov.u32 s5;
	[tilespmem:s31+$0x12780] =	vst.add.f32.msk $0xffff, v16;
	v16 =	vmul.f32 v16, v16  }
0x554: {  	_ =	sdelay $0x2  }
0x555: {  	s0 =	sshra.s32 s0, $0x2;
	[tilespmem:s31+$0x12F80] =	vst.add.f32.msk $0xffff, v16  }
0x556: {  	v16 =	vld.idx.msk [tilespmem:v61+s0+$0x0 ss:$0x1], $0xffff;
	_ =	sdelay $0x2  }
0x557: {  	s5 =	sadd.s32 $0x10, s30  }
0x558: {  	v17 =	vmov s5  }
0x559: {  	v17 =	vshll.u32 v17, $0x7;
	v18 =	vadd.s32 v0, v16  }
0x55a: {  	v17 =	vor.u32 v29, v17;
	v19 =	vand.u32 $0xFFFFFF80, v18  }
0x55b: {  	v18 =	vand.u32 $0x7F, v18;
	v19 =	vadd.s32 v17, v19  }
0x55c: {  	v18 =	vor.u32 v18, v19;
	_ =	sdelay $0x4  }
0x55d: {  	v24 =	vadd.s32 v1, v16;
	v18 =	vld.idx.msk [tilespmem:v18+s17+$0x0], $0xffff  }
0x55e: {  	v20 =	vand.u32 $0xFFFFFF80, v24  }
0x55f: {  	v20 =	vadd.s32 v17, v20;
	v19 =	vand.u32 $0x7F, v24  }
0x560: {  	v19 =	vor.u32 v19, v20;
	_ =	sdelay $0x1  }
0x561: {  	v25 =	vmul.f32 v18, v18  }
0x562: {  	[tilespmem:s0+$0x12000] =	vst.add.f32.msk $0xffff, v18  }
0x563: {  	[tilespmem:s0+$0x12800] =	vst.add.f32.msk $0xffff, v25  }
0x564: {  	v26 =	vadd.s32 v2, v16;
	v19 =	vld.idx.msk [tilespmem:v19+s17+$0x0], $0xffff  }
0x565: {  	v32 =	vand.u32 $0xFFFFFF80, v26  }
0x566: {  	v20 =	vadd.s32 v17, v32;
	v18 =	vand.u32 $0x7F, v26  }
0x567: {  	v18 =	vor.u32 v18, v20;
	_ =	sdelay $0x1  }
0x568: {  	v33 =	vmul.f32 v19, v19  }
0x569: {  	[tilespmem:s0+$0x12080] =	vst.add.f32.msk $0xffff, v19  }
0x56a: {  	[tilespmem:s0+$0x12880] =	vst.add.f32.msk $0xffff, v33  }
0x56b: {  	v34 =	vadd.s32 v3, v16;
	v18 =	vld.idx.msk [tilespmem:v18+s17+$0x0], $0xffff  }
0x56c: {  	v35 =	vand.u32 $0xFFFFFF80, v34  }
0x56d: {  	v20 =	vadd.s32 v17, v35;
	v19 =	vand.u32 $0x7F, v34  }
0x56e: {  	v19 =	vor.u32 v19, v20;
	_ =	sdelay $0x1  }
0x56f: {  	v36 =	vmul.f32 v18, v18  }
0x570: {  	[tilespmem:s0+$0x12100] =	vst.add.f32.msk $0xffff, v18  }
0x571: {  	[tilespmem:s0+$0x12900] =	vst.add.f32.msk $0xffff, v36  }
0x572: {  	v37 =	vadd.s32 v4, v16;
	v19 =	vld.idx.msk [tilespmem:v19+s17+$0x0], $0xffff  }
0x573: {  	v38 =	vand.u32 $0xFFFFFF80, v37  }
0x574: {  	v20 =	vadd.s32 v17, v38;
	v18 =	vand.u32 $0x7F, v37  }
0x575: {  	v18 =	vor.u32 v18, v20;
	_ =	sdelay $0x1  }
0x576: {  	v39 =	vmul.f32 v19, v19  }
0x577: {  	[tilespmem:s0+$0x12180] =	vst.add.f32.msk $0xffff, v19  }
0x578: {  	[tilespmem:s0+$0x12980] =	vst.add.f32.msk $0xffff, v39  }
0x579: {  	v40 =	vadd.s32 v5, v16;
	v18 =	vld.idx.msk [tilespmem:v18+s17+$0x0], $0xffff  }
0x57a: {  	v41 =	vand.u32 $0xFFFFFF80, v40  }
0x57b: {  	v20 =	vadd.s32 v17, v41;
	v19 =	vand.u32 $0x7F, v40  }
0x57c: {  	v19 =	vor.u32 v19, v20;
	_ =	sdelay $0x1  }
0x57d: {  	v42 =	vmul.f32 v18, v18  }
0x57e: {  	[tilespmem:s0+$0x12200] =	vst.add.f32.msk $0xffff, v18  }
0x57f: {  	[tilespmem:s0+$0x12A00] =	vst.add.f32.msk $0xffff, v42  }
0x580: {  	v43 =	vadd.s32 v7, v16;
	v19 =	vld.idx.msk [tilespmem:v19+s17+$0x0], $0xffff  }
0x581: {  	v44 =	vand.u32 $0xFFFFFF80, v43  }
0x582: {  	v20 =	vadd.s32 v17, v44;
	v18 =	vand.u32 $0x7F, v43  }
0x583: {  	v18 =	vor.u32 v18, v20;
	_ =	sdelay $0x1  }
0x584: {  	v45 =	vmul.f32 v19, v19  }
0x585: {  	[tilespmem:s0+$0x12280] =	vst.add.f32.msk $0xffff, v19  }
0x586: {  	[tilespmem:s0+$0x12A80] =	vst.add.f32.msk $0xffff, v45  }
0x587: {  	v46 =	vadd.s32 v8, v16;
	v18 =	vld.idx.msk [tilespmem:v18+s17+$0x0], $0xffff  }
0x588: {  	v61 =	vand.u32 $0xFFFFFF80, v46  }
0x589: {  	v20 =	vadd.s32 v17, v61;
	v19 =	vand.u32 $0x7F, v46  }
0x58a: {  	v19 =	vor.u32 v19, v20;
	_ =	sdelay $0x1  }
0x58b: {  	v62 =	vmul.f32 v18, v18  }
0x58c: {  	[tilespmem:s0+$0x12300] =	vst.add.f32.msk $0xffff, v18  }
0x58d: {  	[tilespmem:s0+$0x12B00] =	vst.add.f32.msk $0xffff, v62  }
0x58e: {  	v63 =	vadd.s32 v6, v16;
	v19 =	vld.idx.msk [tilespmem:v19+s17+$0x0], $0xffff  }
0x58f: {  	v24 =	vand.u32 $0xFFFFFF80, v63  }
0x590: {  	v20 =	vadd.s32 v17, v24;
	v18 =	vand.u32 $0x7F, v63  }
0x591: {  	v18 =	vor.u32 v18, v20;
	_ =	sdelay $0x1  }
0x592: {  	v25 =	vmul.f32 v19, v19  }
0x593: {  	[tilespmem:s0+$0x12380] =	vst.add.f32.msk $0xffff, v19  }
0x594: {  	[tilespmem:s0+$0x12B80] =	vst.add.f32.msk $0xffff, v25  }
0x595: {  	v26 =	vadd.s32 v9, v16;
	v18 =	vld.idx.msk [tilespmem:v18+s17+$0x0], $0xffff  }
0x596: {  	v32 =	vand.u32 $0xFFFFFF80, v26  }
0x597: {  	v20 =	vadd.s32 v17, v32;
	v19 =	vand.u32 $0x7F, v26  }
0x598: {  	v19 =	vor.u32 v19, v20;
	_ =	sdelay $0x1  }
0x599: {  	v33 =	vmul.f32 v18, v18  }
0x59a: {  	[tilespmem:s0+$0x12400] =	vst.add.f32.msk $0xffff, v18  }
0x59b: {  	[tilespmem:s0+$0x12C00] =	vst.add.f32.msk $0xffff, v33  }
0x59c: {  	v34 =	vadd.s32 v10, v16;
	v19 =	vld.idx.msk [tilespmem:v19+s17+$0x0], $0xffff  }
0x59d: {  	v35 =	vand.u32 $0xFFFFFF80, v34  }
0x59e: {  	v20 =	vadd.s32 v17, v35;
	v18 =	vand.u32 $0x7F, v34  }
0x59f: {  	v18 =	vor.u32 v18, v20;
	_ =	sdelay $0x1  }
0x5a0: {  	v36 =	vmul.f32 v19, v19  }
0x5a1: {  	[tilespmem:s0+$0x12480] =	vst.add.f32.msk $0xffff, v19  }
0x5a2: {  	[tilespmem:s0+$0x12C80] =	vst.add.f32.msk $0xffff, v36  }
0x5a3: {  	v37 =	vadd.s32 v11, v16;
	v18 =	vld.idx.msk [tilespmem:v18+s17+$0x0], $0xffff  }
0x5a4: {  	v38 =	vand.u32 $0xFFFFFF80, v37  }
0x5a5: {  	v20 =	vadd.s32 v17, v38;
	v19 =	vand.u32 $0x7F, v37  }
0x5a6: {  	v19 =	vor.u32 v19, v20;
	_ =	sdelay $0x1  }
0x5a7: {  	v39 =	vmul.f32 v18, v18  }
0x5a8: {  	[tilespmem:s0+$0x12500] =	vst.add.f32.msk $0xffff, v18  }
0x5a9: {  	[tilespmem:s0+$0x12D00] =	vst.add.f32.msk $0xffff, v39  }
0x5aa: {  	v40 =	vadd.s32 v12, v16;
	v19 =	vld.idx.msk [tilespmem:v19+s17+$0x0], $0xffff  }
0x5ab: {  	v41 =	vand.u32 $0xFFFFFF80, v40  }
0x5ac: {  	v20 =	vadd.s32 v17, v41;
	v18 =	vand.u32 $0x7F, v40  }
0x5ad: {  	v18 =	vor.u32 v18, v20;
	_ =	sdelay $0x1  }
0x5ae: {  	v42 =	vmul.f32 v19, v19  }
0x5af: {  	[tilespmem:s0+$0x12580] =	vst.add.f32.msk $0xffff, v19  }
0x5b0: {  	[tilespmem:s0+$0x12D80] =	vst.add.f32.msk $0xffff, v42  }
0x5b1: {  	v43 =	vadd.s32 v13, v16;
	v18 =	vld.idx.msk [tilespmem:v18+s17+$0x0], $0xffff  }
0x5b2: {  	v44 =	vand.u32 $0xFFFFFF80, v43  }
0x5b3: {  	v20 =	vadd.s32 v17, v44;
	v19 =	vand.u32 $0x7F, v43  }
0x5b4: {  	v19 =	vor.u32 v19, v20;
	_ =	sdelay $0x1  }
0x5b5: {  	v45 =	vmul.f32 v18, v18  }
0x5b6: {  	[tilespmem:s0+$0x12600] =	vst.add.f32.msk $0xffff, v18  }
0x5b7: {  	[tilespmem:s0+$0x12E00] =	vst.add.f32.msk $0xffff, v45  }
0x5b8: {  	v46 =	vadd.s32 v14, v16;
	v19 =	vld.idx.msk [tilespmem:v19+s17+$0x0], $0xffff  }
0x5b9: {  	v61 =	vand.u32 $0xFFFFFF80, v46  }
0x5ba: {  	v20 =	vadd.s32 v17, v61;
	v18 =	vand.u32 $0x7F, v46  }
0x5bb: {  	v18 =	vor.u32 v18, v20;
	_ =	sdelay $0x1  }
0x5bc: {  	v62 =	vmul.f32 v19, v19  }
0x5bd: {  	[tilespmem:s0+$0x12680] =	vst.add.f32.msk $0xffff, v19  }
0x5be: {  	[tilespmem:s0+$0x12E80] =	vst.add.f32.msk $0xffff, v62  }
0x5bf: {  	v16 =	vadd.s32 v15, v16;
	v18 =	vld.idx.msk [tilespmem:v18+s17+$0x0], $0xffff  }
0x5c0: {  	v63 =	vand.u32 $0xFFFFFF80, v16  }
0x5c1: {  	v16 =	vand.u32 $0x7F, v16;
	v17 =	vadd.s32 v17, v63  }
0x5c2: {  	v16 =	vor.u32 v16, v17;
	_ =	sdelay $0x1  }
0x5c3: {  	v17 =	vmul.f32 v18, v18  }
0x5c4: {  	[tilespmem:s0+$0x12700] =	vst.add.f32.msk $0xffff, v18  }
0x5c5: {  	[tilespmem:s0+$0x12F00] =	vst.add.f32.msk $0xffff, v17  }
0x5c6: {  	v16 =	vld.idx.msk [tilespmem:v16+s17+$0x0], $0xffff;
	_ =	sdelay $0x2  }
.Ltmp3:
0x5c7: {  	_ = 	snop;
	(pc) =	sbr.rel @p0 .LBB2_10-.Ltmp3, $4  }
0x5c8: {  	_ = 	snop  }
0x5c9: {  	v17 =	vmul.f32 v16, v16  }
0x5ca: {  	[tilespmem:s0+$0x12780] =	vst.add.f32.msk $0xffff, v16  }
0x5cb: {  	[tilespmem:s0+$0x12F80] =	vst.add.f32.msk $0xffff, v17  }
.Ltmp4:
0x5cc: {  	(pc) =	sbr.rel .LBB2_5-.Ltmp4, $4  }
0x5cd: {  	_ = 	snop  }
0x5ce: {  	s0 =	sshrl.u32 s29, $0x2;
	s28 =	sadd.s32 $0x1, s28  }
0x5cf: {  	s25 =	sadd.s32 $0x100, s25;
	s26 =	sadd.s32 $0x100, s26;
	s0 =	sadd.s32 $0x8180, s0  }
0x5d0: {  	[tilespmem:s17], [sflag:$0x2] =	stream.indirect.gather [hbm4b:s3+s13], $0x80, s0, s13, $0xb8;
	[tilespmem:$0x13280] =	vst v63  }
.LBB2_10:
0x5d1: {  	v27 =	vld [tilespmem:$0x1FF00]  }
0x5d2: {  	v28 =	vld [tilespmem:$0x1FF10]  }
0x5d3: {  	v30 =	vld [tilespmem:$0x1FF20]  }
0x5d4: {  	v31 =	vld [tilespmem:$0x1FF30]  }
0x5d5: {  	v32 =	vld [tilespmem:$0x1FF40]  }
0x5d6: {  	v33 =	vld [tilespmem:$0x1FF50]  }
0x5d7: {  	v34 =	vld [tilespmem:$0x1FF60]  }
0x5d8: {  	v35 =	vld [tilespmem:$0x1FF70]  }
0x5d9: {  	v36 =	vld [tilespmem:$0x1FF80]  }
0x5da: {  	v37 =	vld [tilespmem:$0x1FF90]  }
0x5db: {  	v38 =	vld [tilespmem:$0x1FFA0]  }
0x5dc: {  	v39 =	vld [tilespmem:$0x1FFB0]  }
0x5dd: {  	v40 =	vld [tilespmem:$0x1FFC0]  }
0x5de: {  	s5 =	simm.s32 $0x12400;
	v41 =	vld [tilespmem:$0x1FFD0]  }
0x5df: {  	s0 =	simm.s32 $0x12C00;
	v16 =	vld [tilespmem:s5+$0xFFFFFC00]  }
0x5e0: {  	v17 =	vld [tilespmem:s0+$0xFFFFFC00]  }
0x5e1: {  	v18 =	vld [tilespmem:s5+$0xFFFFFC80]  }
0x5e2: {  	v19 =	vld [tilespmem:s0+$0xFFFFFC80]  }
0x5e3: {  	v20 =	vld [tilespmem:s5+$0xFFFFFD00]  }
0x5e4: {  	v21 =	vld [tilespmem:s5+$0xFFFFFD80];
	v16 =	vmul.f32 v16, v16  }
0x5e5: {  	v22 =	vld [tilespmem:s0+$0xFFFFFD00]  }
0x5e6: {  	v16 =	vsub.f32 v16, v17;
	v17 =	vmul.f32 v18, v18;
	v18 =	vld [tilespmem:s5+$0xFFFFFE00]  }
0x5e7: {  	v23 =	vld [tilespmem:s0+$0xFFFFFD80]  }
0x5e8: {  	v63 =	vld [tilespmem:s5+$0xFFFFFE80];
	v16 =	vmul.f32 v16, v27;
	v17 =	vsub.f32 v17, v19;
	v19 =	vmul.f32 v20, v20  }
0x5e9: {  	v24 =	vld [tilespmem:s0+$0xFFFFFE00];
	v21 =	vmul.f32 v21, v21  }
0x5ea: {  	v44 =	vld [tilespmem:s5+$0xFFFFFF00];
	v16 =	vadd.f32 $0.0e+00, v16;
	v17 =	vmul.f32 v17, v28;
	v19 =	vsub.f32 v19, v22  }
0x5eb: {  	v25 =	vld [tilespmem:s0+$0xFFFFFE80];
	v18 =	vmul.f32 v18, v18  }
0x5ec: {  	v45 =	vld [tilespmem:s5+$0xFFFFFF80];
	v16 =	vadd.f32 v17, v16;
	v17 =	vmul.f32 v19, v30;
	v19 =	vsub.f32 v21, v23  }
0x5ed: {  	v46 =	vld [tilespmem:s0+$0xFFFFFF00];
	v20 =	vmul.f32 v63, v63  }
0x5ee: {  	v18 =	vsub.f32 v18, v24;
	v16 =	vadd.f32 v17, v16;
	v17 =	vmul.f32 v19, v31;
	v19 =	vld [tilespmem:s5+$0x0]  }
0x5ef: {  	v22 =	vmul.f32 v44, v44;
	v24 =	vld [tilespmem:s0+$0xFFFFFF80]  }
0x5f0: {  	v61 =	vld [tilespmem:s5+$0x80];
	v16 =	vadd.f32 v17, v16;
	v17 =	vmul.f32 v18, v32;
	v18 =	vsub.f32 v20, v25  }
0x5f1: {  	v21 =	vmul.f32 v45, v45;
	v25 =	vld [tilespmem:s0+$0x0]  }
0x5f2: {  	v62 =	vld [tilespmem:s5+$0x100];
	v16 =	vadd.f32 v17, v16;
	v17 =	vmul.f32 v18, v33;
	v18 =	vsub.f32 v22, v46  }
0x5f3: {  	v63 =	vld [tilespmem:s0+$0x80];
	v19 =	vmul.f32 v19, v19  }
0x5f4: {  	v44 =	vld [tilespmem:s5+$0x180];
	v16 =	vadd.f32 v17, v16;
	v17 =	vmul.f32 v18, v34;
	v18 =	vsub.f32 v21, v24  }
0x5f5: {  	v20 =	vmul.f32 v61, v61;
	v24 =	vld [tilespmem:s0+$0x100]  }
0x5f6: {  	v16 =	vadd.f32 v17, v16;
	v17 =	vmul.f32 v18, v35;
	v18 =	vsub.f32 v19, v25;
	v19 =	vld [tilespmem:s5+$0x200]  }
0x5f7: {  	v22 =	vmul.f32 v62, v62;
	v25 =	vld [tilespmem:s0+$0x180]  }
0x5f8: {  	v45 =	vld [tilespmem:s5+$0x280];
	v16 =	vadd.f32 v17, v16;
	v17 =	vmul.f32 v18, v36;
	v18 =	vsub.f32 v20, v63  }
0x5f9: {  	v46 =	vld [tilespmem:s0+$0x200];
	v21 =	vmul.f32 v44, v44  }
0x5fa: {  	s25 =	simm.s32 $0x0;
	v61 =	vld [tilespmem:s5+$0x300];
	v16 =	vadd.f32 v17, v16;
	v17 =	vmul.f32 v18, v37;
	v18 =	vsub.f32 v22, v24  }
0x5fb: {  	v26 =	vld [tilespmem:s0+$0x280];
	v24 =	vmov s25;
	v19 =	vmul.f32 v19, v19  }
0x5fc: {  	v62 =	vld [tilespmem:s5+$0x380];
	v16 =	vadd.f32 v17, v16;
	v17 =	vmul.f32 v18, v38;
	v18 =	vsub.f32 v21, v25  }
0x5fd: {  	v20 =	vmul.f32 v45, v45;
	v24 =	vshll.u32 v24, $0x7;
	v25 =	vld [tilespmem:s0+$0x300]  }
0x5fe: {  	v42 =	vld [tilespmem:$0x1FFE0];
	v16 =	vadd.f32 v17, v16;
	v17 =	vmul.f32 v18, v39;
	v18 =	vsub.f32 v19, v46  }
0x5ff: {  	v63 =	vld [tilespmem:s0+$0x380];
	v23 =	vor.u32 v29, v24;
	v19 =	vmul.f32 v61, v61  }
0x600: {  	v16 =	vadd.f32 v17, v16;
	v17 =	vmul.f32 v18, v40;
	v18 =	vsub.f32 v20, v26  }
0x601: {  	v43 =	vld [tilespmem:$0x1FFF0];
	v44 =	vmul.f32 v62, v62;
	v45 =	vor.u32 $0x1, v23  }
0x602: {  	v16 =	vadd.f32 v17, v16;
	v17 =	vmul.f32 v18, v41;
	v18 =	vsub.f32 v19, v25  }
0x603: {  	v19 =	vor.u32 $0x2, v23  }
0x604: {  	v16 =	vadd.f32 v17, v16;
	v17 =	vmul.f32 v18, v42;
	v18 =	vsub.f32 v44, v63  }
0x605: {  	v46 =	vld.idx.msk [tilespmem:v23+s12+$0x0], $0xffff  }
0x606: {  	v61 =	vor.u32 $0x3, v23;
	v16 =	vadd.f32 v17, v16;
	v17 =	vmul.f32 v18, v43  }
0x607: {  	v18 =	vld.idx.msk [tilespmem:v45+s12+$0x0], $0xffff  }
0x608: {  	v62 =	vor.u32 $0x4, v23;
	v16 =	vadd.f32 v17, v16  }
0x609: {  	v17 =	vld.idx.msk [tilespmem:v19+s12+$0x0], $0xffff  }
0x60a: {  	v20 =	vmul.f32 v46, v47;
	v19 =	vor.u32 $0x5, v23;
	v16 =	vmul.f32 $5.000000000e-01, v16  }
0x60b: {  	v22 =	vld.idx.msk [tilespmem:v61+s12+$0x0], $0xffff  }
0x60c: {  	v24 =	vor.u32 $0x6, v23;
	v18 =	vmul.f32 v18, v48;
	v16 =	vadd.f32 v16, v20  }
0x60d: {  	v63 =	vld.idx.msk [tilespmem:v62+s12+$0x0], $0xffff  }
0x60e: {  	v44 =	vor.u32 $0x7, v23;
	v17 =	vmul.f32 v17, v49;
	v16 =	vadd.f32 v16, v18  }
0x60f: {  	v18 =	vld.idx.msk [tilespmem:v19+s12+$0x0], $0xffff  }
0x610: {  	v19 =	vor.u32 $0x8, v23;
	v16 =	vadd.f32 v16, v17;
	v17 =	vmul.f32 v22, v50  }
0x611: {  	v45 =	vld.idx.msk [tilespmem:v24+s12+$0x0], $0xffff  }
0x612: {  	v24 =	vor.u32 $0x9, v23;
	v16 =	vadd.f32 v16, v17;
	v17 =	vmul.f32 v63, v51  }
0x613: {  	v46 =	vld.idx.msk [tilespmem:v44+s12+$0x0], $0xffff  }
0x614: {  	v61 =	vor.u32 $0xA, v23;
	v16 =	vadd.f32 v16, v17;
	v17 =	vmul.f32 v18, v52  }
0x615: {  	v18 =	vld.idx.msk [tilespmem:v19+s12+$0x0], $0xffff  }
0x616: {  	v19 =	vor.u32 $0xB, v23;
	v16 =	vadd.f32 v16, v17;
	v17 =	vmul.f32 v45, v53  }
0x617: {  	v62 =	vld.idx.msk [tilespmem:v24+s12+$0x0], $0xffff  }
0x618: {  	v23 =	vor.u32 $0xC, v23;
	v16 =	vadd.f32 v16, v17;
	v17 =	vmul.f32 v46, v54  }
0x619: {  	v63 =	vld.idx.msk [tilespmem:v61+s12+$0x0], $0xffff  }
0x61a: {  	v16 =	vadd.f32 v16, v17;
	v17 =	vmul.f32 v18, v55  }
0x61b: {  	v18 =	vld.idx.msk [tilespmem:v19+s12+$0x0], $0xffff  }
0x61c: {  	v16 =	vadd.f32 v16, v17;
	v17 =	vmul.f32 v62, v56  }
0x61d: {  	v19 =	vld.idx.msk [tilespmem:v23+s12+$0x0], $0xffff  }
0x61e: {  	v16 =	vadd.f32 v16, v17;
	v17 =	vmul.f32 v63, v57;
	_ =	sdelay $0x1  }
0x61f: {  	v16 =	vadd.f32 v16, v17;
	v17 =	vmul.f32 v18, v58;
	_ =	sdelay $0x1  }
0x620: {  	v16 =	vadd.f32 v16, v17;
	v17 =	vmul.f32 v19, v59;
	_ =	sdelay $0x1  }
0x621: {  	v16 =	vadd.f32 v16, v17;
	_ =	sdelay $0x1  }
0x622: {  	v16 =	vadd.f32 v16, v60;
	_ =	sdelay $0x1  }
0x623: {  	v16 =	vsub.f32 $0.0e+00, v16;
	_ =	sdelay $0x1  }
0x624: {  	v16 =	vmul.f32 $1.442695020e+00, v16;
	_ =	sdelay $0x1  }
0x625: {  	(erf) = vpow2.f32 v16;
	_ =	sdelay $0x8  }
0x626: {  	v16 =	vpop (erf)  }
0x627: {  	v16 =	vadd.f32 $1.000000000e+00, v16;
	_ =	sdelay $0x1  }
0x628: {  	(erf) = vrcp.f32 v16;
	_ =	sdelay $0x8  }
0x629: {  	s24 =	simm.s32 $0x13200;
	v16 =	vpop (erf)  }
0x62a: {  	s26 =	simm.s32 $0x12410;
	[tilespmem:s24+$0x0] =	vst v16  }
0x62b: {  	s28 =	simm.s32 $0x10;
	s25 =	simm.s32 $0x12C10;
	s0 =	simm.s32 $0x20;
	v16 =	vld [tilespmem:s26+$0xFFFFFC00]  }
.LBB2_11:
0x62c: {  	p0 =	sne.s32 s0, $0x70;
	v17 =	vld [tilespmem:s25+$0xFFFFFC00]  }
0x62d: {  	v18 =	vld [tilespmem:s26+$0xFFFFFC80]  }
0x62e: {  	v19 =	vld [tilespmem:s25+$0xFFFFFC80]  }
0x62f: {  	v20 =	vld [tilespmem:s26+$0xFFFFFD00]  }
0x630: {  	v16 =	vmul.f32 v16, v16;
	v21 =	vld [tilespmem:s26+$0xFFFFFD80]  }
0x631: {  	v22 =	vld [tilespmem:s25+$0xFFFFFD00]  }
0x632: {  	v16 =	vsub.f32 v16, v17;
	v17 =	vmul.f32 v18, v18;
	v18 =	vld [tilespmem:s26+$0xFFFFFE00]  }
0x633: {  	v23 =	vld [tilespmem:s25+$0xFFFFFD80]  }
0x634: {  	v16 =	vmul.f32 v16, v27;
	v17 =	vsub.f32 v17, v19;
	v19 =	vmul.f32 v20, v20;
	v20 =	vld [tilespmem:s26+$0xFFFFFE80]  }
0x635: {  	v21 =	vmul.f32 v21, v21;
	v24 =	vld [tilespmem:s25+$0xFFFFFE00]  }
0x636: {  	v16 =	vadd.f32 $0.0e+00, v16;
	v17 =	vmul.f32 v17, v28;
	v19 =	vsub.f32 v19, v22;
	v22 =	vld [tilespmem:s26+$0xFFFFFF00]  }
0x637: {  	v18 =	vmul.f32 v18, v18;
	v25 =	vld [tilespmem:s25+$0xFFFFFE80]  }
0x638: {  	v16 =	vadd.f32 v17, v16;
	v17 =	vmul.f32 v19, v30;
	v19 =	vsub.f32 v21, v23;
	v21 =	vld [tilespmem:s26+$0xFFFFFF80]  }
0x639: {  	v20 =	vmul.f32 v20, v20;
	v23 =	vld [tilespmem:s25+$0xFFFFFF00]  }
0x63a: {  	v16 =	vadd.f32 v17, v16;
	v17 =	vmul.f32 v19, v31;
	v18 =	vsub.f32 v18, v24;
	v19 =	vld [tilespmem:s26+$0x0]  }
0x63b: {  	v22 =	vmul.f32 v22, v22;
	v24 =	vld [tilespmem:s25+$0xFFFFFF80]  }
0x63c: {  	v16 =	vadd.f32 v17, v16;
	v17 =	vmul.f32 v18, v32;
	v18 =	vsub.f32 v20, v25;
	v20 =	vld [tilespmem:s26+$0x80]  }
0x63d: {  	v21 =	vmul.f32 v21, v21;
	v25 =	vld [tilespmem:s25+$0x0]  }
0x63e: {  	v16 =	vadd.f32 v17, v16;
	v17 =	vmul.f32 v18, v33;
	v18 =	vsub.f32 v22, v23;
	v22 =	vld [tilespmem:s26+$0x100]  }
0x63f: {  	v19 =	vmul.f32 v19, v19;
	v23 =	vld [tilespmem:s25+$0x80]  }
0x640: {  	v16 =	vadd.f32 v17, v16;
	v17 =	vmul.f32 v18, v34;
	v18 =	vsub.f32 v21, v24;
	v21 =	vld [tilespmem:s26+$0x180]  }
0x641: {  	v20 =	vmul.f32 v20, v20;
	v24 =	vld [tilespmem:s25+$0x100]  }
0x642: {  	v16 =	vadd.f32 v17, v16;
	v17 =	vmul.f32 v18, v35;
	v18 =	vsub.f32 v19, v25;
	v19 =	vld [tilespmem:s26+$0x200]  }
0x643: {  	v22 =	vmul.f32 v22, v22;
	v25 =	vld [tilespmem:s25+$0x180]  }
0x644: {  	v16 =	vadd.f32 v17, v16;
	v17 =	vmul.f32 v18, v36;
	v18 =	vsub.f32 v20, v23;
	v20 =	vld [tilespmem:s26+$0x280]  }
0x645: {  	v21 =	vmul.f32 v21, v21;
	v23 =	vld [tilespmem:s25+$0x200]  }
0x646: {  	v16 =	vadd.f32 v17, v16;
	v17 =	vmul.f32 v18, v37;
	v18 =	vsub.f32 v22, v24;
	v22 =	vld [tilespmem:s26+$0x300]  }
0x647: {  	v24 =	vmov s28;
	s28 =	smov.u32 s0;
	v19 =	vmul.f32 v19, v19;
	v26 =	vld [tilespmem:s25+$0x280]  }
0x648: {  	v16 =	vadd.f32 v17, v16;
	v17 =	vmul.f32 v18, v38;
	v18 =	vsub.f32 v21, v25;
	v21 =	vld [tilespmem:s26+$0x380]  }
0x649: {  	v24 =	vshll.u32 v24, $0x7;
	v20 =	vmul.f32 v20, v20;
	v25 =	vld [tilespmem:s25+$0x300]  }
0x64a: {  	v16 =	vadd.f32 v17, v16;
	v17 =	vmul.f32 v18, v39;
	v18 =	vsub.f32 v19, v23  }
0x64b: {  	v23 =	vor.u32 v29, v24;
	v19 =	vmul.f32 v22, v22;
	v22 =	vld [tilespmem:s25+$0x380]  }
0x64c: {  	v16 =	vadd.f32 v17, v16;
	v17 =	vmul.f32 v18, v40;
	v18 =	vsub.f32 v20, v26  }
0x64d: {  	v20 =	vmul.f32 v21, v21;
	v21 =	vor.u32 $0x1, v23  }
0x64e: {  	v16 =	vadd.f32 v17, v16;
	v17 =	vmul.f32 v18, v41;
	v18 =	vsub.f32 v19, v25  }
0x64f: {  	v19 =	vor.u32 $0x2, v23  }
0x650: {  	v16 =	vadd.f32 v17, v16;
	v17 =	vmul.f32 v18, v42;
	v18 =	vsub.f32 v20, v22;
	v20 =	vld.idx.msk [tilespmem:v23+s12+$0x0], $0xffff  }
0x651: {  	v22 =	vor.u32 $0x3, v23  }
0x652: {  	v16 =	vadd.f32 v17, v16;
	v17 =	vmul.f32 v18, v43;
	v18 =	vld.idx.msk [tilespmem:v21+s12+$0x0], $0xffff  }
0x653: {  	v21 =	vor.u32 $0x4, v23  }
0x654: {  	v16 =	vadd.f32 v17, v16;
	v17 =	vld.idx.msk [tilespmem:v19+s12+$0x0], $0xffff  }
0x655: {  	v19 =	vor.u32 $0x5, v23  }
0x656: {  	v20 =	vmul.f32 v20, v47;
	v16 =	vmul.f32 $5.000000000e-01, v16;
	v22 =	vld.idx.msk [tilespmem:v22+s12+$0x0], $0xffff  }
0x657: {  	v24 =	vor.u32 $0x6, v23  }
0x658: {  	v18 =	vmul.f32 v18, v48;
	v16 =	vadd.f32 v16, v20;
	v20 =	vld.idx.msk [tilespmem:v21+s12+$0x0], $0xffff  }
0x659: {  	v21 =	vor.u32 $0x7, v23  }
0x65a: {  	v17 =	vmul.f32 v17, v49;
	v16 =	vadd.f32 v16, v18;
	v18 =	vld.idx.msk [tilespmem:v19+s12+$0x0], $0xffff  }
0x65b: {  	v19 =	vor.u32 $0x8, v23  }
0x65c: {  	v16 =	vadd.f32 v16, v17;
	v17 =	vmul.f32 v22, v50;
	v22 =	vld.idx.msk [tilespmem:v24+s12+$0x0], $0xffff  }
0x65d: {  	v24 =	vor.u32 $0x9, v23  }
0x65e: {  	v16 =	vadd.f32 v16, v17;
	v17 =	vmul.f32 v20, v51;
	v20 =	vld.idx.msk [tilespmem:v21+s12+$0x0], $0xffff  }
0x65f: {  	v21 =	vor.u32 $0xA, v23  }
0x660: {  	v16 =	vadd.f32 v16, v17;
	v17 =	vmul.f32 v18, v52;
	v18 =	vld.idx.msk [tilespmem:v19+s12+$0x0], $0xffff  }
0x661: {  	v19 =	vor.u32 $0xB, v23  }
0x662: {  	v16 =	vadd.f32 v16, v17;
	v17 =	vmul.f32 v22, v53;
	v22 =	vld.idx.msk [tilespmem:v24+s12+$0x0], $0xffff  }
0x663: {  	v23 =	vor.u32 $0xC, v23  }
0x664: {  	v16 =	vadd.f32 v16, v17;
	v17 =	vmul.f32 v20, v54;
	v20 =	vld.idx.msk [tilespmem:v21+s12+$0x0], $0xffff;
	_ =	sdelay $0x1  }
0x665: {  	v16 =	vadd.f32 v16, v17;
	v17 =	vmul.f32 v18, v55;
	v18 =	vld.idx.msk [tilespmem:v19+s12+$0x0], $0xffff;
	_ =	sdelay $0x1  }
0x666: {  	v16 =	vadd.f32 v16, v17;
	v17 =	vmul.f32 v22, v56;
	v19 =	vld.idx.msk [tilespmem:v23+s12+$0x0], $0xffff;
	_ =	sdelay $0x1  }
0x667: {  	v16 =	vadd.f32 v16, v17;
	v17 =	vmul.f32 v20, v57;
	_ =	sdelay $0x1  }
0x668: {  	v16 =	vadd.f32 v16, v17;
	v17 =	vmul.f32 v18, v58;
	_ =	sdelay $0x1  }
0x669: {  	v16 =	vadd.f32 v16, v17;
	v17 =	vmul.f32 v19, v59;
	_ =	sdelay $0x1  }
0x66a: {  	v16 =	vadd.f32 v16, v17;
	_ =	sdelay $0x1  }
0x66b: {  	v16 =	vadd.f32 v16, v60;
	_ =	sdelay $0x1  }
0x66c: {  	v16 =	vsub.f32 $0.0e+00, v16;
	_ =	sdelay $0x1  }
0x66d: {  	v16 =	vmul.f32 $1.442695020e+00, v16;
	_ =	sdelay $0x1  }
0x66e: {  	(erf) = vpow2.f32 v16;
	_ =	sdelay $0x8  }
0x66f: {  	v16 =	vpop (erf)  }
0x670: {  	v16 =	vadd.f32 $1.000000000e+00, v16;
	_ =	sdelay $0x1  }
0x671: {  	(erf) = vrcp.f32 v16;
	_ =	sdelay $0x6  }
.Ltmp5:
0x672: {  	(pc) =	sbr.rel @p0 .LBB2_11-.Ltmp5, $4  }
0x673: {  	_ = 	snop  }
0x674: {  	s24 =	sadd.s32 $0x10, s24;
	v16 =	vpop (erf)  }
0x675: {  	s26 =	sadd.s32 $0x10, s26;
	[tilespmem:s24+$0x0] =	vst v16  }
0x676: {  	s0 =	sadd.s32 $0x10, s0;
	s25 =	sadd.s32 $0x10, s25;
	v16 =	vld [tilespmem:s26+$0xFFFFFC00]  }
0x677: {  	v17 =	vld [tilespmem:s25+$0xFFFFFC00]  }
0x678: {  	v18 =	vld [tilespmem:s26+$0xFFFFFC80]  }
0x679: {  	v19 =	vld [tilespmem:s25+$0xFFFFFC80]  }
0x67a: {  	v20 =	vld [tilespmem:s26+$0xFFFFFD00]  }
0x67b: {  	v21 =	vld [tilespmem:s26+$0xFFFFFD80];
	v16 =	vmul.f32 v16, v16  }
0x67c: {  	v22 =	vld [tilespmem:s25+$0xFFFFFD00]  }
0x67d: {  	v63 =	vld [tilespmem:s26+$0xFFFFFE00];
	v16 =	vsub.f32 v16, v17;
	v17 =	vmul.f32 v18, v18  }
0x67e: {  	v23 =	vld [tilespmem:s25+$0xFFFFFD80]  }
0x67f: {  	v45 =	vld [tilespmem:s26+$0xFFFFFE80];
	v44 =	vmul.f32 v20, v20;
	v16 =	vmul.f32 v16, v27;
	v17 =	vsub.f32 v17, v19  }
0x680: {  	v24 =	vld [tilespmem:s25+$0xFFFFFE00];
	v21 =	vmul.f32 v21, v21  }
0x681: {  	v25 =	vld [tilespmem:s25+$0xFFFFFE80];
	v19 =	vsub.f32 v44, v22;
	v16 =	vadd.f32 $0.0e+00, v16;
	v17 =	vmul.f32 v17, v28  }
0x682: {  	v46 =	vld [tilespmem:s26+$0xFFFFFF00];
	v18 =	vmul.f32 v63, v63  }
0x683: {  	v62 =	vld [tilespmem:s26+$0xFFFFFF80];
	v61 =	vsub.f32 v21, v23;
	v16 =	vadd.f32 v17, v16;
	v17 =	vmul.f32 v19, v30  }
0x684: {  	v20 =	vmul.f32 v45, v45;
	v63 =	vld [tilespmem:s25+$0xFFFFFF00]  }
0x685: {  	v18 =	vsub.f32 v18, v24;
	v19 =	vld [tilespmem:s26+$0x0];
	v16 =	vadd.f32 v17, v16;
	v17 =	vmul.f32 v61, v31  }
0x686: {  	v45 =	vsub.f32 v20, v25;
	v44 =	vld [tilespmem:s25+$0xFFFFFF80]  }
0x687: {  	v22 =	vmul.f32 v46, v46;
	v46 =	vld [tilespmem:s26+$0x80];
	v16 =	vadd.f32 v17, v16;
	v17 =	vmul.f32 v18, v32  }
0x688: {  	v21 =	vmul.f32 v62, v62;
	v61 =	vld [tilespmem:s25+$0x0]  }
0x689: {  	v62 =	vsub.f32 v22, v63;
	v63 =	vld [tilespmem:s26+$0x100];
	v16 =	vadd.f32 v17, v16;
	v17 =	vmul.f32 v45, v33  }
0x68a: {  	v32 =	vld [tilespmem:s25+$0x80];
	v19 =	vmul.f32 v19, v19  }
0x68b: {  	v33 =	vsub.f32 v21, v44;
	v44 =	vld [tilespmem:s25+$0x100];
	v16 =	vadd.f32 v17, v16;
	v17 =	vmul.f32 v62, v34  }
0x68c: {  	v20 =	vmul.f32 v46, v46;
	v34 =	vld [tilespmem:s26+$0x180]  }
0x68d: {  	v46 =	vld [tilespmem:s26+$0x200];
	v45 =	vsub.f32 v19, v61;
	v16 =	vadd.f32 v17, v16;
	v17 =	vmul.f32 v33, v35  }
0x68e: {  	v22 =	vmul.f32 v63, v63;
	v61 =	vld [tilespmem:s25+$0x180]  }
0x68f: {  	v63 =	vld [tilespmem:s26+$0x280];
	v62 =	vsub.f32 v20, v32;
	v16 =	vadd.f32 v17, v16;
	v17 =	vmul.f32 v45, v36  }
0x690: {  	v32 =	vld [tilespmem:s25+$0x200];
	v33 =	vsub.f32 v22, v44  }
0x691: {  	v26 =	vld [tilespmem:s25+$0x280];
	v21 =	vmul.f32 v34, v34;
	v16 =	vadd.f32 v17, v16;
	v17 =	vmul.f32 v62, v37  }
0x692: {  	v19 =	vmul.f32 v46, v46;
	v35 =	vmov s28;
	v34 =	vld [tilespmem:s26+$0x300]  }
0x693: {  	v37 =	vld [tilespmem:s26+$0x380];
	v36 =	vsub.f32 v21, v61;
	v16 =	vadd.f32 v17, v16;
	v17 =	vmul.f32 v33, v38  }
0x694: {  	v20 =	vmul.f32 v63, v63;
	v24 =	vshll.u32 v35, $0x7;
	v38 =	vld [tilespmem:s25+$0x300]  }
0x695: {  	v16 =	vadd.f32 v17, v16;
	v17 =	vmul.f32 v36, v39;
	v39 =	vsub.f32 v19, v32  }
0x696: {  	v46 =	vsub.f32 v20, v26;
	v45 =	vld [tilespmem:s25+$0x380];
	v23 =	vor.u32 v29, v24  }
0x697: {  	v44 =	vmul.f32 v34, v34;
	v16 =	vadd.f32 v17, v16;
	v17 =	vmul.f32 v39, v40  }
0x698: {  	v62 =	vor.u32 $0x1, v23;
	v61 =	vmul.f32 v37, v37  }
0x699: {  	v63 =	vsub.f32 v44, v38;
	v16 =	vadd.f32 v17, v16;
	v17 =	vmul.f32 v46, v41  }
0x69a: {  	v24 =	vor.u32 $0x2, v23  }
0x69b: {  	v25 =	vsub.f32 v61, v45;
	v16 =	vadd.f32 v17, v16;
	v17 =	vmul.f32 v63, v42  }
0x69c: {  	v26 =	vld.idx.msk [tilespmem:v23+s12+$0x0], $0xffff  }
0x69d: {  	v32 =	vor.u32 $0x3, v23;
	v16 =	vadd.f32 v17, v16;
	v17 =	vmul.f32 v25, v43  }
0x69e: {  	v33 =	vld.idx.msk [tilespmem:v62+s12+$0x0], $0xffff  }
0x69f: {  	v34 =	vor.u32 $0x4, v23;
	v16 =	vadd.f32 v17, v16  }
0x6a0: {  	v17 =	vld.idx.msk [tilespmem:v24+s12+$0x0], $0xffff  }
0x6a1: {  	v35 =	vor.u32 $0x5, v23;
	v20 =	vmul.f32 v26, v47;
	v16 =	vmul.f32 $5.000000000e-01, v16  }
0x6a2: {  	v22 =	vld.idx.msk [tilespmem:v32+s12+$0x0], $0xffff  }
0x6a3: {  	v18 =	vmul.f32 v33, v48;
	v24 =	vor.u32 $0x6, v23;
	v16 =	vadd.f32 v16, v20  }
0x6a4: {  	v36 =	vld.idx.msk [tilespmem:v34+s12+$0x0], $0xffff  }
0x6a5: {  	v37 =	vor.u32 $0x7, v23;
	v17 =	vmul.f32 v17, v49;
	v16 =	vadd.f32 v16, v18  }
0x6a6: {  	v38 =	vld.idx.msk [tilespmem:v35+s12+$0x0], $0xffff  }
0x6a7: {  	v39 =	vor.u32 $0x8, v23;
	v16 =	vadd.f32 v16, v17;
	v17 =	vmul.f32 v22, v50  }
0x6a8: {  	v40 =	vld.idx.msk [tilespmem:v24+s12+$0x0], $0xffff  }
0x6a9: {  	v41 =	vor.u32 $0x9, v23;
	v16 =	vadd.f32 v16, v17;
	v17 =	vmul.f32 v36, v51  }
0x6aa: {  	v42 =	vld.idx.msk [tilespmem:v37+s12+$0x0], $0xffff  }
0x6ab: {  	v43 =	vor.u32 $0xA, v23;
	v16 =	vadd.f32 v16, v17;
	v17 =	vmul.f32 v38, v52  }
0x6ac: {  	v44 =	vld.idx.msk [tilespmem:v39+s12+$0x0], $0xffff  }
0x6ad: {  	v45 =	vor.u32 $0xB, v23;
	v16 =	vadd.f32 v16, v17;
	v17 =	vmul.f32 v40, v53  }
0x6ae: {  	v46 =	vld.idx.msk [tilespmem:v41+s12+$0x0], $0xffff  }
0x6af: {  	v23 =	vor.u32 $0xC, v23;
	v16 =	vadd.f32 v16, v17;
	v17 =	vmul.f32 v42, v54  }
0x6b0: {  	v61 =	vld.idx.msk [tilespmem:v43+s12+$0x0], $0xffff  }
0x6b1: {  	v16 =	vadd.f32 v16, v17;
	v17 =	vmul.f32 v44, v55  }
0x6b2: {  	v62 =	vld.idx.msk [tilespmem:v45+s12+$0x0], $0xffff  }
0x6b3: {  	v16 =	vadd.f32 v16, v17;
	v17 =	vmul.f32 v46, v56  }
0x6b4: {  	v63 =	vld.idx.msk [tilespmem:v23+s12+$0x0], $0xffff  }
0x6b5: {  	v16 =	vadd.f32 v16, v17;
	v17 =	vmul.f32 v61, v57;
	_ =	sdelay $0x1  }
0x6b6: {  	v16 =	vadd.f32 v16, v17;
	v17 =	vmul.f32 v62, v58;
	_ =	sdelay $0x1  }
0x6b7: {  	v16 =	vadd.f32 v16, v17;
	v17 =	vmul.f32 v63, v59;
	_ =	sdelay $0x1  }
0x6b8: {  	v16 =	vadd.f32 v16, v17;
	_ =	sdelay $0x1  }
0x6b9: {  	v16 =	vadd.f32 v16, v60;
	_ =	sdelay $0x1  }
0x6ba: {  	v16 =	vsub.f32 $0.0e+00, v16;
	_ =	sdelay $0x1  }
0x6bb: {  	v16 =	vmul.f32 $1.442695020e+00, v16;
	_ =	sdelay $0x1  }
0x6bc: {  	(erf) = vpow2.f32 v16;
	_ =	sdelay $0x8  }
0x6bd: {  	v16 =	vpop (erf)  }
0x6be: {  	v16 =	vadd.f32 $1.000000000e+00, v16;
	_ =	sdelay $0x1  }
0x6bf: {  	(erf) = vrcp.f32 v16;
	_ =	sdelay $0x7  }
0x6c0: {  	s22 =	sadd.s32 $0x1, s22  }
0x6c1: {  	s0 =	sadd.s32 $0x10, s24;
	s5 =	sshll.u32 s23, $0x4;
	p0 =	sne.s32 s22, $0x4;
	v16 =	vpop (erf)  }
.Ltmp6:
0x6c2: {  	s31 =	sadd.s32 s1, s5;
	[tilespmem:s0+$0x0] =	vst v16;
	(pc) =	sbr.rel @p0 .LBB2_2-.Ltmp6, $4  }
0x6c3: {  	[hbm4b:s31+s2] =	stream.linear.scatter [tilespmem:s20], [sflag:$0x3], $0x80, $0x38;
	[tilespmem:$0x13280] =	vst v63  }
0x6c4: {  	_ =	swait.ge [sflag:s11], $0x80  }
0x6c5: {  	[sflag:s11] =	ssyncset.done $0x0  }
0x6c6: {  	[sflag:s11] =	ssyncadd.s32 $0xFFFFFF80  }
0x6c7: {  	s21 =	sadd.s32 $0x1, s21;
	s0 =	rddreg [dreg:$0x4]  }
0x6c8: {  	p0 =	sne.s32 s21, s0  }
.Ltmp7:
0x6c9: {  	_ = 	snop;
	(pc) =	sbr.rel @p0 .LBB2_1-.Ltmp7, $1  }
0x6ca: {  	_ =	sdelay $0x3  }
0x6cb: {  	_ =	sfence.sel $0x180000  }
0x6cc: {  	[bflag:$0x0] =	sbarrier.arrive $0xFFFF  }
0x6cd: {  	_ =	strace $0x9000004A  }
0x6ce: {  	s0 =	stileid.u32;
	[bflag:$0x2] =	sbarrier.arrive $0xFFFF  }
0x6cf: {  	p0 =	sne.s32 s0, $0x0;
	s0 =	rddreg [dreg:$0x2]  }
0x6d0: {  	s0 =	sadd.s32 @!p0 $0x100000, s0  }
0x6d1: {  	[sflag:s0] =	ssyncadd.tile.s32 @!p0 $0x1;
	_ =	shalt  }
.Lfunc_end2:
_tile_overlayer_lowered:
.L_overlay_start_2:
0x6d2: {  	(tag) =	ssettag $0x2  }
0x6d3: {  	s0 =	rddreg [dreg:$0x0];
	s2 =	stileid.u32  }
0x6d4: {  	s1 =	rddreg [dreg:$0x1];
	p0 =	sne.s32 s2, $0x0  }
0x6d5: {  	s3 =	rddreg [dreg:$0x2];
	[bflag:$0x3] =	sbarrier.arrive $0xFFFF;
	s2 =	simm.s32 @!p0 $0x1C03  }
0x6d6: {  	[timem:s3], [sflag:s2] =	dma.local @!p0 [hbm:s0], s1  }
0x6d7: {  	s0 =	simm.s32 @!p0 $0x3  }
0x6d8: {  	_ =	swait.ge @!p0 [sflag:s0], s1  }
0x6d9: {  	s1 =	ssub.s32 @!p0 $0x0, s1;
	[sflag:s0] =	ssyncset.done @!p0 $0x0  }
0x6da: {  	[sflag:s0] =	ssyncadd.s32 @!p0 s1  }
0x6db: {  	[bflag:$0x3] =	sbarrier.arrive $0xFFFF  }
0x6dc: {  	_ =	shalt  }

</sc_bundles>
